<compile_context>
chip_gen: v7x
topology: tpu7x:2x2x1
jax: 0.10.2.dev20260603
libtpu: 0.0.44.dev20260713+nightly
codegen_flags: <defaults>
</compile_context>

<pallas_src>
import functools

import jax
import jax.numpy as jnp
from jax import lax
from jax.experimental import pallas as pl
from jax.experimental.pallas import tpu as pltpu
from jax.experimental.pallas import tpu_sc as plsc

H = 128
G = 64

NCORES = 2
NSUB = 16
NW = NCORES * NSUB
GB = 80
LNEPS = 1e-5


def _node_block(n):
    return 2000 if n % 2000 == 0 else 8


def _sc_mesh():
    return plsc.VectorSubcoreMesh(core_axis_name="c", subcore_axis_name="s",
                                  num_cores=NCORES, num_subcores=NSUB)



def _edge_nn_mul_body(he_ref, xg_ref, w1_ref, b1_ref, w2_ref, b2_ref,
                      w_ref, msg_ref):
    x = he_ref[...]
    y = jnp.maximum(jnp.dot(x, w1_ref[...], preferred_element_type=jnp.float32)
                    + b1_ref[...], 0.0)
    z = jnp.maximum(jnp.dot(y, w2_ref[...], preferred_element_type=jnp.float32)
                    + b2_ref[...], 0.0)
    w_ref[...] = z.astype(jnp.bfloat16)
    msg_ref[...] = xg_ref[...].astype(jnp.float32) * z


def _edge_nn_mul(h_E, xg, W1, b1, W2, b2, blk):
    E = h_E.shape[0]
    grid = E // blk
    return pl.pallas_call(
        _edge_nn_mul_body,
        grid=(grid,),
        in_specs=[
            pl.BlockSpec((blk, H), lambda i: (i, 0)),
            pl.BlockSpec((blk, H), lambda i: (i, 0)),
            pl.BlockSpec((H, H), lambda i: (0, 0)),
            pl.BlockSpec((1, H), lambda i: (0, 0)),
            pl.BlockSpec((H, H), lambda i: (0, 0)),
            pl.BlockSpec((1, H), lambda i: (0, 0)),
        ],
        out_specs=[
            pl.BlockSpec((blk, H), lambda i: (i, 0)),
            pl.BlockSpec((blk, H), lambda i: (i, 0)),
        ],
        out_shape=[
            jax.ShapeDtypeStruct((E, H), jnp.bfloat16),
            jax.ShapeDtypeStruct((E, H), jnp.float32),
        ],
    )(h_E, xg, W1, b1, W2, b2)


def _mul_body(xg_ref, w_ref, o_ref):
    o_ref[...] = xg_ref[...].astype(jnp.float32) * w_ref[...].astype(jnp.float32)


def _mul(xg, w, blk):
    E = xg.shape[0]
    grid = E // blk
    return pl.pallas_call(
        _mul_body,
        grid=(grid,),
        in_specs=[
            pl.BlockSpec((blk, H), lambda i: (i, 0)),
            pl.BlockSpec((blk, H), lambda i: (i, 0)),
        ],
        out_specs=pl.BlockSpec((blk, H), lambda i: (i, 0)),
        out_shape=jax.ShapeDtypeStruct((E, H), jnp.float32),
    )(xg, w)


def _node_update_body(hv_ref, x_ref, agg_ref, wr_ref, br_ref,
                      g_ref, be_ref, o_ref):
    y = (hv_ref[...] + agg_ref[...] + br_ref[...]
         + jnp.dot(x_ref[...], wr_ref[...], preferred_element_type=jnp.float32))
    m = jnp.mean(y, axis=1, keepdims=True)
    c = y - m
    v = jnp.mean(c * c, axis=1, keepdims=True)
    o_ref[...] = c * lax.rsqrt(v + LNEPS) * g_ref[...] + be_ref[...]


def _node_update(h_V, x, agg, Wr, br, g, be):
    N = h_V.shape[0]
    blk = _node_block(N)
    grid = N // blk
    return pl.pallas_call(
        _node_update_body,
        grid=(grid,),
        in_specs=[
            pl.BlockSpec((blk, H), lambda i: (i, 0)),
            pl.BlockSpec((blk, H), lambda i: (i, 0)),
            pl.BlockSpec((blk, H), lambda i: (i, 0)),
            pl.BlockSpec((H, H), lambda i: (0, 0)),
            pl.BlockSpec((1, H), lambda i: (0, 0)),
            pl.BlockSpec((1, H), lambda i: (0, 0)),
            pl.BlockSpec((1, H), lambda i: (0, 0)),
        ],
        out_specs=pl.BlockSpec((blk, H), lambda i: (i, 0)),
        out_shape=jax.ShapeDtypeStruct((N, H), jnp.float32),
    )(h_V, x, agg, Wr, br, g, be)


def _node_update2_body(hv_ref, x_ref, agg_ref, wr_ref, br_ref,
                       g_ref, be_ref, wa_ref, wc_ref, o_ref, s_ref, d_ref):
    y = (hv_ref[...] + agg_ref[...] + br_ref[...]
         + jnp.dot(x_ref[...], wr_ref[...], preferred_element_type=jnp.float32))
    m = jnp.mean(y, axis=1, keepdims=True)
    c = y - m
    v = jnp.mean(c * c, axis=1, keepdims=True)
    h2 = c * lax.rsqrt(v + LNEPS) * g_ref[...] + be_ref[...]
    o_ref[...] = h2
    s_ref[...] = jnp.dot(h2, wa_ref[...], preferred_element_type=jnp.float32)
    d_ref[...] = jnp.dot(h2, wc_ref[...], preferred_element_type=jnp.float32)


def _node_update2(h_V, x, agg, Wr, br, g, be, W11a, W11c):
    N = h_V.shape[0]
    blk = _node_block(N)
    grid = N // blk
    return pl.pallas_call(
        _node_update2_body,
        grid=(grid,),
        in_specs=[
            pl.BlockSpec((blk, H), lambda i: (i, 0)),
            pl.BlockSpec((blk, H), lambda i: (i, 0)),
            pl.BlockSpec((blk, H), lambda i: (i, 0)),
            pl.BlockSpec((H, H), lambda i: (0, 0)),
            pl.BlockSpec((1, H), lambda i: (0, 0)),
            pl.BlockSpec((1, H), lambda i: (0, 0)),
            pl.BlockSpec((1, H), lambda i: (0, 0)),
            pl.BlockSpec((H, H), lambda i: (0, 0)),
            pl.BlockSpec((H, H), lambda i: (0, 0)),
        ],
        out_specs=[
            pl.BlockSpec((blk, H), lambda i: (i, 0)),
            pl.BlockSpec((blk, H), lambda i: (i, 0)),
            pl.BlockSpec((blk, H), lambda i: (i, 0)),
        ],
        out_shape=[
            jax.ShapeDtypeStruct((N, H), jnp.float32),
            jax.ShapeDtypeStruct((N, H), jnp.float32),
            jax.ShapeDtypeStruct((N, H), jnp.float32),
        ],
    )(h_V, x, agg, Wr, br, g, be, W11a, W11c)


def _edge_mlp_body(sg_ref, dg_ref, he_ref, wb_ref, b11_ref, w12_ref, b12_ref,
                   gbn_ref, bbn_ref, o_ref):
    he = he_ref[...]
    pre = (sg_ref[...] + dg_ref[...] + b11_ref[...]
           + jnp.dot(he, wb_ref[...], preferred_element_type=jnp.float32))
    act = 0.5 * pre * (1.0 + lax.erf(pre * (1.0 / jnp.sqrt(2.0).astype(jnp.float32))))
    msg = jnp.dot(act, w12_ref[...], preferred_element_type=jnp.float32) + b12_ref[...]
    scale = gbn_ref[...] * (1.0 / jnp.sqrt(jnp.float32(1.0 + LNEPS)))
    o_ref[...] = (he + msg) * scale + bbn_ref[...]


def _edge_mlp(sg, dg, h_E, W11b, b11, W12, b12, gbn, bbn, blk):
    E = h_E.shape[0]
    grid = E // blk
    return pl.pallas_call(
        _edge_mlp_body,
        grid=(grid,),
        in_specs=[
            pl.BlockSpec((blk, H), lambda i: (i, 0)),
            pl.BlockSpec((blk, H), lambda i: (i, 0)),
            pl.BlockSpec((blk, H), lambda i: (i, 0)),
            pl.BlockSpec((H, H), lambda i: (0, 0)),
            pl.BlockSpec((1, H), lambda i: (0, 0)),
            pl.BlockSpec((H, H), lambda i: (0, 0)),
            pl.BlockSpec((1, H), lambda i: (0, 0)),
            pl.BlockSpec((1, H), lambda i: (0, 0)),
            pl.BlockSpec((1, H), lambda i: (0, 0)),
        ],
        out_specs=pl.BlockSpec((blk, H), lambda i: (i, 0)),
        out_shape=jax.ShapeDtypeStruct((E, H), jnp.float32),
    )(sg, dg, h_E, W11b, b11, W12, b12, gbn, bbn)


def _context_gate_body(h2_ref, bid_ref, wg1_ref, bg1_ref, wg2_ref, bg2_ref,
                       gate_ref, csum_ref, cnt_ref):
    i = pl.program_id(0)
    nblk = pl.num_programs(0)

    @pl.when(i == 0)
    def _():
        csum_ref[...] = jnp.zeros_like(csum_ref)
        cnt_ref[...] = jnp.zeros_like(cnt_ref)

    b = bid_ref[0]
    gi = lax.broadcasted_iota(jnp.int32, (G, b.shape[1]), 0)
    mask = (b == gi).astype(jnp.float32)
    csum_ref[...] += jnp.dot(mask, h2_ref[...], preferred_element_type=jnp.float32)
    cnt_ref[...] += jnp.broadcast_to(jnp.sum(mask, axis=1, keepdims=True),
                                     cnt_ref.shape)

    @pl.when(i == nblk - 1)
    def _():
        c = csum_ref[...] / jnp.maximum(cnt_ref[...], 1.0)
        t = jnp.maximum(jnp.dot(c, wg1_ref[...], preferred_element_type=jnp.float32)
                        + bg1_ref[...], 0.0)
        t = jnp.dot(t, wg2_ref[...], preferred_element_type=jnp.float32) + bg2_ref[...]
        gate_ref[...] = 1.0 / (1.0 + jnp.exp(-t))


def _context_gate(h2, bid3, Wg1, bg1, Wg2, bg2):
    N = h2.shape[0]
    blk = _node_block(N)
    grid = N // blk
    return pl.pallas_call(
        _context_gate_body,
        grid=(grid,),
        in_specs=[
            pl.BlockSpec((blk, H), lambda i: (i, 0)),
            pl.BlockSpec((1, 1, blk), lambda i: (i, 0, 0)),
            pl.BlockSpec((H, H), lambda i: (0, 0)),
            pl.BlockSpec((1, H), lambda i: (0, 0)),
            pl.BlockSpec((H, H), lambda i: (0, 0)),
            pl.BlockSpec((1, H), lambda i: (0, 0)),
        ],
        out_specs=pl.BlockSpec((G, H), lambda i: (0, 0)),
        out_shape=jax.ShapeDtypeStruct((G, H), jnp.float32),
        scratch_shapes=[
            pltpu.VMEM((G, H), jnp.float32),
            pltpu.VMEM((G, H), jnp.float32),
        ],
    )(h2, bid3, Wg1, bg1, Wg2, bg2)


def _apply_gate_body(h2_ref, bid_ref, gate_ref, o_ref):
    b = bid_ref[0]
    blk = b.shape[1]
    bt = jnp.reshape(b, (blk, 1))
    gi = lax.broadcasted_iota(jnp.int32, (blk, G), 1)
    mask = (bt == gi).astype(jnp.float32)
    g = jnp.dot(mask, gate_ref[...], preferred_element_type=jnp.float32)
    o_ref[...] = h2_ref[...] * g


def _apply_gate(h2, bid3, gate):
    N = h2.shape[0]
    blk = _node_block(N)
    grid = N // blk
    return pl.pallas_call(
        _apply_gate_body,
        grid=(grid,),
        in_specs=[
            pl.BlockSpec((blk, H), lambda i: (i, 0)),
            pl.BlockSpec((1, 1, blk), lambda i: (i, 0, 0)),
            pl.BlockSpec((G, H), lambda i: (0, 0)),
        ],
        out_specs=pl.BlockSpec((blk, H), lambda i: (i, 0)),
        out_shape=jax.ShapeDtypeStruct((N, H), jnp.float32),
    )(h2, bid3, gate)



def _gather_one(x, idx3, E):
    ngrp = idx3.shape[1]
    ept = ngrp * GB
    W = x.shape[1]

    @functools.partial(
        pl.kernel,
        out_type=jax.ShapeDtypeStruct((E, W), x.dtype),
        mesh=_sc_mesh(),
        scratch_types=[
            pltpu.VMEM((ngrp, GB), jnp.int32),
            pltpu.VMEM((GB, W), x.dtype),
            pltpu.VMEM((GB, W), x.dtype),
            pltpu.VMEM((GB, W), x.dtype),
            pltpu.VMEM((GB, W), x.dtype),
            pltpu.SemaphoreType.DMA,
            pltpu.SemaphoreType.DMA,
            pltpu.SemaphoreType.DMA,
            pltpu.SemaphoreType.DMA,
            pltpu.SemaphoreType.DMA,
        ],
    )
    def k(x_hbm, idx_hbm, out_hbm, sidx, ra, rb, rc, rd,
          fsa, fsb, fsc, fsd, wsem):
        cid = lax.axis_index("c")
        sid = lax.axis_index("s")
        tid = cid * NSUB + sid

        pltpu.sync_copy(idx_hbm.at[tid], sidx)
        base_e = tid * ept

        def body4(i, _):
            g0 = 4 * i
            fa = pltpu.async_copy(x_hbm.at[sidx.at[g0]], ra, fsa)
            fb = pltpu.async_copy(x_hbm.at[sidx.at[g0 + 1]], rb, fsb)
            fc = pltpu.async_copy(x_hbm.at[sidx.at[g0 + 2]], rc, fsc)
            fd = pltpu.async_copy(x_hbm.at[sidx.at[g0 + 3]], rd, fsd)
            fa.wait()
            wa = pltpu.async_copy(ra, out_hbm.at[pl.ds(base_e + g0 * GB, GB)],
                                  wsem)
            fb.wait()
            wb = pltpu.async_copy(
                rb, out_hbm.at[pl.ds(base_e + (g0 + 1) * GB, GB)], wsem)
            fc.wait()
            wc = pltpu.async_copy(
                rc, out_hbm.at[pl.ds(base_e + (g0 + 2) * GB, GB)], wsem)
            fd.wait()
            wd = pltpu.async_copy(
                rd, out_hbm.at[pl.ds(base_e + (g0 + 3) * GB, GB)], wsem)
            wa.wait()
            wb.wait()
            wc.wait()
            wd.wait()
            return 0
        lax.fori_loop(0, ngrp // 4, body4, 0)

        for g in range(ngrp - ngrp % 4, ngrp):
            pltpu.async_copy(x_hbm.at[sidx.at[g]], ra, fsa).wait()
            pltpu.sync_copy(ra, out_hbm.at[pl.ds(base_e + g * GB, GB)])

    return k(x, idx3)


def _scatter_add(msg, dst3, nh):
    ngrp = dst3.shape[1]
    ept = ngrp * GB
    stripe = nh // NSUB
    zrep = stripe // GB

    @functools.partial(
        pl.kernel,
        out_type=jax.ShapeDtypeStruct((NCORES, nh, H), jnp.float32),
        mesh=_sc_mesh(),
        scratch_types=[
            pltpu.VMEM((ngrp, GB), jnp.int32),
            pltpu.VMEM((GB, H), jnp.float32),
            pltpu.VMEM((GB, H), jnp.float32),
            pltpu.VMEM((GB, H), jnp.float32),
            pltpu.VMEM((GB, H), jnp.float32),
            pltpu.VMEM_SHARED((nh + GB, H), jnp.float32),
            pltpu.SemaphoreType.DMA,
            pltpu.SemaphoreType.DMA,
            pltpu.SemaphoreType.DMA,
            pltpu.SemaphoreType.DMA,
            pltpu.SemaphoreType.DMA,
        ],
    )
    def k(msg_hbm, dst_hbm, out_hbm, didx, ra, rb, rc, rd, aggr,
          fsa, fsb, fsc, fsd, ssem):
        cid = lax.axis_index("c")
        sid = lax.axis_index("s")

        def zb(i, _):
            ra[i // 8, pl.ds((i % 8) * 16, 16)] = jnp.zeros((16,), jnp.float32)
            return 0
        lax.fori_loop(0, GB * 8, zb, 0)

        def zcopy(j, _):
            pltpu.sync_copy(ra, aggr.at[pl.ds(sid * stripe + j * GB, GB)])
            return 0
        lax.fori_loop(0, zrep, zcopy, 0)
        plsc.subcore_barrier()

        pltpu.sync_copy(dst_hbm.at[sid], didx)

        base = cid * nh

        def adj(i, _):
            for cc in range(GB // 16):
                sl = pl.ds(cc * 16, 16)
                dv = didx[i, sl] - base
                ok = (dv >= 0) & (dv < nh)
                didx[i, sl] = jnp.where(ok, dv, nh)
            return 0
        lax.fori_loop(0, ngrp, adj, 0)

        base_e = sid * ept

        def body4(i, _):
            g0 = 4 * i
            fa = pltpu.async_copy(msg_hbm.at[pl.ds(base_e + g0 * GB, GB)],
                                  ra, fsa)
            fb = pltpu.async_copy(msg_hbm.at[pl.ds(base_e + (g0 + 1) * GB, GB)],
                                  rb, fsb)
            fc = pltpu.async_copy(msg_hbm.at[pl.ds(base_e + (g0 + 2) * GB, GB)],
                                  rc, fsc)
            fd = pltpu.async_copy(msg_hbm.at[pl.ds(base_e + (g0 + 3) * GB, GB)],
                                  rd, fsd)
            fa.wait()
            sa = pltpu.async_copy(ra, aggr.at[didx.at[g0]], ssem, add=True)
            fb.wait()
            sb = pltpu.async_copy(rb, aggr.at[didx.at[g0 + 1]], ssem, add=True)
            fc.wait()
            sc = pltpu.async_copy(rc, aggr.at[didx.at[g0 + 2]], ssem, add=True)
            fd.wait()
            sd = pltpu.async_copy(rd, aggr.at[didx.at[g0 + 3]], ssem, add=True)
            sa.wait()
            sb.wait()
            sc.wait()
            sd.wait()
            return 0
        lax.fori_loop(0, ngrp // 4, body4, 0)

        for g in range(ngrp - ngrp % 4, ngrp):
            pltpu.sync_copy(msg_hbm.at[pl.ds(base_e + g * GB, GB)], ra)
            pltpu.sync_copy(ra, aggr.at[didx.at[g]], add=True)
        plsc.subcore_barrier()

        def wout(j, _):
            sl = pl.ds(sid * stripe + j * GB, GB)
            pltpu.sync_copy(aggr.at[sl], out_hbm.at[cid].at[sl])
            return 0
        lax.fori_loop(0, zrep, wout, 0)

    return k(msg, dst3)


def _gather_pair(s, d, src3, dst3, E):
    ngrp = src3.shape[1]
    ept = ngrp * GB
    W = s.shape[1]

    @functools.partial(
        pl.kernel,
        out_type=[
            jax.ShapeDtypeStruct((E, W), s.dtype),
            jax.ShapeDtypeStruct((E, W), s.dtype),
        ],
        mesh=_sc_mesh(),
        scratch_types=[
            pltpu.VMEM((ngrp, GB), jnp.int32),
            pltpu.VMEM((ngrp, GB), jnp.int32),
            pltpu.VMEM((GB, W), s.dtype),
            pltpu.VMEM((GB, W), s.dtype),
            pltpu.VMEM((GB, W), s.dtype),
            pltpu.VMEM((GB, W), s.dtype),
            pltpu.SemaphoreType.DMA,
            pltpu.SemaphoreType.DMA,
            pltpu.SemaphoreType.DMA,
            pltpu.SemaphoreType.DMA,
            pltpu.SemaphoreType.DMA,
        ],
    )
    def k(s_hbm, d_hbm, src_hbm, dst_hbm, sg_hbm, dg_hbm, sidx, didx,
          sa, da, sb, db, fs1, fs2, fs3, fs4, wsem):
        cid = lax.axis_index("c")
        sid = lax.axis_index("s")
        tid = cid * NSUB + sid

        pltpu.sync_copy(src_hbm.at[tid], sidx)
        pltpu.sync_copy(dst_hbm.at[tid], didx)
        base_e = tid * ept

        def body2(i, _):
            g0 = 2 * i
            fsa = pltpu.async_copy(s_hbm.at[sidx.at[g0]], sa, fs1)
            fda = pltpu.async_copy(d_hbm.at[didx.at[g0]], da, fs2)
            fsb = pltpu.async_copy(s_hbm.at[sidx.at[g0 + 1]], sb, fs3)
            fdb = pltpu.async_copy(d_hbm.at[didx.at[g0 + 1]], db, fs4)
            fsa.wait()
            w1 = pltpu.async_copy(sa, sg_hbm.at[pl.ds(base_e + g0 * GB, GB)],
                                  wsem)
            fda.wait()
            w2 = pltpu.async_copy(da, dg_hbm.at[pl.ds(base_e + g0 * GB, GB)],
                                  wsem)
            fsb.wait()
            w3 = pltpu.async_copy(
                sb, sg_hbm.at[pl.ds(base_e + (g0 + 1) * GB, GB)], wsem)
            fdb.wait()
            w4 = pltpu.async_copy(
                db, dg_hbm.at[pl.ds(base_e + (g0 + 1) * GB, GB)], wsem)
            w1.wait()
            w2.wait()
            w3.wait()
            w4.wait()
            return 0
        lax.fori_loop(0, ngrp // 2, body2, 0)

        g = ngrp - 1
        cps = pltpu.async_copy(s_hbm.at[sidx.at[g]], sa, fs1)
        cpd = pltpu.async_copy(d_hbm.at[didx.at[g]], da, fs2)
        cps.wait()
        pltpu.sync_copy(sa, sg_hbm.at[pl.ds(base_e + g * GB, GB)])
        cpd.wait()
        pltpu.sync_copy(da, dg_hbm.at[pl.ds(base_e + g * GB, GB)])

    return k(s, d, src3, dst3)



def kernel(h_V, edge_index, h_E, batch_id, W1, b1, W2, b2, Wr, br, W11, b11,
           W12, b12, Wg1, bg1, Wg2, bg2, g0, be0, g1, be1, gbn, bbn):
    N = h_V.shape[0]
    E = h_E.shape[0]
    blk_e = 2000
    nblk = _node_block(N)
    nh = -(-N // (2 * NSUB * GB)) * GB * NSUB

    src_w = edge_index[0].reshape(NW, E // (NW * GB), GB)
    dst_w = edge_index[1].reshape(NW, E // (NW * GB), GB)
    dst_s = edge_index[1].reshape(NSUB, E // (NSUB * GB), GB)
    bid3 = batch_id.reshape(N // nblk, 1, nblk)

    r = lambda v: v.reshape(1, H)
    b1r, b2r, brr, b11r, b12r = r(b1), r(b2), r(br), r(b11), r(b12)
    bg1r, bg2r = r(bg1), r(bg2)
    g0r, be0r, g1r, be1r, gbnr, bbnr = r(g0), r(be0), r(g1), r(be1), r(gbn), r(bbn)
    W11a = W11[0:H]
    W11b = W11[H:2 * H]
    W11c = W11[2 * H:3 * H]

    xg1 = _gather_one(h_V, src_w, E)
    w, msg1 = _edge_nn_mul(h_E, xg1, W1, b1r, W2, b2r, blk_e)
    agg1 = _scatter_add(msg1, dst_s, nh).reshape(2 * nh, H)
    h1 = _node_update(h_V, h_V, agg1[:N], Wr, brr, g0r, be0r)

    xg2 = _gather_one(h1, src_w, E)
    msg2 = _mul(xg2, w, blk_e)
    agg2 = _scatter_add(msg2, dst_s, nh).reshape(2 * nh, H)
    h2, s, d = _node_update2(h_V, h1, agg2[:N], Wr, brr, g1r, be1r, W11a, W11c)

    sg, dg = _gather_pair(s, d, src_w, dst_w, E)
    h_E_out = _edge_mlp(sg, dg, h_E, W11b, b11r, W12, b12r, gbnr, bbnr, blk_e)

    gate = _context_gate(h2, bid3, Wg1, bg1r, Wg2, bg2r)
    h_V_out = _apply_gate(h2, bid3, gate)

    return (h_V_out, h_E_out)

# --- scband reference (transcript-rebuilt; emitter-appended) ---
"""Pipeline reference for scband-gnnlayer-63488206570152 (READ-ONLY COPY).

The authoritative reference and input builder live on the scoring server;
editing this copy changes nothing except your own understanding.
"""

import jax, jax.numpy as jnp
import numpy as np

H = 128
N = 10000
E = 320000
G = 64

def _ln(x, g, b):
    m = jnp.mean(x, axis=-1, keepdims=True)
    v = jnp.var(x, axis=-1, keepdims=True)
    return (x - m) / jnp.sqrt(v + 1e-5) * g + b

def _conv(x, src, dst, e, W1, b1, W2, b2, Wr, br):
    # NNConv-style conv: edge network produces per-edge diagonal weights
    # (edge nn outputs num_hidden values, used elementwise on source features),
    # sum aggregation at dst, plus root linear transform and bias.
    w = jax.nn.relu(jax.nn.relu(e @ W1 + b1) @ W2 + b2)
    msg = x[src] * w
    aggr = jax.ops.segment_sum(msg, dst, num_segments=x.shape[0])
    return x @ Wr + aggr + br

def _forward(h_V, h_E, edge_index, batch_id, p):
    (W1, b1, W2, b2, Wr, br, g0, be0, g1, be1, W11, b11, W12, b12, gbn, bbn, Wg1, bg1, Wg2, bg2) = p
    src = edge_index[0]
    dst = edge_index[1]
    residual = h_V
    # note: original forward applies conv1 twice (conv2 unused) - kept faithful
    h = _ln(residual + _conv(h_V, src, dst, h_E, W1, b1, W2, b2, Wr, br), g0, be0)
    h = _ln(residual + _conv(h, src, dst, h_E, W1, b1, W2, b2, Wr, br), g1, be1)
    # EdgeMLP (dropout identity in eval; BatchNorm1d in eval mode: running_mean=0, running_var=1)
    h_EV = jnp.concatenate([h[src], h_E, h[dst]], axis=-1)
    msg = jax.nn.gelu(h_EV @ W11 + b11, approximate=False) @ W12 + b12
    h_E_out = (h_E + msg) / jnp.sqrt(1.0 + 1e-5) * gbn + bbn
    # Context: scatter_mean over batch_id, sigmoid-gated MLP
    csum = jax.ops.segment_sum(h, batch_id, num_segments=G)
    cnt = jax.ops.segment_sum(jnp.ones((h.shape[0], 1), h.dtype), batch_id, num_segments=G)
    c_V = csum / jnp.maximum(cnt, 1.0)
    gate = jax.nn.sigmoid(jax.nn.relu(c_V @ Wg1 + bg1) @ Wg2 + bg2)
    h_V_out = h * gate[batch_id]
    return (h_V_out, h_E_out)

def setup_inputs(seed: int = 0):
    key = jax.random.key(seed)
    ks = jax.random.split(key, 30)
    s = 1.0 / float(np.sqrt(H))
    d = {}
    d["h_V"] = jax.random.normal(ks[0], (N, H), dtype=jnp.float32)
    d["edge_index"] = jax.random.randint(ks[1], (2, E), 0, N, dtype=jnp.int32)
    d["h_E"] = jax.random.normal(ks[2], (E, H), dtype=jnp.float32)
    d["batch_id"] = jnp.sort(jax.random.randint(ks[3], (N,), 0, G, dtype=jnp.int32))
    names = ["W1", "b1", "W2", "b2", "Wr", "br", "W11", "b11", "W12", "b12", "Wg1", "bg1", "Wg2", "bg2"]
    shapes = [(H, H), (H,), (H, H), (H,), (H, H), (H,), (3 * H, H), (H,), (H, H), (H,), (H, H), (H,), (H, H), (H,)]
    for i, (n, sh) in enumerate(zip(names, shapes)):
        d[n] = jax.random.uniform(ks[4 + i], sh, dtype=jnp.float32, minval=-s, maxval=s)
    d["g0"] = jnp.ones((H,), jnp.float32); d["be0"] = jnp.zeros((H,), jnp.float32)
    d["g1"] = jnp.ones((H,), jnp.float32); d["be1"] = jnp.zeros((H,), jnp.float32)
    d["gbn"] = jnp.ones((H,), jnp.float32); d["bbn"] = jnp.zeros((H,), jnp.float32)
    return d

def reference(h_V, edge_index, h_E, batch_id, W1, b1, W2, b2, Wr, br, W11, b11, W12, b12, Wg1, bg1, Wg2, bg2, g0, be0, g1, be1, gbn, bbn):
    p = (W1, b1, W2, b2, Wr, br, g0, be0, g1, be1, W11, b11, W12, b12, gbn, bbn, Wg1, bg1, Wg2, bg2)
    return _forward(h_V, h_E, edge_index, batch_id, p)

if __name__ == "__main__":
    import jax
    _d = setup_inputs()
    print(jax.jit(kernel)(*tuple(_d.values())))

</pallas_src>

<mosaic_0001>
#map = affine_map<(d0, d1) -> (0, 0)>
#map1 = affine_map<(d0, d1) -> (0, 0, 0)>
module attributes {stable_mosaic.version = 14 : i64} {
  func.func @k(%arg0: i32, %arg1: i32, %arg2: memref<10000x128xf32, #tpu.memory_space<hbm>>, %arg3: memref<32x125x80xi32, #tpu.memory_space<hbm>>, %arg4: memref<320000x128xf32, #tpu.memory_space<hbm>>, %arg5: memref<125x80xi32, #tpu.memory_space<vmem>>, %arg6: memref<80x128xf32, #tpu.memory_space<vmem>>, %arg7: memref<80x128xf32, #tpu.memory_space<vmem>>, %arg8: memref<80x128xf32, #tpu.memory_space<vmem>>, %arg9: memref<80x128xf32, #tpu.memory_space<vmem>>, %arg10: memref<!tpu.dma_semaphore, #tpu.memory_space<semaphore_mem>>, %arg11: memref<!tpu.dma_semaphore, #tpu.memory_space<semaphore_mem>>, %arg12: memref<!tpu.dma_semaphore, #tpu.memory_space<semaphore_mem>>, %arg13: memref<!tpu.dma_semaphore, #tpu.memory_space<semaphore_mem>>, %arg14: memref<!tpu.dma_semaphore, #tpu.memory_space<semaphore_mem>>) attributes {dimension_semantics = [#tpu.dimension_semantics<core_parallel>, #tpu.dimension_semantics<subcore_parallel>], iteration_bounds = array<i64: 2, 16>, scalar_prefetch = 0 : i64, scratch_operands = 10 : i64, tpu.core_type = #tpu.core_type<sc_vector_subcore>, window_params = [{transform_indices = #map}, {transform_indices = #map1}, {transform_indices = #map}]} {
    %mul3A = arith.constant 16 : i32
    %mul3A_0 = arith.muli %arg0, %mul3A : i32
    %add3A = arith.addi %mul3A_0, %arg1 : i32
    "tpu.region"() ({
      %run_scoped3A = tpu.sem_alloc : memref<!tpu.dma_semaphore, #tpu.memory_space<semaphore_mem>>
      %dma_start3A_23 = arith.constant 0 : i32
      %dma_start3A_24 = arith.constant 0 : i32
      %dma_start3A_25 = tpu.memref_slice %arg3[%add3A, %dma_start3A_23, %dma_start3A_24] : memref<32x125x80xi32, #tpu.memory_space<hbm>> -> memref<1x125x80xi32, #tpu.memory_space<hbm>>
      %dma_start3A_26 = tpu.memref_squeeze %dma_start3A_25 : memref<1x125x80xi32, #tpu.memory_space<hbm>> -> memref<125x80xi32, #tpu.memory_space<hbm>>
      %dma_start3A_27 = arith.constant 0 : i32
      %dma_start3A_28 = arith.constant 0 : i32
      %dma_start3A_29 = tpu.memref_slice %arg3[%add3A, %dma_start3A_27, %dma_start3A_28] : memref<32x125x80xi32, #tpu.memory_space<hbm>> -> memref<1x125x80xi32, #tpu.memory_space<hbm>>
      %dma_start3A_30 = tpu.memref_squeeze %dma_start3A_29 : memref<1x125x80xi32, #tpu.memory_space<hbm>> -> memref<125x80xi32, #tpu.memory_space<hbm>>
      tpu.enqueue_dma source(%dma_start3A_30 : memref<125x80xi32, #tpu.memory_space<hbm>>) target(%arg5 : memref<125x80xi32, #tpu.memory_space<vmem>>) target_semaphore(%run_scoped3A : memref<!tpu.dma_semaphore, #tpu.memory_space<semaphore_mem>>)
      %dma_wait3A_31 = arith.constant 0 : i32
      %dma_wait3A_32 = arith.constant 0 : i32
      %dma_wait3A_33 = tpu.memref_slice %arg3[%add3A, %dma_wait3A_31, %dma_wait3A_32] : memref<32x125x80xi32, #tpu.memory_space<hbm>> -> memref<1x125x80xi32, #tpu.memory_space<hbm>>
      %dma_wait3A_34 = tpu.memref_squeeze %dma_wait3A_33 : memref<1x125x80xi32, #tpu.memory_space<hbm>> -> memref<125x80xi32, #tpu.memory_space<hbm>>
      %dma_wait3A_35 = arith.constant 0 : i32
      %dma_wait3A_36 = arith.constant 0 : i32
      %dma_wait3A_37 = tpu.memref_slice %arg3[%add3A, %dma_wait3A_35, %dma_wait3A_36] : memref<32x125x80xi32, #tpu.memory_space<hbm>> -> memref<1x125x80xi32, #tpu.memory_space<hbm>>
      %dma_wait3A_38 = tpu.memref_squeeze %dma_wait3A_37 : memref<1x125x80xi32, #tpu.memory_space<hbm>> -> memref<125x80xi32, #tpu.memory_space<hbm>>
      tpu.wait_dma2 semaphore(%run_scoped3A : memref<!tpu.dma_semaphore, #tpu.memory_space<semaphore_mem>>) src(%dma_wait3A_38 : memref<125x80xi32, #tpu.memory_space<hbm>>) dst(%arg5 : memref<125x80xi32, #tpu.memory_space<vmem>>)
      tpu.yield
    }) : () -> ()
    %mul3A_1 = arith.constant 10000 : i32
    %mul3A_2 = arith.muli %add3A, %mul3A_1 : i32
    %scan3A = arith.constant 0 : i32
    %scan3A_3 = arith.constant 0 : i32
    %scan3A_4 = arith.constant 31 : i32
    %scan3A_5 = arith.addi %scan3A_3, %scan3A_4 : i32
    %scan3A_6 = arith.constant 1 : i32
    %scan3A_7 = scf.for %scan3A_23 = %scan3A_3 to %scan3A_5 step %scan3A_6 iter_args(%scan3A_24 = %scan3A) -> (i32)  : i32 {
      %mul3A_25 = arith.constant 4 : i32
      %mul3A_26 = arith.muli %mul3A_25, %scan3A_23 : i32
      %dma_start3A_27 = arith.constant 0 : i32
      %dma_start3A_28 = tpu.memref_slice %arg5[%mul3A_26, %dma_start3A_27] : memref<125x80xi32, #tpu.memory_space<vmem>> -> memref<1x80xi32, #tpu.memory_space<vmem>>
      %dma_start3A_29 = tpu.memref_squeeze %dma_start3A_28 : memref<1x80xi32, #tpu.memory_space<vmem>> -> memref<80xi32, #tpu.memory_space<vmem>>
      %dma_start3A_30 = arith.constant 0 : i32
      %dma_start3A_31 = arith.constant 0 : i32
      %dma_start3A_32 = tpu.memref_slice %arg2[%dma_start3A_30, %dma_start3A_31] : memref<10000x128xf32, #tpu.memory_space<hbm>> -> memref<10000x128xf32, #tpu.memory_space<hbm>>
      tpu.enqueue_indirect_dma source(%dma_start3A_32 : memref<10000x128xf32, #tpu.memory_space<hbm>>) target(%arg6 : memref<80x128xf32, #tpu.memory_space<vmem>>) offsets(%dma_start3A_29 : memref<80xi32, #tpu.memory_space<vmem>>) semaphore(%arg10 : memref<!tpu.dma_semaphore, #tpu.memory_space<semaphore_mem>>)
      %add3A_33 = arith.constant 1 : i32
      %add3A_34 = arith.addi %mul3A_26, %add3A_33 : i32
      %dma_start3A_35 = arith.constant 0 : i32
      %dma_start3A_36 = tpu.memref_slice %arg5[%add3A_34, %dma_start3A_35] : memref<125x80xi32, #tpu.memory_space<vmem>> -> memref<1x80xi32, #tpu.memory_space<vmem>>
      %dma_start3A_37 = tpu.memref_squeeze %dma_start3A_36 : memref<1x80xi32, #tpu.memory_space<vmem>> -> memref<80xi32, #tpu.memory_space<vmem>>
      %dma_start3A_38 = arith.constant 0 : i32
      %dma_start3A_39 = arith.constant 0 : i32
      %dma_start3A_40 = tpu.memref_slice %arg2[%dma_start3A_38, %dma_start3A_39] : memref<10000x128xf32, #tpu.memory_space<hbm>> -> memref<10000x128xf32, #tpu.memory_space<hbm>>
      tpu.enqueue_indirect_dma source(%dma_start3A_40 : memref<10000x128xf32, #tpu.memory_space<hbm>>) target(%arg7 : memref<80x128xf32, #tpu.memory_space<vmem>>) offsets(%dma_start3A_37 : memref<80xi32, #tpu.memory_space<vmem>>) semaphore(%arg11 : memref<!tpu.dma_semaphore, #tpu.memory_space<semaphore_mem>>)
      %add3A_41 = arith.constant 2 : i32
      %add3A_42 = arith.addi %mul3A_26, %add3A_41 : i32
      %dma_start3A_43 = arith.constant 0 : i32
      %dma_start3A_44 = tpu.memref_slice %arg5[%add3A_42, %dma_start3A_43] : memref<125x80xi32, #tpu.memory_space<vmem>> -> memref<1x80xi32, #tpu.memory_space<vmem>>
      %dma_start3A_45 = tpu.memref_squeeze %dma_start3A_44 : memref<1x80xi32, #tpu.memory_space<vmem>> -> memref<80xi32, #tpu.memory_space<vmem>>
      %dma_start3A_46 = arith.constant 0 : i32
      %dma_start3A_47 = arith.constant 0 : i32
      %dma_start3A_48 = tpu.memref_slice %arg2[%dma_start3A_46, %dma_start3A_47] : memref<10000x128xf32, #tpu.memory_space<hbm>> -> memref<10000x128xf32, #tpu.memory_space<hbm>>
      tpu.enqueue_indirect_dma source(%dma_start3A_48 : memref<10000x128xf32, #tpu.memory_space<hbm>>) target(%arg8 : memref<80x128xf32, #tpu.memory_space<vmem>>) offsets(%dma_start3A_45 : memref<80xi32, #tpu.memory_space<vmem>>) semaphore(%arg12 : memref<!tpu.dma_semaphore, #tpu.memory_space<semaphore_mem>>)
      %add3A_49 = arith.constant 3 : i32
      %add3A_50 = arith.addi %mul3A_26, %add3A_49 : i32
      %dma_start3A_51 = arith.constant 0 : i32
      %dma_start3A_52 = tpu.memref_slice %arg5[%add3A_50, %dma_start3A_51] : memref<125x80xi32, #tpu.memory_space<vmem>> -> memref<1x80xi32, #tpu.memory_space<vmem>>
      %dma_start3A_53 = tpu.memref_squeeze %dma_start3A_52 : memref<1x80xi32, #tpu.memory_space<vmem>> -> memref<80xi32, #tpu.memory_space<vmem>>
      %dma_start3A_54 = arith.constant 0 : i32
      %dma_start3A_55 = arith.constant 0 : i32
      %dma_start3A_56 = tpu.memref_slice %arg2[%dma_start3A_54, %dma_start3A_55] : memref<10000x128xf32, #tpu.memory_space<hbm>> -> memref<10000x128xf32, #tpu.memory_space<hbm>>
      tpu.enqueue_indirect_dma source(%dma_start3A_56 : memref<10000x128xf32, #tpu.memory_space<hbm>>) target(%arg9 : memref<80x128xf32, #tpu.memory_space<vmem>>) offsets(%dma_start3A_53 : memref<80xi32, #tpu.memory_space<vmem>>) semaphore(%arg13 : memref<!tpu.dma_semaphore, #tpu.memory_space<semaphore_mem>>)
      %dma_wait3A_57 = arith.constant 0 : i32
      %dma_wait3A_58 = tpu.memref_slice %arg5[%mul3A_26, %dma_wait3A_57] : memref<125x80xi32, #tpu.memory_space<vmem>> -> memref<1x80xi32, #tpu.memory_space<vmem>>
      %dma_wait3A_59 = tpu.memref_squeeze %dma_wait3A_58 : memref<1x80xi32, #tpu.memory_space<vmem>> -> memref<80xi32, #tpu.memory_space<vmem>>
      %dma_wait3A_60 = arith.constant 0 : i32
      %dma_wait3A_61 = arith.constant 0 : i32
      %dma_wait3A_62 = tpu.memref_slice %arg2[%dma_wait3A_60, %dma_wait3A_61] : memref<10000x128xf32, #tpu.memory_space<hbm>> -> memref<10000x128xf32, #tpu.memory_space<hbm>>
      tpu.wait_indirect_dma semaphore(%arg10 : memref<!tpu.dma_semaphore, #tpu.memory_space<semaphore_mem>>) src(%dma_wait3A_62 : memref<10000x128xf32, #tpu.memory_space<hbm>>) dst(%arg6 : memref<80x128xf32, #tpu.memory_space<vmem>>)
      %mul3A_63 = arith.constant 80 : i32
      %mul3A_64 = arith.muli %mul3A_26, %mul3A_63 : i32
      %add3A_65 = arith.addi %mul3A_2, %mul3A_64 : i32
      %dma_start3A_66 = arith.constant 0 : i32
      %dma_start3A_67 = tpu.memref_slice %arg4[%add3A_65, %dma_start3A_66] : memref<320000x128xf32, #tpu.memory_space<hbm>> -> memref<80x128xf32, #tpu.memory_space<hbm>>
      %dma_start3A_68 = arith.constant 0 : i32
      %dma_start3A_69 = tpu.memref_slice %arg4[%add3A_65, %dma_start3A_68] : memref<320000x128xf32, #tpu.memory_space<hbm>> -> memref<80x128xf32, #tpu.memory_space<hbm>>
      tpu.enqueue_dma source(%arg6 : memref<80x128xf32, #tpu.memory_space<vmem>>) target(%dma_start3A_69 : memref<80x128xf32, #tpu.memory_space<hbm>>) target_semaphore(%arg14 : memref<!tpu.dma_semaphore, #tpu.memory_space<semaphore_mem>>)
      %dma_wait3A_70 = arith.constant 0 : i32
      %dma_wait3A_71 = tpu.memref_slice %arg5[%add3A_34, %dma_wait3A_70] : memref<125x80xi32, #tpu.memory_space<vmem>> -> memref<1x80xi32, #tpu.memory_space<vmem>>
      %dma_wait3A_72 = tpu.memref_squeeze %dma_wait3A_71 : memref<1x80xi32, #tpu.memory_space<vmem>> -> memref<80xi32, #tpu.memory_space<vmem>>
      %dma_wait3A_73 = arith.constant 0 : i32
      %dma_wait3A_74 = arith.constant 0 : i32
      %dma_wait3A_75 = tpu.memref_slice %arg2[%dma_wait3A_73, %dma_wait3A_74] : memref<10000x128xf32, #tpu.memory_space<hbm>> -> memref<10000x128xf32, #tpu.memory_space<hbm>>
      tpu.wait_indirect_dma semaphore(%arg11 : memref<!tpu.dma_semaphore, #tpu.memory_space<semaphore_mem>>) src(%dma_wait3A_75 : memref<10000x128xf32, #tpu.memory_space<hbm>>) dst(%arg7 : memref<80x128xf32, #tpu.memory_space<vmem>>)
      %add3A_76 = arith.constant 1 : i32
      %add3A_77 = arith.addi %mul3A_26, %add3A_76 : i32
      %mul3A_78 = arith.constant 80 : i32
      %mul3A_79 = arith.muli %add3A_77, %mul3A_78 : i32
      %add3A_80 = arith.addi %mul3A_2, %mul3A_79 : i32
      %dma_start3A_81 = arith.constant 0 : i32
      %dma_start3A_82 = tpu.memref_slice %arg4[%add3A_80, %dma_start3A_81] : memref<320000x128xf32, #tpu.memory_space<hbm>> -> memref<80x128xf32, #tpu.memory_space<hbm>>
      %dma_start3A_83 = arith.constant 0 : i32
      %dma_start3A_84 = tpu.memref_slice %arg4[%add3A_80, %dma_start3A_83] : memref<320000x128xf32, #tpu.memory_space<hbm>> -> memref<80x128xf32, #tpu.memory_space<hbm>>
      tpu.enqueue_dma source(%arg7 : memref<80x128xf32, #tpu.memory_space<vmem>>) target(%dma_start3A_84 : memref<80x128xf32, #tpu.memory_space<hbm>>) target_semaphore(%arg14 : memref<!tpu.dma_semaphore, #tpu.memory_space<semaphore_mem>>)
      %dma_wait3A_85 = arith.constant 0 : i32
      %dma_wait3A_86 = tpu.memref_slice %arg5[%add3A_42, %dma_wait3A_85] : memref<125x80xi32, #tpu.memory_space<vmem>> -> memref<1x80xi32, #tpu.memory_space<vmem>>
      %dma_wait3A_87 = tpu.memref_squeeze %dma_wait3A_86 : memref<1x80xi32, #tpu.memory_space<vmem>> -> memref<80xi32, #tpu.memory_space<vmem>>
      %dma_wait3A_88 = arith.constant 0 : i32
      %dma_wait3A_89 = arith.constant 0 : i32
      %dma_wait3A_90 = tpu.memref_slice %arg2[%dma_wait3A_88, %dma_wait3A_89] : memref<10000x128xf32, #tpu.memory_space<hbm>> -> memref<10000x128xf32, #tpu.memory_space<hbm>>
      tpu.wait_indirect_dma semaphore(%arg12 : memref<!tpu.dma_semaphore, #tpu.memory_space<semaphore_mem>>) src(%dma_wait3A_90 : memref<10000x128xf32, #tpu.memory_space<hbm>>) dst(%arg8 : memref<80x128xf32, #tpu.memory_space<vmem>>)
      %add3A_91 = arith.constant 2 : i32
      %add3A_92 = arith.addi %mul3A_26, %add3A_91 : i32
      %mul3A_93 = arith.constant 80 : i32
      %mul3A_94 = arith.muli %add3A_92, %mul3A_93 : i32
      %add3A_95 = arith.addi %mul3A_2, %mul3A_94 : i32
      %dma_start3A_96 = arith.constant 0 : i32
      %dma_start3A_97 = tpu.memref_slice %arg4[%add3A_95, %dma_start3A_96] : memref<320000x128xf32, #tpu.memory_space<hbm>> -> memref<80x128xf32, #tpu.memory_space<hbm>>
      %dma_start3A_98 = arith.constant 0 : i32
      %dma_start3A_99 = tpu.memref_slice %arg4[%add3A_95, %dma_start3A_98] : memref<320000x128xf32, #tpu.memory_space<hbm>> -> memref<80x128xf32, #tpu.memory_space<hbm>>
      tpu.enqueue_dma source(%arg8 : memref<80x128xf32, #tpu.memory_space<vmem>>) target(%dma_start3A_99 : memref<80x128xf32, #tpu.memory_space<hbm>>) target_semaphore(%arg14 : memref<!tpu.dma_semaphore, #tpu.memory_space<semaphore_mem>>)
      %dma_wait3A_100 = arith.constant 0 : i32
      %dma_wait3A_101 = tpu.memref_slice %arg5[%add3A_50, %dma_wait3A_100] : memref<125x80xi32, #tpu.memory_space<vmem>> -> memref<1x80xi32, #tpu.memory_space<vmem>>
      %dma_wait3A_102 = tpu.memref_squeeze %dma_wait3A_101 : memref<1x80xi32, #tpu.memory_space<vmem>> -> memref<80xi32, #tpu.memory_space<vmem>>
      %dma_wait3A_103 = arith.constant 0 : i32
      %dma_wait3A_104 = arith.constant 0 : i32
      %dma_wait3A_105 = tpu.memref_slice %arg2[%dma_wait3A_103, %dma_wait3A_104] : memref<10000x128xf32, #tpu.memory_space<hbm>> -> memref<10000x128xf32, #tpu.memory_space<hbm>>
      tpu.wait_indirect_dma semaphore(%arg13 : memref<!tpu.dma_semaphore, #tpu.memory_space<semaphore_mem>>) src(%dma_wait3A_105 : memref<10000x128xf32, #tpu.memory_space<hbm>>) dst(%arg9 : memref<80x128xf32, #tpu.memory_space<vmem>>)
      %add3A_106 = arith.constant 3 : i32
      %add3A_107 = arith.addi %mul3A_26, %add3A_106 : i32
      %mul3A_108 = arith.constant 80 : i32
      %mul3A_109 = arith.muli %add3A_107, %mul3A_108 : i32
      %add3A_110 = arith.addi %mul3A_2, %mul3A_109 : i32
      %dma_start3A_111 = arith.constant 0 : i32
      %dma_start3A_112 = tpu.memref_slice %arg4[%add3A_110, %dma_start3A_111] : memref<320000x128xf32, #tpu.memory_space<hbm>> -> memref<80x128xf32, #tpu.memory_space<hbm>>
      %dma_start3A_113 = arith.constant 0 : i32
      %dma_start3A_114 = tpu.memref_slice %arg4[%add3A_110, %dma_start3A_113] : memref<320000x128xf32, #tpu.memory_space<hbm>> -> memref<80x128xf32, #tpu.memory_space<hbm>>
      tpu.enqueue_dma source(%arg9 : memref<80x128xf32, #tpu.memory_space<vmem>>) target(%dma_start3A_114 : memref<80x128xf32, #tpu.memory_space<hbm>>) target_semaphore(%arg14 : memref<!tpu.dma_semaphore, #tpu.memory_space<semaphore_mem>>)
      %dma_wait3A_115 = arith.constant 0 : i32
      %dma_wait3A_116 = tpu.memref_slice %arg4[%add3A_65, %dma_wait3A_115] : memref<320000x128xf32, #tpu.memory_space<hbm>> -> memref<80x128xf32, #tpu.memory_space<hbm>>
      %dma_wait3A_117 = arith.constant 0 : i32
      %dma_wait3A_118 = tpu.memref_slice %arg4[%add3A_65, %dma_wait3A_117] : memref<320000x128xf32, #tpu.memory_space<hbm>> -> memref<80x128xf32, #tpu.memory_space<hbm>>
      tpu.wait_dma2 semaphore(%arg14 : memref<!tpu.dma_semaphore, #tpu.memory_space<semaphore_mem>>) src(%arg6 : memref<80x128xf32, #tpu.memory_space<vmem>>) dst(%dma_wait3A_118 : memref<80x128xf32, #tpu.memory_space<hbm>>)
      %dma_wait3A_119 = arith.constant 0 : i32
      %dma_wait3A_120 = tpu.memref_slice %arg4[%add3A_80, %dma_wait3A_119] : memref<320000x128xf32, #tpu.memory_space<hbm>> -> memref<80x128xf32, #tpu.memory_space<hbm>>
      %dma_wait3A_121 = arith.constant 0 : i32
      %dma_wait3A_122 = tpu.memref_slice %arg4[%add3A_80, %dma_wait3A_121] : memref<320000x128xf32, #tpu.memory_space<hbm>> -> memref<80x128xf32, #tpu.memory_space<hbm>>
      tpu.wait_dma2 semaphore(%arg14 : memref<!tpu.dma_semaphore, #tpu.memory_space<semaphore_mem>>) src(%arg7 : memref<80x128xf32, #tpu.memory_space<vmem>>) dst(%dma_wait3A_122 : memref<80x128xf32, #tpu.memory_space<hbm>>)
      %dma_wait3A_123 = arith.constant 0 : i32
      %dma_wait3A_124 = tpu.memref_slice %arg4[%add3A_95, %dma_wait3A_123] : memref<320000x128xf32, #tpu.memory_space<hbm>> -> memref<80x128xf32, #tpu.memory_space<hbm>>
      %dma_wait3A_125 = arith.constant 0 : i32
      %dma_wait3A_126 = tpu.memref_slice %arg4[%add3A_95, %dma_wait3A_125] : memref<320000x128xf32, #tpu.memory_space<hbm>> -> memref<80x128xf32, #tpu.memory_space<hbm>>
      tpu.wait_dma2 semaphore(%arg14 : memref<!tpu.dma_semaphore, #tpu.memory_space<semaphore_mem>>) src(%arg8 : memref<80x128xf32, #tpu.memory_space<vmem>>) dst(%dma_wait3A_126 : memref<80x128xf32, #tpu.memory_space<hbm>>)
      %dma_wait3A_127 = arith.constant 0 : i32
      %dma_wait3A_128 = tpu.memref_slice %arg4[%add3A_110, %dma_wait3A_127] : memref<320000x128xf32, #tpu.memory_space<hbm>> -> memref<80x128xf32, #tpu.memory_space<hbm>>
      %dma_wait3A_129 = arith.constant 0 : i32
      %dma_wait3A_130 = tpu.memref_slice %arg4[%add3A_110, %dma_wait3A_129] : memref<320000x128xf32, #tpu.memory_space<hbm>> -> memref<80x128xf32, #tpu.memory_space<hbm>>
      tpu.wait_dma2 semaphore(%arg14 : memref<!tpu.dma_semaphore, #tpu.memory_space<semaphore_mem>>) src(%arg9 : memref<80x128xf32, #tpu.memory_space<vmem>>) dst(%dma_wait3A_130 : memref<80x128xf32, #tpu.memory_space<hbm>>)
      %scan3A_131 = arith.constant 0 : i32
      scf.yield %scan3A_131 : i32
    }
    %scan3A_8 = arith.constant 31 : i32
    %dma_start3A = arith.constant 124 : i32
    %dma_start3A_9 = arith.constant 0 : i32
    %dma_start3A_10 = tpu.memref_slice %arg5[%dma_start3A, %dma_start3A_9] : memref<125x80xi32, #tpu.memory_space<vmem>> -> memref<1x80xi32, #tpu.memory_space<vmem>>
    %dma_start3A_11 = tpu.memref_squeeze %dma_start3A_10 : memref<1x80xi32, #tpu.memory_space<vmem>> -> memref<80xi32, #tpu.memory_space<vmem>>
    %dma_start3A_12 = arith.constant 0 : i32
    %dma_start3A_13 = arith.constant 0 : i32
    %dma_start3A_14 = tpu.memref_slice %arg2[%dma_start3A_12, %dma_start3A_13] : memref<10000x128xf32, #tpu.memory_space<hbm>> -> memref<10000x128xf32, #tpu.memory_space<hbm>>
    tpu.enqueue_indirect_dma source(%dma_start3A_14 : memref<10000x128xf32, #tpu.memory_space<hbm>>) target(%arg6 : memref<80x128xf32, #tpu.memory_space<vmem>>) offsets(%dma_start3A_11 : memref<80xi32, #tpu.memory_space<vmem>>) semaphore(%arg10 : memref<!tpu.dma_semaphore, #tpu.memory_space<semaphore_mem>>)
    %dma_wait3A = arith.constant 124 : i32
    %dma_wait3A_15 = arith.constant 0 : i32
    %dma_wait3A_16 = tpu.memref_slice %arg5[%dma_wait3A, %dma_wait3A_15] : memref<125x80xi32, #tpu.memory_space<vmem>> -> memref<1x80xi32, #tpu.memory_space<vmem>>
    %dma_wait3A_17 = tpu.memref_squeeze %dma_wait3A_16 : memref<1x80xi32, #tpu.memory_space<vmem>> -> memref<80xi32, #tpu.memory_space<vmem>>
    %dma_wait3A_18 = arith.constant 0 : i32
    %dma_wait3A_19 = arith.constant 0 : i32
    %dma_wait3A_20 = tpu.memref_slice %arg2[%dma_wait3A_18, %dma_wait3A_19] : memref<10000x128xf32, #tpu.memory_space<hbm>> -> memref<10000x128xf32, #tpu.memory_space<hbm>>
    tpu.wait_indirect_dma semaphore(%arg10 : memref<!tpu.dma_semaphore, #tpu.memory_space<semaphore_mem>>) src(%dma_wait3A_20 : memref<10000x128xf32, #tpu.memory_space<hbm>>) dst(%arg6 : memref<80x128xf32, #tpu.memory_space<vmem>>)
    %add3A_21 = arith.constant 9920 : i32
    %add3A_22 = arith.addi %mul3A_2, %add3A_21 : i32
    "tpu.region"() ({
      %run_scoped3A = tpu.sem_alloc : memref<!tpu.dma_semaphore, #tpu.memory_space<semaphore_mem>>
      %dma_start3A_23 = arith.constant 0 : i32
      %dma_start3A_24 = tpu.memref_slice %arg4[%add3A_22, %dma_start3A_23] : memref<320000x128xf32, #tpu.memory_space<hbm>> -> memref<80x128xf32, #tpu.memory_space<hbm>>
      %dma_start3A_25 = arith.constant 0 : i32
      %dma_start3A_26 = tpu.memref_slice %arg4[%add3A_22, %dma_start3A_25] : memref<320000x128xf32, #tpu.memory_space<hbm>> -> memref<80x128xf32, #tpu.memory_space<hbm>>
      tpu.enqueue_dma source(%arg6 : memref<80x128xf32, #tpu.memory_space<vmem>>) target(%dma_start3A_26 : memref<80x128xf32, #tpu.memory_space<hbm>>) target_semaphore(%run_scoped3A : memref<!tpu.dma_semaphore, #tpu.memory_space<semaphore_mem>>)
      %dma_wait3A_27 = arith.constant 0 : i32
      %dma_wait3A_28 = tpu.memref_slice %arg4[%add3A_22, %dma_wait3A_27] : memref<320000x128xf32, #tpu.memory_space<hbm>> -> memref<80x128xf32, #tpu.memory_space<hbm>>
      %dma_wait3A_29 = arith.constant 0 : i32
      %dma_wait3A_30 = tpu.memref_slice %arg4[%add3A_22, %dma_wait3A_29] : memref<320000x128xf32, #tpu.memory_space<hbm>> -> memref<80x128xf32, #tpu.memory_space<hbm>>
      tpu.wait_dma2 semaphore(%run_scoped3A : memref<!tpu.dma_semaphore, #tpu.memory_space<semaphore_mem>>) src(%arg6 : memref<80x128xf32, #tpu.memory_space<vmem>>) dst(%dma_wait3A_30 : memref<80x128xf32, #tpu.memory_space<hbm>>)
      tpu.yield
    }) : () -> ()
    return
  }
}

#map = affine_map<(d0, d1) -> (0, 0)>
#map1 = affine_map<(d0, d1) -> (0, 0, 0)>
module attributes {stable_mosaic.version = 14 : i64} {
  func.func @k(%arg0: i32, %arg1: i32, %arg2: memref<320000x128xf32, #tpu.memory_space<hbm>>, %arg3: memref<16x250x80xi32, #tpu.memory_space<hbm>>, %arg4: memref<2x5120x128xf32, #tpu.memory_space<hbm>>, %arg5: memref<250x80xi32, #tpu.memory_space<vmem>>, %arg6: memref<80x128xf32, #tpu.memory_space<vmem>>, %arg7: memref<80x128xf32, #tpu.memory_space<vmem>>, %arg8: memref<80x128xf32, #tpu.memory_space<vmem>>, %arg9: memref<80x128xf32, #tpu.memory_space<vmem>>, %arg10: memref<5200x128xf32, #tpu.memory_space<vmem_shared>>, %arg11: memref<!tpu.dma_semaphore, #tpu.memory_space<semaphore_mem>>, %arg12: memref<!tpu.dma_semaphore, #tpu.memory_space<semaphore_mem>>, %arg13: memref<!tpu.dma_semaphore, #tpu.memory_space<semaphore_mem>>, %arg14: memref<!tpu.dma_semaphore, #tpu.memory_space<semaphore_mem>>, %arg15: memref<!tpu.dma_semaphore, #tpu.memory_space<semaphore_mem>>) attributes {dimension_semantics = [#tpu.dimension_semantics<core_parallel>, #tpu.dimension_semantics<subcore_parallel>], iteration_bounds = array<i64: 2, 16>, scalar_prefetch = 0 : i64, scratch_operands = 11 : i64, tpu.core_type = #tpu.core_type<sc_vector_subcore>, window_params = [{transform_indices = #map}, {transform_indices = #map1}, {transform_indices = #map1}]} {
    %scan3A = arith.constant 0 : i32
    %scan3A_0 = arith.constant 0 : i32
    %scan3A_1 = arith.constant 640 : i32
    %scan3A_2 = arith.addi %scan3A_0, %scan3A_1 : i32
    %scan3A_3 = arith.constant 1 : i32
    %scan3A_4 = scf.for %scan3A_42 = %scan3A_0 to %scan3A_2 step %scan3A_3 iter_args(%scan3A_43 = %scan3A) -> (i32)  : i32 {
      %broadcast_in_dim3A = arith.constant 0.000000e+00 : f32
      %broadcast_in_dim3A_44 = vector.broadcast %broadcast_in_dim3A : f32 to vector<16xf32>
      %jit3A = arith.constant 8 : i32
      %div3A = arith.divsi %scan3A_42, %jit3A : i32
      %sign3A = arith.constant 0 : i32
      %sign3A_45 = arith.cmpi sgt, %scan3A_42, %sign3A : i32
      %sign3A_46 = arith.extui %sign3A_45 : i1 to i32
      %sign3A_47 = arith.constant 0 : i32
      %sign3A_48 = arith.cmpi slt, %scan3A_42, %sign3A_47 : i32
      %sign3A_49 = arith.extui %sign3A_48 : i1 to i32
      %sign3A_50 = arith.subi %sign3A_46, %sign3A_49 : i32
      %sign3A_51 = arith.constant 0 : i32
      %sign3A_52 = arith.cmpi sgt, %jit3A, %sign3A_51 : i32
      %sign3A_53 = arith.extui %sign3A_52 : i1 to i32
      %sign3A_54 = arith.constant 0 : i32
      %sign3A_55 = arith.cmpi slt, %jit3A, %sign3A_54 : i32
      %sign3A_56 = arith.extui %sign3A_55 : i1 to i32
      %sign3A_57 = arith.subi %sign3A_53, %sign3A_56 : i32
      %ne3A = arith.cmpi ne, %sign3A_50, %sign3A_57 : i32
      %rem3A = arith.remsi %scan3A_42, %jit3A : i32
      %ne3A_58 = arith.constant 0 : i32
      %ne3A_59 = arith.cmpi ne, %rem3A, %ne3A_58 : i32
      %and3A = arith.andi %ne3A, %ne3A_59 : i1
      %sub3A = arith.constant 1 : i32
      %sub3A_60 = arith.subi %div3A, %sub3A : i32
      %select_n3A = arith.select %and3A, %sub3A_60, %div3A : i32
      %jit3A_61 = arith.constant 8 : i32
      %eq3A = arith.constant 0 : i32
      %eq3A_62 = arith.cmpi eq, %jit3A_61, %eq3A : i32
      %jit3A_63 = arith.constant 1 : i32
      %select_n3A_64 = arith.select %eq3A_62, %jit3A_63, %jit3A_61 : i32
      %rem3A_65 = arith.remsi %scan3A_42, %select_n3A_64 : i32
      %ne3A_66 = arith.constant 0 : i32
      %ne3A_67 = arith.cmpi ne, %rem3A_65, %ne3A_66 : i32
      %lt3A = arith.constant 0 : i32
      %lt3A_68 = arith.cmpi slt, %rem3A_65, %lt3A : i32
      %lt3A_69 = arith.constant 0 : i32
      %lt3A_70 = arith.cmpi slt, %select_n3A_64, %lt3A_69 : i32
      %ne3A_71 = arith.xori %lt3A_68, %lt3A_70 : i1
      %and3A_72 = arith.andi %ne3A_71, %ne3A_67 : i1
      %add3A_73 = arith.addi %rem3A_65, %select_n3A_64 : i32
      %select_n3A_74 = arith.select %and3A_72, %add3A_73, %rem3A_65 : i32
      %mul3A_75 = arith.constant 16 : i32
      %mul3A_76 = arith.muli %select_n3A_74, %mul3A_75 : i32
      %swap3A = arith.index_cast %select_n3A : i32 to index
      %swap3A_77 = arith.index_cast %mul3A_76 : i32 to index
      %swap3A_78 = tpu.vector_load %arg6[%swap3A, %swap3A_77] {strides = array<i32>} : memref<80x128xf32, #tpu.memory_space<vmem>>, vector<1x16xf32>,
      %swap3A_79 = vector.shape_cast %swap3A_78 : vector<1x16xf32> to vector<16xf32>
      %swap3A_80 = vector.shape_cast %broadcast_in_dim3A_44 : vector<16xf32> to vector<1x16xf32>
      tpu.vector_store %arg6[%swap3A, %swap3A_77], %swap3A_80 {strides = array<i32>} : memref<80x128xf32, #tpu.memory_space<vmem>>, vector<1x16xf32>,
      %scan3A_81 = arith.constant 0 : i32
      scf.yield %scan3A_81 : i32
    }
    %scan3A_5 = arith.constant 640 : i32
    %scan3A_6 = arith.constant 0 : i32
    %scan3A_7 = arith.constant 0 : i32
    %scan3A_8 = arith.constant 4 : i32
    %scan3A_9 = arith.addi %scan3A_7, %scan3A_8 : i32
    %scan3A_10 = arith.constant 1 : i32
    %scan3A_11 = scf.for %scan3A_42 = %scan3A_7 to %scan3A_9 step %scan3A_10 iter_args(%scan3A_43 = %scan3A_6) -> (i32)  : i32 {
      %mul3A_44 = arith.constant 320 : i32
      %mul3A_45 = arith.muli %arg1, %mul3A_44 : i32
      %mul3A_46 = arith.constant 80 : i32
      %mul3A_47 = arith.muli %scan3A_42, %mul3A_46 : i32
      %add3A_48 = arith.addi %mul3A_45, %mul3A_47 : i32
      "tpu.region"() ({
        %run_scoped3A_50 = tpu.sem_alloc : memref<!tpu.dma_semaphore, #tpu.memory_space<semaphore_mem>>
        %dma_start3A = arith.constant 0 : i32
        %dma_start3A_51 = tpu.memref_slice %arg10[%add3A_48, %dma_start3A] : memref<5200x128xf32, #tpu.memory_space<vmem_shared>> -> memref<80x128xf32, #tpu.memory_space<vmem_shared>>
        %dma_start3A_52 = arith.constant 0 : i32
        %dma_start3A_53 = tpu.memref_slice %arg10[%add3A_48, %dma_start3A_52] : memref<5200x128xf32, #tpu.memory_space<vmem_shared>> -> memref<80x128xf32, #tpu.memory_space<vmem_shared>>
        tpu.enqueue_dma source(%arg6 : memref<80x128xf32, #tpu.memory_space<vmem>>) target(%dma_start3A_53 : memref<80x128xf32, #tpu.memory_space<vmem_shared>>) target_semaphore(%run_scoped3A_50 : memref<!tpu.dma_semaphore, #tpu.memory_space<semaphore_mem>>)
        %dma_wait3A = arith.constant 0 : i32
        %dma_wait3A_54 = tpu.memref_slice %arg10[%add3A_48, %dma_wait3A] : memref<5200x128xf32, #tpu.memory_space<vmem_shared>> -> memref<80x128xf32, #tpu.memory_space<vmem_shared>>
        %dma_wait3A_55 = arith.constant 0 : i32
        %dma_wait3A_56 = tpu.memref_slice %arg10[%add3A_48, %dma_wait3A_55] : memref<5200x128xf32, #tpu.memory_space<vmem_shared>> -> memref<80x128xf32, #tpu.memory_space<vmem_shared>>
        tpu.wait_dma2 semaphore(%run_scoped3A_50 : memref<!tpu.dma_semaphore, #tpu.memory_space<semaphore_mem>>) src(%arg6 : memref<80x128xf32, #tpu.memory_space<vmem>>) dst(%dma_wait3A_56 : memref<80x128xf32, #tpu.memory_space<vmem_shared>>)
        tpu.yield
      }) : () -> ()
      %scan3A_49 = arith.constant 0 : i32
      scf.yield %scan3A_49 : i32
    }
    %scan3A_12 = arith.constant 4 : i32
    %barrier3A = arith.constant 0 : index
    tpu.barrier barrier_id(%barrier3A)
    "tpu.region"() ({
      %run_scoped3A_42 = tpu.sem_alloc : memref<!tpu.dma_semaphore, #tpu.memory_space<semaphore_mem>>
      %dma_start3A = arith.constant 0 : i32
      %dma_start3A_43 = arith.constant 0 : i32
      %dma_start3A_44 = tpu.memref_slice %arg3[%arg1, %dma_start3A, %dma_start3A_43] : memref<16x250x80xi32, #tpu.memory_space<hbm>> -> memref<1x250x80xi32, #tpu.memory_space<hbm>>
      %dma_start3A_45 = tpu.memref_squeeze %dma_start3A_44 : memref<1x250x80xi32, #tpu.memory_space<hbm>> -> memref<250x80xi32, #tpu.memory_space<hbm>>
      %dma_start3A_46 = arith.constant 0 : i32
      %dma_start3A_47 = arith.constant 0 : i32
      %dma_start3A_48 = tpu.memref_slice %arg3[%arg1, %dma_start3A_46, %dma_start3A_47] : memref<16x250x80xi32, #tpu.memory_space<hbm>> -> memref<1x250x80xi32, #tpu.memory_space<hbm>>
      %dma_start3A_49 = tpu.memref_squeeze %dma_start3A_48 : memref<1x250x80xi32, #tpu.memory_space<hbm>> -> memref<250x80xi32, #tpu.memory_space<hbm>>
      tpu.enqueue_dma source(%dma_start3A_49 : memref<250x80xi32, #tpu.memory_space<hbm>>) target(%arg5 : memref<250x80xi32, #tpu.memory_space<vmem>>) target_semaphore(%run_scoped3A_42 : memref<!tpu.dma_semaphore, #tpu.memory_space<semaphore_mem>>)
      %dma_wait3A = arith.constant 0 : i32
      %dma_wait3A_50 = arith.constant 0 : i32
      %dma_wait3A_51 = tpu.memref_slice %arg3[%arg1, %dma_wait3A, %dma_wait3A_50] : memref<16x250x80xi32, #tpu.memory_space<hbm>> -> memref<1x250x80xi32, #tpu.memory_space<hbm>>
      %dma_wait3A_52 = tpu.memref_squeeze %dma_wait3A_51 : memref<1x250x80xi32, #tpu.memory_space<hbm>> -> memref<250x80xi32, #tpu.memory_space<hbm>>
      %dma_wait3A_53 = arith.constant 0 : i32
      %dma_wait3A_54 = arith.constant 0 : i32
      %dma_wait3A_55 = tpu.memref_slice %arg3[%arg1, %dma_wait3A_53, %dma_wait3A_54] : memref<16x250x80xi32, #tpu.memory_space<hbm>> -> memref<1x250x80xi32, #tpu.memory_space<hbm>>
      %dma_wait3A_56 = tpu.memref_squeeze %dma_wait3A_55 : memref<1x250x80xi32, #tpu.memory_space<hbm>> -> memref<250x80xi32, #tpu.memory_space<hbm>>
      tpu.wait_dma2 semaphore(%run_scoped3A_42 : memref<!tpu.dma_semaphore, #tpu.memory_space<semaphore_mem>>) src(%dma_wait3A_56 : memref<250x80xi32, #tpu.memory_space<hbm>>) dst(%arg5 : memref<250x80xi32, #tpu.memory_space<vmem>>)
      tpu.yield
    }) : () -> ()
    %mul3A = arith.constant 5120 : i32
    %mul3A_13 = arith.muli %arg0, %mul3A : i32
    %scan3A_14 = arith.constant 0 : i32
    %scan3A_15 = arith.constant 0 : i32
    %scan3A_16 = arith.constant 250 : i32
    %scan3A_17 = arith.addi %scan3A_15, %scan3A_16 : i32
    %scan3A_18 = arith.constant 1 : i32
    %scan3A_19 = scf.for %scan3A_42 = %scan3A_15 to %scan3A_17 step %scan3A_18 iter_args(%scan3A_43 = %scan3A_14) -> (i32)  : i32 {
      %get3A = arith.index_cast %scan3A_42 : i32 to index
      %get3A_44 = arith.constant 0 : index
      %get3A_45 = tpu.vector_load %arg5[%get3A, %get3A_44] {strides = array<i32>} : memref<250x80xi32, #tpu.memory_space<vmem>>, vector<1x16xi32>,
      %get3A_46 = vector.shape_cast %get3A_45 : vector<1x16xi32> to vector<16xi32>
      %sub3A = vector.broadcast %mul3A_13 : i32 to vector<16xi32>
      %sub3A_47 = arith.subi %get3A_46, %sub3A : vector<16xi32>
      %ge3A = arith.constant 0 : i32
      %ge3A_48 = vector.broadcast %ge3A : i32 to vector<16xi32>
      %ge3A_49 = arith.cmpi sge, %sub3A_47, %ge3A_48 : vector<16xi32>
      %lt3A = arith.constant 5120 : i32
      %lt3A_50 = vector.broadcast %lt3A : i32 to vector<16xi32>
      %lt3A_51 = arith.cmpi slt, %sub3A_47, %lt3A_50 : vector<16xi32>
      %and3A = arith.andi %ge3A_49, %lt3A_51 : vector<16xi1>
      %jit3A = arith.constant 5120 : i32
      %broadcast_in_dim3A = vector.broadcast %jit3A : i32 to vector<16xi32>
      %select_n3A = arith.select %and3A, %sub3A_47, %broadcast_in_dim3A : vector<16xi1>, vector<16xi32>
      %swap3A = arith.index_cast %scan3A_42 : i32 to index
      %swap3A_52 = arith.constant 0 : index
      %swap3A_53 = tpu.vector_load %arg5[%swap3A, %swap3A_52] {strides = array<i32>} : memref<250x80xi32, #tpu.memory_space<vmem>>, vector<1x16xi32>,
      %swap3A_54 = vector.shape_cast %swap3A_53 : vector<1x16xi32> to vector<16xi32>
      %swap3A_55 = vector.shape_cast %select_n3A : vector<16xi32> to vector<1x16xi32>
      tpu.vector_store %arg5[%swap3A, %swap3A_52], %swap3A_55 {strides = array<i32>} : memref<250x80xi32, #tpu.memory_space<vmem>>, vector<1x16xi32>,
      %get3A_56 = arith.index_cast %scan3A_42 : i32 to index
      %get3A_57 = arith.constant 16 : index
      %get3A_58 = tpu.vector_load %arg5[%get3A_56, %get3A_57] {strides = array<i32>} : memref<250x80xi32, #tpu.memory_space<vmem>>, vector<1x16xi32>,
      %get3A_59 = vector.shape_cast %get3A_58 : vector<1x16xi32> to vector<16xi32>
      %sub3A_60 = vector.broadcast %mul3A_13 : i32 to vector<16xi32>
      %sub3A_61 = arith.subi %get3A_59, %sub3A_60 : vector<16xi32>
      %ge3A_62 = arith.constant 0 : i32
      %ge3A_63 = vector.broadcast %ge3A_62 : i32 to vector<16xi32>
      %ge3A_64 = arith.cmpi sge, %sub3A_61, %ge3A_63 : vector<16xi32>
      %lt3A_65 = arith.constant 5120 : i32
      %lt3A_66 = vector.broadcast %lt3A_65 : i32 to vector<16xi32>
      %lt3A_67 = arith.cmpi slt, %sub3A_61, %lt3A_66 : vector<16xi32>
      %and3A_68 = arith.andi %ge3A_64, %lt3A_67 : vector<16xi1>
      %jit3A_69 = arith.constant 5120 : i32
      %broadcast_in_dim3A_70 = vector.broadcast %jit3A_69 : i32 to vector<16xi32>
      %select_n3A_71 = arith.select %and3A_68, %sub3A_61, %broadcast_in_dim3A_70 : vector<16xi1>, vector<16xi32>
      %swap3A_72 = arith.index_cast %scan3A_42 : i32 to index
      %swap3A_73 = arith.constant 16 : index
      %swap3A_74 = tpu.vector_load %arg5[%swap3A_72, %swap3A_73] {strides = array<i32>} : memref<250x80xi32, #tpu.memory_space<vmem>>, vector<1x16xi32>,
      %swap3A_75 = vector.shape_cast %swap3A_74 : vector<1x16xi32> to vector<16xi32>
      %swap3A_76 = vector.shape_cast %select_n3A_71 : vector<16xi32> to vector<1x16xi32>
      tpu.vector_store %arg5[%swap3A_72, %swap3A_73], %swap3A_76 {strides = array<i32>} : memref<250x80xi32, #tpu.memory_space<vmem>>, vector<1x16xi32>,
      %get3A_77 = arith.index_cast %scan3A_42 : i32 to index
      %get3A_78 = arith.constant 32 : index
      %get3A_79 = tpu.vector_load %arg5[%get3A_77, %get3A_78] {strides = array<i32>} : memref<250x80xi32, #tpu.memory_space<vmem>>, vector<1x16xi32>,
      %get3A_80 = vector.shape_cast %get3A_79 : vector<1x16xi32> to vector<16xi32>
      %sub3A_81 = vector.broadcast %mul3A_13 : i32 to vector<16xi32>
      %sub3A_82 = arith.subi %get3A_80, %sub3A_81 : vector<16xi32>
      %ge3A_83 = arith.constant 0 : i32
      %ge3A_84 = vector.broadcast %ge3A_83 : i32 to vector<16xi32>
      %ge3A_85 = arith.cmpi sge, %sub3A_82, %ge3A_84 : vector<16xi32>
      %lt3A_86 = arith.constant 5120 : i32
      %lt3A_87 = vector.broadcast %lt3A_86 : i32 to vector<16xi32>
      %lt3A_88 = arith.cmpi slt, %sub3A_82, %lt3A_87 : vector<16xi32>
      %and3A_89 = arith.andi %ge3A_85, %lt3A_88 : vector<16xi1>
      %jit3A_90 = arith.constant 5120 : i32
      %broadcast_in_dim3A_91 = vector.broadcast %jit3A_90 : i32 to vector<16xi32>
      %select_n3A_92 = arith.select %and3A_89, %sub3A_82, %broadcast_in_dim3A_91 : vector<16xi1>, vector<16xi32>
      %swap3A_93 = arith.index_cast %scan3A_42 : i32 to index
      %swap3A_94 = arith.constant 32 : index
      %swap3A_95 = tpu.vector_load %arg5[%swap3A_93, %swap3A_94] {strides = array<i32>} : memref<250x80xi32, #tpu.memory_space<vmem>>, vector<1x16xi32>,
      %swap3A_96 = vector.shape_cast %swap3A_95 : vector<1x16xi32> to vector<16xi32>
      %swap3A_97 = vector.shape_cast %select_n3A_92 : vector<16xi32> to vector<1x16xi32>
      tpu.vector_store %arg5[%swap3A_93, %swap3A_94], %swap3A_97 {strides = array<i32>} : memref<250x80xi32, #tpu.memory_space<vmem>>, vector<1x16xi32>,
      %get3A_98 = arith.index_cast %scan3A_42 : i32 to index
      %get3A_99 = arith.constant 48 : index
      %get3A_100 = tpu.vector_load %arg5[%get3A_98, %get3A_99] {strides = array<i32>} : memref<250x80xi32, #tpu.memory_space<vmem>>, vector<1x16xi32>,
      %get3A_101 = vector.shape_cast %get3A_100 : vector<1x16xi32> to vector<16xi32>
      %sub3A_102 = vector.broadcast %mul3A_13 : i32 to vector<16xi32>
      %sub3A_103 = arith.subi %get3A_101, %sub3A_102 : vector<16xi32>
      %ge3A_104 = arith.constant 0 : i32
      %ge3A_105 = vector.broadcast %ge3A_104 : i32 to vector<16xi32>
      %ge3A_106 = arith.cmpi sge, %sub3A_103, %ge3A_105 : vector<16xi32>
      %lt3A_107 = arith.constant 5120 : i32
      %lt3A_108 = vector.broadcast %lt3A_107 : i32 to vector<16xi32>
      %lt3A_109 = arith.cmpi slt, %sub3A_103, %lt3A_108 : vector<16xi32>
      %and3A_110 = arith.andi %ge3A_106, %lt3A_109 : vector<16xi1>
      %jit3A_111 = arith.constant 5120 : i32
      %broadcast_in_dim3A_112 = vector.broadcast %jit3A_111 : i32 to vector<16xi32>
      %select_n3A_113 = arith.select %and3A_110, %sub3A_103, %broadcast_in_dim3A_112 : vector<16xi1>, vector<16xi32>
      %swap3A_114 = arith.index_cast %scan3A_42 : i32 to index
      %swap3A_115 = arith.constant 48 : index
      %swap3A_116 = tpu.vector_load %arg5[%swap3A_114, %swap3A_115] {strides = array<i32>} : memref<250x80xi32, #tpu.memory_space<vmem>>, vector<1x16xi32>,
      %swap3A_117 = vector.shape_cast %swap3A_116 : vector<1x16xi32> to vector<16xi32>
      %swap3A_118 = vector.shape_cast %select_n3A_113 : vector<16xi32> to vector<1x16xi32>
      tpu.vector_store %arg5[%swap3A_114, %swap3A_115], %swap3A_118 {strides = array<i32>} : memref<250x80xi32, #tpu.memory_space<vmem>>, vector<1x16xi32>,
      %get3A_119 = arith.index_cast %scan3A_42 : i32 to index
      %get3A_120 = arith.constant 64 : index
      %get3A_121 = tpu.vector_load %arg5[%get3A_119, %get3A_120] {strides = array<i32>} : memref<250x80xi32, #tpu.memory_space<vmem>>, vector<1x16xi32>,
      %get3A_122 = vector.shape_cast %get3A_121 : vector<1x16xi32> to vector<16xi32>
      %sub3A_123 = vector.broadcast %mul3A_13 : i32 to vector<16xi32>
      %sub3A_124 = arith.subi %get3A_122, %sub3A_123 : vector<16xi32>
      %ge3A_125 = arith.constant 0 : i32
      %ge3A_126 = vector.broadcast %ge3A_125 : i32 to vector<16xi32>
      %ge3A_127 = arith.cmpi sge, %sub3A_124, %ge3A_126 : vector<16xi32>
      %lt3A_128 = arith.constant 5120 : i32
      %lt3A_129 = vector.broadcast %lt3A_128 : i32 to vector<16xi32>
      %lt3A_130 = arith.cmpi slt, %sub3A_124, %lt3A_129 : vector<16xi32>
      %and3A_131 = arith.andi %ge3A_127, %lt3A_130 : vector<16xi1>
      %jit3A_132 = arith.constant 5120 : i32
      %broadcast_in_dim3A_133 = vector.broadcast %jit3A_132 : i32 to vector<16xi32>
      %select_n3A_134 = arith.select %and3A_131, %sub3A_124, %broadcast_in_dim3A_133 : vector<16xi1>, vector<16xi32>
      %swap3A_135 = arith.index_cast %scan3A_42 : i32 to index
      %swap3A_136 = arith.constant 64 : index
      %swap3A_137 = tpu.vector_load %arg5[%swap3A_135, %swap3A_136] {strides = array<i32>} : memref<250x80xi32, #tpu.memory_space<vmem>>, vector<1x16xi32>,
      %swap3A_138 = vector.shape_cast %swap3A_137 : vector<1x16xi32> to vector<16xi32>
      %swap3A_139 = vector.shape_cast %select_n3A_134 : vector<16xi32> to vector<1x16xi32>
      tpu.vector_store %arg5[%swap3A_135, %swap3A_136], %swap3A_139 {strides = array<i32>} : memref<250x80xi32, #tpu.memory_space<vmem>>, vector<1x16xi32>,
      %scan3A_140 = arith.constant 0 : i32
      scf.yield %scan3A_140 : i32
    }
    %scan3A_20 = arith.constant 250 : i32
    %mul3A_21 = arith.constant 20000 : i32
    %mul3A_22 = arith.muli %arg1, %mul3A_21 : i32
    %scan3A_23 = arith.constant 0 : i32
    %scan3A_24 = arith.constant 0 : i32
    %scan3A_25 = arith.constant 62 : i32
    %scan3A_26 = arith.addi %scan3A_24, %scan3A_25 : i32
    %scan3A_27 = arith.constant 1 : i32
    %scan3A_28 = scf.for %scan3A_42 = %scan3A_24 to %scan3A_26 step %scan3A_27 iter_args(%scan3A_43 = %scan3A_23) -> (i32)  : i32 {
      %mul3A_44 = arith.constant 4 : i32
      %mul3A_45 = arith.muli %mul3A_44, %scan3A_42 : i32
      %mul3A_46 = arith.constant 80 : i32
      %mul3A_47 = arith.muli %mul3A_45, %mul3A_46 : i32
      %add3A_48 = arith.addi %mul3A_22, %mul3A_47 : i32
      %dma_start3A = arith.constant 0 : i32
      %dma_start3A_49 = tpu.memref_slice %arg2[%add3A_48, %dma_start3A] : memref<320000x128xf32, #tpu.memory_space<hbm>> -> memref<80x128xf32, #tpu.memory_space<hbm>>
      %dma_start3A_50 = arith.constant 0 : i32
      %dma_start3A_51 = tpu.memref_slice %arg2[%add3A_48, %dma_start3A_50] : memref<320000x128xf32, #tpu.memory_space<hbm>> -> memref<80x128xf32, #tpu.memory_space<hbm>>
      tpu.enqueue_dma source(%dma_start3A_51 : memref<80x128xf32, #tpu.memory_space<hbm>>) target(%arg6 : memref<80x128xf32, #tpu.memory_space<vmem>>) target_semaphore(%arg11 : memref<!tpu.dma_semaphore, #tpu.memory_space<semaphore_mem>>)
      %add3A_52 = arith.constant 1 : i32
      %add3A_53 = arith.addi %mul3A_45, %add3A_52 : i32
      %mul3A_54 = arith.constant 80 : i32
      %mul3A_55 = arith.muli %add3A_53, %mul3A_54 : i32
      %add3A_56 = arith.addi %mul3A_22, %mul3A_55 : i32
      %dma_start3A_57 = arith.constant 0 : i32
      %dma_start3A_58 = tpu.memref_slice %arg2[%add3A_56, %dma_start3A_57] : memref<320000x128xf32, #tpu.memory_space<hbm>> -> memref<80x128xf32, #tpu.memory_space<hbm>>
      %dma_start3A_59 = arith.constant 0 : i32
      %dma_start3A_60 = tpu.memref_slice %arg2[%add3A_56, %dma_start3A_59] : memref<320000x128xf32, #tpu.memory_space<hbm>> -> memref<80x128xf32, #tpu.memory_space<hbm>>
      tpu.enqueue_dma source(%dma_start3A_60 : memref<80x128xf32, #tpu.memory_space<hbm>>) target(%arg7 : memref<80x128xf32, #tpu.memory_space<vmem>>) target_semaphore(%arg12 : memref<!tpu.dma_semaphore, #tpu.memory_space<semaphore_mem>>)
      %add3A_61 = arith.constant 2 : i32
      %add3A_62 = arith.addi %mul3A_45, %add3A_61 : i32
      %mul3A_63 = arith.constant 80 : i32
      %mul3A_64 = arith.muli %add3A_62, %mul3A_63 : i32
      %add3A_65 = arith.addi %mul3A_22, %mul3A_64 : i32
      %dma_start3A_66 = arith.constant 0 : i32
      %dma_start3A_67 = tpu.memref_slice %arg2[%add3A_65, %dma_start3A_66] : memref<320000x128xf32, #tpu.memory_space<hbm>> -> memref<80x128xf32, #tpu.memory_space<hbm>>
      %dma_start3A_68 = arith.constant 0 : i32
      %dma_start3A_69 = tpu.memref_slice %arg2[%add3A_65, %dma_start3A_68] : memref<320000x128xf32, #tpu.memory_space<hbm>> -> memref<80x128xf32, #tpu.memory_space<hbm>>
      tpu.enqueue_dma source(%dma_start3A_69 : memref<80x128xf32, #tpu.memory_space<hbm>>) target(%arg8 : memref<80x128xf32, #tpu.memory_space<vmem>>) target_semaphore(%arg13 : memref<!tpu.dma_semaphore, #tpu.memory_space<semaphore_mem>>)
      %add3A_70 = arith.constant 3 : i32
      %add3A_71 = arith.addi %mul3A_45, %add3A_70 : i32
      %mul3A_72 = arith.constant 80 : i32
      %mul3A_73 = arith.muli %add3A_71, %mul3A_72 : i32
      %add3A_74 = arith.addi %mul3A_22, %mul3A_73 : i32
      %dma_start3A_75 = arith.constant 0 : i32
      %dma_start3A_76 = tpu.memref_slice %arg2[%add3A_74, %dma_start3A_75] : memref<320000x128xf32, #tpu.memory_space<hbm>> -> memref<80x128xf32, #tpu.memory_space<hbm>>
      %dma_start3A_77 = arith.constant 0 : i32
      %dma_start3A_78 = tpu.memref_slice %arg2[%add3A_74, %dma_start3A_77] : memref<320000x128xf32, #tpu.memory_space<hbm>> -> memref<80x128xf32, #tpu.memory_space<hbm>>
      tpu.enqueue_dma source(%dma_start3A_78 : memref<80x128xf32, #tpu.memory_space<hbm>>) target(%arg9 : memref<80x128xf32, #tpu.memory_space<vmem>>) target_semaphore(%arg14 : memref<!tpu.dma_semaphore, #tpu.memory_space<semaphore_mem>>)
      %dma_wait3A = arith.constant 0 : i32
      %dma_wait3A_79 = tpu.memref_slice %arg2[%add3A_48, %dma_wait3A] : memref<320000x128xf32, #tpu.memory_space<hbm>> -> memref<80x128xf32, #tpu.memory_space<hbm>>
      %dma_wait3A_80 = arith.constant 0 : i32
      %dma_wait3A_81 = tpu.memref_slice %arg2[%add3A_48, %dma_wait3A_80] : memref<320000x128xf32, #tpu.memory_space<hbm>> -> memref<80x128xf32, #tpu.memory_space<hbm>>
      tpu.wait_dma2 semaphore(%arg11 : memref<!tpu.dma_semaphore, #tpu.memory_space<semaphore_mem>>) src(%dma_wait3A_81 : memref<80x128xf32, #tpu.memory_space<hbm>>) dst(%arg6 : memref<80x128xf32, #tpu.memory_space<vmem>>)
      %dma_start3A_82 = arith.constant 0 : i32
      %dma_start3A_83 = tpu.memref_slice %arg5[%mul3A_45, %dma_start3A_82] : memref<250x80xi32, #tpu.memory_space<vmem>> -> memref<1x80xi32, #tpu.memory_space<vmem>>
      %dma_start3A_84 = tpu.memref_squeeze %dma_start3A_83 : memref<1x80xi32, #tpu.memory_space<vmem>> -> memref<80xi32, #tpu.memory_space<vmem>>
      %dma_start3A_85 = arith.constant 0 : i32
      %dma_start3A_86 = arith.constant 0 : i32
      %dma_start3A_87 = tpu.memref_slice %arg10[%dma_start3A_85, %dma_start3A_86] : memref<5200x128xf32, #tpu.memory_space<vmem_shared>> -> memref<5200x128xf32, #tpu.memory_space<vmem_shared>>
      tpu.enqueue_indirect_dma source(%arg6 : memref<80x128xf32, #tpu.memory_space<vmem>>) target(%dma_start3A_87 : memref<5200x128xf32, #tpu.memory_space<vmem_shared>>) offsets(%dma_start3A_84 : memref<80xi32, #tpu.memory_space<vmem>>) semaphore(%arg15 : memref<!tpu.dma_semaphore, #tpu.memory_space<semaphore_mem>>) {add = true}
      %dma_wait3A_88 = arith.constant 0 : i32
      %dma_wait3A_89 = tpu.memref_slice %arg2[%add3A_56, %dma_wait3A_88] : memref<320000x128xf32, #tpu.memory_space<hbm>> -> memref<80x128xf32, #tpu.memory_space<hbm>>
      %dma_wait3A_90 = arith.constant 0 : i32
      %dma_wait3A_91 = tpu.memref_slice %arg2[%add3A_56, %dma_wait3A_90] : memref<320000x128xf32, #tpu.memory_space<hbm>> -> memref<80x128xf32, #tpu.memory_space<hbm>>
      tpu.wait_dma2 semaphore(%arg12 : memref<!tpu.dma_semaphore, #tpu.memory_space<semaphore_mem>>) src(%dma_wait3A_91 : memref<80x128xf32, #tpu.memory_space<hbm>>) dst(%arg7 : memref<80x128xf32, #tpu.memory_space<vmem>>)
      %add3A_92 = arith.constant 1 : i32
      %add3A_93 = arith.addi %mul3A_45, %add3A_92 : i32
      %dma_start3A_94 = arith.constant 0 : i32
      %dma_start3A_95 = tpu.memref_slice %arg5[%add3A_93, %dma_start3A_94] : memref<250x80xi32, #tpu.memory_space<vmem>> -> memref<1x80xi32, #tpu.memory_space<vmem>>
      %dma_start3A_96 = tpu.memref_squeeze %dma_start3A_95 : memref<1x80xi32, #tpu.memory_space<vmem>> -> memref<80xi32, #tpu.memory_space<vmem>>
      %dma_start3A_97 = arith.constant 0 : i32
      %dma_start3A_98 = arith.constant 0 : i32
      %dma_start3A_99 = tpu.memref_slice %arg10[%dma_start3A_97, %dma_start3A_98] : memref<5200x128xf32, #tpu.memory_space<vmem_shared>> -> memref<5200x128xf32, #tpu.memory_space<vmem_shared>>
      tpu.enqueue_indirect_dma source(%arg7 : memref<80x128xf32, #tpu.memory_space<vmem>>) target(%dma_start3A_99 : memref<5200x128xf32, #tpu.memory_space<vmem_shared>>) offsets(%dma_start3A_96 : memref<80xi32, #tpu.memory_space<vmem>>) semaphore(%arg15 : memref<!tpu.dma_semaphore, #tpu.memory_space<semaphore_mem>>) {add = true}
      %dma_wait3A_100 = arith.constant 0 : i32
      %dma_wait3A_101 = tpu.memref_slice %arg2[%add3A_65, %dma_wait3A_100] : memref<320000x128xf32, #tpu.memory_space<hbm>> -> memref<80x128xf32, #tpu.memory_space<hbm>>
      %dma_wait3A_102 = arith.constant 0 : i32
      %dma_wait3A_103 = tpu.memref_slice %arg2[%add3A_65, %dma_wait3A_102] : memref<320000x128xf32, #tpu.memory_space<hbm>> -> memref<80x128xf32, #tpu.memory_space<hbm>>
      tpu.wait_dma2 semaphore(%arg13 : memref<!tpu.dma_semaphore, #tpu.memory_space<semaphore_mem>>) src(%dma_wait3A_103 : memref<80x128xf32, #tpu.memory_space<hbm>>) dst(%arg8 : memref<80x128xf32, #tpu.memory_space<vmem>>)
      %add3A_104 = arith.constant 2 : i32
      %add3A_105 = arith.addi %mul3A_45, %add3A_104 : i32
      %dma_start3A_106 = arith.constant 0 : i32
      %dma_start3A_107 = tpu.memref_slice %arg5[%add3A_105, %dma_start3A_106] : memref<250x80xi32, #tpu.memory_space<vmem>> -> memref<1x80xi32, #tpu.memory_space<vmem>>
      %dma_start3A_108 = tpu.memref_squeeze %dma_start3A_107 : memref<1x80xi32, #tpu.memory_space<vmem>> -> memref<80xi32, #tpu.memory_space<vmem>>
      %dma_start3A_109 = arith.constant 0 : i32
      %dma_start3A_110 = arith.constant 0 : i32
      %dma_start3A_111 = tpu.memref_slice %arg10[%dma_start3A_109, %dma_start3A_110] : memref<5200x128xf32, #tpu.memory_space<vmem_shared>> -> memref<5200x128xf32, #tpu.memory_space<vmem_shared>>
      tpu.enqueue_indirect_dma source(%arg8 : memref<80x128xf32, #tpu.memory_space<vmem>>) target(%dma_start3A_111 : memref<5200x128xf32, #tpu.memory_space<vmem_shared>>) offsets(%dma_start3A_108 : memref<80xi32, #tpu.memory_space<vmem>>) semaphore(%arg15 : memref<!tpu.dma_semaphore, #tpu.memory_space<semaphore_mem>>) {add = true}
      %dma_wait3A_112 = arith.constant 0 : i32
      %dma_wait3A_113 = tpu.memref_slice %arg2[%add3A_74, %dma_wait3A_112] : memref<320000x128xf32, #tpu.memory_space<hbm>> -> memref<80x128xf32, #tpu.memory_space<hbm>>
      %dma_wait3A_114 = arith.constant 0 : i32
      %dma_wait3A_115 = tpu.memref_slice %arg2[%add3A_74, %dma_wait3A_114] : memref<320000x128xf32, #tpu.memory_space<hbm>> -> memref<80x128xf32, #tpu.memory_space<hbm>>
      tpu.wait_dma2 semaphore(%arg14 : memref<!tpu.dma_semaphore, #tpu.memory_space<semaphore_mem>>) src(%dma_wait3A_115 : memref<80x128xf32, #tpu.memory_space<hbm>>) dst(%arg9 : memref<80x128xf32, #tpu.memory_space<vmem>>)
      %add3A_116 = arith.constant 3 : i32
      %add3A_117 = arith.addi %mul3A_45, %add3A_116 : i32
      %dma_start3A_118 = arith.constant 0 : i32
      %dma_start3A_119 = tpu.memref_slice %arg5[%add3A_117, %dma_start3A_118] : memref<250x80xi32, #tpu.memory_space<vmem>> -> memref<1x80xi32, #tpu.memory_space<vmem>>
      %dma_start3A_120 = tpu.memref_squeeze %dma_start3A_119 : memref<1x80xi32, #tpu.memory_space<vmem>> -> memref<80xi32, #tpu.memory_space<vmem>>
      %dma_start3A_121 = arith.constant 0 : i32
      %dma_start3A_122 = arith.constant 0 : i32
      %dma_start3A_123 = tpu.memref_slice %arg10[%dma_start3A_121, %dma_start3A_122] : memref<5200x128xf32, #tpu.memory_space<vmem_shared>> -> memref<5200x128xf32, #tpu.memory_space<vmem_shared>>
      tpu.enqueue_indirect_dma source(%arg9 : memref<80x128xf32, #tpu.memory_space<vmem>>) target(%dma_start3A_123 : memref<5200x128xf32, #tpu.memory_space<vmem_shared>>) offsets(%dma_start3A_120 : memref<80xi32, #tpu.memory_space<vmem>>) semaphore(%arg15 : memref<!tpu.dma_semaphore, #tpu.memory_space<semaphore_mem>>) {add = true}
      %dma_wait3A_124 = arith.constant 0 : i32
      %dma_wait3A_125 = tpu.memref_slice %arg5[%mul3A_45, %dma_wait3A_124] : memref<250x80xi32, #tpu.memory_space<vmem>> -> memref<1x80xi32, #tpu.memory_space<vmem>>
      %dma_wait3A_126 = tpu.memref_squeeze %dma_wait3A_125 : memref<1x80xi32, #tpu.memory_space<vmem>> -> memref<80xi32, #tpu.memory_space<vmem>>
      %dma_wait3A_127 = arith.constant 0 : i32
      %dma_wait3A_128 = arith.constant 0 : i32
      %dma_wait3A_129 = tpu.memref_slice %arg10[%dma_wait3A_127, %dma_wait3A_128] : memref<5200x128xf32, #tpu.memory_space<vmem_shared>> -> memref<5200x128xf32, #tpu.memory_space<vmem_shared>>
      tpu.wait_indirect_dma semaphore(%arg15 : memref<!tpu.dma_semaphore, #tpu.memory_space<semaphore_mem>>) src(%arg6 : memref<80x128xf32, #tpu.memory_space<vmem>>) dst(%dma_wait3A_129 : memref<5200x128xf32, #tpu.memory_space<vmem_shared>>)
      %dma_wait3A_130 = arith.constant 0 : i32
      %dma_wait3A_131 = tpu.memref_slice %arg5[%add3A_93, %dma_wait3A_130] : memref<250x80xi32, #tpu.memory_space<vmem>> -> memref<1x80xi32, #tpu.memory_space<vmem>>
      %dma_wait3A_132 = tpu.memref_squeeze %dma_wait3A_131 : memref<1x80xi32, #tpu.memory_space<vmem>> -> memref<80xi32, #tpu.memory_space<vmem>>
      %dma_wait3A_133 = arith.constant 0 : i32
      %dma_wait3A_134 = arith.constant 0 : i32
      %dma_wait3A_135 = tpu.memref_slice %arg10[%dma_wait3A_133, %dma_wait3A_134] : memref<5200x128xf32, #tpu.memory_space<vmem_shared>> -> memref<5200x128xf32, #tpu.memory_space<vmem_shared>>
      tpu.wait_indirect_dma semaphore(%arg15 : memref<!tpu.dma_semaphore, #tpu.memory_space<semaphore_mem>>) src(%arg7 : memref<80x128xf32, #tpu.memory_space<vmem>>) dst(%dma_wait3A_135 : memref<5200x128xf32, #tpu.memory_space<vmem_shared>>)
      %dma_wait3A_136 = arith.constant 0 : i32
      %dma_wait3A_137 = tpu.memref_slice %arg5[%add3A_105, %dma_wait3A_136] : memref<250x80xi32, #tpu.memory_space<vmem>> -> memref<1x80xi32, #tpu.memory_space<vmem>>
      %dma_wait3A_138 = tpu.memref_squeeze %dma_wait3A_137 : memref<1x80xi32, #tpu.memory_space<vmem>> -> memref<80xi32, #tpu.memory_space<vmem>>
      %dma_wait3A_139 = arith.constant 0 : i32
      %dma_wait3A_140 = arith.constant 0 : i32
      %dma_wait3A_141 = tpu.memref_slice %arg10[%dma_wait3A_139, %dma_wait3A_140] : memref<5200x128xf32, #tpu.memory_space<vmem_shared>> -> memref<5200x128xf32, #tpu.memory_space<vmem_shared>>
      tpu.wait_indirect_dma semaphore(%arg15 : memref<!tpu.dma_semaphore, #tpu.memory_space<semaphore_mem>>) src(%arg8 : memref<80x128xf32, #tpu.memory_space<vmem>>) dst(%dma_wait3A_141 : memref<5200x128xf32, #tpu.memory_space<vmem_shared>>)
      %dma_wait3A_142 = arith.constant 0 : i32
      %dma_wait3A_143 = tpu.memref_slice %arg5[%add3A_117, %dma_wait3A_142] : memref<250x80xi32, #tpu.memory_space<vmem>> -> memref<1x80xi32, #tpu.memory_space<vmem>>
      %dma_wait3A_144 = tpu.memref_squeeze %dma_wait3A_143 : memref<1x80xi32, #tpu.memory_space<vmem>> -> memref<80xi32, #tpu.memory_space<vmem>>
      %dma_wait3A_145 = arith.constant 0 : i32
      %dma_wait3A_146 = arith.constant 0 : i32
      %dma_wait3A_147 = tpu.memref_slice %arg10[%dma_wait3A_145, %dma_wait3A_146] : memref<5200x128xf32, #tpu.memory_space<vmem_shared>> -> memref<5200x128xf32, #tpu.memory_space<vmem_shared>>
      tpu.wait_indirect_dma semaphore(%arg15 : memref<!tpu.dma_semaphore, #tpu.memory_space<semaphore_mem>>) src(%arg9 : memref<80x128xf32, #tpu.memory_space<vmem>>) dst(%dma_wait3A_147 : memref<5200x128xf32, #tpu.memory_space<vmem_shared>>)
      %scan3A_148 = arith.constant 0 : i32
      scf.yield %scan3A_148 : i32
    }
    %scan3A_29 = arith.constant 62 : i32
    %add3A = arith.constant 19840 : i32
    %add3A_30 = arith.addi %mul3A_22, %add3A : i32
    "tpu.region"() ({
      %run_scoped3A_42 = tpu.sem_alloc : memref<!tpu.dma_semaphore, #tpu.memory_space<semaphore_mem>>
      %dma_start3A = arith.constant 0 : i32
      %dma_start3A_43 = tpu.memref_slice %arg2[%add3A_30, %dma_start3A] : memref<320000x128xf32, #tpu.memory_space<hbm>> -> memref<80x128xf32, #tpu.memory_space<hbm>>
      %dma_start3A_44 = arith.constant 0 : i32
      %dma_start3A_45 = tpu.memref_slice %arg2[%add3A_30, %dma_start3A_44] : memref<320000x128xf32, #tpu.memory_space<hbm>> -> memref<80x128xf32, #tpu.memory_space<hbm>>
      tpu.enqueue_dma source(%dma_start3A_45 : memref<80x128xf32, #tpu.memory_space<hbm>>) target(%arg6 : memref<80x128xf32, #tpu.memory_space<vmem>>) target_semaphore(%run_scoped3A_42 : memref<!tpu.dma_semaphore, #tpu.memory_space<semaphore_mem>>)
      %dma_wait3A = arith.constant 0 : i32
      %dma_wait3A_46 = tpu.memref_slice %arg2[%add3A_30, %dma_wait3A] : memref<320000x128xf32, #tpu.memory_space<hbm>> -> memref<80x128xf32, #tpu.memory_space<hbm>>
      %dma_wait3A_47 = arith.constant 0 : i32
      %dma_wait3A_48 = tpu.memref_slice %arg2[%add3A_30, %dma_wait3A_47] : memref<320000x128xf32, #tpu.memory_space<hbm>> -> memref<80x128xf32, #tpu.memory_space<hbm>>
      tpu.wait_dma2 semaphore(%run_scoped3A_42 : memref<!tpu.dma_semaphore, #tpu.memory_space<semaphore_mem>>) src(%dma_wait3A_48 : memref<80x128xf32, #tpu.memory_space<hbm>>) dst(%arg6 : memref<80x128xf32, #tpu.memory_space<vmem>>)
      tpu.yield
    }) : () -> ()
    %run_scoped3A = arith.constant 248 : i32
    "tpu.region"() ({
      %run_scoped3A_42 = tpu.sem_alloc : memref<!tpu.dma_semaphore, #tpu.memory_space<semaphore_mem>>
      %dma_start3A = arith.constant 0 : i32
      %dma_start3A_43 = tpu.memref_slice %arg5[%run_scoped3A, %dma_start3A] : memref<250x80xi32, #tpu.memory_space<vmem>> -> memref<1x80xi32, #tpu.memory_space<vmem>>
      %dma_start3A_44 = tpu.memref_squeeze %dma_start3A_43 : memref<1x80xi32, #tpu.memory_space<vmem>> -> memref<80xi32, #tpu.memory_space<vmem>>
      %dma_start3A_45 = arith.constant 0 : i32
      %dma_start3A_46 = arith.constant 0 : i32
      %dma_start3A_47 = tpu.memref_slice %arg10[%dma_start3A_45, %dma_start3A_46] : memref<5200x128xf32, #tpu.memory_space<vmem_shared>> -> memref<5200x128xf32, #tpu.memory_space<vmem_shared>>
      tpu.enqueue_indirect_dma source(%arg6 : memref<80x128xf32, #tpu.memory_space<vmem>>) target(%dma_start3A_47 : memref<5200x128xf32, #tpu.memory_space<vmem_shared>>) offsets(%dma_start3A_44 : memref<80xi32, #tpu.memory_space<vmem>>) semaphore(%run_scoped3A_42 : memref<!tpu.dma_semaphore, #tpu.memory_space<semaphore_mem>>) {add = true}
      %dma_wait3A = arith.constant 0 : i32
      %dma_wait3A_48 = tpu.memref_slice %arg5[%run_scoped3A, %dma_wait3A] : memref<250x80xi32, #tpu.memory_space<vmem>> -> memref<1x80xi32, #tpu.memory_space<vmem>>
      %dma_wait3A_49 = tpu.memref_squeeze %dma_wait3A_48 : memref<1x80xi32, #tpu.memory_space<vmem>> -> memref<80xi32, #tpu.memory_space<vmem>>
      %dma_wait3A_50 = arith.constant 0 : i32
      %dma_wait3A_51 = arith.constant 0 : i32
      %dma_wait3A_52 = tpu.memref_slice %arg10[%dma_wait3A_50, %dma_wait3A_51] : memref<5200x128xf32, #tpu.memory_space<vmem_shared>> -> memref<5200x128xf32, #tpu.memory_space<vmem_shared>>
      tpu.wait_indirect_dma semaphore(%run_scoped3A_42 : memref<!tpu.dma_semaphore, #tpu.memory_space<semaphore_mem>>) src(%arg6 : memref<80x128xf32, #tpu.memory_space<vmem>>) dst(%dma_wait3A_52 : memref<5200x128xf32, #tpu.memory_space<vmem_shared>>)
      tpu.yield
    }) : () -> ()
    %add3A_31 = arith.constant 19920 : i32
    %add3A_32 = arith.addi %mul3A_22, %add3A_31 : i32
    "tpu.region"() ({
      %run_scoped3A_42 = tpu.sem_alloc : memref<!tpu.dma_semaphore, #tpu.memory_space<semaphore_mem>>
      %dma_start3A = arith.constant 0 : i32
      %dma_start3A_43 = tpu.memref_slice %arg2[%add3A_32, %dma_start3A] : memref<320000x128xf32, #tpu.memory_space<hbm>> -> memref<80x128xf32, #tpu.memory_space<hbm>>
      %dma_start3A_44 = arith.constant 0 : i32
      %dma_start3A_45 = tpu.memref_slice %arg2[%add3A_32, %dma_start3A_44] : memref<320000x128xf32, #tpu.memory_space<hbm>> -> memref<80x128xf32, #tpu.memory_space<hbm>>
      tpu.enqueue_dma source(%dma_start3A_45 : memref<80x128xf32, #tpu.memory_space<hbm>>) target(%arg6 : memref<80x128xf32, #tpu.memory_space<vmem>>) target_semaphore(%run_scoped3A_42 : memref<!tpu.dma_semaphore, #tpu.memory_space<semaphore_mem>>)
      %dma_wait3A = arith.constant 0 : i32
      %dma_wait3A_46 = tpu.memref_slice %arg2[%add3A_32, %dma_wait3A] : memref<320000x128xf32, #tpu.memory_space<hbm>> -> memref<80x128xf32, #tpu.memory_space<hbm>>
      %dma_wait3A_47 = arith.constant 0 : i32
      %dma_wait3A_48 = tpu.memref_slice %arg2[%add3A_32, %dma_wait3A_47] : memref<320000x128xf32, #tpu.memory_space<hbm>> -> memref<80x128xf32, #tpu.memory_space<hbm>>
      tpu.wait_dma2 semaphore(%run_scoped3A_42 : memref<!tpu.dma_semaphore, #tpu.memory_space<semaphore_mem>>) src(%dma_wait3A_48 : memref<80x128xf32, #tpu.memory_space<hbm>>) dst(%arg6 : memref<80x128xf32, #tpu.memory_space<vmem>>)
      tpu.yield
    }) : () -> ()
    %run_scoped3A_33 = arith.constant 249 : i32
    "tpu.region"() ({
      %run_scoped3A_42 = tpu.sem_alloc : memref<!tpu.dma_semaphore, #tpu.memory_space<semaphore_mem>>
      %dma_start3A = arith.constant 0 : i32
      %dma_start3A_43 = tpu.memref_slice %arg5[%run_scoped3A_33, %dma_start3A] : memref<250x80xi32, #tpu.memory_space<vmem>> -> memref<1x80xi32, #tpu.memory_space<vmem>>
      %dma_start3A_44 = tpu.memref_squeeze %dma_start3A_43 : memref<1x80xi32, #tpu.memory_space<vmem>> -> memref<80xi32, #tpu.memory_space<vmem>>
      %dma_start3A_45 = arith.constant 0 : i32
      %dma_start3A_46 = arith.constant 0 : i32
      %dma_start3A_47 = tpu.memref_slice %arg10[%dma_start3A_45, %dma_start3A_46] : memref<5200x128xf32, #tpu.memory_space<vmem_shared>> -> memref<5200x128xf32, #tpu.memory_space<vmem_shared>>
      tpu.enqueue_indirect_dma source(%arg6 : memref<80x128xf32, #tpu.memory_space<vmem>>) target(%dma_start3A_47 : memref<5200x128xf32, #tpu.memory_space<vmem_shared>>) offsets(%dma_start3A_44 : memref<80xi32, #tpu.memory_space<vmem>>) semaphore(%run_scoped3A_42 : memref<!tpu.dma_semaphore, #tpu.memory_space<semaphore_mem>>) {add = true}
      %dma_wait3A = arith.constant 0 : i32
      %dma_wait3A_48 = tpu.memref_slice %arg5[%run_scoped3A_33, %dma_wait3A] : memref<250x80xi32, #tpu.memory_space<vmem>> -> memref<1x80xi32, #tpu.memory_space<vmem>>
      %dma_wait3A_49 = tpu.memref_squeeze %dma_wait3A_48 : memref<1x80xi32, #tpu.memory_space<vmem>> -> memref<80xi32, #tpu.memory_space<vmem>>
      %dma_wait3A_50 = arith.constant 0 : i32
      %dma_wait3A_51 = arith.constant 0 : i32
      %dma_wait3A_52 = tpu.memref_slice %arg10[%dma_wait3A_50, %dma_wait3A_51] : memref<5200x128xf32, #tpu.memory_space<vmem_shared>> -> memref<5200x128xf32, #tpu.memory_space<vmem_shared>>
      tpu.wait_indirect_dma semaphore(%run_scoped3A_42 : memref<!tpu.dma_semaphore, #tpu.memory_space<semaphore_mem>>) src(%arg6 : memref<80x128xf32, #tpu.memory_space<vmem>>) dst(%dma_wait3A_52 : memref<5200x128xf32, #tpu.memory_space<vmem_shared>>)
      tpu.yield
    }) : () -> ()
    %barrier3A_34 = arith.constant 0 : index
    tpu.barrier barrier_id(%barrier3A_34)
    %scan3A_35 = arith.constant 0 : i32
    %scan3A_36 = arith.constant 0 : i32
    %scan3A_37 = arith.constant 4 : i32
    %scan3A_38 = arith.addi %scan3A_36, %scan3A_37 : i32
    %scan3A_39 = arith.constant 1 : i32
    %scan3A_40 = scf.for %scan3A_42 = %scan3A_36 to %scan3A_38 step %scan3A_39 iter_args(%scan3A_43 = %scan3A_35) -> (i32)  : i32 {
      %mul3A_44 = arith.constant 320 : i32
      %mul3A_45 = arith.muli %arg1, %mul3A_44 : i32
      %mul3A_46 = arith.constant 80 : i32
      %mul3A_47 = arith.muli %scan3A_42, %mul3A_46 : i32
      %add3A_48 = arith.addi %mul3A_45, %mul3A_47 : i32
      "tpu.region"() ({
        %run_scoped3A_50 = tpu.sem_alloc : memref<!tpu.dma_semaphore, #tpu.memory_space<semaphore_mem>>
        %dma_start3A = arith.constant 0 : i32
        %dma_start3A_51 = arith.constant 0 : i32
        %dma_start3A_52 = tpu.memref_slice %arg4[%arg0, %dma_start3A, %dma_start3A_51] : memref<2x5120x128xf32, #tpu.memory_space<hbm>> -> memref<1x5120x128xf32, #tpu.memory_space<hbm>>
        %dma_start3A_53 = tpu.memref_squeeze %dma_start3A_52 : memref<1x5120x128xf32, #tpu.memory_space<hbm>> -> memref<5120x128xf32, #tpu.memory_space<hbm>>
        %dma_start3A_54 = arith.constant 0 : i32
        %dma_start3A_55 = tpu.memref_slice %dma_start3A_53[%add3A_48, %dma_start3A_54] : memref<5120x128xf32, #tpu.memory_space<hbm>> -> memref<80x128xf32, #tpu.memory_space<hbm>>
        %dma_start3A_56 = arith.constant 0 : i32
        %dma_start3A_57 = tpu.memref_slice %arg10[%add3A_48, %dma_start3A_56] : memref<5200x128xf32, #tpu.memory_space<vmem_shared>> -> memref<80x128xf32, #tpu.memory_space<vmem_shared>>
        tpu.enqueue_dma source(%dma_start3A_57 : memref<80x128xf32, #tpu.memory_space<vmem_shared>>) target(%dma_start3A_55 : memref<80x128xf32, #tpu.memory_space<hbm>>) target_semaphore(%run_scoped3A_50 : memref<!tpu.dma_semaphore, #tpu.memory_space<semaphore_mem>>)
        %dma_wait3A = arith.constant 0 : i32
        %dma_wait3A_58 = arith.constant 0 : i32
        %dma_wait3A_59 = tpu.memref_slice %arg4[%arg0, %dma_wait3A, %dma_wait3A_58] : memref<2x5120x128xf32, #tpu.memory_space<hbm>> -> memref<1x5120x128xf32, #tpu.memory_space<hbm>>
        %dma_wait3A_60 = tpu.memref_squeeze %dma_wait3A_59 : memref<1x5120x128xf32, #tpu.memory_space<hbm>> -> memref<5120x128xf32, #tpu.memory_space<hbm>>
        %dma_wait3A_61 = arith.constant 0 : i32
        %dma_wait3A_62 = tpu.memref_slice %dma_wait3A_60[%add3A_48, %dma_wait3A_61] : memref<5120x128xf32, #tpu.memory_space<hbm>> -> memref<80x128xf32, #tpu.memory_space<hbm>>
        %dma_wait3A_63 = arith.constant 0 : i32
        %dma_wait3A_64 = tpu.memref_slice %arg10[%add3A_48, %dma_wait3A_63] : memref<5200x128xf32, #tpu.memory_space<vmem_shared>> -> memref<80x128xf32, #tpu.memory_space<vmem_shared>>
        tpu.wait_dma2 semaphore(%run_scoped3A_50 : memref<!tpu.dma_semaphore, #tpu.memory_space<semaphore_mem>>) src(%dma_wait3A_64 : memref<80x128xf32, #tpu.memory_space<vmem_shared>>) dst(%dma_wait3A_62 : memref<80x128xf32, #tpu.memory_space<hbm>>)
        tpu.yield
      }) : () -> ()
      %scan3A_49 = arith.constant 0 : i32
      scf.yield %scan3A_49 : i32
    }
    %scan3A_41 = arith.constant 4 : i32
    return
  }
}

#map = affine_map<(d0, d1) -> (0, 0)>
#map1 = affine_map<(d0, d1) -> (0, 0, 0)>
module attributes {stable_mosaic.version = 14 : i64} {
  func.func @k(%arg0: i32, %arg1: i32, %arg2: memref<320000x128xf32, #tpu.memory_space<hbm>>, %arg3: memref<16x250x80xi32, #tpu.memory_space<hbm>>, %arg4: memref<2x5120x128xf32, #tpu.memory_space<hbm>>, %arg5: memref<250x80xi32, #tpu.memory_space<vmem>>, %arg6: memref<80x128xf32, #tpu.memory_space<vmem>>, %arg7: memref<80x128xf32, #tpu.memory_space<vmem>>, %arg8: memref<80x128xf32, #tpu.memory_space<vmem>>, %arg9: memref<80x128xf32, #tpu.memory_space<vmem>>, %arg10: memref<5200x128xf32, #tpu.memory_space<vmem_shared>>, %arg11: memref<!tpu.dma_semaphore, #tpu.memory_space<semaphore_mem>>, %arg12: memref<!tpu.dma_semaphore, #tpu.memory_space<semaphore_mem>>, %arg13: memref<!tpu.dma_semaphore, #tpu.memory_space<semaphore_mem>>, %arg14: memref<!tpu.dma_semaphore, #tpu.memory_space<semaphore_mem>>, %arg15: memref<!tpu.dma_semaphore, #tpu.memory_space<semaphore_mem>>) attributes {dimension_semantics = [#tpu.dimension_semantics<core_parallel>, #tpu.dimension_semantics<subcore_parallel>], iteration_bounds = array<i64: 2, 16>, scalar_prefetch = 0 : i64, scratch_operands = 11 : i64, tpu.core_type = #tpu.core_type<sc_vector_subcore>, window_params = [{transform_indices = #map}, {transform_indices = #map1}, {transform_indices = #map1}]} {
    %scan3A = arith.constant 0 : i32
    %scan3A_0 = arith.constant 0 : i32
    %scan3A_1 = arith.constant 640 : i32
    %scan3A_2 = arith.addi %scan3A_0, %scan3A_1 : i32
    %scan3A_3 = arith.constant 1 : i32
    %scan3A_4 = scf.for %scan3A_42 = %scan3A_0 to %scan3A_2 step %scan3A_3 iter_args(%scan3A_43 = %scan3A) -> (i32)  : i32 {
      %broadcast_in_dim3A = arith.constant 0.000000e+00 : f32
      %broadcast_in_dim3A_44 = vector.broadcast %broadcast_in_dim3A : f32 to vector<16xf32>
      %jit3A = arith.constant 8 : i32
      %div3A = arith.divsi %scan3A_42, %jit3A : i32
      %sign3A = arith.constant 0 : i32
      %sign3A_45 = arith.cmpi sgt, %scan3A_42, %sign3A : i32
      %sign3A_46 = arith.extui %sign3A_45 : i1 to i32
      %sign3A_47 = arith.constant 0 : i32
      %sign3A_48 = arith.cmpi slt, %scan3A_42, %sign3A_47 : i32
      %sign3A_49 = arith.extui %sign3A_48 : i1 to i32
      %sign3A_50 = arith.subi %sign3A_46, %sign3A_49 : i32
      %sign3A_51 = arith.constant 0 : i32
      %sign3A_52 = arith.cmpi sgt, %jit3A, %sign3A_51 : i32
      %sign3A_53 = arith.extui %sign3A_52 : i1 to i32
      %sign3A_54 = arith.constant 0 : i32
      %sign3A_55 = arith.cmpi slt, %jit3A, %sign3A_54 : i32
      %sign3A_56 = arith.extui %sign3A_55 : i1 to i32
      %sign3A_57 = arith.subi %sign3A_53, %sign3A_56 : i32
      %ne3A = arith.cmpi ne, %sign3A_50, %sign3A_57 : i32
      %rem3A = arith.remsi %scan3A_42, %jit3A : i32
      %ne3A_58 = arith.constant 0 : i32
      %ne3A_59 = arith.cmpi ne, %rem3A, %ne3A_58 : i32
      %and3A = arith.andi %ne3A, %ne3A_59 : i1
      %sub3A = arith.constant 1 : i32
      %sub3A_60 = arith.subi %div3A, %sub3A : i32
      %select_n3A = arith.select %and3A, %sub3A_60, %div3A : i32
      %jit3A_61 = arith.constant 8 : i32
      %eq3A = arith.constant 0 : i32
      %eq3A_62 = arith.cmpi eq, %jit3A_61, %eq3A : i32
      %jit3A_63 = arith.constant 1 : i32
      %select_n3A_64 = arith.select %eq3A_62, %jit3A_63, %jit3A_61 : i32
      %rem3A_65 = arith.remsi %scan3A_42, %select_n3A_64 : i32
      %ne3A_66 = arith.constant 0 : i32
      %ne3A_67 = arith.cmpi ne, %rem3A_65, %ne3A_66 : i32
      %lt3A = arith.constant 0 : i32
      %lt3A_68 = arith.cmpi slt, %rem3A_65, %lt3A : i32
      %lt3A_69 = arith.constant 0 : i32
      %lt3A_70 = arith.cmpi slt, %select_n3A_64, %lt3A_69 : i32
      %ne3A_71 = arith.xori %lt3A_68, %lt3A_70 : i1
      %and3A_72 = arith.andi %ne3A_71, %ne3A_67 : i1
      %add3A_73 = arith.addi %rem3A_65, %select_n3A_64 : i32
      %select_n3A_74 = arith.select %and3A_72, %add3A_73, %rem3A_65 : i32
      %mul3A_75 = arith.constant 16 : i32
      %mul3A_76 = arith.muli %select_n3A_74, %mul3A_75 : i32
      %swap3A = arith.index_cast %select_n3A : i32 to index
      %swap3A_77 = arith.index_cast %mul3A_76 : i32 to index
      %swap3A_78 = tpu.vector_load %arg6[%swap3A, %swap3A_77] {strides = array<i32>} : memref<80x128xf32, #tpu.memory_space<vmem>>, vector<1x16xf32>,
      %swap3A_79 = vector.shape_cast %swap3A_78 : vector<1x16xf32> to vector<16xf32>
      %swap3A_80 = vector.shape_cast %broadcast_in_dim3A_44 : vector<16xf32> to vector<1x16xf32>
      tpu.vector_store %arg6[%swap3A, %swap3A_77], %swap3A_80 {strides = array<i32>} : memref<80x128xf32, #tpu.memory_space<vmem>>, vector<1x16xf32>,
      %scan3A_81 = arith.constant 0 : i32
      scf.yield %scan3A_81 : i32
    }
    %scan3A_5 = arith.constant 640 : i32
    %scan3A_6 = arith.constant 0 : i32
    %scan3A_7 = arith.constant 0 : i32
    %scan3A_8 = arith.constant 4 : i32
    %scan3A_9 = arith.addi %scan3A_7, %scan3A_8 : i32
    %scan3A_10 = arith.constant 1 : i32
    %scan3A_11 = scf.for %scan3A_42 = %scan3A_7 to %scan3A_9 step %scan3A_10 iter_args(%scan3A_43 = %scan3A_6) -> (i32)  : i32 {
      %mul3A_44 = arith.constant 320 : i32
      %mul3A_45 = arith.muli %arg1, %mul3A_44 : i32
      %mul3A_46 = arith.constant 80 : i32
      %mul3A_47 = arith.muli %scan3A_42, %mul3A_46 : i32
      %add3A_48 = arith.addi %mul3A_45, %mul3A_47 : i32
      "tpu.region"() ({
        %run_scoped3A_50 = tpu.sem_alloc : memref<!tpu.dma_semaphore, #tpu.memory_space<semaphore_mem>>
        %dma_start3A = arith.constant 0 : i32
        %dma_start3A_51 = tpu.memref_slice %arg10[%add3A_48, %dma_start3A] : memref<5200x128xf32, #tpu.memory_space<vmem_shared>> -> memref<80x128xf32, #tpu.memory_space<vmem_shared>>
        %dma_start3A_52 = arith.constant 0 : i32
        %dma_start3A_53 = tpu.memref_slice %arg10[%add3A_48, %dma_start3A_52] : memref<5200x128xf32, #tpu.memory_space<vmem_shared>> -> memref<80x128xf32, #tpu.memory_space<vmem_shared>>
        tpu.enqueue_dma source(%arg6 : memref<80x128xf32, #tpu.memory_space<vmem>>) target(%dma_start3A_53 : memref<80x128xf32, #tpu.memory_space<vmem_shared>>) target_semaphore(%run_scoped3A_50 : memref<!tpu.dma_semaphore, #tpu.memory_space<semaphore_mem>>)
        %dma_wait3A = arith.constant 0 : i32
        %dma_wait3A_54 = tpu.memref_slice %arg10[%add3A_48, %dma_wait3A] : memref<5200x128xf32, #tpu.memory_space<vmem_shared>> -> memref<80x128xf32, #tpu.memory_space<vmem_shared>>
        %dma_wait3A_55 = arith.constant 0 : i32
        %dma_wait3A_56 = tpu.memref_slice %arg10[%add3A_48, %dma_wait3A_55] : memref<5200x128xf32, #tpu.memory_space<vmem_shared>> -> memref<80x128xf32, #tpu.memory_space<vmem_shared>>
        tpu.wait_dma2 semaphore(%run_scoped3A_50 : memref<!tpu.dma_semaphore, #tpu.memory_space<semaphore_mem>>) src(%arg6 : memref<80x128xf32, #tpu.memory_space<vmem>>) dst(%dma_wait3A_56 : memref<80x128xf32, #tpu.memory_space<vmem_shared>>)
        tpu.yield
      }) : () -> ()
      %scan3A_49 = arith.constant 0 : i32
      scf.yield %scan3A_49 : i32
    }
    %scan3A_12 = arith.constant 4 : i32
    %barrier3A = arith.constant 0 : index
    tpu.barrier barrier_id(%barrier3A)
    "tpu.region"() ({
      %run_scoped3A_42 = tpu.sem_alloc : memref<!tpu.dma_semaphore, #tpu.memory_space<semaphore_mem>>
      %dma_start3A = arith.constant 0 : i32
      %dma_start3A_43 = arith.constant 0 : i32
      %dma_start3A_44 = tpu.memref_slice %arg3[%arg1, %dma_start3A, %dma_start3A_43] : memref<16x250x80xi32, #tpu.memory_space<hbm>> -> memref<1x250x80xi32, #tpu.memory_space<hbm>>
      %dma_start3A_45 = tpu.memref_squeeze %dma_start3A_44 : memref<1x250x80xi32, #tpu.memory_space<hbm>> -> memref<250x80xi32, #tpu.memory_space<hbm>>
      %dma_start3A_46 = arith.constant 0 : i32
      %dma_start3A_47 = arith.constant 0 : i32
      %dma_start3A_48 = tpu.memref_slice %arg3[%arg1, %dma_start3A_46, %dma_start3A_47] : memref<16x250x80xi32, #tpu.memory_space<hbm>> -> memref<1x250x80xi32, #tpu.memory_space<hbm>>
      %dma_start3A_49 = tpu.memref_squeeze %dma_start3A_48 : memref<1x250x80xi32, #tpu.memory_space<hbm>> -> memref<250x80xi32, #tpu.memory_space<hbm>>
      tpu.enqueue_dma source(%dma_start3A_49 : memref<250x80xi32, #tpu.memory_space<hbm>>) target(%arg5 : memref<250x80xi32, #tpu.memory_space<vmem>>) target_semaphore(%run_scoped3A_42 : memref<!tpu.dma_semaphore, #tpu.memory_space<semaphore_mem>>)
      %dma_wait3A = arith.constant 0 : i32
      %dma_wait3A_50 = arith.constant 0 : i32
      %dma_wait3A_51 = tpu.memref_slice %arg3[%arg1, %dma_wait3A, %dma_wait3A_50] : memref<16x250x80xi32, #tpu.memory_space<hbm>> -> memref<1x250x80xi32, #tpu.memory_space<hbm>>
      %dma_wait3A_52 = tpu.memref_squeeze %dma_wait3A_51 : memref<1x250x80xi32, #tpu.memory_space<hbm>> -> memref<250x80xi32, #tpu.memory_space<hbm>>
      %dma_wait3A_53 = arith.constant 0 : i32
      %dma_wait3A_54 = arith.constant 0 : i32
      %dma_wait3A_55 = tpu.memref_slice %arg3[%arg1, %dma_wait3A_53, %dma_wait3A_54] : memref<16x250x80xi32, #tpu.memory_space<hbm>> -> memref<1x250x80xi32, #tpu.memory_space<hbm>>
      %dma_wait3A_56 = tpu.memref_squeeze %dma_wait3A_55 : memref<1x250x80xi32, #tpu.memory_space<hbm>> -> memref<250x80xi32, #tpu.memory_space<hbm>>
      tpu.wait_dma2 semaphore(%run_scoped3A_42 : memref<!tpu.dma_semaphore, #tpu.memory_space<semaphore_mem>>) src(%dma_wait3A_56 : memref<250x80xi32, #tpu.memory_space<hbm>>) dst(%arg5 : memref<250x80xi32, #tpu.memory_space<vmem>>)
      tpu.yield
    }) : () -> ()
    %mul3A = arith.constant 5120 : i32
    %mul3A_13 = arith.muli %arg0, %mul3A : i32
    %scan3A_14 = arith.constant 0 : i32
    %scan3A_15 = arith.constant 0 : i32
    %scan3A_16 = arith.constant 250 : i32
    %scan3A_17 = arith.addi %scan3A_15, %scan3A_16 : i32
    %scan3A_18 = arith.constant 1 : i32
    %scan3A_19 = scf.for %scan3A_42 = %scan3A_15 to %scan3A_17 step %scan3A_18 iter_args(%scan3A_43 = %scan3A_14) -> (i32)  : i32 {
      %get3A = arith.index_cast %scan3A_42 : i32 to index
      %get3A_44 = arith.constant 0 : index
      %get3A_45 = tpu.vector_load %arg5[%get3A, %get3A_44] {strides = array<i32>} : memref<250x80xi32, #tpu.memory_space<vmem>>, vector<1x16xi32>,
      %get3A_46 = vector.shape_cast %get3A_45 : vector<1x16xi32> to vector<16xi32>
      %sub3A = vector.broadcast %mul3A_13 : i32 to vector<16xi32>
      %sub3A_47 = arith.subi %get3A_46, %sub3A : vector<16xi32>
      %ge3A = arith.constant 0 : i32
      %ge3A_48 = vector.broadcast %ge3A : i32 to vector<16xi32>
      %ge3A_49 = arith.cmpi sge, %sub3A_47, %ge3A_48 : vector<16xi32>
      %lt3A = arith.constant 5120 : i32
      %lt3A_50 = vector.broadcast %lt3A : i32 to vector<16xi32>
      %lt3A_51 = arith.cmpi slt, %sub3A_47, %lt3A_50 : vector<16xi32>
      %and3A = arith.andi %ge3A_49, %lt3A_51 : vector<16xi1>
      %jit3A = arith.constant 5120 : i32
      %broadcast_in_dim3A = vector.broadcast %jit3A : i32 to vector<16xi32>
      %select_n3A = arith.select %and3A, %sub3A_47, %broadcast_in_dim3A : vector<16xi1>, vector<16xi32>
      %swap3A = arith.index_cast %scan3A_42 : i32 to index
      %swap3A_52 = arith.constant 0 : index
      %swap3A_53 = tpu.vector_load %arg5[%swap3A, %swap3A_52] {strides = array<i32>} : memref<250x80xi32, #tpu.memory_space<vmem>>, vector<1x16xi32>,
      %swap3A_54 = vector.shape_cast %swap3A_53 : vector<1x16xi32> to vector<16xi32>
      %swap3A_55 = vector.shape_cast %select_n3A : vector<16xi32> to vector<1x16xi32>
      tpu.vector_store %arg5[%swap3A, %swap3A_52], %swap3A_55 {strides = array<i32>} : memref<250x80xi32, #tpu.memory_space<vmem>>, vector<1x16xi32>,
      %get3A_56 = arith.index_cast %scan3A_42 : i32 to index
      %get3A_57 = arith.constant 16 : index
      %get3A_58 = tpu.vector_load %arg5[%get3A_56, %get3A_57] {strides = array<i32>} : memref<250x80xi32, #tpu.memory_space<vmem>>, vector<1x16xi32>,
      %get3A_59 = vector.shape_cast %get3A_58 : vector<1x16xi32> to vector<16xi32>
      %sub3A_60 = vector.broadcast %mul3A_13 : i32 to vector<16xi32>
      %sub3A_61 = arith.subi %get3A_59, %sub3A_60 : vector<16xi32>
      %ge3A_62 = arith.constant 0 : i32
      %ge3A_63 = vector.broadcast %ge3A_62 : i32 to vector<16xi32>
      %ge3A_64 = arith.cmpi sge, %sub3A_61, %ge3A_63 : vector<16xi32>
      %lt3A_65 = arith.constant 5120 : i32
      %lt3A_66 = vector.broadcast %lt3A_65 : i32 to vector<16xi32>
      %lt3A_67 = arith.cmpi slt, %sub3A_61, %lt3A_66 : vector<16xi32>
      %and3A_68 = arith.andi %ge3A_64, %lt3A_67 : vector<16xi1>
      %jit3A_69 = arith.constant 5120 : i32
      %broadcast_in_dim3A_70 = vector.broadcast %jit3A_69 : i32 to vector<16xi32>
      %select_n3A_71 = arith.select %and3A_68, %sub3A_61, %broadcast_in_dim3A_70 : vector<16xi1>, vector<16xi32>
      %swap3A_72 = arith.index_cast %scan3A_42 : i32 to index
      %swap3A_73 = arith.constant 16 : index
      %swap3A_74 = tpu.vector_load %arg5[%swap3A_72, %swap3A_73] {strides = array<i32>} : memref<250x80xi32, #tpu.memory_space<vmem>>, vector<1x16xi32>,
      %swap3A_75 = vector.shape_cast %swap3A_74 : vector<1x16xi32> to vector<16xi32>
      %swap3A_76 = vector.shape_cast %select_n3A_71 : vector<16xi32> to vector<1x16xi32>
      tpu.vector_store %arg5[%swap3A_72, %swap3A_73], %swap3A_76 {strides = array<i32>} : memref<250x80xi32, #tpu.memory_space<vmem>>, vector<1x16xi32>,
      %get3A_77 = arith.index_cast %scan3A_42 : i32 to index
      %get3A_78 = arith.constant 32 : index
      %get3A_79 = tpu.vector_load %arg5[%get3A_77, %get3A_78] {strides = array<i32>} : memref<250x80xi32, #tpu.memory_space<vmem>>, vector<1x16xi32>,
      %get3A_80 = vector.shape_cast %get3A_79 : vector<1x16xi32> to vector<16xi32>
      %sub3A_81 = vector.broadcast %mul3A_13 : i32 to vector<16xi32>
      %sub3A_82 = arith.subi %get3A_80, %sub3A_81 : vector<16xi32>
      %ge3A_83 = arith.constant 0 : i32
      %ge3A_84 = vector.broadcast %ge3A_83 : i32 to vector<16xi32>
      %ge3A_85 = arith.cmpi sge, %sub3A_82, %ge3A_84 : vector<16xi32>
      %lt3A_86 = arith.constant 5120 : i32
      %lt3A_87 = vector.broadcast %lt3A_86 : i32 to vector<16xi32>
      %lt3A_88 = arith.cmpi slt, %sub3A_82, %lt3A_87 : vector<16xi32>
      %and3A_89 = arith.andi %ge3A_85, %lt3A_88 : vector<16xi1>
      %jit3A_90 = arith.constant 5120 : i32
      %broadcast_in_dim3A_91 = vector.broadcast %jit3A_90 : i32 to vector<16xi32>
      %select_n3A_92 = arith.select %and3A_89, %sub3A_82, %broadcast_in_dim3A_91 : vector<16xi1>, vector<16xi32>
      %swap3A_93 = arith.index_cast %scan3A_42 : i32 to index
      %swap3A_94 = arith.constant 32 : index
      %swap3A_95 = tpu.vector_load %arg5[%swap3A_93, %swap3A_94] {strides = array<i32>} : memref<250x80xi32, #tpu.memory_space<vmem>>, vector<1x16xi32>,
      %swap3A_96 = vector.shape_cast %swap3A_95 : vector<1x16xi32> to vector<16xi32>
      %swap3A_97 = vector.shape_cast %select_n3A_92 : vector<16xi32> to vector<1x16xi32>
      tpu.vector_store %arg5[%swap3A_93, %swap3A_94], %swap3A_97 {strides = array<i32>} : memref<250x80xi32, #tpu.memory_space<vmem>>, vector<1x16xi32>,
      %get3A_98 = arith.index_cast %scan3A_42 : i32 to index
      %get3A_99 = arith.constant 48 : index
      %get3A_100 = tpu.vector_load %arg5[%get3A_98, %get3A_99] {strides = array<i32>} : memref<250x80xi32, #tpu.memory_space<vmem>>, vector<1x16xi32>,
      %get3A_101 = vector.shape_cast %get3A_100 : vector<1x16xi32> to vector<16xi32>
      %sub3A_102 = vector.broadcast %mul3A_13 : i32 to vector<16xi32>
      %sub3A_103 = arith.subi %get3A_101, %sub3A_102 : vector<16xi32>
      %ge3A_104 = arith.constant 0 : i32
      %ge3A_105 = vector.broadcast %ge3A_104 : i32 to vector<16xi32>
      %ge3A_106 = arith.cmpi sge, %sub3A_103, %ge3A_105 : vector<16xi32>
      %lt3A_107 = arith.constant 5120 : i32
      %lt3A_108 = vector.broadcast %lt3A_107 : i32 to vector<16xi32>
      %lt3A_109 = arith.cmpi slt, %sub3A_103, %lt3A_108 : vector<16xi32>
      %and3A_110 = arith.andi %ge3A_106, %lt3A_109 : vector<16xi1>
      %jit3A_111 = arith.constant 5120 : i32
      %broadcast_in_dim3A_112 = vector.broadcast %jit3A_111 : i32 to vector<16xi32>
      %select_n3A_113 = arith.select %and3A_110, %sub3A_103, %broadcast_in_dim3A_112 : vector<16xi1>, vector<16xi32>
      %swap3A_114 = arith.index_cast %scan3A_42 : i32 to index
      %swap3A_115 = arith.constant 48 : index
      %swap3A_116 = tpu.vector_load %arg5[%swap3A_114, %swap3A_115] {strides = array<i32>} : memref<250x80xi32, #tpu.memory_space<vmem>>, vector<1x16xi32>,
      %swap3A_117 = vector.shape_cast %swap3A_116 : vector<1x16xi32> to vector<16xi32>
      %swap3A_118 = vector.shape_cast %select_n3A_113 : vector<16xi32> to vector<1x16xi32>
      tpu.vector_store %arg5[%swap3A_114, %swap3A_115], %swap3A_118 {strides = array<i32>} : memref<250x80xi32, #tpu.memory_space<vmem>>, vector<1x16xi32>,
      %get3A_119 = arith.index_cast %scan3A_42 : i32 to index
      %get3A_120 = arith.constant 64 : index
      %get3A_121 = tpu.vector_load %arg5[%get3A_119, %get3A_120] {strides = array<i32>} : memref<250x80xi32, #tpu.memory_space<vmem>>, vector<1x16xi32>,
      %get3A_122 = vector.shape_cast %get3A_121 : vector<1x16xi32> to vector<16xi32>
      %sub3A_123 = vector.broadcast %mul3A_13 : i32 to vector<16xi32>
      %sub3A_124 = arith.subi %get3A_122, %sub3A_123 : vector<16xi32>
      %ge3A_125 = arith.constant 0 : i32
      %ge3A_126 = vector.broadcast %ge3A_125 : i32 to vector<16xi32>
      %ge3A_127 = arith.cmpi sge, %sub3A_124, %ge3A_126 : vector<16xi32>
      %lt3A_128 = arith.constant 5120 : i32
      %lt3A_129 = vector.broadcast %lt3A_128 : i32 to vector<16xi32>
      %lt3A_130 = arith.cmpi slt, %sub3A_124, %lt3A_129 : vector<16xi32>
      %and3A_131 = arith.andi %ge3A_127, %lt3A_130 : vector<16xi1>
      %jit3A_132 = arith.constant 5120 : i32
      %broadcast_in_dim3A_133 = vector.broadcast %jit3A_132 : i32 to vector<16xi32>
      %select_n3A_134 = arith.select %and3A_131, %sub3A_124, %broadcast_in_dim3A_133 : vector<16xi1>, vector<16xi32>
      %swap3A_135 = arith.index_cast %scan3A_42 : i32 to index
      %swap3A_136 = arith.constant 64 : index
      %swap3A_137 = tpu.vector_load %arg5[%swap3A_135, %swap3A_136] {strides = array<i32>} : memref<250x80xi32, #tpu.memory_space<vmem>>, vector<1x16xi32>,
      %swap3A_138 = vector.shape_cast %swap3A_137 : vector<1x16xi32> to vector<16xi32>
      %swap3A_139 = vector.shape_cast %select_n3A_134 : vector<16xi32> to vector<1x16xi32>
      tpu.vector_store %arg5[%swap3A_135, %swap3A_136], %swap3A_139 {strides = array<i32>} : memref<250x80xi32, #tpu.memory_space<vmem>>, vector<1x16xi32>,
      %scan3A_140 = arith.constant 0 : i32
      scf.yield %scan3A_140 : i32
    }
    %scan3A_20 = arith.constant 250 : i32
    %mul3A_21 = arith.constant 20000 : i32
    %mul3A_22 = arith.muli %arg1, %mul3A_21 : i32
    %scan3A_23 = arith.constant 0 : i32
    %scan3A_24 = arith.constant 0 : i32
    %scan3A_25 = arith.constant 62 : i32
    %scan3A_26 = arith.addi %scan3A_24, %scan3A_25 : i32
    %scan3A_27 = arith.constant 1 : i32
    %scan3A_28 = scf.for %scan3A_42 = %scan3A_24 to %scan3A_26 step %scan3A_27 iter_args(%scan3A_43 = %scan3A_23) -> (i32)  : i32 {
      %mul3A_44 = arith.constant 4 : i32
      %mul3A_45 = arith.muli %mul3A_44, %scan3A_42 : i32
      %mul3A_46 = arith.constant 80 : i32
      %mul3A_47 = arith.muli %mul3A_45, %mul3A_46 : i32
      %add3A_48 = arith.addi %mul3A_22, %mul3A_47 : i32
      %dma_start3A = arith.constant 0 : i32
      %dma_start3A_49 = tpu.memref_slice %arg2[%add3A_48, %dma_start3A] : memref<320000x128xf32, #tpu.memory_space<hbm>> -> memref<80x128xf32, #tpu.memory_space<hbm>>
      %dma_start3A_50 = arith.constant 0 : i32
      %dma_start3A_51 = tpu.memref_slice %arg2[%add3A_48, %dma_start3A_50] : memref<320000x128xf32, #tpu.memory_space<hbm>> -> memref<80x128xf32, #tpu.memory_space<hbm>>
      tpu.enqueue_dma source(%dma_start3A_51 : memref<80x128xf32, #tpu.memory_space<hbm>>) target(%arg6 : memref<80x128xf32, #tpu.memory_space<vmem>>) target_semaphore(%arg11 : memref<!tpu.dma_semaphore, #tpu.memory_space<semaphore_mem>>)
      %add3A_52 = arith.constant 1 : i32
      %add3A_53 = arith.addi %mul3A_45, %add3A_52 : i32
      %mul3A_54 = arith.constant 80 : i32
      %mul3A_55 = arith.muli %add3A_53, %mul3A_54 : i32
      %add3A_56 = arith.addi %mul3A_22, %mul3A_55 : i32
      %dma_start3A_57 = arith.constant 0 : i32
      %dma_start3A_58 = tpu.memref_slice %arg2[%add3A_56, %dma_start3A_57] : memref<320000x128xf32, #tpu.memory_space<hbm>> -> memref<80x128xf32, #tpu.memory_space<hbm>>
      %dma_start3A_59 = arith.constant 0 : i32
      %dma_start3A_60 = tpu.memref_slice %arg2[%add3A_56, %dma_start3A_59] : memref<320000x128xf32, #tpu.memory_space<hbm>> -> memref<80x128xf32, #tpu.memory_space<hbm>>
      tpu.enqueue_dma source(%dma_start3A_60 : memref<80x128xf32, #tpu.memory_space<hbm>>) target(%arg7 : memref<80x128xf32, #tpu.memory_space<vmem>>) target_semaphore(%arg12 : memref<!tpu.dma_semaphore, #tpu.memory_space<semaphore_mem>>)
      %add3A_61 = arith.constant 2 : i32
      %add3A_62 = arith.addi %mul3A_45, %add3A_61 : i32
      %mul3A_63 = arith.constant 80 : i32
      %mul3A_64 = arith.muli %add3A_62, %mul3A_63 : i32
      %add3A_65 = arith.addi %mul3A_22, %mul3A_64 : i32
      %dma_start3A_66 = arith.constant 0 : i32
      %dma_start3A_67 = tpu.memref_slice %arg2[%add3A_65, %dma_start3A_66] : memref<320000x128xf32, #tpu.memory_space<hbm>> -> memref<80x128xf32, #tpu.memory_space<hbm>>
      %dma_start3A_68 = arith.constant 0 : i32
      %dma_start3A_69 = tpu.memref_slice %arg2[%add3A_65, %dma_start3A_68] : memref<320000x128xf32, #tpu.memory_space<hbm>> -> memref<80x128xf32, #tpu.memory_space<hbm>>
      tpu.enqueue_dma source(%dma_start3A_69 : memref<80x128xf32, #tpu.memory_space<hbm>>) target(%arg8 : memref<80x128xf32, #tpu.memory_space<vmem>>) target_semaphore(%arg13 : memref<!tpu.dma_semaphore, #tpu.memory_space<semaphore_mem>>)
      %add3A_70 = arith.constant 3 : i32
      %add3A_71 = arith.addi %mul3A_45, %add3A_70 : i32
      %mul3A_72 = arith.constant 80 : i32
      %mul3A_73 = arith.muli %add3A_71, %mul3A_72 : i32
      %add3A_74 = arith.addi %mul3A_22, %mul3A_73 : i32
      %dma_start3A_75 = arith.constant 0 : i32
      %dma_start3A_76 = tpu.memref_slice %arg2[%add3A_74, %dma_start3A_75] : memref<320000x128xf32, #tpu.memory_space<hbm>> -> memref<80x128xf32, #tpu.memory_space<hbm>>
      %dma_start3A_77 = arith.constant 0 : i32
      %dma_start3A_78 = tpu.memref_slice %arg2[%add3A_74, %dma_start3A_77] : memref<320000x128xf32, #tpu.memory_space<hbm>> -> memref<80x128xf32, #tpu.memory_space<hbm>>
      tpu.enqueue_dma source(%dma_start3A_78 : memref<80x128xf32, #tpu.memory_space<hbm>>) target(%arg9 : memref<80x128xf32, #tpu.memory_space<vmem>>) target_semaphore(%arg14 : memref<!tpu.dma_semaphore, #tpu.memory_space<semaphore_mem>>)
      %dma_wait3A = arith.constant 0 : i32
      %dma_wait3A_79 = tpu.memref_slice %arg2[%add3A_48, %dma_wait3A] : memref<320000x128xf32, #tpu.memory_space<hbm>> -> memref<80x128xf32, #tpu.memory_space<hbm>>
      %dma_wait3A_80 = arith.constant 0 : i32
      %dma_wait3A_81 = tpu.memref_slice %arg2[%add3A_48, %dma_wait3A_80] : memref<320000x128xf32, #tpu.memory_space<hbm>> -> memref<80x128xf32, #tpu.memory_space<hbm>>
      tpu.wait_dma2 semaphore(%arg11 : memref<!tpu.dma_semaphore, #tpu.memory_space<semaphore_mem>>) src(%dma_wait3A_81 : memref<80x128xf32, #tpu.memory_space<hbm>>) dst(%arg6 : memref<80x128xf32, #tpu.memory_space<vmem>>)
      %dma_start3A_82 = arith.constant 0 : i32
      %dma_start3A_83 = tpu.memref_slice %arg5[%mul3A_45, %dma_start3A_82] : memref<250x80xi32, #tpu.memory_space<vmem>> -> memref<1x80xi32, #tpu.memory_space<vmem>>
      %dma_start3A_84 = tpu.memref_squeeze %dma_start3A_83 : memref<1x80xi32, #tpu.memory_space<vmem>> -> memref<80xi32, #tpu.memory_space<vmem>>
      %dma_start3A_85 = arith.constant 0 : i32
      %dma_start3A_86 = arith.constant 0 : i32
      %dma_start3A_87 = tpu.memref_slice %arg10[%dma_start3A_85, %dma_start3A_86] : memref<5200x128xf32, #tpu.memory_space<vmem_shared>> -> memref<5200x128xf32, #tpu.memory_space<vmem_shared>>
      tpu.enqueue_indirect_dma source(%arg6 : memref<80x128xf32, #tpu.memory_space<vmem>>) target(%dma_start3A_87 : memref<5200x128xf32, #tpu.memory_space<vmem_shared>>) offsets(%dma_start3A_84 : memref<80xi32, #tpu.memory_space<vmem>>) semaphore(%arg15 : memref<!tpu.dma_semaphore, #tpu.memory_space<semaphore_mem>>) {add = true}
      %dma_wait3A_88 = arith.constant 0 : i32
      %dma_wait3A_89 = tpu.memref_slice %arg2[%add3A_56, %dma_wait3A_88] : memref<320000x128xf32, #tpu.memory_space<hbm>> -> memref<80x128xf32, #tpu.memory_space<hbm>>
      %dma_wait3A_90 = arith.constant 0 : i32
      %dma_wait3A_91 = tpu.memref_slice %arg2[%add3A_56, %dma_wait3A_90] : memref<320000x128xf32, #tpu.memory_space<hbm>> -> memref<80x128xf32, #tpu.memory_space<hbm>>
      tpu.wait_dma2 semaphore(%arg12 : memref<!tpu.dma_semaphore, #tpu.memory_space<semaphore_mem>>) src(%dma_wait3A_91 : memref<80x128xf32, #tpu.memory_space<hbm>>) dst(%arg7 : memref<80x128xf32, #tpu.memory_space<vmem>>)
      %add3A_92 = arith.constant 1 : i32
      %add3A_93 = arith.addi %mul3A_45, %add3A_92 : i32
      %dma_start3A_94 = arith.constant 0 : i32
      %dma_start3A_95 = tpu.memref_slice %arg5[%add3A_93, %dma_start3A_94] : memref<250x80xi32, #tpu.memory_space<vmem>> -> memref<1x80xi32, #tpu.memory_space<vmem>>
      %dma_start3A_96 = tpu.memref_squeeze %dma_start3A_95 : memref<1x80xi32, #tpu.memory_space<vmem>> -> memref<80xi32, #tpu.memory_space<vmem>>
      %dma_start3A_97 = arith.constant 0 : i32
      %dma_start3A_98 = arith.constant 0 : i32
      %dma_start3A_99 = tpu.memref_slice %arg10[%dma_start3A_97, %dma_start3A_98] : memref<5200x128xf32, #tpu.memory_space<vmem_shared>> -> memref<5200x128xf32, #tpu.memory_space<vmem_shared>>
      tpu.enqueue_indirect_dma source(%arg7 : memref<80x128xf32, #tpu.memory_space<vmem>>) target(%dma_start3A_99 : memref<5200x128xf32, #tpu.memory_space<vmem_shared>>) offsets(%dma_start3A_96 : memref<80xi32, #tpu.memory_space<vmem>>) semaphore(%arg15 : memref<!tpu.dma_semaphore, #tpu.memory_space<semaphore_mem>>) {add = true}
      %dma_wait3A_100 = arith.constant 0 : i32
      %dma_wait3A_101 = tpu.memref_slice %arg2[%add3A_65, %dma_wait3A_100] : memref<320000x128xf32, #tpu.memory_space<hbm>> -> memref<80x128xf32, #tpu.memory_space<hbm>>
      %dma_wait3A_102 = arith.constant 0 : i32
      %dma_wait3A_103 = tpu.memref_slice %arg2[%add3A_65, %dma_wait3A_102] : memref<320000x128xf32, #tpu.memory_space<hbm>> -> memref<80x128xf32, #tpu.memory_space<hbm>>
      tpu.wait_dma2 semaphore(%arg13 : memref<!tpu.dma_semaphore, #tpu.memory_space<semaphore_mem>>) src(%dma_wait3A_103 : memref<80x128xf32, #tpu.memory_space<hbm>>) dst(%arg8 : memref<80x128xf32, #tpu.memory_space<vmem>>)
      %add3A_104 = arith.constant 2 : i32
      %add3A_105 = arith.addi %mul3A_45, %add3A_104 : i32
      %dma_start3A_106 = arith.constant 0 : i32
      %dma_start3A_107 = tpu.memref_slice %arg5[%add3A_105, %dma_start3A_106] : memref<250x80xi32, #tpu.memory_space<vmem>> -> memref<1x80xi32, #tpu.memory_space<vmem>>
      %dma_start3A_108 = tpu.memref_squeeze %dma_start3A_107 : memref<1x80xi32, #tpu.memory_space<vmem>> -> memref<80xi32, #tpu.memory_space<vmem>>
      %dma_start3A_109 = arith.constant 0 : i32
      %dma_start3A_110 = arith.constant 0 : i32
      %dma_start3A_111 = tpu.memref_slice %arg10[%dma_start3A_109, %dma_start3A_110] : memref<5200x128xf32, #tpu.memory_space<vmem_shared>> -> memref<5200x128xf32, #tpu.memory_space<vmem_shared>>
      tpu.enqueue_indirect_dma source(%arg8 : memref<80x128xf32, #tpu.memory_space<vmem>>) target(%dma_start3A_111 : memref<5200x128xf32, #tpu.memory_space<vmem_shared>>) offsets(%dma_start3A_108 : memref<80xi32, #tpu.memory_space<vmem>>) semaphore(%arg15 : memref<!tpu.dma_semaphore, #tpu.memory_space<semaphore_mem>>) {add = true}
      %dma_wait3A_112 = arith.constant 0 : i32
      %dma_wait3A_113 = tpu.memref_slice %arg2[%add3A_74, %dma_wait3A_112] : memref<320000x128xf32, #tpu.memory_space<hbm>> -> memref<80x128xf32, #tpu.memory_space<hbm>>
      %dma_wait3A_114 = arith.constant 0 : i32
      %dma_wait3A_115 = tpu.memref_slice %arg2[%add3A_74, %dma_wait3A_114] : memref<320000x128xf32, #tpu.memory_space<hbm>> -> memref<80x128xf32, #tpu.memory_space<hbm>>
      tpu.wait_dma2 semaphore(%arg14 : memref<!tpu.dma_semaphore, #tpu.memory_space<semaphore_mem>>) src(%dma_wait3A_115 : memref<80x128xf32, #tpu.memory_space<hbm>>) dst(%arg9 : memref<80x128xf32, #tpu.memory_space<vmem>>)
      %add3A_116 = arith.constant 3 : i32
      %add3A_117 = arith.addi %mul3A_45, %add3A_116 : i32
      %dma_start3A_118 = arith.constant 0 : i32
      %dma_start3A_119 = tpu.memref_slice %arg5[%add3A_117, %dma_start3A_118] : memref<250x80xi32, #tpu.memory_space<vmem>> -> memref<1x80xi32, #tpu.memory_space<vmem>>
      %dma_start3A_120 = tpu.memref_squeeze %dma_start3A_119 : memref<1x80xi32, #tpu.memory_space<vmem>> -> memref<80xi32, #tpu.memory_space<vmem>>
      %dma_start3A_121 = arith.constant 0 : i32
      %dma_start3A_122 = arith.constant 0 : i32
      %dma_start3A_123 = tpu.memref_slice %arg10[%dma_start3A_121, %dma_start3A_122] : memref<5200x128xf32, #tpu.memory_space<vmem_shared>> -> memref<5200x128xf32, #tpu.memory_space<vmem_shared>>
      tpu.enqueue_indirect_dma source(%arg9 : memref<80x128xf32, #tpu.memory_space<vmem>>) target(%dma_start3A_123 : memref<5200x128xf32, #tpu.memory_space<vmem_shared>>) offsets(%dma_start3A_120 : memref<80xi32, #tpu.memory_space<vmem>>) semaphore(%arg15 : memref<!tpu.dma_semaphore, #tpu.memory_space<semaphore_mem>>) {add = true}
      %dma_wait3A_124 = arith.constant 0 : i32
      %dma_wait3A_125 = tpu.memref_slice %arg5[%mul3A_45, %dma_wait3A_124] : memref<250x80xi32, #tpu.memory_space<vmem>> -> memref<1x80xi32, #tpu.memory_space<vmem>>
      %dma_wait3A_126 = tpu.memref_squeeze %dma_wait3A_125 : memref<1x80xi32, #tpu.memory_space<vmem>> -> memref<80xi32, #tpu.memory_space<vmem>>
      %dma_wait3A_127 = arith.constant 0 : i32
      %dma_wait3A_128 = arith.constant 0 : i32
      %dma_wait3A_129 = tpu.memref_slice %arg10[%dma_wait3A_127, %dma_wait3A_128] : memref<5200x128xf32, #tpu.memory_space<vmem_shared>> -> memref<5200x128xf32, #tpu.memory_space<vmem_shared>>
      tpu.wait_indirect_dma semaphore(%arg15 : memref<!tpu.dma_semaphore, #tpu.memory_space<semaphore_mem>>) src(%arg6 : memref<80x128xf32, #tpu.memory_space<vmem>>) dst(%dma_wait3A_129 : memref<5200x128xf32, #tpu.memory_space<vmem_shared>>)
      %dma_wait3A_130 = arith.constant 0 : i32
      %dma_wait3A_131 = tpu.memref_slice %arg5[%add3A_93, %dma_wait3A_130] : memref<250x80xi32, #tpu.memory_space<vmem>> -> memref<1x80xi32, #tpu.memory_space<vmem>>
      %dma_wait3A_132 = tpu.memref_squeeze %dma_wait3A_131 : memref<1x80xi32, #tpu.memory_space<vmem>> -> memref<80xi32, #tpu.memory_space<vmem>>
      %dma_wait3A_133 = arith.constant 0 : i32
      %dma_wait3A_134 = arith.constant 0 : i32
      %dma_wait3A_135 = tpu.memref_slice %arg10[%dma_wait3A_133, %dma_wait3A_134] : memref<5200x128xf32, #tpu.memory_space<vmem_shared>> -> memref<5200x128xf32, #tpu.memory_space<vmem_shared>>
      tpu.wait_indirect_dma semaphore(%arg15 : memref<!tpu.dma_semaphore, #tpu.memory_space<semaphore_mem>>) src(%arg7 : memref<80x128xf32, #tpu.memory_space<vmem>>) dst(%dma_wait3A_135 : memref<5200x128xf32, #tpu.memory_space<vmem_shared>>)
      %dma_wait3A_136 = arith.constant 0 : i32
      %dma_wait3A_137 = tpu.memref_slice %arg5[%add3A_105, %dma_wait3A_136] : memref<250x80xi32, #tpu.memory_space<vmem>> -> memref<1x80xi32, #tpu.memory_space<vmem>>
      %dma_wait3A_138 = tpu.memref_squeeze %dma_wait3A_137 : memref<1x80xi32, #tpu.memory_space<vmem>> -> memref<80xi32, #tpu.memory_space<vmem>>
      %dma_wait3A_139 = arith.constant 0 : i32
      %dma_wait3A_140 = arith.constant 0 : i32
      %dma_wait3A_141 = tpu.memref_slice %arg10[%dma_wait3A_139, %dma_wait3A_140] : memref<5200x128xf32, #tpu.memory_space<vmem_shared>> -> memref<5200x128xf32, #tpu.memory_space<vmem_shared>>
      tpu.wait_indirect_dma semaphore(%arg15 : memref<!tpu.dma_semaphore, #tpu.memory_space<semaphore_mem>>) src(%arg8 : memref<80x128xf32, #tpu.memory_space<vmem>>) dst(%dma_wait3A_141 : memref<5200x128xf32, #tpu.memory_space<vmem_shared>>)
      %dma_wait3A_142 = arith.constant 0 : i32
      %dma_wait3A_143 = tpu.memref_slice %arg5[%add3A_117, %dma_wait3A_142] : memref<250x80xi32, #tpu.memory_space<vmem>> -> memref<1x80xi32, #tpu.memory_space<vmem>>
      %dma_wait3A_144 = tpu.memref_squeeze %dma_wait3A_143 : memref<1x80xi32, #tpu.memory_space<vmem>> -> memref<80xi32, #tpu.memory_space<vmem>>
      %dma_wait3A_145 = arith.constant 0 : i32
      %dma_wait3A_146 = arith.constant 0 : i32
      %dma_wait3A_147 = tpu.memref_slice %arg10[%dma_wait3A_145, %dma_wait3A_146] : memref<5200x128xf32, #tpu.memory_space<vmem_shared>> -> memref<5200x128xf32, #tpu.memory_space<vmem_shared>>
      tpu.wait_indirect_dma semaphore(%arg15 : memref<!tpu.dma_semaphore, #tpu.memory_space<semaphore_mem>>) src(%arg9 : memref<80x128xf32, #tpu.memory_space<vmem>>) dst(%dma_wait3A_147 : memref<5200x128xf32, #tpu.memory_space<vmem_shared>>)
      %scan3A_148 = arith.constant 0 : i32
      scf.yield %scan3A_148 : i32
    }
    %scan3A_29 = arith.constant 62 : i32
    %add3A = arith.constant 19840 : i32
    %add3A_30 = arith.addi %mul3A_22, %add3A : i32
    "tpu.region"() ({
      %run_scoped3A_42 = tpu.sem_alloc : memref<!tpu.dma_semaphore, #tpu.memory_space<semaphore_mem>>
      %dma_start3A = arith.constant 0 : i32
      %dma_start3A_43 = tpu.memref_slice %arg2[%add3A_30, %dma_start3A] : memref<320000x128xf32, #tpu.memory_space<hbm>> -> memref<80x128xf32, #tpu.memory_space<hbm>>
      %dma_start3A_44 = arith.constant 0 : i32
      %dma_start3A_45 = tpu.memref_slice %arg2[%add3A_30, %dma_start3A_44] : memref<320000x128xf32, #tpu.memory_space<hbm>> -> memref<80x128xf32, #tpu.memory_space<hbm>>
      tpu.enqueue_dma source(%dma_start3A_45 : memref<80x128xf32, #tpu.memory_space<hbm>>) target(%arg6 : memref<80x128xf32, #tpu.memory_space<vmem>>) target_semaphore(%run_scoped3A_42 : memref<!tpu.dma_semaphore, #tpu.memory_space<semaphore_mem>>)
      %dma_wait3A = arith.constant 0 : i32
      %dma_wait3A_46 = tpu.memref_slice %arg2[%add3A_30, %dma_wait3A] : memref<320000x128xf32, #tpu.memory_space<hbm>> -> memref<80x128xf32, #tpu.memory_space<hbm>>
      %dma_wait3A_47 = arith.constant 0 : i32
      %dma_wait3A_48 = tpu.memref_slice %arg2[%add3A_30, %dma_wait3A_47] : memref<320000x128xf32, #tpu.memory_space<hbm>> -> memref<80x128xf32, #tpu.memory_space<hbm>>
      tpu.wait_dma2 semaphore(%run_scoped3A_42 : memref<!tpu.dma_semaphore, #tpu.memory_space<semaphore_mem>>) src(%dma_wait3A_48 : memref<80x128xf32, #tpu.memory_space<hbm>>) dst(%arg6 : memref<80x128xf32, #tpu.memory_space<vmem>>)
      tpu.yield
    }) : () -> ()
    %run_scoped3A = arith.constant 248 : i32
    "tpu.region"() ({
      %run_scoped3A_42 = tpu.sem_alloc : memref<!tpu.dma_semaphore, #tpu.memory_space<semaphore_mem>>
      %dma_start3A = arith.constant 0 : i32
      %dma_start3A_43 = tpu.memref_slice %arg5[%run_scoped3A, %dma_start3A] : memref<250x80xi32, #tpu.memory_space<vmem>> -> memref<1x80xi32, #tpu.memory_space<vmem>>
      %dma_start3A_44 = tpu.memref_squeeze %dma_start3A_43 : memref<1x80xi32, #tpu.memory_space<vmem>> -> memref<80xi32, #tpu.memory_space<vmem>>
      %dma_start3A_45 = arith.constant 0 : i32
      %dma_start3A_46 = arith.constant 0 : i32
      %dma_start3A_47 = tpu.memref_slice %arg10[%dma_start3A_45, %dma_start3A_46] : memref<5200x128xf32, #tpu.memory_space<vmem_shared>> -> memref<5200x128xf32, #tpu.memory_space<vmem_shared>>
      tpu.enqueue_indirect_dma source(%arg6 : memref<80x128xf32, #tpu.memory_space<vmem>>) target(%dma_start3A_47 : memref<5200x128xf32, #tpu.memory_space<vmem_shared>>) offsets(%dma_start3A_44 : memref<80xi32, #tpu.memory_space<vmem>>) semaphore(%run_scoped3A_42 : memref<!tpu.dma_semaphore, #tpu.memory_space<semaphore_mem>>) {add = true}
      %dma_wait3A = arith.constant 0 : i32
      %dma_wait3A_48 = tpu.memref_slice %arg5[%run_scoped3A, %dma_wait3A] : memref<250x80xi32, #tpu.memory_space<vmem>> -> memref<1x80xi32, #tpu.memory_space<vmem>>
      %dma_wait3A_49 = tpu.memref_squeeze %dma_wait3A_48 : memref<1x80xi32, #tpu.memory_space<vmem>> -> memref<80xi32, #tpu.memory_space<vmem>>
      %dma_wait3A_50 = arith.constant 0 : i32
      %dma_wait3A_51 = arith.constant 0 : i32
      %dma_wait3A_52 = tpu.memref_slice %arg10[%dma_wait3A_50, %dma_wait3A_51] : memref<5200x128xf32, #tpu.memory_space<vmem_shared>> -> memref<5200x128xf32, #tpu.memory_space<vmem_shared>>
      tpu.wait_indirect_dma semaphore(%run_scoped3A_42 : memref<!tpu.dma_semaphore, #tpu.memory_space<semaphore_mem>>) src(%arg6 : memref<80x128xf32, #tpu.memory_space<vmem>>) dst(%dma_wait3A_52 : memref<5200x128xf32, #tpu.memory_space<vmem_shared>>)
      tpu.yield
    }) : () -> ()
    %add3A_31 = arith.constant 19920 : i32
    %add3A_32 = arith.addi %mul3A_22, %add3A_31 : i32
    "tpu.region"() ({
      %run_scoped3A_42 = tpu.sem_alloc : memref<!tpu.dma_semaphore, #tpu.memory_space<semaphore_mem>>
      %dma_start3A = arith.constant 0 : i32
      %dma_start3A_43 = tpu.memref_slice %arg2[%add3A_32, %dma_start3A] : memref<320000x128xf32, #tpu.memory_space<hbm>> -> memref<80x128xf32, #tpu.memory_space<hbm>>
      %dma_start3A_44 = arith.constant 0 : i32
      %dma_start3A_45 = tpu.memref_slice %arg2[%add3A_32, %dma_start3A_44] : memref<320000x128xf32, #tpu.memory_space<hbm>> -> memref<80x128xf32, #tpu.memory_space<hbm>>
      tpu.enqueue_dma source(%dma_start3A_45 : memref<80x128xf32, #tpu.memory_space<hbm>>) target(%arg6 : memref<80x128xf32, #tpu.memory_space<vmem>>) target_semaphore(%run_scoped3A_42 : memref<!tpu.dma_semaphore, #tpu.memory_space<semaphore_mem>>)
      %dma_wait3A = arith.constant 0 : i32
      %dma_wait3A_46 = tpu.memref_slice %arg2[%add3A_32, %dma_wait3A] : memref<320000x128xf32, #tpu.memory_space<hbm>> -> memref<80x128xf32, #tpu.memory_space<hbm>>
      %dma_wait3A_47 = arith.constant 0 : i32
      %dma_wait3A_48 = tpu.memref_slice %arg2[%add3A_32, %dma_wait3A_47] : memref<320000x128xf32, #tpu.memory_space<hbm>> -> memref<80x128xf32, #tpu.memory_space<hbm>>
      tpu.wait_dma2 semaphore(%run_scoped3A_42 : memref<!tpu.dma_semaphore, #tpu.memory_space<semaphore_mem>>) src(%dma_wait3A_48 : memref<80x128xf32, #tpu.memory_space<hbm>>) dst(%arg6 : memref<80x128xf32, #tpu.memory_space<vmem>>)
      tpu.yield
    }) : () -> ()
    %run_scoped3A_33 = arith.constant 249 : i32
    "tpu.region"() ({
      %run_scoped3A_42 = tpu.sem_alloc : memref<!tpu.dma_semaphore, #tpu.memory_space<semaphore_mem>>
      %dma_start3A = arith.constant 0 : i32
      %dma_start3A_43 = tpu.memref_slice %arg5[%run_scoped3A_33, %dma_start3A] : memref<250x80xi32, #tpu.memory_space<vmem>> -> memref<1x80xi32, #tpu.memory_space<vmem>>
      %dma_start3A_44 = tpu.memref_squeeze %dma_start3A_43 : memref<1x80xi32, #tpu.memory_space<vmem>> -> memref<80xi32, #tpu.memory_space<vmem>>
      %dma_start3A_45 = arith.constant 0 : i32
      %dma_start3A_46 = arith.constant 0 : i32
      %dma_start3A_47 = tpu.memref_slice %arg10[%dma_start3A_45, %dma_start3A_46] : memref<5200x128xf32, #tpu.memory_space<vmem_shared>> -> memref<5200x128xf32, #tpu.memory_space<vmem_shared>>
      tpu.enqueue_indirect_dma source(%arg6 : memref<80x128xf32, #tpu.memory_space<vmem>>) target(%dma_start3A_47 : memref<5200x128xf32, #tpu.memory_space<vmem_shared>>) offsets(%dma_start3A_44 : memref<80xi32, #tpu.memory_space<vmem>>) semaphore(%run_scoped3A_42 : memref<!tpu.dma_semaphore, #tpu.memory_space<semaphore_mem>>) {add = true}
      %dma_wait3A = arith.constant 0 : i32
      %dma_wait3A_48 = tpu.memref_slice %arg5[%run_scoped3A_33, %dma_wait3A] : memref<250x80xi32, #tpu.memory_space<vmem>> -> memref<1x80xi32, #tpu.memory_space<vmem>>
      %dma_wait3A_49 = tpu.memref_squeeze %dma_wait3A_48 : memref<1x80xi32, #tpu.memory_space<vmem>> -> memref<80xi32, #tpu.memory_space<vmem>>
      %dma_wait3A_50 = arith.constant 0 : i32
      %dma_wait3A_51 = arith.constant 0 : i32
      %dma_wait3A_52 = tpu.memref_slice %arg10[%dma_wait3A_50, %dma_wait3A_51] : memref<5200x128xf32, #tpu.memory_space<vmem_shared>> -> memref<5200x128xf32, #tpu.memory_space<vmem_shared>>
      tpu.wait_indirect_dma semaphore(%run_scoped3A_42 : memref<!tpu.dma_semaphore, #tpu.memory_space<semaphore_mem>>) src(%arg6 : memref<80x128xf32, #tpu.memory_space<vmem>>) dst(%dma_wait3A_52 : memref<5200x128xf32, #tpu.memory_space<vmem_shared>>)
      tpu.yield
    }) : () -> ()
    %barrier3A_34 = arith.constant 0 : index
    tpu.barrier barrier_id(%barrier3A_34)
    %scan3A_35 = arith.constant 0 : i32
    %scan3A_36 = arith.constant 0 : i32
    %scan3A_37 = arith.constant 4 : i32
    %scan3A_38 = arith.addi %scan3A_36, %scan3A_37 : i32
    %scan3A_39 = arith.constant 1 : i32
    %scan3A_40 = scf.for %scan3A_42 = %scan3A_36 to %scan3A_38 step %scan3A_39 iter_args(%scan3A_43 = %scan3A_35) -> (i32)  : i32 {
      %mul3A_44 = arith.constant 320 : i32
      %mul3A_45 = arith.muli %arg1, %mul3A_44 : i32
      %mul3A_46 = arith.constant 80 : i32
      %mul3A_47 = arith.muli %scan3A_42, %mul3A_46 : i32
      %add3A_48 = arith.addi %mul3A_45, %mul3A_47 : i32
      "tpu.region"() ({
        %run_scoped3A_50 = tpu.sem_alloc : memref<!tpu.dma_semaphore, #tpu.memory_space<semaphore_mem>>
        %dma_start3A = arith.constant 0 : i32
        %dma_start3A_51 = arith.constant 0 : i32
        %dma_start3A_52 = tpu.memref_slice %arg4[%arg0, %dma_start3A, %dma_start3A_51] : memref<2x5120x128xf32, #tpu.memory_space<hbm>> -> memref<1x5120x128xf32, #tpu.memory_space<hbm>>
        %dma_start3A_53 = tpu.memref_squeeze %dma_start3A_52 : memref<1x5120x128xf32, #tpu.memory_space<hbm>> -> memref<5120x128xf32, #tpu.memory_space<hbm>>
        %dma_start3A_54 = arith.constant 0 : i32
        %dma_start3A_55 = tpu.memref_slice %dma_start3A_53[%add3A_48, %dma_start3A_54] : memref<5120x128xf32, #tpu.memory_space<hbm>> -> memref<80x128xf32, #tpu.memory_space<hbm>>
        %dma_start3A_56 = arith.constant 0 : i32
        %dma_start3A_57 = tpu.memref_slice %arg10[%add3A_48, %dma_start3A_56] : memref<5200x128xf32, #tpu.memory_space<vmem_shared>> -> memref<80x128xf32, #tpu.memory_space<vmem_shared>>
        tpu.enqueue_dma source(%dma_start3A_57 : memref<80x128xf32, #tpu.memory_space<vmem_shared>>) target(%dma_start3A_55 : memref<80x128xf32, #tpu.memory_space<hbm>>) target_semaphore(%run_scoped3A_50 : memref<!tpu.dma_semaphore, #tpu.memory_space<semaphore_mem>>)
        %dma_wait3A = arith.constant 0 : i32
        %dma_wait3A_58 = arith.constant 0 : i32
        %dma_wait3A_59 = tpu.memref_slice %arg4[%arg0, %dma_wait3A, %dma_wait3A_58] : memref<2x5120x128xf32, #tpu.memory_space<hbm>> -> memref<1x5120x128xf32, #tpu.memory_space<hbm>>
        %dma_wait3A_60 = tpu.memref_squeeze %dma_wait3A_59 : memref<1x5120x128xf32, #tpu.memory_space<hbm>> -> memref<5120x128xf32, #tpu.memory_space<hbm>>
        %dma_wait3A_61 = arith.constant 0 : i32
        %dma_wait3A_62 = tpu.memref_slice %dma_wait3A_60[%add3A_48, %dma_wait3A_61] : memref<5120x128xf32, #tpu.memory_space<hbm>> -> memref<80x128xf32, #tpu.memory_space<hbm>>
        %dma_wait3A_63 = arith.constant 0 : i32
        %dma_wait3A_64 = tpu.memref_slice %arg10[%add3A_48, %dma_wait3A_63] : memref<5200x128xf32, #tpu.memory_space<vmem_shared>> -> memref<80x128xf32, #tpu.memory_space<vmem_shared>>
        tpu.wait_dma2 semaphore(%run_scoped3A_50 : memref<!tpu.dma_semaphore, #tpu.memory_space<semaphore_mem>>) src(%dma_wait3A_64 : memref<80x128xf32, #tpu.memory_space<vmem_shared>>) dst(%dma_wait3A_62 : memref<80x128xf32, #tpu.memory_space<hbm>>)
        tpu.yield
      }) : () -> ()
      %scan3A_49 = arith.constant 0 : i32
      scf.yield %scan3A_49 : i32
    }
    %scan3A_41 = arith.constant 4 : i32
    return
  }
}

#map = affine_map<(d0, d1) -> (0, 0)>
#map1 = affine_map<(d0, d1) -> (0, 0, 0)>
module attributes {stable_mosaic.version = 14 : i64} {
  func.func @k(%arg0: i32, %arg1: i32, %arg2: memref<10000x128xf32, #tpu.memory_space<hbm>>, %arg3: memref<32x125x80xi32, #tpu.memory_space<hbm>>, %arg4: memref<320000x128xf32, #tpu.memory_space<hbm>>, %arg5: memref<125x80xi32, #tpu.memory_space<vmem>>, %arg6: memref<80x128xf32, #tpu.memory_space<vmem>>, %arg7: memref<80x128xf32, #tpu.memory_space<vmem>>, %arg8: memref<80x128xf32, #tpu.memory_space<vmem>>, %arg9: memref<80x128xf32, #tpu.memory_space<vmem>>, %arg10: memref<!tpu.dma_semaphore, #tpu.memory_space<semaphore_mem>>, %arg11: memref<!tpu.dma_semaphore, #tpu.memory_space<semaphore_mem>>, %arg12: memref<!tpu.dma_semaphore, #tpu.memory_space<semaphore_mem>>, %arg13: memref<!tpu.dma_semaphore, #tpu.memory_space<semaphore_mem>>, %arg14: memref<!tpu.dma_semaphore, #tpu.memory_space<semaphore_mem>>) attributes {dimension_semantics = [#tpu.dimension_semantics<core_parallel>, #tpu.dimension_semantics<subcore_parallel>], iteration_bounds = array<i64: 2, 16>, scalar_prefetch = 0 : i64, scratch_operands = 10 : i64, tpu.core_type = #tpu.core_type<sc_vector_subcore>, window_params = [{transform_indices = #map}, {transform_indices = #map1}, {transform_indices = #map}]} {
    %mul3A = arith.constant 16 : i32
    %mul3A_0 = arith.muli %arg0, %mul3A : i32
    %add3A = arith.addi %mul3A_0, %arg1 : i32
    "tpu.region"() ({
      %run_scoped3A = tpu.sem_alloc : memref<!tpu.dma_semaphore, #tpu.memory_space<semaphore_mem>>
      %dma_start3A_23 = arith.constant 0 : i32
      %dma_start3A_24 = arith.constant 0 : i32
      %dma_start3A_25 = tpu.memref_slice %arg3[%add3A, %dma_start3A_23, %dma_start3A_24] : memref<32x125x80xi32, #tpu.memory_space<hbm>> -> memref<1x125x80xi32, #tpu.memory_space<hbm>>
      %dma_start3A_26 = tpu.memref_squeeze %dma_start3A_25 : memref<1x125x80xi32, #tpu.memory_space<hbm>> -> memref<125x80xi32, #tpu.memory_space<hbm>>
      %dma_start3A_27 = arith.constant 0 : i32
      %dma_start3A_28 = arith.constant 0 : i32
      %dma_start3A_29 = tpu.memref_slice %arg3[%add3A, %dma_start3A_27, %dma_start3A_28] : memref<32x125x80xi32, #tpu.memory_space<hbm>> -> memref<1x125x80xi32, #tpu.memory_space<hbm>>
      %dma_start3A_30 = tpu.memref_squeeze %dma_start3A_29 : memref<1x125x80xi32, #tpu.memory_space<hbm>> -> memref<125x80xi32, #tpu.memory_space<hbm>>
      tpu.enqueue_dma source(%dma_start3A_30 : memref<125x80xi32, #tpu.memory_space<hbm>>) target(%arg5 : memref<125x80xi32, #tpu.memory_space<vmem>>) target_semaphore(%run_scoped3A : memref<!tpu.dma_semaphore, #tpu.memory_space<semaphore_mem>>)
      %dma_wait3A_31 = arith.constant 0 : i32
      %dma_wait3A_32 = arith.constant 0 : i32
      %dma_wait3A_33 = tpu.memref_slice %arg3[%add3A, %dma_wait3A_31, %dma_wait3A_32] : memref<32x125x80xi32, #tpu.memory_space<hbm>> -> memref<1x125x80xi32, #tpu.memory_space<hbm>>
      %dma_wait3A_34 = tpu.memref_squeeze %dma_wait3A_33 : memref<1x125x80xi32, #tpu.memory_space<hbm>> -> memref<125x80xi32, #tpu.memory_space<hbm>>
      %dma_wait3A_35 = arith.constant 0 : i32
      %dma_wait3A_36 = arith.constant 0 : i32
      %dma_wait3A_37 = tpu.memref_slice %arg3[%add3A, %dma_wait3A_35, %dma_wait3A_36] : memref<32x125x80xi32, #tpu.memory_space<hbm>> -> memref<1x125x80xi32, #tpu.memory_space<hbm>>
      %dma_wait3A_38 = tpu.memref_squeeze %dma_wait3A_37 : memref<1x125x80xi32, #tpu.memory_space<hbm>> -> memref<125x80xi32, #tpu.memory_space<hbm>>
      tpu.wait_dma2 semaphore(%run_scoped3A : memref<!tpu.dma_semaphore, #tpu.memory_space<semaphore_mem>>) src(%dma_wait3A_38 : memref<125x80xi32, #tpu.memory_space<hbm>>) dst(%arg5 : memref<125x80xi32, #tpu.memory_space<vmem>>)
      tpu.yield
    }) : () -> ()
    %mul3A_1 = arith.constant 10000 : i32
    %mul3A_2 = arith.muli %add3A, %mul3A_1 : i32
    %scan3A = arith.constant 0 : i32
    %scan3A_3 = arith.constant 0 : i32
    %scan3A_4 = arith.constant 31 : i32
    %scan3A_5 = arith.addi %scan3A_3, %scan3A_4 : i32
    %scan3A_6 = arith.constant 1 : i32
    %scan3A_7 = scf.for %scan3A_23 = %scan3A_3 to %scan3A_5 step %scan3A_6 iter_args(%scan3A_24 = %scan3A) -> (i32)  : i32 {
      %mul3A_25 = arith.constant 4 : i32
      %mul3A_26 = arith.muli %mul3A_25, %scan3A_23 : i32
      %dma_start3A_27 = arith.constant 0 : i32
      %dma_start3A_28 = tpu.memref_slice %arg5[%mul3A_26, %dma_start3A_27] : memref<125x80xi32, #tpu.memory_space<vmem>> -> memref<1x80xi32, #tpu.memory_space<vmem>>
      %dma_start3A_29 = tpu.memref_squeeze %dma_start3A_28 : memref<1x80xi32, #tpu.memory_space<vmem>> -> memref<80xi32, #tpu.memory_space<vmem>>
      %dma_start3A_30 = arith.constant 0 : i32
      %dma_start3A_31 = arith.constant 0 : i32
      %dma_start3A_32 = tpu.memref_slice %arg2[%dma_start3A_30, %dma_start3A_31] : memref<10000x128xf32, #tpu.memory_space<hbm>> -> memref<10000x128xf32, #tpu.memory_space<hbm>>
      tpu.enqueue_indirect_dma source(%dma_start3A_32 : memref<10000x128xf32, #tpu.memory_space<hbm>>) target(%arg6 : memref<80x128xf32, #tpu.memory_space<vmem>>) offsets(%dma_start3A_29 : memref<80xi32, #tpu.memory_space<vmem>>) semaphore(%arg10 : memref<!tpu.dma_semaphore, #tpu.memory_space<semaphore_mem>>)
      %add3A_33 = arith.constant 1 : i32
      %add3A_34 = arith.addi %mul3A_26, %add3A_33 : i32
      %dma_start3A_35 = arith.constant 0 : i32
      %dma_start3A_36 = tpu.memref_slice %arg5[%add3A_34, %dma_start3A_35] : memref<125x80xi32, #tpu.memory_space<vmem>> -> memref<1x80xi32, #tpu.memory_space<vmem>>
      %dma_start3A_37 = tpu.memref_squeeze %dma_start3A_36 : memref<1x80xi32, #tpu.memory_space<vmem>> -> memref<80xi32, #tpu.memory_space<vmem>>
      %dma_start3A_38 = arith.constant 0 : i32
      %dma_start3A_39 = arith.constant 0 : i32
      %dma_start3A_40 = tpu.memref_slice %arg2[%dma_start3A_38, %dma_start3A_39] : memref<10000x128xf32, #tpu.memory_space<hbm>> -> memref<10000x128xf32, #tpu.memory_space<hbm>>
      tpu.enqueue_indirect_dma source(%dma_start3A_40 : memref<10000x128xf32, #tpu.memory_space<hbm>>) target(%arg7 : memref<80x128xf32, #tpu.memory_space<vmem>>) offsets(%dma_start3A_37 : memref<80xi32, #tpu.memory_space<vmem>>) semaphore(%arg11 : memref<!tpu.dma_semaphore, #tpu.memory_space<semaphore_mem>>)
      %add3A_41 = arith.constant 2 : i32
      %add3A_42 = arith.addi %mul3A_26, %add3A_41 : i32
      %dma_start3A_43 = arith.constant 0 : i32
      %dma_start3A_44 = tpu.memref_slice %arg5[%add3A_42, %dma_start3A_43] : memref<125x80xi32, #tpu.memory_space<vmem>> -> memref<1x80xi32, #tpu.memory_space<vmem>>
      %dma_start3A_45 = tpu.memref_squeeze %dma_start3A_44 : memref<1x80xi32, #tpu.memory_space<vmem>> -> memref<80xi32, #tpu.memory_space<vmem>>
      %dma_start3A_46 = arith.constant 0 : i32
      %dma_start3A_47 = arith.constant 0 : i32
      %dma_start3A_48 = tpu.memref_slice %arg2[%dma_start3A_46, %dma_start3A_47] : memref<10000x128xf32, #tpu.memory_space<hbm>> -> memref<10000x128xf32, #tpu.memory_space<hbm>>
      tpu.enqueue_indirect_dma source(%dma_start3A_48 : memref<10000x128xf32, #tpu.memory_space<hbm>>) target(%arg8 : memref<80x128xf32, #tpu.memory_space<vmem>>) offsets(%dma_start3A_45 : memref<80xi32, #tpu.memory_space<vmem>>) semaphore(%arg12 : memref<!tpu.dma_semaphore, #tpu.memory_space<semaphore_mem>>)
      %add3A_49 = arith.constant 3 : i32
      %add3A_50 = arith.addi %mul3A_26, %add3A_49 : i32
      %dma_start3A_51 = arith.constant 0 : i32
      %dma_start3A_52 = tpu.memref_slice %arg5[%add3A_50, %dma_start3A_51] : memref<125x80xi32, #tpu.memory_space<vmem>> -> memref<1x80xi32, #tpu.memory_space<vmem>>
      %dma_start3A_53 = tpu.memref_squeeze %dma_start3A_52 : memref<1x80xi32, #tpu.memory_space<vmem>> -> memref<80xi32, #tpu.memory_space<vmem>>
      %dma_start3A_54 = arith.constant 0 : i32
      %dma_start3A_55 = arith.constant 0 : i32
      %dma_start3A_56 = tpu.memref_slice %arg2[%dma_start3A_54, %dma_start3A_55] : memref<10000x128xf32, #tpu.memory_space<hbm>> -> memref<10000x128xf32, #tpu.memory_space<hbm>>
      tpu.enqueue_indirect_dma source(%dma_start3A_56 : memref<10000x128xf32, #tpu.memory_space<hbm>>) target(%arg9 : memref<80x128xf32, #tpu.memory_space<vmem>>) offsets(%dma_start3A_53 : memref<80xi32, #tpu.memory_space<vmem>>) semaphore(%arg13 : memref<!tpu.dma_semaphore, #tpu.memory_space<semaphore_mem>>)
      %dma_wait3A_57 = arith.constant 0 : i32
      %dma_wait3A_58 = tpu.memref_slice %arg5[%mul3A_26, %dma_wait3A_57] : memref<125x80xi32, #tpu.memory_space<vmem>> -> memref<1x80xi32, #tpu.memory_space<vmem>>
      %dma_wait3A_59 = tpu.memref_squeeze %dma_wait3A_58 : memref<1x80xi32, #tpu.memory_space<vmem>> -> memref<80xi32, #tpu.memory_space<vmem>>
      %dma_wait3A_60 = arith.constant 0 : i32
      %dma_wait3A_61 = arith.constant 0 : i32
      %dma_wait3A_62 = tpu.memref_slice %arg2[%dma_wait3A_60, %dma_wait3A_61] : memref<10000x128xf32, #tpu.memory_space<hbm>> -> memref<10000x128xf32, #tpu.memory_space<hbm>>
      tpu.wait_indirect_dma semaphore(%arg10 : memref<!tpu.dma_semaphore, #tpu.memory_space<semaphore_mem>>) src(%dma_wait3A_62 : memref<10000x128xf32, #tpu.memory_space<hbm>>) dst(%arg6 : memref<80x128xf32, #tpu.memory_space<vmem>>)
      %mul3A_63 = arith.constant 80 : i32
      %mul3A_64 = arith.muli %mul3A_26, %mul3A_63 : i32
      %add3A_65 = arith.addi %mul3A_2, %mul3A_64 : i32
      %dma_start3A_66 = arith.constant 0 : i32
      %dma_start3A_67 = tpu.memref_slice %arg4[%add3A_65, %dma_start3A_66] : memref<320000x128xf32, #tpu.memory_space<hbm>> -> memref<80x128xf32, #tpu.memory_space<hbm>>
      %dma_start3A_68 = arith.constant 0 : i32
      %dma_start3A_69 = tpu.memref_slice %arg4[%add3A_65, %dma_start3A_68] : memref<320000x128xf32, #tpu.memory_space<hbm>> -> memref<80x128xf32, #tpu.memory_space<hbm>>
      tpu.enqueue_dma source(%arg6 : memref<80x128xf32, #tpu.memory_space<vmem>>) target(%dma_start3A_69 : memref<80x128xf32, #tpu.memory_space<hbm>>) target_semaphore(%arg14 : memref<!tpu.dma_semaphore, #tpu.memory_space<semaphore_mem>>)
      %dma_wait3A_70 = arith.constant 0 : i32
      %dma_wait3A_71 = tpu.memref_slice %arg5[%add3A_34, %dma_wait3A_70] : memref<125x80xi32, #tpu.memory_space<vmem>> -> memref<1x80xi32, #tpu.memory_space<vmem>>
      %dma_wait3A_72 = tpu.memref_squeeze %dma_wait3A_71 : memref<1x80xi32, #tpu.memory_space<vmem>> -> memref<80xi32, #tpu.memory_space<vmem>>
      %dma_wait3A_73 = arith.constant 0 : i32
      %dma_wait3A_74 = arith.constant 0 : i32
      %dma_wait3A_75 = tpu.memref_slice %arg2[%dma_wait3A_73, %dma_wait3A_74] : memref<10000x128xf32, #tpu.memory_space<hbm>> -> memref<10000x128xf32, #tpu.memory_space<hbm>>
      tpu.wait_indirect_dma semaphore(%arg11 : memref<!tpu.dma_semaphore, #tpu.memory_space<semaphore_mem>>) src(%dma_wait3A_75 : memref<10000x128xf32, #tpu.memory_space<hbm>>) dst(%arg7 : memref<80x128xf32, #tpu.memory_space<vmem>>)
      %add3A_76 = arith.constant 1 : i32
      %add3A_77 = arith.addi %mul3A_26, %add3A_76 : i32
      %mul3A_78 = arith.constant 80 : i32
      %mul3A_79 = arith.muli %add3A_77, %mul3A_78 : i32
      %add3A_80 = arith.addi %mul3A_2, %mul3A_79 : i32
      %dma_start3A_81 = arith.constant 0 : i32
      %dma_start3A_82 = tpu.memref_slice %arg4[%add3A_80, %dma_start3A_81] : memref<320000x128xf32, #tpu.memory_space<hbm>> -> memref<80x128xf32, #tpu.memory_space<hbm>>
      %dma_start3A_83 = arith.constant 0 : i32
      %dma_start3A_84 = tpu.memref_slice %arg4[%add3A_80, %dma_start3A_83] : memref<320000x128xf32, #tpu.memory_space<hbm>> -> memref<80x128xf32, #tpu.memory_space<hbm>>
      tpu.enqueue_dma source(%arg7 : memref<80x128xf32, #tpu.memory_space<vmem>>) target(%dma_start3A_84 : memref<80x128xf32, #tpu.memory_space<hbm>>) target_semaphore(%arg14 : memref<!tpu.dma_semaphore, #tpu.memory_space<semaphore_mem>>)
      %dma_wait3A_85 = arith.constant 0 : i32
      %dma_wait3A_86 = tpu.memref_slice %arg5[%add3A_42, %dma_wait3A_85] : memref<125x80xi32, #tpu.memory_space<vmem>> -> memref<1x80xi32, #tpu.memory_space<vmem>>
      %dma_wait3A_87 = tpu.memref_squeeze %dma_wait3A_86 : memref<1x80xi32, #tpu.memory_space<vmem>> -> memref<80xi32, #tpu.memory_space<vmem>>
      %dma_wait3A_88 = arith.constant 0 : i32
      %dma_wait3A_89 = arith.constant 0 : i32
      %dma_wait3A_90 = tpu.memref_slice %arg2[%dma_wait3A_88, %dma_wait3A_89] : memref<10000x128xf32, #tpu.memory_space<hbm>> -> memref<10000x128xf32, #tpu.memory_space<hbm>>
      tpu.wait_indirect_dma semaphore(%arg12 : memref<!tpu.dma_semaphore, #tpu.memory_space<semaphore_mem>>) src(%dma_wait3A_90 : memref<10000x128xf32, #tpu.memory_space<hbm>>) dst(%arg8 : memref<80x128xf32, #tpu.memory_space<vmem>>)
      %add3A_91 = arith.constant 2 : i32
      %add3A_92 = arith.addi %mul3A_26, %add3A_91 : i32
      %mul3A_93 = arith.constant 80 : i32
      %mul3A_94 = arith.muli %add3A_92, %mul3A_93 : i32
      %add3A_95 = arith.addi %mul3A_2, %mul3A_94 : i32
      %dma_start3A_96 = arith.constant 0 : i32
      %dma_start3A_97 = tpu.memref_slice %arg4[%add3A_95, %dma_start3A_96] : memref<320000x128xf32, #tpu.memory_space<hbm>> -> memref<80x128xf32, #tpu.memory_space<hbm>>
      %dma_start3A_98 = arith.constant 0 : i32
      %dma_start3A_99 = tpu.memref_slice %arg4[%add3A_95, %dma_start3A_98] : memref<320000x128xf32, #tpu.memory_space<hbm>> -> memref<80x128xf32, #tpu.memory_space<hbm>>
      tpu.enqueue_dma source(%arg8 : memref<80x128xf32, #tpu.memory_space<vmem>>) target(%dma_start3A_99 : memref<80x128xf32, #tpu.memory_space<hbm>>) target_semaphore(%arg14 : memref<!tpu.dma_semaphore, #tpu.memory_space<semaphore_mem>>)
      %dma_wait3A_100 = arith.constant 0 : i32
      %dma_wait3A_101 = tpu.memref_slice %arg5[%add3A_50, %dma_wait3A_100] : memref<125x80xi32, #tpu.memory_space<vmem>> -> memref<1x80xi32, #tpu.memory_space<vmem>>
      %dma_wait3A_102 = tpu.memref_squeeze %dma_wait3A_101 : memref<1x80xi32, #tpu.memory_space<vmem>> -> memref<80xi32, #tpu.memory_space<vmem>>
      %dma_wait3A_103 = arith.constant 0 : i32
      %dma_wait3A_104 = arith.constant 0 : i32
      %dma_wait3A_105 = tpu.memref_slice %arg2[%dma_wait3A_103, %dma_wait3A_104] : memref<10000x128xf32, #tpu.memory_space<hbm>> -> memref<10000x128xf32, #tpu.memory_space<hbm>>
      tpu.wait_indirect_dma semaphore(%arg13 : memref<!tpu.dma_semaphore, #tpu.memory_space<semaphore_mem>>) src(%dma_wait3A_105 : memref<10000x128xf32, #tpu.memory_space<hbm>>) dst(%arg9 : memref<80x128xf32, #tpu.memory_space<vmem>>)
      %add3A_106 = arith.constant 3 : i32
      %add3A_107 = arith.addi %mul3A_26, %add3A_106 : i32
      %mul3A_108 = arith.constant 80 : i32
      %mul3A_109 = arith.muli %add3A_107, %mul3A_108 : i32
      %add3A_110 = arith.addi %mul3A_2, %mul3A_109 : i32
      %dma_start3A_111 = arith.constant 0 : i32
      %dma_start3A_112 = tpu.memref_slice %arg4[%add3A_110, %dma_start3A_111] : memref<320000x128xf32, #tpu.memory_space<hbm>> -> memref<80x128xf32, #tpu.memory_space<hbm>>
      %dma_start3A_113 = arith.constant 0 : i32
      %dma_start3A_114 = tpu.memref_slice %arg4[%add3A_110, %dma_start3A_113] : memref<320000x128xf32, #tpu.memory_space<hbm>> -> memref<80x128xf32, #tpu.memory_space<hbm>>
      tpu.enqueue_dma source(%arg9 : memref<80x128xf32, #tpu.memory_space<vmem>>) target(%dma_start3A_114 : memref<80x128xf32, #tpu.memory_space<hbm>>) target_semaphore(%arg14 : memref<!tpu.dma_semaphore, #tpu.memory_space<semaphore_mem>>)
      %dma_wait3A_115 = arith.constant 0 : i32
      %dma_wait3A_116 = tpu.memref_slice %arg4[%add3A_65, %dma_wait3A_115] : memref<320000x128xf32, #tpu.memory_space<hbm>> -> memref<80x128xf32, #tpu.memory_space<hbm>>
      %dma_wait3A_117 = arith.constant 0 : i32
      %dma_wait3A_118 = tpu.memref_slice %arg4[%add3A_65, %dma_wait3A_117] : memref<320000x128xf32, #tpu.memory_space<hbm>> -> memref<80x128xf32, #tpu.memory_space<hbm>>
      tpu.wait_dma2 semaphore(%arg14 : memref<!tpu.dma_semaphore, #tpu.memory_space<semaphore_mem>>) src(%arg6 : memref<80x128xf32, #tpu.memory_space<vmem>>) dst(%dma_wait3A_118 : memref<80x128xf32, #tpu.memory_space<hbm>>)
      %dma_wait3A_119 = arith.constant 0 : i32
      %dma_wait3A_120 = tpu.memref_slice %arg4[%add3A_80, %dma_wait3A_119] : memref<320000x128xf32, #tpu.memory_space<hbm>> -> memref<80x128xf32, #tpu.memory_space<hbm>>
      %dma_wait3A_121 = arith.constant 0 : i32
      %dma_wait3A_122 = tpu.memref_slice %arg4[%add3A_80, %dma_wait3A_121] : memref<320000x128xf32, #tpu.memory_space<hbm>> -> memref<80x128xf32, #tpu.memory_space<hbm>>
      tpu.wait_dma2 semaphore(%arg14 : memref<!tpu.dma_semaphore, #tpu.memory_space<semaphore_mem>>) src(%arg7 : memref<80x128xf32, #tpu.memory_space<vmem>>) dst(%dma_wait3A_122 : memref<80x128xf32, #tpu.memory_space<hbm>>)
      %dma_wait3A_123 = arith.constant 0 : i32
      %dma_wait3A_124 = tpu.memref_slice %arg4[%add3A_95, %dma_wait3A_123] : memref<320000x128xf32, #tpu.memory_space<hbm>> -> memref<80x128xf32, #tpu.memory_space<hbm>>
      %dma_wait3A_125 = arith.constant 0 : i32
      %dma_wait3A_126 = tpu.memref_slice %arg4[%add3A_95, %dma_wait3A_125] : memref<320000x128xf32, #tpu.memory_space<hbm>> -> memref<80x128xf32, #tpu.memory_space<hbm>>
      tpu.wait_dma2 semaphore(%arg14 : memref<!tpu.dma_semaphore, #tpu.memory_space<semaphore_mem>>) src(%arg8 : memref<80x128xf32, #tpu.memory_space<vmem>>) dst(%dma_wait3A_126 : memref<80x128xf32, #tpu.memory_space<hbm>>)
      %dma_wait3A_127 = arith.constant 0 : i32
      %dma_wait3A_128 = tpu.memref_slice %arg4[%add3A_110, %dma_wait3A_127] : memref<320000x128xf32, #tpu.memory_space<hbm>> -> memref<80x128xf32, #tpu.memory_space<hbm>>
      %dma_wait3A_129 = arith.constant 0 : i32
      %dma_wait3A_130 = tpu.memref_slice %arg4[%add3A_110, %dma_wait3A_129] : memref<320000x128xf32, #tpu.memory_space<hbm>> -> memref<80x128xf32, #tpu.memory_space<hbm>>
      tpu.wait_dma2 semaphore(%arg14 : memref<!tpu.dma_semaphore, #tpu.memory_space<semaphore_mem>>) src(%arg9 : memref<80x128xf32, #tpu.memory_space<vmem>>) dst(%dma_wait3A_130 : memref<80x128xf32, #tpu.memory_space<hbm>>)
      %scan3A_131 = arith.constant 0 : i32
      scf.yield %scan3A_131 : i32
    }
    %scan3A_8 = arith.constant 31 : i32
    %dma_start3A = arith.constant 124 : i32
    %dma_start3A_9 = arith.constant 0 : i32
    %dma_start3A_10 = tpu.memref_slice %arg5[%dma_start3A, %dma_start3A_9] : memref<125x80xi32, #tpu.memory_space<vmem>> -> memref<1x80xi32, #tpu.memory_space<vmem>>
    %dma_start3A_11 = tpu.memref_squeeze %dma_start3A_10 : memref<1x80xi32, #tpu.memory_space<vmem>> -> memref<80xi32, #tpu.memory_space<vmem>>
    %dma_start3A_12 = arith.constant 0 : i32
    %dma_start3A_13 = arith.constant 0 : i32
    %dma_start3A_14 = tpu.memref_slice %arg2[%dma_start3A_12, %dma_start3A_13] : memref<10000x128xf32, #tpu.memory_space<hbm>> -> memref<10000x128xf32, #tpu.memory_space<hbm>>
    tpu.enqueue_indirect_dma source(%dma_start3A_14 : memref<10000x128xf32, #tpu.memory_space<hbm>>) target(%arg6 : memref<80x128xf32, #tpu.memory_space<vmem>>) offsets(%dma_start3A_11 : memref<80xi32, #tpu.memory_space<vmem>>) semaphore(%arg10 : memref<!tpu.dma_semaphore, #tpu.memory_space<semaphore_mem>>)
    %dma_wait3A = arith.constant 124 : i32
    %dma_wait3A_15 = arith.constant 0 : i32
    %dma_wait3A_16 = tpu.memref_slice %arg5[%dma_wait3A, %dma_wait3A_15] : memref<125x80xi32, #tpu.memory_space<vmem>> -> memref<1x80xi32, #tpu.memory_space<vmem>>
    %dma_wait3A_17 = tpu.memref_squeeze %dma_wait3A_16 : memref<1x80xi32, #tpu.memory_space<vmem>> -> memref<80xi32, #tpu.memory_space<vmem>>
    %dma_wait3A_18 = arith.constant 0 : i32
    %dma_wait3A_19 = arith.constant 0 : i32
    %dma_wait3A_20 = tpu.memref_slice %arg2[%dma_wait3A_18, %dma_wait3A_19] : memref<10000x128xf32, #tpu.memory_space<hbm>> -> memref<10000x128xf32, #tpu.memory_space<hbm>>
    tpu.wait_indirect_dma semaphore(%arg10 : memref<!tpu.dma_semaphore, #tpu.memory_space<semaphore_mem>>) src(%dma_wait3A_20 : memref<10000x128xf32, #tpu.memory_space<hbm>>) dst(%arg6 : memref<80x128xf32, #tpu.memory_space<vmem>>)
    %add3A_21 = arith.constant 9920 : i32
    %add3A_22 = arith.addi %mul3A_2, %add3A_21 : i32
    "tpu.region"() ({
      %run_scoped3A = tpu.sem_alloc : memref<!tpu.dma_semaphore, #tpu.memory_space<semaphore_mem>>
      %dma_start3A_23 = arith.constant 0 : i32
      %dma_start3A_24 = tpu.memref_slice %arg4[%add3A_22, %dma_start3A_23] : memref<320000x128xf32, #tpu.memory_space<hbm>> -> memref<80x128xf32, #tpu.memory_space<hbm>>
      %dma_start3A_25 = arith.constant 0 : i32
      %dma_start3A_26 = tpu.memref_slice %arg4[%add3A_22, %dma_start3A_25] : memref<320000x128xf32, #tpu.memory_space<hbm>> -> memref<80x128xf32, #tpu.memory_space<hbm>>
      tpu.enqueue_dma source(%arg6 : memref<80x128xf32, #tpu.memory_space<vmem>>) target(%dma_start3A_26 : memref<80x128xf32, #tpu.memory_space<hbm>>) target_semaphore(%run_scoped3A : memref<!tpu.dma_semaphore, #tpu.memory_space<semaphore_mem>>)
      %dma_wait3A_27 = arith.constant 0 : i32
      %dma_wait3A_28 = tpu.memref_slice %arg4[%add3A_22, %dma_wait3A_27] : memref<320000x128xf32, #tpu.memory_space<hbm>> -> memref<80x128xf32, #tpu.memory_space<hbm>>
      %dma_wait3A_29 = arith.constant 0 : i32
      %dma_wait3A_30 = tpu.memref_slice %arg4[%add3A_22, %dma_wait3A_29] : memref<320000x128xf32, #tpu.memory_space<hbm>> -> memref<80x128xf32, #tpu.memory_space<hbm>>
      tpu.wait_dma2 semaphore(%run_scoped3A : memref<!tpu.dma_semaphore, #tpu.memory_space<semaphore_mem>>) src(%arg6 : memref<80x128xf32, #tpu.memory_space<vmem>>) dst(%dma_wait3A_30 : memref<80x128xf32, #tpu.memory_space<hbm>>)
      tpu.yield
    }) : () -> ()
    return
  }
}

#map = affine_map<(d0, d1) -> (0, 0)>
#map1 = affine_map<(d0, d1) -> (0, 0, 0)>
module attributes {stable_mosaic.version = 14 : i64} {
  func.func @k(%arg0: i32, %arg1: i32, %arg2: memref<10000x128xf32, #tpu.memory_space<hbm>>, %arg3: memref<10000x128xf32, #tpu.memory_space<hbm>>, %arg4: memref<32x125x80xi32, #tpu.memory_space<hbm>>, %arg5: memref<32x125x80xi32, #tpu.memory_space<hbm>>, %arg6: memref<320000x128xf32, #tpu.memory_space<hbm>>, %arg7: memref<320000x128xf32, #tpu.memory_space<hbm>>, %arg8: memref<125x80xi32, #tpu.memory_space<vmem>>, %arg9: memref<125x80xi32, #tpu.memory_space<vmem>>, %arg10: memref<80x128xf32, #tpu.memory_space<vmem>>, %arg11: memref<80x128xf32, #tpu.memory_space<vmem>>, %arg12: memref<80x128xf32, #tpu.memory_space<vmem>>, %arg13: memref<80x128xf32, #tpu.memory_space<vmem>>, %arg14: memref<!tpu.dma_semaphore, #tpu.memory_space<semaphore_mem>>, %arg15: memref<!tpu.dma_semaphore, #tpu.memory_space<semaphore_mem>>, %arg16: memref<!tpu.dma_semaphore, #tpu.memory_space<semaphore_mem>>, %arg17: memref<!tpu.dma_semaphore, #tpu.memory_space<semaphore_mem>>, %arg18: memref<!tpu.dma_semaphore, #tpu.memory_space<semaphore_mem>>) attributes {dimension_semantics = [#tpu.dimension_semantics<core_parallel>, #tpu.dimension_semantics<subcore_parallel>], iteration_bounds = array<i64: 2, 16>, scalar_prefetch = 0 : i64, scratch_operands = 11 : i64, tpu.core_type = #tpu.core_type<sc_vector_subcore>, window_params = [{transform_indices = #map}, {transform_indices = #map}, {transform_indices = #map1}, {transform_indices = #map1}, {transform_indices = #map}, {transform_indices = #map}]} {
    %mul3A = arith.constant 16 : i32
    %mul3A_0 = arith.muli %arg0, %mul3A : i32
    %add3A = arith.addi %mul3A_0, %arg1 : i32
    "tpu.region"() ({
      %run_scoped3A = tpu.sem_alloc : memref<!tpu.dma_semaphore, #tpu.memory_space<semaphore_mem>>
      %dma_start3A_39 = arith.constant 0 : i32
      %dma_start3A_40 = arith.constant 0 : i32
      %dma_start3A_41 = tpu.memref_slice %arg4[%add3A, %dma_start3A_39, %dma_start3A_40] : memref<32x125x80xi32, #tpu.memory_space<hbm>> -> memref<1x125x80xi32, #tpu.memory_space<hbm>>
      %dma_start3A_42 = tpu.memref_squeeze %dma_start3A_41 : memref<1x125x80xi32, #tpu.memory_space<hbm>> -> memref<125x80xi32, #tpu.memory_space<hbm>>
      %dma_start3A_43 = arith.constant 0 : i32
      %dma_start3A_44 = arith.constant 0 : i32
      %dma_start3A_45 = tpu.memref_slice %arg4[%add3A, %dma_start3A_43, %dma_start3A_44] : memref<32x125x80xi32, #tpu.memory_space<hbm>> -> memref<1x125x80xi32, #tpu.memory_space<hbm>>
      %dma_start3A_46 = tpu.memref_squeeze %dma_start3A_45 : memref<1x125x80xi32, #tpu.memory_space<hbm>> -> memref<125x80xi32, #tpu.memory_space<hbm>>
      tpu.enqueue_dma source(%dma_start3A_46 : memref<125x80xi32, #tpu.memory_space<hbm>>) target(%arg8 : memref<125x80xi32, #tpu.memory_space<vmem>>) target_semaphore(%run_scoped3A : memref<!tpu.dma_semaphore, #tpu.memory_space<semaphore_mem>>)
      %dma_wait3A_47 = arith.constant 0 : i32
      %dma_wait3A_48 = arith.constant 0 : i32
      %dma_wait3A_49 = tpu.memref_slice %arg4[%add3A, %dma_wait3A_47, %dma_wait3A_48] : memref<32x125x80xi32, #tpu.memory_space<hbm>> -> memref<1x125x80xi32, #tpu.memory_space<hbm>>
      %dma_wait3A_50 = tpu.memref_squeeze %dma_wait3A_49 : memref<1x125x80xi32, #tpu.memory_space<hbm>> -> memref<125x80xi32, #tpu.memory_space<hbm>>
      %dma_wait3A_51 = arith.constant 0 : i32
      %dma_wait3A_52 = arith.constant 0 : i32
      %dma_wait3A_53 = tpu.memref_slice %arg4[%add3A, %dma_wait3A_51, %dma_wait3A_52] : memref<32x125x80xi32, #tpu.memory_space<hbm>> -> memref<1x125x80xi32, #tpu.memory_space<hbm>>
      %dma_wait3A_54 = tpu.memref_squeeze %dma_wait3A_53 : memref<1x125x80xi32, #tpu.memory_space<hbm>> -> memref<125x80xi32, #tpu.memory_space<hbm>>
      tpu.wait_dma2 semaphore(%run_scoped3A : memref<!tpu.dma_semaphore, #tpu.memory_space<semaphore_mem>>) src(%dma_wait3A_54 : memref<125x80xi32, #tpu.memory_space<hbm>>) dst(%arg8 : memref<125x80xi32, #tpu.memory_space<vmem>>)
      tpu.yield
    }) : () -> ()
    "tpu.region"() ({
      %run_scoped3A = tpu.sem_alloc : memref<!tpu.dma_semaphore, #tpu.memory_space<semaphore_mem>>
      %dma_start3A_39 = arith.constant 0 : i32
      %dma_start3A_40 = arith.constant 0 : i32
      %dma_start3A_41 = tpu.memref_slice %arg5[%add3A, %dma_start3A_39, %dma_start3A_40] : memref<32x125x80xi32, #tpu.memory_space<hbm>> -> memref<1x125x80xi32, #tpu.memory_space<hbm>>
      %dma_start3A_42 = tpu.memref_squeeze %dma_start3A_41 : memref<1x125x80xi32, #tpu.memory_space<hbm>> -> memref<125x80xi32, #tpu.memory_space<hbm>>
      %dma_start3A_43 = arith.constant 0 : i32
      %dma_start3A_44 = arith.constant 0 : i32
      %dma_start3A_45 = tpu.memref_slice %arg5[%add3A, %dma_start3A_43, %dma_start3A_44] : memref<32x125x80xi32, #tpu.memory_space<hbm>> -> memref<1x125x80xi32, #tpu.memory_space<hbm>>
      %dma_start3A_46 = tpu.memref_squeeze %dma_start3A_45 : memref<1x125x80xi32, #tpu.memory_space<hbm>> -> memref<125x80xi32, #tpu.memory_space<hbm>>
      tpu.enqueue_dma source(%dma_start3A_46 : memref<125x80xi32, #tpu.memory_space<hbm>>) target(%arg9 : memref<125x80xi32, #tpu.memory_space<vmem>>) target_semaphore(%run_scoped3A : memref<!tpu.dma_semaphore, #tpu.memory_space<semaphore_mem>>)
      %dma_wait3A_47 = arith.constant 0 : i32
      %dma_wait3A_48 = arith.constant 0 : i32
      %dma_wait3A_49 = tpu.memref_slice %arg5[%add3A, %dma_wait3A_47, %dma_wait3A_48] : memref<32x125x80xi32, #tpu.memory_space<hbm>> -> memref<1x125x80xi32, #tpu.memory_space<hbm>>
      %dma_wait3A_50 = tpu.memref_squeeze %dma_wait3A_49 : memref<1x125x80xi32, #tpu.memory_space<hbm>> -> memref<125x80xi32, #tpu.memory_space<hbm>>
      %dma_wait3A_51 = arith.constant 0 : i32
      %dma_wait3A_52 = arith.constant 0 : i32
      %dma_wait3A_53 = tpu.memref_slice %arg5[%add3A, %dma_wait3A_51, %dma_wait3A_52] : memref<32x125x80xi32, #tpu.memory_space<hbm>> -> memref<1x125x80xi32, #tpu.memory_space<hbm>>
      %dma_wait3A_54 = tpu.memref_squeeze %dma_wait3A_53 : memref<1x125x80xi32, #tpu.memory_space<hbm>> -> memref<125x80xi32, #tpu.memory_space<hbm>>
      tpu.wait_dma2 semaphore(%run_scoped3A : memref<!tpu.dma_semaphore, #tpu.memory_space<semaphore_mem>>) src(%dma_wait3A_54 : memref<125x80xi32, #tpu.memory_space<hbm>>) dst(%arg9 : memref<125x80xi32, #tpu.memory_space<vmem>>)
      tpu.yield
    }) : () -> ()
    %mul3A_1 = arith.constant 10000 : i32
    %mul3A_2 = arith.muli %add3A, %mul3A_1 : i32
    %scan3A = arith.constant 0 : i32
    %scan3A_3 = arith.constant 0 : i32
    %scan3A_4 = arith.constant 62 : i32
    %scan3A_5 = arith.addi %scan3A_3, %scan3A_4 : i32
    %scan3A_6 = arith.constant 1 : i32
    %scan3A_7 = scf.for %scan3A_39 = %scan3A_3 to %scan3A_5 step %scan3A_6 iter_args(%scan3A_40 = %scan3A) -> (i32)  : i32 {
      %mul3A_41 = arith.constant 2 : i32
      %mul3A_42 = arith.muli %mul3A_41, %scan3A_39 : i32
      %dma_start3A_43 = arith.constant 0 : i32
      %dma_start3A_44 = tpu.memref_slice %arg8[%mul3A_42, %dma_start3A_43] : memref<125x80xi32, #tpu.memory_space<vmem>> -> memref<1x80xi32, #tpu.memory_space<vmem>>
      %dma_start3A_45 = tpu.memref_squeeze %dma_start3A_44 : memref<1x80xi32, #tpu.memory_space<vmem>> -> memref<80xi32, #tpu.memory_space<vmem>>
      %dma_start3A_46 = arith.constant 0 : i32
      %dma_start3A_47 = arith.constant 0 : i32
      %dma_start3A_48 = tpu.memref_slice %arg2[%dma_start3A_46, %dma_start3A_47] : memref<10000x128xf32, #tpu.memory_space<hbm>> -> memref<10000x128xf32, #tpu.memory_space<hbm>>
      tpu.enqueue_indirect_dma source(%dma_start3A_48 : memref<10000x128xf32, #tpu.memory_space<hbm>>) target(%arg10 : memref<80x128xf32, #tpu.memory_space<vmem>>) offsets(%dma_start3A_45 : memref<80xi32, #tpu.memory_space<vmem>>) semaphore(%arg14 : memref<!tpu.dma_semaphore, #tpu.memory_space<semaphore_mem>>)
      %dma_start3A_49 = arith.constant 0 : i32
      %dma_start3A_50 = tpu.memref_slice %arg9[%mul3A_42, %dma_start3A_49] : memref<125x80xi32, #tpu.memory_space<vmem>> -> memref<1x80xi32, #tpu.memory_space<vmem>>
      %dma_start3A_51 = tpu.memref_squeeze %dma_start3A_50 : memref<1x80xi32, #tpu.memory_space<vmem>> -> memref<80xi32, #tpu.memory_space<vmem>>
      %dma_start3A_52 = arith.constant 0 : i32
      %dma_start3A_53 = arith.constant 0 : i32
      %dma_start3A_54 = tpu.memref_slice %arg3[%dma_start3A_52, %dma_start3A_53] : memref<10000x128xf32, #tpu.memory_space<hbm>> -> memref<10000x128xf32, #tpu.memory_space<hbm>>
      tpu.enqueue_indirect_dma source(%dma_start3A_54 : memref<10000x128xf32, #tpu.memory_space<hbm>>) target(%arg11 : memref<80x128xf32, #tpu.memory_space<vmem>>) offsets(%dma_start3A_51 : memref<80xi32, #tpu.memory_space<vmem>>) semaphore(%arg15 : memref<!tpu.dma_semaphore, #tpu.memory_space<semaphore_mem>>)
      %add3A_55 = arith.constant 1 : i32
      %add3A_56 = arith.addi %mul3A_42, %add3A_55 : i32
      %dma_start3A_57 = arith.constant 0 : i32
      %dma_start3A_58 = tpu.memref_slice %arg8[%add3A_56, %dma_start3A_57] : memref<125x80xi32, #tpu.memory_space<vmem>> -> memref<1x80xi32, #tpu.memory_space<vmem>>
      %dma_start3A_59 = tpu.memref_squeeze %dma_start3A_58 : memref<1x80xi32, #tpu.memory_space<vmem>> -> memref<80xi32, #tpu.memory_space<vmem>>
      %dma_start3A_60 = arith.constant 0 : i32
      %dma_start3A_61 = arith.constant 0 : i32
      %dma_start3A_62 = tpu.memref_slice %arg2[%dma_start3A_60, %dma_start3A_61] : memref<10000x128xf32, #tpu.memory_space<hbm>> -> memref<10000x128xf32, #tpu.memory_space<hbm>>
      tpu.enqueue_indirect_dma source(%dma_start3A_62 : memref<10000x128xf32, #tpu.memory_space<hbm>>) target(%arg12 : memref<80x128xf32, #tpu.memory_space<vmem>>) offsets(%dma_start3A_59 : memref<80xi32, #tpu.memory_space<vmem>>) semaphore(%arg16 : memref<!tpu.dma_semaphore, #tpu.memory_space<semaphore_mem>>)
      %add3A_63 = arith.constant 1 : i32
      %add3A_64 = arith.addi %mul3A_42, %add3A_63 : i32
      %dma_start3A_65 = arith.constant 0 : i32
      %dma_start3A_66 = tpu.memref_slice %arg9[%add3A_64, %dma_start3A_65] : memref<125x80xi32, #tpu.memory_space<vmem>> -> memref<1x80xi32, #tpu.memory_space<vmem>>
      %dma_start3A_67 = tpu.memref_squeeze %dma_start3A_66 : memref<1x80xi32, #tpu.memory_space<vmem>> -> memref<80xi32, #tpu.memory_space<vmem>>
      %dma_start3A_68 = arith.constant 0 : i32
      %dma_start3A_69 = arith.constant 0 : i32
      %dma_start3A_70 = tpu.memref_slice %arg3[%dma_start3A_68, %dma_start3A_69] : memref<10000x128xf32, #tpu.memory_space<hbm>> -> memref<10000x128xf32, #tpu.memory_space<hbm>>
      tpu.enqueue_indirect_dma source(%dma_start3A_70 : memref<10000x128xf32, #tpu.memory_space<hbm>>) target(%arg13 : memref<80x128xf32, #tpu.memory_space<vmem>>) offsets(%dma_start3A_67 : memref<80xi32, #tpu.memory_space<vmem>>) semaphore(%arg17 : memref<!tpu.dma_semaphore, #tpu.memory_space<semaphore_mem>>)
      %dma_wait3A_71 = arith.constant 0 : i32
      %dma_wait3A_72 = tpu.memref_slice %arg8[%mul3A_42, %dma_wait3A_71] : memref<125x80xi32, #tpu.memory_space<vmem>> -> memref<1x80xi32, #tpu.memory_space<vmem>>
      %dma_wait3A_73 = tpu.memref_squeeze %dma_wait3A_72 : memref<1x80xi32, #tpu.memory_space<vmem>> -> memref<80xi32, #tpu.memory_space<vmem>>
      %dma_wait3A_74 = arith.constant 0 : i32
      %dma_wait3A_75 = arith.constant 0 : i32
      %dma_wait3A_76 = tpu.memref_slice %arg2[%dma_wait3A_74, %dma_wait3A_75] : memref<10000x128xf32, #tpu.memory_space<hbm>> -> memref<10000x128xf32, #tpu.memory_space<hbm>>
      tpu.wait_indirect_dma semaphore(%arg14 : memref<!tpu.dma_semaphore, #tpu.memory_space<semaphore_mem>>) src(%dma_wait3A_76 : memref<10000x128xf32, #tpu.memory_space<hbm>>) dst(%arg10 : memref<80x128xf32, #tpu.memory_space<vmem>>)
      %mul3A_77 = arith.constant 80 : i32
      %mul3A_78 = arith.muli %mul3A_42, %mul3A_77 : i32
      %add3A_79 = arith.addi %mul3A_2, %mul3A_78 : i32
      %dma_start3A_80 = arith.constant 0 : i32
      %dma_start3A_81 = tpu.memref_slice %arg6[%add3A_79, %dma_start3A_80] : memref<320000x128xf32, #tpu.memory_space<hbm>> -> memref<80x128xf32, #tpu.memory_space<hbm>>
      %dma_start3A_82 = arith.constant 0 : i32
      %dma_start3A_83 = tpu.memref_slice %arg6[%add3A_79, %dma_start3A_82] : memref<320000x128xf32, #tpu.memory_space<hbm>> -> memref<80x128xf32, #tpu.memory_space<hbm>>
      tpu.enqueue_dma source(%arg10 : memref<80x128xf32, #tpu.memory_space<vmem>>) target(%dma_start3A_83 : memref<80x128xf32, #tpu.memory_space<hbm>>) target_semaphore(%arg18 : memref<!tpu.dma_semaphore, #tpu.memory_space<semaphore_mem>>)
      %dma_wait3A_84 = arith.constant 0 : i32
      %dma_wait3A_85 = tpu.memref_slice %arg9[%mul3A_42, %dma_wait3A_84] : memref<125x80xi32, #tpu.memory_space<vmem>> -> memref<1x80xi32, #tpu.memory_space<vmem>>
      %dma_wait3A_86 = tpu.memref_squeeze %dma_wait3A_85 : memref<1x80xi32, #tpu.memory_space<vmem>> -> memref<80xi32, #tpu.memory_space<vmem>>
      %dma_wait3A_87 = arith.constant 0 : i32
      %dma_wait3A_88 = arith.constant 0 : i32
      %dma_wait3A_89 = tpu.memref_slice %arg3[%dma_wait3A_87, %dma_wait3A_88] : memref<10000x128xf32, #tpu.memory_space<hbm>> -> memref<10000x128xf32, #tpu.memory_space<hbm>>
      tpu.wait_indirect_dma semaphore(%arg15 : memref<!tpu.dma_semaphore, #tpu.memory_space<semaphore_mem>>) src(%dma_wait3A_89 : memref<10000x128xf32, #tpu.memory_space<hbm>>) dst(%arg11 : memref<80x128xf32, #tpu.memory_space<vmem>>)
      %mul3A_90 = arith.constant 80 : i32
      %mul3A_91 = arith.muli %mul3A_42, %mul3A_90 : i32
      %add3A_92 = arith.addi %mul3A_2, %mul3A_91 : i32
      %dma_start3A_93 = arith.constant 0 : i32
      %dma_start3A_94 = tpu.memref_slice %arg7[%add3A_92, %dma_start3A_93] : memref<320000x128xf32, #tpu.memory_space<hbm>> -> memref<80x128xf32, #tpu.memory_space<hbm>>
      %dma_start3A_95 = arith.constant 0 : i32
      %dma_start3A_96 = tpu.memref_slice %arg7[%add3A_92, %dma_start3A_95] : memref<320000x128xf32, #tpu.memory_space<hbm>> -> memref<80x128xf32, #tpu.memory_space<hbm>>
      tpu.enqueue_dma source(%arg11 : memref<80x128xf32, #tpu.memory_space<vmem>>) target(%dma_start3A_96 : memref<80x128xf32, #tpu.memory_space<hbm>>) target_semaphore(%arg18 : memref<!tpu.dma_semaphore, #tpu.memory_space<semaphore_mem>>)
      %dma_wait3A_97 = arith.constant 0 : i32
      %dma_wait3A_98 = tpu.memref_slice %arg8[%add3A_56, %dma_wait3A_97] : memref<125x80xi32, #tpu.memory_space<vmem>> -> memref<1x80xi32, #tpu.memory_space<vmem>>
      %dma_wait3A_99 = tpu.memref_squeeze %dma_wait3A_98 : memref<1x80xi32, #tpu.memory_space<vmem>> -> memref<80xi32, #tpu.memory_space<vmem>>
      %dma_wait3A_100 = arith.constant 0 : i32
      %dma_wait3A_101 = arith.constant 0 : i32
      %dma_wait3A_102 = tpu.memref_slice %arg2[%dma_wait3A_100, %dma_wait3A_101] : memref<10000x128xf32, #tpu.memory_space<hbm>> -> memref<10000x128xf32, #tpu.memory_space<hbm>>
      tpu.wait_indirect_dma semaphore(%arg16 : memref<!tpu.dma_semaphore, #tpu.memory_space<semaphore_mem>>) src(%dma_wait3A_102 : memref<10000x128xf32, #tpu.memory_space<hbm>>) dst(%arg12 : memref<80x128xf32, #tpu.memory_space<vmem>>)
      %add3A_103 = arith.constant 1 : i32
      %add3A_104 = arith.addi %mul3A_42, %add3A_103 : i32
      %mul3A_105 = arith.constant 80 : i32
      %mul3A_106 = arith.muli %add3A_104, %mul3A_105 : i32
      %add3A_107 = arith.addi %mul3A_2, %mul3A_106 : i32
      %dma_start3A_108 = arith.constant 0 : i32
      %dma_start3A_109 = tpu.memref_slice %arg6[%add3A_107, %dma_start3A_108] : memref<320000x128xf32, #tpu.memory_space<hbm>> -> memref<80x128xf32, #tpu.memory_space<hbm>>
      %dma_start3A_110 = arith.constant 0 : i32
      %dma_start3A_111 = tpu.memref_slice %arg6[%add3A_107, %dma_start3A_110] : memref<320000x128xf32, #tpu.memory_space<hbm>> -> memref<80x128xf32, #tpu.memory_space<hbm>>
      tpu.enqueue_dma source(%arg12 : memref<80x128xf32, #tpu.memory_space<vmem>>) target(%dma_start3A_111 : memref<80x128xf32, #tpu.memory_space<hbm>>) target_semaphore(%arg18 : memref<!tpu.dma_semaphore, #tpu.memory_space<semaphore_mem>>)
      %dma_wait3A_112 = arith.constant 0 : i32
      %dma_wait3A_113 = tpu.memref_slice %arg9[%add3A_64, %dma_wait3A_112] : memref<125x80xi32, #tpu.memory_space<vmem>> -> memref<1x80xi32, #tpu.memory_space<vmem>>
      %dma_wait3A_114 = tpu.memref_squeeze %dma_wait3A_113 : memref<1x80xi32, #tpu.memory_space<vmem>> -> memref<80xi32, #tpu.memory_space<vmem>>
      %dma_wait3A_115 = arith.constant 0 : i32
      %dma_wait3A_116 = arith.constant 0 : i32
      %dma_wait3A_117 = tpu.memref_slice %arg3[%dma_wait3A_115, %dma_wait3A_116] : memref<10000x128xf32, #tpu.memory_space<hbm>> -> memref<10000x128xf32, #tpu.memory_space<hbm>>
      tpu.wait_indirect_dma semaphore(%arg17 : memref<!tpu.dma_semaphore, #tpu.memory_space<semaphore_mem>>) src(%dma_wait3A_117 : memref<10000x128xf32, #tpu.memory_space<hbm>>) dst(%arg13 : memref<80x128xf32, #tpu.memory_space<vmem>>)
      %add3A_118 = arith.constant 1 : i32
      %add3A_119 = arith.addi %mul3A_42, %add3A_118 : i32
      %mul3A_120 = arith.constant 80 : i32
      %mul3A_121 = arith.muli %add3A_119, %mul3A_120 : i32
      %add3A_122 = arith.addi %mul3A_2, %mul3A_121 : i32
      %dma_start3A_123 = arith.constant 0 : i32
      %dma_start3A_124 = tpu.memref_slice %arg7[%add3A_122, %dma_start3A_123] : memref<320000x128xf32, #tpu.memory_space<hbm>> -> memref<80x128xf32, #tpu.memory_space<hbm>>
      %dma_start3A_125 = arith.constant 0 : i32
      %dma_start3A_126 = tpu.memref_slice %arg7[%add3A_122, %dma_start3A_125] : memref<320000x128xf32, #tpu.memory_space<hbm>> -> memref<80x128xf32, #tpu.memory_space<hbm>>
      tpu.enqueue_dma source(%arg13 : memref<80x128xf32, #tpu.memory_space<vmem>>) target(%dma_start3A_126 : memref<80x128xf32, #tpu.memory_space<hbm>>) target_semaphore(%arg18 : memref<!tpu.dma_semaphore, #tpu.memory_space<semaphore_mem>>)
      %dma_wait3A_127 = arith.constant 0 : i32
      %dma_wait3A_128 = tpu.memref_slice %arg6[%add3A_79, %dma_wait3A_127] : memref<320000x128xf32, #tpu.memory_space<hbm>> -> memref<80x128xf32, #tpu.memory_space<hbm>>
      %dma_wait3A_129 = arith.constant 0 : i32
      %dma_wait3A_130 = tpu.memref_slice %arg6[%add3A_79, %dma_wait3A_129] : memref<320000x128xf32, #tpu.memory_space<hbm>> -> memref<80x128xf32, #tpu.memory_space<hbm>>
      tpu.wait_dma2 semaphore(%arg18 : memref<!tpu.dma_semaphore, #tpu.memory_space<semaphore_mem>>) src(%arg10 : memref<80x128xf32, #tpu.memory_space<vmem>>) dst(%dma_wait3A_130 : memref<80x128xf32, #tpu.memory_space<hbm>>)
      %dma_wait3A_131 = arith.constant 0 : i32
      %dma_wait3A_132 = tpu.memref_slice %arg7[%add3A_92, %dma_wait3A_131] : memref<320000x128xf32, #tpu.memory_space<hbm>> -> memref<80x128xf32, #tpu.memory_space<hbm>>
      %dma_wait3A_133 = arith.constant 0 : i32
      %dma_wait3A_134 = tpu.memref_slice %arg7[%add3A_92, %dma_wait3A_133] : memref<320000x128xf32, #tpu.memory_space<hbm>> -> memref<80x128xf32, #tpu.memory_space<hbm>>
      tpu.wait_dma2 semaphore(%arg18 : memref<!tpu.dma_semaphore, #tpu.memory_space<semaphore_mem>>) src(%arg11 : memref<80x128xf32, #tpu.memory_space<vmem>>) dst(%dma_wait3A_134 : memref<80x128xf32, #tpu.memory_space<hbm>>)
      %dma_wait3A_135 = arith.constant 0 : i32
      %dma_wait3A_136 = tpu.memref_slice %arg6[%add3A_107, %dma_wait3A_135] : memref<320000x128xf32, #tpu.memory_space<hbm>> -> memref<80x128xf32, #tpu.memory_space<hbm>>
      %dma_wait3A_137 = arith.constant 0 : i32
      %dma_wait3A_138 = tpu.memref_slice %arg6[%add3A_107, %dma_wait3A_137] : memref<320000x128xf32, #tpu.memory_space<hbm>> -> memref<80x128xf32, #tpu.memory_space<hbm>>
      tpu.wait_dma2 semaphore(%arg18 : memref<!tpu.dma_semaphore, #tpu.memory_space<semaphore_mem>>) src(%arg12 : memref<80x128xf32, #tpu.memory_space<vmem>>) dst(%dma_wait3A_138 : memref<80x128xf32, #tpu.memory_space<hbm>>)
      %dma_wait3A_139 = arith.constant 0 : i32
      %dma_wait3A_140 = tpu.memref_slice %arg7[%add3A_122, %dma_wait3A_139] : memref<320000x128xf32, #tpu.memory_space<hbm>> -> memref<80x128xf32, #tpu.memory_space<hbm>>
      %dma_wait3A_141 = arith.constant 0 : i32
      %dma_wait3A_142 = tpu.memref_slice %arg7[%add3A_122, %dma_wait3A_141] : memref<320000x128xf32, #tpu.memory_space<hbm>> -> memref<80x128xf32, #tpu.memory_space<hbm>>
      tpu.wait_dma2 semaphore(%arg18 : memref<!tpu.dma_semaphore, #tpu.memory_space<semaphore_mem>>) src(%arg13 : memref<80x128xf32, #tpu.memory_space<vmem>>) dst(%dma_wait3A_142 : memref<80x128xf32, #tpu.memory_space<hbm>>)
      %scan3A_143 = arith.constant 0 : i32
      scf.yield %scan3A_143 : i32
    }
    %scan3A_8 = arith.constant 62 : i32
    %dma_start3A = arith.constant 124 : i32
    %dma_start3A_9 = arith.constant 0 : i32
    %dma_start3A_10 = tpu.memref_slice %arg8[%dma_start3A, %dma_start3A_9] : memref<125x80xi32, #tpu.memory_space<vmem>> -> memref<1x80xi32, #tpu.memory_space<vmem>>
    %dma_start3A_11 = tpu.memref_squeeze %dma_start3A_10 : memref<1x80xi32, #tpu.memory_space<vmem>> -> memref<80xi32, #tpu.memory_space<vmem>>
    %dma_start3A_12 = arith.constant 0 : i32
    %dma_start3A_13 = arith.constant 0 : i32
    %dma_start3A_14 = tpu.memref_slice %arg2[%dma_start3A_12, %dma_start3A_13] : memref<10000x128xf32, #tpu.memory_space<hbm>> -> memref<10000x128xf32, #tpu.memory_space<hbm>>
    tpu.enqueue_indirect_dma source(%dma_start3A_14 : memref<10000x128xf32, #tpu.memory_space<hbm>>) target(%arg10 : memref<80x128xf32, #tpu.memory_space<vmem>>) offsets(%dma_start3A_11 : memref<80xi32, #tpu.memory_space<vmem>>) semaphore(%arg14 : memref<!tpu.dma_semaphore, #tpu.memory_space<semaphore_mem>>)
    %dma_start3A_15 = arith.constant 124 : i32
    %dma_start3A_16 = arith.constant 0 : i32
    %dma_start3A_17 = tpu.memref_slice %arg9[%dma_start3A_15, %dma_start3A_16] : memref<125x80xi32, #tpu.memory_space<vmem>> -> memref<1x80xi32, #tpu.memory_space<vmem>>
    %dma_start3A_18 = tpu.memref_squeeze %dma_start3A_17 : memref<1x80xi32, #tpu.memory_space<vmem>> -> memref<80xi32, #tpu.memory_space<vmem>>
    %dma_start3A_19 = arith.constant 0 : i32
    %dma_start3A_20 = arith.constant 0 : i32
    %dma_start3A_21 = tpu.memref_slice %arg3[%dma_start3A_19, %dma_start3A_20] : memref<10000x128xf32, #tpu.memory_space<hbm>> -> memref<10000x128xf32, #tpu.memory_space<hbm>>
    tpu.enqueue_indirect_dma source(%dma_start3A_21 : memref<10000x128xf32, #tpu.memory_space<hbm>>) target(%arg11 : memref<80x128xf32, #tpu.memory_space<vmem>>) offsets(%dma_start3A_18 : memref<80xi32, #tpu.memory_space<vmem>>) semaphore(%arg15 : memref<!tpu.dma_semaphore, #tpu.memory_space<semaphore_mem>>)
    %dma_wait3A = arith.constant 124 : i32
    %dma_wait3A_22 = arith.constant 0 : i32
    %dma_wait3A_23 = tpu.memref_slice %arg8[%dma_wait3A, %dma_wait3A_22] : memref<125x80xi32, #tpu.memory_space<vmem>> -> memref<1x80xi32, #tpu.memory_space<vmem>>
    %dma_wait3A_24 = tpu.memref_squeeze %dma_wait3A_23 : memref<1x80xi32, #tpu.memory_space<vmem>> -> memref<80xi32, #tpu.memory_space<vmem>>
    %dma_wait3A_25 = arith.constant 0 : i32
    %dma_wait3A_26 = arith.constant 0 : i32
    %dma_wait3A_27 = tpu.memref_slice %arg2[%dma_wait3A_25, %dma_wait3A_26] : memref<10000x128xf32, #tpu.memory_space<hbm>> -> memref<10000x128xf32, #tpu.memory_space<hbm>>
    tpu.wait_indirect_dma semaphore(%arg14 : memref<!tpu.dma_semaphore, #tpu.memory_space<semaphore_mem>>) src(%dma_wait3A_27 : memref<10000x128xf32, #tpu.memory_space<hbm>>) dst(%arg10 : memref<80x128xf32, #tpu.memory_space<vmem>>)
    %add3A_28 = arith.constant 9920 : i32
    %add3A_29 = arith.addi %mul3A_2, %add3A_28 : i32
    "tpu.region"() ({
      %run_scoped3A = tpu.sem_alloc : memref<!tpu.dma_semaphore, #tpu.memory_space<semaphore_mem>>
      %dma_start3A_39 = arith.constant 0 : i32
      %dma_start3A_40 = tpu.memref_slice %arg6[%add3A_29, %dma_start3A_39] : memref<320000x128xf32, #tpu.memory_space<hbm>> -> memref<80x128xf32, #tpu.memory_space<hbm>>
      %dma_start3A_41 = arith.constant 0 : i32
      %dma_start3A_42 = tpu.memref_slice %arg6[%add3A_29, %dma_start3A_41] : memref<320000x128xf32, #tpu.memory_space<hbm>> -> memref<80x128xf32, #tpu.memory_space<hbm>>
      tpu.enqueue_dma source(%arg10 : memref<80x128xf32, #tpu.memory_space<vmem>>) target(%dma_start3A_42 : memref<80x128xf32, #tpu.memory_space<hbm>>) target_semaphore(%run_scoped3A : memref<!tpu.dma_semaphore, #tpu.memory_space<semaphore_mem>>)
      %dma_wait3A_43 = arith.constant 0 : i32
      %dma_wait3A_44 = tpu.memref_slice %arg6[%add3A_29, %dma_wait3A_43] : memref<320000x128xf32, #tpu.memory_space<hbm>> -> memref<80x128xf32, #tpu.memory_space<hbm>>
      %dma_wait3A_45 = arith.constant 0 : i32
      %dma_wait3A_46 = tpu.memref_slice %arg6[%add3A_29, %dma_wait3A_45] : memref<320000x128xf32, #tpu.memory_space<hbm>> -> memref<80x128xf32, #tpu.memory_space<hbm>>
      tpu.wait_dma2 semaphore(%run_scoped3A : memref<!tpu.dma_semaphore, #tpu.memory_space<semaphore_mem>>) src(%arg10 : memref<80x128xf32, #tpu.memory_space<vmem>>) dst(%dma_wait3A_46 : memref<80x128xf32, #tpu.memory_space<hbm>>)
      tpu.yield
    }) : () -> ()
    %dma_wait3A_30 = arith.constant 124 : i32
    %dma_wait3A_31 = arith.constant 0 : i32
    %dma_wait3A_32 = tpu.memref_slice %arg9[%dma_wait3A_30, %dma_wait3A_31] : memref<125x80xi32, #tpu.memory_space<vmem>> -> memref<1x80xi32, #tpu.memory_space<vmem>>
    %dma_wait3A_33 = tpu.memref_squeeze %dma_wait3A_32 : memref<1x80xi32, #tpu.memory_space<vmem>> -> memref<80xi32, #tpu.memory_space<vmem>>
    %dma_wait3A_34 = arith.constant 0 : i32
    %dma_wait3A_35 = arith.constant 0 : i32
    %dma_wait3A_36 = tpu.memref_slice %arg3[%dma_wait3A_34, %dma_wait3A_35] : memref<10000x128xf32, #tpu.memory_space<hbm>> -> memref<10000x128xf32, #tpu.memory_space<hbm>>
    tpu.wait_indirect_dma semaphore(%arg15 : memref<!tpu.dma_semaphore, #tpu.memory_space<semaphore_mem>>) src(%dma_wait3A_36 : memref<10000x128xf32, #tpu.memory_space<hbm>>) dst(%arg11 : memref<80x128xf32, #tpu.memory_space<vmem>>)
    %add3A_37 = arith.constant 9920 : i32
    %add3A_38 = arith.addi %mul3A_2, %add3A_37 : i32
    "tpu.region"() ({
      %run_scoped3A = tpu.sem_alloc : memref<!tpu.dma_semaphore, #tpu.memory_space<semaphore_mem>>
      %dma_start3A_39 = arith.constant 0 : i32
      %dma_start3A_40 = tpu.memref_slice %arg7[%add3A_38, %dma_start3A_39] : memref<320000x128xf32, #tpu.memory_space<hbm>> -> memref<80x128xf32, #tpu.memory_space<hbm>>
      %dma_start3A_41 = arith.constant 0 : i32
      %dma_start3A_42 = tpu.memref_slice %arg7[%add3A_38, %dma_start3A_41] : memref<320000x128xf32, #tpu.memory_space<hbm>> -> memref<80x128xf32, #tpu.memory_space<hbm>>
      tpu.enqueue_dma source(%arg11 : memref<80x128xf32, #tpu.memory_space<vmem>>) target(%dma_start3A_42 : memref<80x128xf32, #tpu.memory_space<hbm>>) target_semaphore(%run_scoped3A : memref<!tpu.dma_semaphore, #tpu.memory_space<semaphore_mem>>)
      %dma_wait3A_43 = arith.constant 0 : i32
      %dma_wait3A_44 = tpu.memref_slice %arg7[%add3A_38, %dma_wait3A_43] : memref<320000x128xf32, #tpu.memory_space<hbm>> -> memref<80x128xf32, #tpu.memory_space<hbm>>
      %dma_wait3A_45 = arith.constant 0 : i32
      %dma_wait3A_46 = tpu.memref_slice %arg7[%add3A_38, %dma_wait3A_45] : memref<320000x128xf32, #tpu.memory_space<hbm>> -> memref<80x128xf32, #tpu.memory_space<hbm>>
      tpu.wait_dma2 semaphore(%run_scoped3A : memref<!tpu.dma_semaphore, #tpu.memory_space<semaphore_mem>>) src(%arg11 : memref<80x128xf32, #tpu.memory_space<vmem>>) dst(%dma_wait3A_46 : memref<80x128xf32, #tpu.memory_space<hbm>>)
      tpu.yield
    }) : () -> ()
    return
  }
}

module attributes {stable_mosaic.version = 14 : i64} {
  func.func @_edge_nn_mul_body(%arg0: i32, %arg1: memref<2000x128xf32, #tpu.memory_space<vmem>>, %arg2: memref<2000x128xf32, #tpu.memory_space<vmem>>, %arg3: memref<128x128xf32, #tpu.memory_space<vmem>>, %arg4: memref<1x128xf32, #tpu.memory_space<vmem>>, %arg5: memref<128x128xf32, #tpu.memory_space<vmem>>, %arg6: memref<1x128xf32, #tpu.memory_space<vmem>>, %arg7: memref<2000x128xbf16, #tpu.memory_space<vmem>>, %arg8: memref<2000x128xf32, #tpu.memory_space<vmem>>) attributes {dimension_semantics = [#tpu.dimension_semantics<arbitrary>], iteration_bounds = array<i64: 160>, scalar_prefetch = 0 : i64, scratch_operands = 0 : i64, tpu.core_type = #tpu.core_type<tc>, window_params = [{transform_indices = @transform_0, window_bounds = array<i64: 2000, 128>}, {transform_indices = @transform_1, window_bounds = array<i64: 2000, 128>}, {pipeline_mode = #tpu.pipeline_mode<synchronous>, transform_indices = @transform_2, window_bounds = array<i64: 128, 128>}, {pipeline_mode = #tpu.pipeline_mode<synchronous>, transform_indices = @transform_3, window_bounds = array<i64: 1, 128>}, {pipeline_mode = #tpu.pipeline_mode<synchronous>, transform_indices = @transform_4, window_bounds = array<i64: 128, 128>}, {pipeline_mode = #tpu.pipeline_mode<synchronous>, transform_indices = @transform_5, window_bounds = array<i64: 1, 128>}, {transform_indices = @transform_6, window_bounds = array<i64: 2000, 128>}, {transform_indices = @transform_7, window_bounds = array<i64: 2000, 128>}]} {
    %get3A = arith.constant 0 : index
    %get3A_0 = arith.constant 0 : index
    %get3A_1 = vector.load %arg1[%get3A, %get3A_0] : memref<2000x128xf32, #tpu.memory_space<vmem>>, vector<2000x128xf32>
    %get3A_2 = arith.constant 0 : index
    %get3A_3 = arith.constant 0 : index
    %get3A_4 = vector.load %arg3[%get3A_2, %get3A_3] : memref<128x128xf32, #tpu.memory_space<vmem>>, vector<128x128xf32>
    %dot_general3A = arith.constant dense<0.000000e+00> : vector<2000x128xf32>
    %dot_general3A_5 = tpu.matmul %get3A_1, %get3A_4, %dot_general3A {dimension_numbers = #tpu.dot_dimension_numbers<[1], [0], [0], [1], [0, 0, 1, 1], [], []>, transpose_lhs_hint = false} : vector<2000x128xf32>, vector<128x128xf32>, vector<2000x128xf32> -> vector<2000x128xf32>
    %get3A_6 = arith.constant 0 : index
    %get3A_7 = arith.constant 0 : index
    %get3A_8 = vector.load %arg4[%get3A_6, %get3A_7] : memref<1x128xf32, #tpu.memory_space<vmem>>, vector<1x128xf32>
    %add3A = vector.broadcast %get3A_8 : vector<1x128xf32> to vector<2000x128xf32>
    %add3A_9 = arith.addf %dot_general3A_5, %add3A : vector<2000x128xf32>
    %max3A = arith.constant 0.000000e+00 : f32
    %max3A_10 = vector.broadcast %max3A : f32 to vector<2000x128xf32>
    %max3A_11 = arith.maximumf %add3A_9, %max3A_10 : vector<2000x128xf32>
    %get3A_12 = arith.constant 0 : index
    %get3A_13 = arith.constant 0 : index
    %get3A_14 = vector.load %arg5[%get3A_12, %get3A_13] : memref<128x128xf32, #tpu.memory_space<vmem>>, vector<128x128xf32>
    %dot_general3A_15 = arith.constant dense<0.000000e+00> : vector<2000x128xf32>
    %dot_general3A_16 = tpu.matmul %max3A_11, %get3A_14, %dot_general3A_15 {dimension_numbers = #tpu.dot_dimension_numbers<[1], [0], [0], [1], [0, 0, 1, 1], [], []>, transpose_lhs_hint = false} : vector<2000x128xf32>, vector<128x128xf32>, vector<2000x128xf32> -> vector<2000x128xf32>
    %get3A_17 = arith.constant 0 : index
    %get3A_18 = arith.constant 0 : index
    %get3A_19 = vector.load %arg6[%get3A_17, %get3A_18] : memref<1x128xf32, #tpu.memory_space<vmem>>, vector<1x128xf32>
    %add3A_20 = vector.broadcast %get3A_19 : vector<1x128xf32> to vector<2000x128xf32>
    %add3A_21 = arith.addf %dot_general3A_16, %add3A_20 : vector<2000x128xf32>
    %max3A_22 = arith.constant 0.000000e+00 : f32
    %max3A_23 = vector.broadcast %max3A_22 : f32 to vector<2000x128xf32>
    %max3A_24 = arith.maximumf %add3A_21, %max3A_23 : vector<2000x128xf32>
    %convert_element_type3A = arith.truncf %max3A_24 : vector<2000x128xf32> to vector<2000x128xbf16>
    %swap3A = arith.constant 0 : index
    %swap3A_25 = arith.constant 0 : index
    %swap3A_26 = vector.load %arg7[%swap3A, %swap3A_25] : memref<2000x128xbf16, #tpu.memory_space<vmem>>, vector<2000x128xbf16>
    tpu.vector_store %arg7[%swap3A, %swap3A_25], %convert_element_type3A {strides = array<i32>} : memref<2000x128xbf16, #tpu.memory_space<vmem>>, vector<2000x128xbf16>,
    %get3A_27 = arith.constant 0 : index
    %get3A_28 = arith.constant 0 : index
    %get3A_29 = vector.load %arg2[%get3A_27, %get3A_28] : memref<2000x128xf32, #tpu.memory_space<vmem>>, vector<2000x128xf32>
    %mul3A = arith.mulf %get3A_29, %max3A_24 : vector<2000x128xf32>
    %swap3A_30 = arith.constant 0 : index
    %swap3A_31 = arith.constant 0 : index
    %swap3A_32 = vector.load %arg8[%swap3A_30, %swap3A_31] : memref<2000x128xf32, #tpu.memory_space<vmem>>, vector<2000x128xf32>
    tpu.vector_store %arg8[%swap3A_30, %swap3A_31], %mul3A {strides = array<i32>} : memref<2000x128xf32, #tpu.memory_space<vmem>>, vector<2000x128xf32>,
    return
  }
  func.func @transform_0(%arg0: i32) -> (i32, i32) {
    %c0_i32 = arith.constant 0 : i32
    %c0_i32_0 = arith.constant 0 : i32
    return %arg0, %c0_i32 : i32, i32
  }
  func.func @transform_1(%arg0: i32) -> (i32, i32) {
    %c0_i32 = arith.constant 0 : i32
    %c0_i32_0 = arith.constant 0 : i32
    return %arg0, %c0_i32 : i32, i32
  }
  func.func @transform_2(%arg0: i32) -> (i32, i32) {
    %c0_i32 = arith.constant 0 : i32
    %c0_i32_0 = arith.constant 0 : i32
    %c0_i32_1 = arith.constant 0 : i32
    return %c0_i32, %c0_i32_0 : i32, i32
  }
  func.func @transform_3(%arg0: i32) -> (i32, i32) {
    %c0_i32 = arith.constant 0 : i32
    %c0_i32_0 = arith.constant 0 : i32
    %c0_i32_1 = arith.constant 0 : i32
    return %c0_i32, %c0_i32_0 : i32, i32
  }
  func.func @transform_4(%arg0: i32) -> (i32, i32) {
    %c0_i32 = arith.constant 0 : i32
    %c0_i32_0 = arith.constant 0 : i32
    %c0_i32_1 = arith.constant 0 : i32
    return %c0_i32, %c0_i32_0 : i32, i32
  }
  func.func @transform_5(%arg0: i32) -> (i32, i32) {
    %c0_i32 = arith.constant 0 : i32
    %c0_i32_0 = arith.constant 0 : i32
    %c0_i32_1 = arith.constant 0 : i32
    return %c0_i32, %c0_i32_0 : i32, i32
  }
  func.func @transform_6(%arg0: i32) -> (i32, i32) {
    %c0_i32 = arith.constant 0 : i32
    %c0_i32_0 = arith.constant 0 : i32
    return %arg0, %c0_i32 : i32, i32
  }
  func.func @transform_7(%arg0: i32) -> (i32, i32) {
    %c0_i32 = arith.constant 0 : i32
    %c0_i32_0 = arith.constant 0 : i32
    return %arg0, %c0_i32 : i32, i32
  }
}

module attributes {stable_mosaic.version = 14 : i64} {
  func.func @_node_update_body(%arg0: i32, %arg1: memref<2000x128xf32, #tpu.memory_space<vmem>>, %arg2: memref<2000x128xf32, #tpu.memory_space<vmem>>, %arg3: memref<2000x128xf32, #tpu.memory_space<vmem>>, %arg4: memref<128x128xf32, #tpu.memory_space<vmem>>, %arg5: memref<1x128xf32, #tpu.memory_space<vmem>>, %arg6: memref<1x128xf32, #tpu.memory_space<vmem>>, %arg7: memref<1x128xf32, #tpu.memory_space<vmem>>, %arg8: memref<2000x128xf32, #tpu.memory_space<vmem>>) attributes {dimension_semantics = [#tpu.dimension_semantics<arbitrary>], iteration_bounds = array<i64: 5>, scalar_prefetch = 0 : i64, scratch_operands = 0 : i64, tpu.core_type = #tpu.core_type<tc>, window_params = [{transform_indices = @transform_0, window_bounds = array<i64: 2000, 128>}, {transform_indices = @transform_1, window_bounds = array<i64: 2000, 128>}, {transform_indices = @transform_2, window_bounds = array<i64: 2000, 128>}, {pipeline_mode = #tpu.pipeline_mode<synchronous>, transform_indices = @transform_3, window_bounds = array<i64: 128, 128>}, {pipeline_mode = #tpu.pipeline_mode<synchronous>, transform_indices = @transform_4, window_bounds = array<i64: 1, 128>}, {pipeline_mode = #tpu.pipeline_mode<synchronous>, transform_indices = @transform_5, window_bounds = array<i64: 1, 128>}, {pipeline_mode = #tpu.pipeline_mode<synchronous>, transform_indices = @transform_6, window_bounds = array<i64: 1, 128>}, {transform_indices = @transform_7, window_bounds = array<i64: 2000, 128>}]} {
    %get3A = arith.constant 0 : index
    %get3A_0 = arith.constant 0 : index
    %get3A_1 = vector.load %arg1[%get3A, %get3A_0] : memref<2000x128xf32, #tpu.memory_space<vmem>>, vector<2000x128xf32>
    %get3A_2 = arith.constant 0 : index
    %get3A_3 = arith.constant 0 : index
    %get3A_4 = vector.load %arg3[%get3A_2, %get3A_3] : memref<2000x128xf32, #tpu.memory_space<vmem>>, vector<2000x128xf32>
    %add3A = arith.addf %get3A_1, %get3A_4 : vector<2000x128xf32>
    %get3A_5 = arith.constant 0 : index
    %get3A_6 = arith.constant 0 : index
    %get3A_7 = vector.load %arg5[%get3A_5, %get3A_6] : memref<1x128xf32, #tpu.memory_space<vmem>>, vector<1x128xf32>
    %add3A_8 = vector.broadcast %get3A_7 : vector<1x128xf32> to vector<2000x128xf32>
    %add3A_9 = arith.addf %add3A, %add3A_8 : vector<2000x128xf32>
    %get3A_10 = arith.constant 0 : index
    %get3A_11 = arith.constant 0 : index
    %get3A_12 = vector.load %arg2[%get3A_10, %get3A_11] : memref<2000x128xf32, #tpu.memory_space<vmem>>, vector<2000x128xf32>
    %get3A_13 = arith.constant 0 : index
    %get3A_14 = arith.constant 0 : index
    %get3A_15 = vector.load %arg4[%get3A_13, %get3A_14] : memref<128x128xf32, #tpu.memory_space<vmem>>, vector<128x128xf32>
    %dot_general3A = arith.constant dense<0.000000e+00> : vector<2000x128xf32>
    %dot_general3A_16 = tpu.matmul %get3A_12, %get3A_15, %dot_general3A {dimension_numbers = #tpu.dot_dimension_numbers<[1], [0], [0], [1], [0, 0, 1, 1], [], []>, transpose_lhs_hint = false} : vector<2000x128xf32>, vector<128x128xf32>, vector<2000x128xf32> -> vector<2000x128xf32>
    %add3A_17 = arith.addf %add3A_9, %dot_general3A_16 : vector<2000x128xf32>
    %reduce_sum3A = arith.constant dense<0.000000e+00> : vector<2000xf32>
    %reduce_sum3A_18 = vector.multi_reduction <add>, %add3A_17, %reduce_sum3A [1] : vector<2000x128xf32> to vector<2000xf32>
    %broadcast_in_dim3A = vector.shape_cast %reduce_sum3A_18 : vector<2000xf32> to vector<2000x1xf32>
    %div3A = arith.constant 1.280000e+02 : f32
    %div3A_19 = vector.broadcast %div3A : f32 to vector<2000x1xf32>
    %div3A_20 = arith.divf %broadcast_in_dim3A, %div3A_19 : vector<2000x1xf32>
    %sub3A = vector.broadcast %div3A_20 : vector<2000x1xf32> to vector<2000x128xf32>
    %sub3A_21 = arith.subf %add3A_17, %sub3A : vector<2000x128xf32>
    %mul3A = arith.mulf %sub3A_21, %sub3A_21 : vector<2000x128xf32>
    %reduce_sum3A_22 = arith.constant dense<0.000000e+00> : vector<2000xf32>
    %reduce_sum3A_23 = vector.multi_reduction <add>, %mul3A, %reduce_sum3A_22 [1] : vector<2000x128xf32> to vector<2000xf32>
    %broadcast_in_dim3A_24 = vector.shape_cast %reduce_sum3A_23 : vector<2000xf32> to vector<2000x1xf32>
    %div3A_25 = arith.constant 1.280000e+02 : f32
    %div3A_26 = vector.broadcast %div3A_25 : f32 to vector<2000x1xf32>
    %div3A_27 = arith.divf %broadcast_in_dim3A_24, %div3A_26 : vector<2000x1xf32>
    %add3A_28 = arith.constant 9.99999974E-6 : f32
    %add3A_29 = vector.broadcast %add3A_28 : f32 to vector<2000x1xf32>
    %add3A_30 = arith.addf %div3A_27, %add3A_29 : vector<2000x1xf32>
    %rsqrt3A = math.rsqrt %add3A_30 : vector<2000x1xf32>
    %mul3A_31 = vector.broadcast %rsqrt3A : vector<2000x1xf32> to vector<2000x128xf32>
    %mul3A_32 = arith.mulf %sub3A_21, %mul3A_31 : vector<2000x128xf32>
    %get3A_33 = arith.constant 0 : index
    %get3A_34 = arith.constant 0 : index
    %get3A_35 = vector.load %arg6[%get3A_33, %get3A_34] : memref<1x128xf32, #tpu.memory_space<vmem>>, vector<1x128xf32>
    %mul3A_36 = vector.broadcast %get3A_35 : vector<1x128xf32> to vector<2000x128xf32>
    %mul3A_37 = arith.mulf %mul3A_32, %mul3A_36 : vector<2000x128xf32>
    %get3A_38 = arith.constant 0 : index
    %get3A_39 = arith.constant 0 : index
    %get3A_40 = vector.load %arg7[%get3A_38, %get3A_39] : memref<1x128xf32, #tpu.memory_space<vmem>>, vector<1x128xf32>
    %add3A_41 = vector.broadcast %get3A_40 : vector<1x128xf32> to vector<2000x128xf32>
    %add3A_42 = arith.addf %mul3A_37, %add3A_41 : vector<2000x128xf32>
    %swap3A = arith.constant 0 : index
    %swap3A_43 = arith.constant 0 : index
    %swap3A_44 = vector.load %arg8[%swap3A, %swap3A_43] : memref<2000x128xf32, #tpu.memory_space<vmem>>, vector<2000x128xf32>
    tpu.vector_store %arg8[%swap3A, %swap3A_43], %add3A_42 {strides = array<i32>} : memref<2000x128xf32, #tpu.memory_space<vmem>>, vector<2000x128xf32>,
    return
  }
  func.func @transform_0(%arg0: i32) -> (i32, i32) {
    %c0_i32 = arith.constant 0 : i32
    %c0_i32_0 = arith.constant 0 : i32
    return %arg0, %c0_i32 : i32, i32
  }
  func.func @transform_1(%arg0: i32) -> (i32, i32) {
    %c0_i32 = arith.constant 0 : i32
    %c0_i32_0 = arith.constant 0 : i32
    return %arg0, %c0_i32 : i32, i32
  }
  func.func @transform_2(%arg0: i32) -> (i32, i32) {
    %c0_i32 = arith.constant 0 : i32
    %c0_i32_0 = arith.constant 0 : i32
    return %arg0, %c0_i32 : i32, i32
  }
  func.func @transform_3(%arg0: i32) -> (i32, i32) {
    %c0_i32 = arith.constant 0 : i32
    %c0_i32_0 = arith.constant 0 : i32
    %c0_i32_1 = arith.constant 0 : i32
    return %c0_i32, %c0_i32_0 : i32, i32
  }
  func.func @transform_4(%arg0: i32) -> (i32, i32) {
    %c0_i32 = arith.constant 0 : i32
    %c0_i32_0 = arith.constant 0 : i32
    %c0_i32_1 = arith.constant 0 : i32
    return %c0_i32, %c0_i32_0 : i32, i32
  }
  func.func @transform_5(%arg0: i32) -> (i32, i32) {
    %c0_i32 = arith.constant 0 : i32
    %c0_i32_0 = arith.constant 0 : i32
    %c0_i32_1 = arith.constant 0 : i32
    return %c0_i32, %c0_i32_0 : i32, i32
  }
  func.func @transform_6(%arg0: i32) -> (i32, i32) {
    %c0_i32 = arith.constant 0 : i32
    %c0_i32_0 = arith.constant 0 : i32
    %c0_i32_1 = arith.constant 0 : i32
    return %c0_i32, %c0_i32_0 : i32, i32
  }
  func.func @transform_7(%arg0: i32) -> (i32, i32) {
    %c0_i32 = arith.constant 0 : i32
    %c0_i32_0 = arith.constant 0 : i32
    return %arg0, %c0_i32 : i32, i32
  }
}

module attributes {stable_mosaic.version = 14 : i64} {
  func.func @_mul_body(%arg0: i32, %arg1: memref<2000x128xf32, #tpu.memory_space<vmem>>, %arg2: memref<2000x128xbf16, #tpu.memory_space<vmem>>, %arg3: memref<2000x128xf32, #tpu.memory_space<vmem>>) attributes {dimension_semantics = [#tpu.dimension_semantics<arbitrary>], iteration_bounds = array<i64: 160>, scalar_prefetch = 0 : i64, scratch_operands = 0 : i64, tpu.core_type = #tpu.core_type<tc>, window_params = [{transform_indices = @transform_0, window_bounds = array<i64: 2000, 128>}, {transform_indices = @transform_1, window_bounds = array<i64: 2000, 128>}, {transform_indices = @transform_2, window_bounds = array<i64: 2000, 128>}]} {
    %get3A = arith.constant 0 : index
    %get3A_0 = arith.constant 0 : index
    %get3A_1 = vector.load %arg1[%get3A, %get3A_0] : memref<2000x128xf32, #tpu.memory_space<vmem>>, vector<2000x128xf32>
    %get3A_2 = arith.constant 0 : index
    %get3A_3 = arith.constant 0 : index
    %get3A_4 = vector.load %arg2[%get3A_2, %get3A_3] : memref<2000x128xbf16, #tpu.memory_space<vmem>>, vector<2000x128xbf16>
    %convert_element_type3A = arith.extf %get3A_4 : vector<2000x128xbf16> to vector<2000x128xf32>
    %mul3A = arith.mulf %get3A_1, %convert_element_type3A : vector<2000x128xf32>
    %swap3A = arith.constant 0 : index
    %swap3A_5 = arith.constant 0 : index
    %swap3A_6 = vector.load %arg3[%swap3A, %swap3A_5] : memref<2000x128xf32, #tpu.memory_space<vmem>>, vector<2000x128xf32>
    tpu.vector_store %arg3[%swap3A, %swap3A_5], %mul3A {strides = array<i32>} : memref<2000x128xf32, #tpu.memory_space<vmem>>, vector<2000x128xf32>,
    return
  }
  func.func @transform_0(%arg0: i32) -> (i32, i32) {
    %c0_i32 = arith.constant 0 : i32
    %c0_i32_0 = arith.constant 0 : i32
    return %arg0, %c0_i32 : i32, i32
  }
  func.func @transform_1(%arg0: i32) -> (i32, i32) {
    %c0_i32 = arith.constant 0 : i32
    %c0_i32_0 = arith.constant 0 : i32
    return %arg0, %c0_i32 : i32, i32
  }
  func.func @transform_2(%arg0: i32) -> (i32, i32) {
    %c0_i32 = arith.constant 0 : i32
    %c0_i32_0 = arith.constant 0 : i32
    return %arg0, %c0_i32 : i32, i32
  }
}

module attributes {stable_mosaic.version = 14 : i64} {
  func.func @_node_update2_body(%arg0: i32, %arg1: memref<2000x128xf32, #tpu.memory_space<vmem>>, %arg2: memref<2000x128xf32, #tpu.memory_space<vmem>>, %arg3: memref<2000x128xf32, #tpu.memory_space<vmem>>, %arg4: memref<128x128xf32, #tpu.memory_space<vmem>>, %arg5: memref<1x128xf32, #tpu.memory_space<vmem>>, %arg6: memref<1x128xf32, #tpu.memory_space<vmem>>, %arg7: memref<1x128xf32, #tpu.memory_space<vmem>>, %arg8: memref<128x128xf32, #tpu.memory_space<vmem>>, %arg9: memref<128x128xf32, #tpu.memory_space<vmem>>, %arg10: memref<2000x128xf32, #tpu.memory_space<vmem>>, %arg11: memref<2000x128xf32, #tpu.memory_space<vmem>>, %arg12: memref<2000x128xf32, #tpu.memory_space<vmem>>) attributes {dimension_semantics = [#tpu.dimension_semantics<arbitrary>], iteration_bounds = array<i64: 5>, scalar_prefetch = 0 : i64, scratch_operands = 0 : i64, tpu.core_type = #tpu.core_type<tc>, window_params = [{transform_indices = @transform_0, window_bounds = array<i64: 2000, 128>}, {transform_indices = @transform_1, window_bounds = array<i64: 2000, 128>}, {transform_indices = @transform_2, window_bounds = array<i64: 2000, 128>}, {pipeline_mode = #tpu.pipeline_mode<synchronous>, transform_indices = @transform_3, window_bounds = array<i64: 128, 128>}, {pipeline_mode = #tpu.pipeline_mode<synchronous>, transform_indices = @transform_4, window_bounds = array<i64: 1, 128>}, {pipeline_mode = #tpu.pipeline_mode<synchronous>, transform_indices = @transform_5, window_bounds = array<i64: 1, 128>}, {pipeline_mode = #tpu.pipeline_mode<synchronous>, transform_indices = @transform_6, window_bounds = array<i64: 1, 128>}, {pipeline_mode = #tpu.pipeline_mode<synchronous>, transform_indices = @transform_7, window_bounds = array<i64: 128, 128>}, {pipeline_mode = #tpu.pipeline_mode<synchronous>, transform_indices = @transform_8, window_bounds = array<i64: 128, 128>}, {transform_indices = @transform_9, window_bounds = array<i64: 2000, 128>}, {transform_indices = @transform_10, window_bounds = array<i64: 2000, 128>}, {transform_indices = @transform_11, window_bounds = array<i64: 2000, 128>}]} {
    %get3A = arith.constant 0 : index
    %get3A_0 = arith.constant 0 : index
    %get3A_1 = vector.load %arg1[%get3A, %get3A_0] : memref<2000x128xf32, #tpu.memory_space<vmem>>, vector<2000x128xf32>
    %get3A_2 = arith.constant 0 : index
    %get3A_3 = arith.constant 0 : index
    %get3A_4 = vector.load %arg3[%get3A_2, %get3A_3] : memref<2000x128xf32, #tpu.memory_space<vmem>>, vector<2000x128xf32>
    %add3A = arith.addf %get3A_1, %get3A_4 : vector<2000x128xf32>
    %get3A_5 = arith.constant 0 : index
    %get3A_6 = arith.constant 0 : index
    %get3A_7 = vector.load %arg5[%get3A_5, %get3A_6] : memref<1x128xf32, #tpu.memory_space<vmem>>, vector<1x128xf32>
    %add3A_8 = vector.broadcast %get3A_7 : vector<1x128xf32> to vector<2000x128xf32>
    %add3A_9 = arith.addf %add3A, %add3A_8 : vector<2000x128xf32>
    %get3A_10 = arith.constant 0 : index
    %get3A_11 = arith.constant 0 : index
    %get3A_12 = vector.load %arg2[%get3A_10, %get3A_11] : memref<2000x128xf32, #tpu.memory_space<vmem>>, vector<2000x128xf32>
    %get3A_13 = arith.constant 0 : index
    %get3A_14 = arith.constant 0 : index
    %get3A_15 = vector.load %arg4[%get3A_13, %get3A_14] : memref<128x128xf32, #tpu.memory_space<vmem>>, vector<128x128xf32>
    %dot_general3A = arith.constant dense<0.000000e+00> : vector<2000x128xf32>
    %dot_general3A_16 = tpu.matmul %get3A_12, %get3A_15, %dot_general3A {dimension_numbers = #tpu.dot_dimension_numbers<[1], [0], [0], [1], [0, 0, 1, 1], [], []>, transpose_lhs_hint = false} : vector<2000x128xf32>, vector<128x128xf32>, vector<2000x128xf32> -> vector<2000x128xf32>
    %add3A_17 = arith.addf %add3A_9, %dot_general3A_16 : vector<2000x128xf32>
    %reduce_sum3A = arith.constant dense<0.000000e+00> : vector<2000xf32>
    %reduce_sum3A_18 = vector.multi_reduction <add>, %add3A_17, %reduce_sum3A [1] : vector<2000x128xf32> to vector<2000xf32>
    %broadcast_in_dim3A = vector.shape_cast %reduce_sum3A_18 : vector<2000xf32> to vector<2000x1xf32>
    %div3A = arith.constant 1.280000e+02 : f32
    %div3A_19 = vector.broadcast %div3A : f32 to vector<2000x1xf32>
    %div3A_20 = arith.divf %broadcast_in_dim3A, %div3A_19 : vector<2000x1xf32>
    %sub3A = vector.broadcast %div3A_20 : vector<2000x1xf32> to vector<2000x128xf32>
    %sub3A_21 = arith.subf %add3A_17, %sub3A : vector<2000x128xf32>
    %mul3A = arith.mulf %sub3A_21, %sub3A_21 : vector<2000x128xf32>
    %reduce_sum3A_22 = arith.constant dense<0.000000e+00> : vector<2000xf32>
    %reduce_sum3A_23 = vector.multi_reduction <add>, %mul3A, %reduce_sum3A_22 [1] : vector<2000x128xf32> to vector<2000xf32>
    %broadcast_in_dim3A_24 = vector.shape_cast %reduce_sum3A_23 : vector<2000xf32> to vector<2000x1xf32>
    %div3A_25 = arith.constant 1.280000e+02 : f32
    %div3A_26 = vector.broadcast %div3A_25 : f32 to vector<2000x1xf32>
    %div3A_27 = arith.divf %broadcast_in_dim3A_24, %div3A_26 : vector<2000x1xf32>
    %add3A_28 = arith.constant 9.99999974E-6 : f32
    %add3A_29 = vector.broadcast %add3A_28 : f32 to vector<2000x1xf32>
    %add3A_30 = arith.addf %div3A_27, %add3A_29 : vector<2000x1xf32>
    %rsqrt3A = math.rsqrt %add3A_30 : vector<2000x1xf32>
    %mul3A_31 = vector.broadcast %rsqrt3A : vector<2000x1xf32> to vector<2000x128xf32>
    %mul3A_32 = arith.mulf %sub3A_21, %mul3A_31 : vector<2000x128xf32>
    %get3A_33 = arith.constant 0 : index
    %get3A_34 = arith.constant 0 : index
    %get3A_35 = vector.load %arg6[%get3A_33, %get3A_34] : memref<1x128xf32, #tpu.memory_space<vmem>>, vector<1x128xf32>
    %mul3A_36 = vector.broadcast %get3A_35 : vector<1x128xf32> to vector<2000x128xf32>
    %mul3A_37 = arith.mulf %mul3A_32, %mul3A_36 : vector<2000x128xf32>
    %get3A_38 = arith.constant 0 : index
    %get3A_39 = arith.constant 0 : index
    %get3A_40 = vector.load %arg7[%get3A_38, %get3A_39] : memref<1x128xf32, #tpu.memory_space<vmem>>, vector<1x128xf32>
    %add3A_41 = vector.broadcast %get3A_40 : vector<1x128xf32> to vector<2000x128xf32>
    %add3A_42 = arith.addf %mul3A_37, %add3A_41 : vector<2000x128xf32>
    %swap3A = arith.constant 0 : index
    %swap3A_43 = arith.constant 0 : index
    %swap3A_44 = vector.load %arg10[%swap3A, %swap3A_43] : memref<2000x128xf32, #tpu.memory_space<vmem>>, vector<2000x128xf32>
    tpu.vector_store %arg10[%swap3A, %swap3A_43], %add3A_42 {strides = array<i32>} : memref<2000x128xf32, #tpu.memory_space<vmem>>, vector<2000x128xf32>,
    %get3A_45 = arith.constant 0 : index
    %get3A_46 = arith.constant 0 : index
    %get3A_47 = vector.load %arg8[%get3A_45, %get3A_46] : memref<128x128xf32, #tpu.memory_space<vmem>>, vector<128x128xf32>
    %dot_general3A_48 = arith.constant dense<0.000000e+00> : vector<2000x128xf32>
    %dot_general3A_49 = tpu.matmul %add3A_42, %get3A_47, %dot_general3A_48 {dimension_numbers = #tpu.dot_dimension_numbers<[1], [0], [0], [1], [0, 0, 1, 1], [], []>, transpose_lhs_hint = false} : vector<2000x128xf32>, vector<128x128xf32>, vector<2000x128xf32> -> vector<2000x128xf32>
    %swap3A_50 = arith.constant 0 : index
    %swap3A_51 = arith.constant 0 : index
    %swap3A_52 = vector.load %arg11[%swap3A_50, %swap3A_51] : memref<2000x128xf32, #tpu.memory_space<vmem>>, vector<2000x128xf32>
    tpu.vector_store %arg11[%swap3A_50, %swap3A_51], %dot_general3A_49 {strides = array<i32>} : memref<2000x128xf32, #tpu.memory_space<vmem>>, vector<2000x128xf32>,
    %get3A_53 = arith.constant 0 : index
    %get3A_54 = arith.constant 0 : index
    %get3A_55 = vector.load %arg9[%get3A_53, %get3A_54] : memref<128x128xf32, #tpu.memory_space<vmem>>, vector<128x128xf32>
    %dot_general3A_56 = arith.constant dense<0.000000e+00> : vector<2000x128xf32>
    %dot_general3A_57 = tpu.matmul %add3A_42, %get3A_55, %dot_general3A_56 {dimension_numbers = #tpu.dot_dimension_numbers<[1], [0], [0], [1], [0, 0, 1, 1], [], []>, transpose_lhs_hint = false} : vector<2000x128xf32>, vector<128x128xf32>, vector<2000x128xf32> -> vector<2000x128xf32>
    %swap3A_58 = arith.constant 0 : index
    %swap3A_59 = arith.constant 0 : index
    %swap3A_60 = vector.load %arg12[%swap3A_58, %swap3A_59] : memref<2000x128xf32, #tpu.memory_space<vmem>>, vector<2000x128xf32>
    tpu.vector_store %arg12[%swap3A_58, %swap3A_59], %dot_general3A_57 {strides = array<i32>} : memref<2000x128xf32, #tpu.memory_space<vmem>>, vector<2000x128xf32>,
    return
  }
  func.func @transform_0(%arg0: i32) -> (i32, i32) {
    %c0_i32 = arith.constant 0 : i32
    %c0_i32_0 = arith.constant 0 : i32
    return %arg0, %c0_i32 : i32, i32
  }
  func.func @transform_1(%arg0: i32) -> (i32, i32) {
    %c0_i32 = arith.constant 0 : i32
    %c0_i32_0 = arith.constant 0 : i32
    return %arg0, %c0_i32 : i32, i32
  }
  func.func @transform_2(%arg0: i32) -> (i32, i32) {
    %c0_i32 = arith.constant 0 : i32
    %c0_i32_0 = arith.constant 0 : i32
    return %arg0, %c0_i32 : i32, i32
  }
  func.func @transform_3(%arg0: i32) -> (i32, i32) {
    %c0_i32 = arith.constant 0 : i32
    %c0_i32_0 = arith.constant 0 : i32
    %c0_i32_1 = arith.constant 0 : i32
    return %c0_i32, %c0_i32_0 : i32, i32
  }
  func.func @transform_4(%arg0: i32) -> (i32, i32) {
    %c0_i32 = arith.constant 0 : i32
    %c0_i32_0 = arith.constant 0 : i32
    %c0_i32_1 = arith.constant 0 : i32
    return %c0_i32, %c0_i32_0 : i32, i32
  }
  func.func @transform_5(%arg0: i32) -> (i32, i32) {
    %c0_i32 = arith.constant 0 : i32
    %c0_i32_0 = arith.constant 0 : i32
    %c0_i32_1 = arith.constant 0 : i32
    return %c0_i32, %c0_i32_0 : i32, i32
  }
  func.func @transform_6(%arg0: i32) -> (i32, i32) {
    %c0_i32 = arith.constant 0 : i32
    %c0_i32_0 = arith.constant 0 : i32
    %c0_i32_1 = arith.constant 0 : i32
    return %c0_i32, %c0_i32_0 : i32, i32
  }
  func.func @transform_7(%arg0: i32) -> (i32, i32) {
    %c0_i32 = arith.constant 0 : i32
    %c0_i32_0 = arith.constant 0 : i32
    %c0_i32_1 = arith.constant 0 : i32
    return %c0_i32, %c0_i32_0 : i32, i32
  }
  func.func @transform_8(%arg0: i32) -> (i32, i32) {
    %c0_i32 = arith.constant 0 : i32
    %c0_i32_0 = arith.constant 0 : i32
    %c0_i32_1 = arith.constant 0 : i32
    return %c0_i32, %c0_i32_0 : i32, i32
  }
  func.func @transform_9(%arg0: i32) -> (i32, i32) {
    %c0_i32 = arith.constant 0 : i32
    %c0_i32_0 = arith.constant 0 : i32
    return %arg0, %c0_i32 : i32, i32
  }
  func.func @transform_10(%arg0: i32) -> (i32, i32) {
    %c0_i32 = arith.constant 0 : i32
    %c0_i32_0 = arith.constant 0 : i32
    return %arg0, %c0_i32 : i32, i32
  }
  func.func @transform_11(%arg0: i32) -> (i32, i32) {
    %c0_i32 = arith.constant 0 : i32
    %c0_i32_0 = arith.constant 0 : i32
    return %arg0, %c0_i32 : i32, i32
  }
}

module attributes {stable_mosaic.version = 14 : i64} {
  func.func @_context_gate_body(%arg0: i32, %arg1: memref<2000x128xf32, #tpu.memory_space<vmem>>, %arg2: memref<1x1x2000xi32, #tpu.memory_space<vmem>>, %arg3: memref<128x128xf32, #tpu.memory_space<vmem>>, %arg4: memref<1x128xf32, #tpu.memory_space<vmem>>, %arg5: memref<128x128xf32, #tpu.memory_space<vmem>>, %arg6: memref<1x128xf32, #tpu.memory_space<vmem>>, %arg7: memref<64x128xf32, #tpu.memory_space<vmem>>, %arg8: memref<64x128xf32, #tpu.memory_space<vmem>>, %arg9: memref<64x128xf32, #tpu.memory_space<vmem>>) attributes {dimension_semantics = [#tpu.dimension_semantics<arbitrary>], iteration_bounds = array<i64: 5>, scalar_prefetch = 0 : i64, scratch_operands = 2 : i64, tpu.core_type = #tpu.core_type<tc>, window_params = [{transform_indices = @transform_0, window_bounds = array<i64: 2000, 128>}, {transform_indices = @transform_1, window_bounds = array<i64: 1, 1, 2000>}, {pipeline_mode = #tpu.pipeline_mode<synchronous>, transform_indices = @transform_2, window_bounds = array<i64: 128, 128>}, {pipeline_mode = #tpu.pipeline_mode<synchronous>, transform_indices = @transform_3, window_bounds = array<i64: 1, 128>}, {pipeline_mode = #tpu.pipeline_mode<synchronous>, transform_indices = @transform_4, window_bounds = array<i64: 128, 128>}, {pipeline_mode = #tpu.pipeline_mode<synchronous>, transform_indices = @transform_5, window_bounds = array<i64: 1, 128>}, {pipeline_mode = #tpu.pipeline_mode<synchronous>, transform_indices = @transform_6, window_bounds = array<i64: 64, 128>}]} {
    %eq3A = arith.constant 0 : i32
    %eq3A_0 = arith.cmpi eq, %arg0, %eq3A : i32
    %convert_element_type3A = arith.extui %eq3A_0 : i1 to i32
    %cond3A = arith.constant 0 : i32
    %cond3A_1 = arith.cmpi ne, %convert_element_type3A, %cond3A : i32
    scf.if %cond3A_1 {
      %broadcast_in_dim3A_34 = arith.constant 0.000000e+00 : f32
      %broadcast_in_dim3A_35 = vector.broadcast %broadcast_in_dim3A_34 : f32 to vector<64x128xf32>
      %swap3A_36 = arith.constant 0 : index
      %swap3A_37 = arith.constant 0 : index
      %swap3A_38 = vector.load %arg8[%swap3A_36, %swap3A_37] : memref<64x128xf32, #tpu.memory_space<vmem>>, vector<64x128xf32>
      tpu.vector_store %arg8[%swap3A_36, %swap3A_37], %broadcast_in_dim3A_35 {strides = array<i32>} : memref<64x128xf32, #tpu.memory_space<vmem>>, vector<64x128xf32>,
      %broadcast_in_dim3A_39 = arith.constant 0.000000e+00 : f32
      %broadcast_in_dim3A_40 = vector.broadcast %broadcast_in_dim3A_39 : f32 to vector<64x128xf32>
      %swap3A_41 = arith.constant 0 : index
      %swap3A_42 = arith.constant 0 : index
      %swap3A_43 = vector.load %arg9[%swap3A_41, %swap3A_42] : memref<64x128xf32, #tpu.memory_space<vmem>>, vector<64x128xf32>
      tpu.vector_store %arg9[%swap3A_41, %swap3A_42], %broadcast_in_dim3A_40 {strides = array<i32>} : memref<64x128xf32, #tpu.memory_space<vmem>>, vector<64x128xf32>,
    } else {
    }
    %get3A = arith.constant 0 : index
    %get3A_2 = arith.constant 0 : index
    %get3A_3 = arith.constant 0 : index
    %get3A_4 = vector.load %arg2[%get3A, %get3A_2, %get3A_3] : memref<1x1x2000xi32, #tpu.memory_space<vmem>>, vector<1x1x2000xi32>
    %get3A_5 = vector.shape_cast %get3A_4 : vector<1x1x2000xi32> to vector<1x2000xi32>
    %iota3A = tpu.iota {dimensions = array<i32: 0>} : vector<64x2000xi32>
    %eq3A_6 = vector.broadcast %get3A_5 : vector<1x2000xi32> to vector<64x2000xi32>
    %eq3A_7 = arith.cmpi eq, %eq3A_6, %iota3A : vector<64x2000xi32>
    %convert_element_type3A_8 = arith.extui %eq3A_7 : vector<64x2000xi1> to vector<64x2000xi32>
    %convert_element_type3A_9 = arith.sitofp %convert_element_type3A_8 : vector<64x2000xi32> to vector<64x2000xf32>
    %get3A_10 = arith.constant 0 : index
    %get3A_11 = arith.constant 0 : index
    %get3A_12 = vector.load %arg8[%get3A_10, %get3A_11] : memref<64x128xf32, #tpu.memory_space<vmem>>, vector<64x128xf32>
    %get3A_13 = arith.constant 0 : index
    %get3A_14 = arith.constant 0 : index
    %get3A_15 = vector.load %arg1[%get3A_13, %get3A_14] : memref<2000x128xf32, #tpu.memory_space<vmem>>, vector<2000x128xf32>
    %dot_general3A = arith.constant dense<0.000000e+00> : vector<64x128xf32>
    %dot_general3A_16 = tpu.matmul %convert_element_type3A_9, %get3A_15, %dot_general3A {dimension_numbers = #tpu.dot_dimension_numbers<[1], [0], [0], [1], [0, 0, 1, 1], [], []>, transpose_lhs_hint = false} : vector<64x2000xf32>, vector<2000x128xf32>, vector<64x128xf32> -> vector<64x128xf32>
    %add3A = arith.addf %get3A_12, %dot_general3A_16 : vector<64x128xf32>
    %swap3A = arith.constant 0 : index
    %swap3A_17 = arith.constant 0 : index
    %swap3A_18 = vector.load %arg8[%swap3A, %swap3A_17] : memref<64x128xf32, #tpu.memory_space<vmem>>, vector<64x128xf32>
    tpu.vector_store %arg8[%swap3A, %swap3A_17], %add3A {strides = array<i32>} : memref<64x128xf32, #tpu.memory_space<vmem>>, vector<64x128xf32>,
    %get3A_19 = arith.constant 0 : index
    %get3A_20 = arith.constant 0 : index
    %get3A_21 = vector.load %arg9[%get3A_19, %get3A_20] : memref<64x128xf32, #tpu.memory_space<vmem>>, vector<64x128xf32>
    %reduce_sum3A = arith.constant dense<0.000000e+00> : vector<64xf32>
    %reduce_sum3A_22 = vector.multi_reduction <add>, %convert_element_type3A_9, %reduce_sum3A [1] : vector<64x2000xf32> to vector<64xf32>
    %broadcast_in_dim3A = vector.shape_cast %reduce_sum3A_22 : vector<64xf32> to vector<64x1xf32>
    %broadcast_in_dim3A_23 = vector.shape_cast %broadcast_in_dim3A : vector<64x1xf32> to vector<64x1xf32>
    %broadcast_in_dim3A_24 = vector.broadcast %broadcast_in_dim3A_23 : vector<64x1xf32> to vector<64x128xf32>
    %add3A_25 = arith.addf %get3A_21, %broadcast_in_dim3A_24 : vector<64x128xf32>
    %swap3A_26 = arith.constant 0 : index
    %swap3A_27 = arith.constant 0 : index
    %swap3A_28 = vector.load %arg9[%swap3A_26, %swap3A_27] : memref<64x128xf32, #tpu.memory_space<vmem>>, vector<64x128xf32>
    tpu.vector_store %arg9[%swap3A_26, %swap3A_27], %add3A_25 {strides = array<i32>} : memref<64x128xf32, #tpu.memory_space<vmem>>, vector<64x128xf32>,
    %eq3A_29 = arith.constant 4 : i32
    %eq3A_30 = arith.cmpi eq, %arg0, %eq3A_29 : i32
    %convert_element_type3A_31 = arith.extui %eq3A_30 : i1 to i32
    %cond3A_32 = arith.constant 0 : i32
    %cond3A_33 = arith.cmpi ne, %convert_element_type3A_31, %cond3A_32 : i32
    scf.if %cond3A_33 {
      %get3A_34 = arith.constant 0 : index
      %get3A_35 = arith.constant 0 : index
      %get3A_36 = vector.load %arg8[%get3A_34, %get3A_35] : memref<64x128xf32, #tpu.memory_space<vmem>>, vector<64x128xf32>
      %get3A_37 = arith.constant 0 : index
      %get3A_38 = arith.constant 0 : index
      %get3A_39 = vector.load %arg9[%get3A_37, %get3A_38] : memref<64x128xf32, #tpu.memory_space<vmem>>, vector<64x128xf32>
      %max3A = arith.constant 1.000000e+00 : f32
      %max3A_40 = vector.broadcast %max3A : f32 to vector<64x128xf32>
      %max3A_41 = arith.maximumf %get3A_39, %max3A_40 : vector<64x128xf32>
      %div3A = arith.divf %get3A_36, %max3A_41 : vector<64x128xf32>
      %get3A_42 = arith.constant 0 : index
      %get3A_43 = arith.constant 0 : index
      %get3A_44 = vector.load %arg3[%get3A_42, %get3A_43] : memref<128x128xf32, #tpu.memory_space<vmem>>, vector<128x128xf32>
      %dot_general3A_45 = arith.constant dense<0.000000e+00> : vector<64x128xf32>
      %dot_general3A_46 = tpu.matmul %div3A, %get3A_44, %dot_general3A_45 {dimension_numbers = #tpu.dot_dimension_numbers<[1], [0], [0], [1], [0, 0, 1, 1], [], []>, transpose_lhs_hint = false} : vector<64x128xf32>, vector<128x128xf32>, vector<64x128xf32> -> vector<64x128xf32>
      %get3A_47 = arith.constant 0 : index
      %get3A_48 = arith.constant 0 : index
      %get3A_49 = vector.load %arg4[%get3A_47, %get3A_48] : memref<1x128xf32, #tpu.memory_space<vmem>>, vector<1x128xf32>
      %add3A_50 = vector.broadcast %get3A_49 : vector<1x128xf32> to vector<64x128xf32>
      %add3A_51 = arith.addf %dot_general3A_46, %add3A_50 : vector<64x128xf32>
      %max3A_52 = arith.constant 0.000000e+00 : f32
      %max3A_53 = vector.broadcast %max3A_52 : f32 to vector<64x128xf32>
      %max3A_54 = arith.maximumf %add3A_51, %max3A_53 : vector<64x128xf32>
      %get3A_55 = arith.constant 0 : index
      %get3A_56 = arith.constant 0 : index
      %get3A_57 = vector.load %arg5[%get3A_55, %get3A_56] : memref<128x128xf32, #tpu.memory_space<vmem>>, vector<128x128xf32>
      %dot_general3A_58 = arith.constant dense<0.000000e+00> : vector<64x128xf32>
      %dot_general3A_59 = tpu.matmul %max3A_54, %get3A_57, %dot_general3A_58 {dimension_numbers = #tpu.dot_dimension_numbers<[1], [0], [0], [1], [0, 0, 1, 1], [], []>, transpose_lhs_hint = false} : vector<64x128xf32>, vector<128x128xf32>, vector<64x128xf32> -> vector<64x128xf32>
      %get3A_60 = arith.constant 0 : index
      %get3A_61 = arith.constant 0 : index
      %get3A_62 = vector.load %arg6[%get3A_60, %get3A_61] : memref<1x128xf32, #tpu.memory_space<vmem>>, vector<1x128xf32>
      %add3A_63 = vector.broadcast %get3A_62 : vector<1x128xf32> to vector<64x128xf32>
      %add3A_64 = arith.addf %dot_general3A_59, %add3A_63 : vector<64x128xf32>
      %neg3A = arith.constant 0.000000e+00 : f32
      %neg3A_65 = vector.broadcast %neg3A : f32 to vector<64x128xf32>
      %neg3A_66 = arith.subf %neg3A_65, %add3A_64 : vector<64x128xf32>
      %exp3A = math.exp %neg3A_66 : vector<64x128xf32>
      %add3A_67 = arith.constant 1.000000e+00 : f32
      %add3A_68 = vector.broadcast %add3A_67 : f32 to vector<64x128xf32>
      %add3A_69 = arith.addf %add3A_68, %exp3A : vector<64x128xf32>
      %div3A_70 = arith.constant 1.000000e+00 : f32
      %div3A_71 = vector.broadcast %div3A_70 : f32 to vector<64x128xf32>
      %div3A_72 = arith.divf %div3A_71, %add3A_69 : vector<64x128xf32>
      %swap3A_73 = arith.constant 0 : index
      %swap3A_74 = arith.constant 0 : index
      %swap3A_75 = vector.load %arg7[%swap3A_73, %swap3A_74] : memref<64x128xf32, #tpu.memory_space<vmem>>, vector<64x128xf32>
      tpu.vector_store %arg7[%swap3A_73, %swap3A_74], %div3A_72 {strides = array<i32>} : memref<64x128xf32, #tpu.memory_space<vmem>>, vector<64x128xf32>,
    } else {
    }
    return
  }
  func.func @transform_0(%arg0: i32) -> (i32, i32) {
    %c0_i32 = arith.constant 0 : i32
    %c0_i32_0 = arith.constant 0 : i32
    return %arg0, %c0_i32 : i32, i32
  }
  func.func @transform_1(%arg0: i32) -> (i32, i32, i32) {
    %c0_i32 = arith.constant 0 : i32
    %c0_i32_0 = arith.constant 0 : i32
    %c0_i32_1 = arith.constant 0 : i32
    return %arg0, %c0_i32, %c0_i32_0 : i32, i32, i32
  }
  func.func @transform_2(%arg0: i32) -> (i32, i32) {
    %c0_i32 = arith.constant 0 : i32
    %c0_i32_0 = arith.constant 0 : i32
    %c0_i32_1 = arith.constant 0 : i32
    return %c0_i32, %c0_i32_0 : i32, i32
  }
  func.func @transform_3(%arg0: i32) -> (i32, i32) {
    %c0_i32 = arith.constant 0 : i32
    %c0_i32_0 = arith.constant 0 : i32
    %c0_i32_1 = arith.constant 0 : i32
    return %c0_i32, %c0_i32_0 : i32, i32
  }
  func.func @transform_4(%arg0: i32) -> (i32, i32) {
    %c0_i32 = arith.constant 0 : i32
    %c0_i32_0 = arith.constant 0 : i32
    %c0_i32_1 = arith.constant 0 : i32
    return %c0_i32, %c0_i32_0 : i32, i32
  }
  func.func @transform_5(%arg0: i32) -> (i32, i32) {
    %c0_i32 = arith.constant 0 : i32
    %c0_i32_0 = arith.constant 0 : i32
    %c0_i32_1 = arith.constant 0 : i32
    return %c0_i32, %c0_i32_0 : i32, i32
  }
  func.func @transform_6(%arg0: i32) -> (i32, i32) {
    %c0_i32 = arith.constant 0 : i32
    %c0_i32_0 = arith.constant 0 : i32
    %c0_i32_1 = arith.constant 0 : i32
    return %c0_i32, %c0_i32_0 : i32, i32
  }
}

module attributes {stable_mosaic.version = 14 : i64} {
  func.func @_apply_gate_body(%arg0: i32, %arg1: memref<2000x128xf32, #tpu.memory_space<vmem>>, %arg2: memref<1x1x2000xi32, #tpu.memory_space<vmem>>, %arg3: memref<64x128xf32, #tpu.memory_space<vmem>>, %arg4: memref<2000x128xf32, #tpu.memory_space<vmem>>) attributes {dimension_semantics = [#tpu.dimension_semantics<arbitrary>], iteration_bounds = array<i64: 5>, scalar_prefetch = 0 : i64, scratch_operands = 0 : i64, tpu.core_type = #tpu.core_type<tc>, window_params = [{transform_indices = @transform_0, window_bounds = array<i64: 2000, 128>}, {transform_indices = @transform_1, window_bounds = array<i64: 1, 1, 2000>}, {pipeline_mode = #tpu.pipeline_mode<synchronous>, transform_indices = @transform_2, window_bounds = array<i64: 64, 128>}, {transform_indices = @transform_3, window_bounds = array<i64: 2000, 128>}]} {
    %get3A = arith.constant 0 : index
    %get3A_0 = arith.constant 0 : index
    %get3A_1 = arith.constant 0 : index
    %get3A_2 = vector.load %arg2[%get3A, %get3A_0, %get3A_1] : memref<1x1x2000xi32, #tpu.memory_space<vmem>>, vector<1x1x2000xi32>
    %get3A_3 = vector.shape_cast %get3A_2 : vector<1x1x2000xi32> to vector<1x2000xi32>
    %reshape3A = vector.shape_cast %get3A_3 : vector<1x2000xi32> to vector<2000x1xi32>
    %iota3A = tpu.iota {dimensions = array<i32: 1>} : vector<2000x64xi32>
    %eq3A = vector.broadcast %reshape3A : vector<2000x1xi32> to vector<2000x64xi32>
    %eq3A_4 = arith.cmpi eq, %eq3A, %iota3A : vector<2000x64xi32>
    %convert_element_type3A = arith.extui %eq3A_4 : vector<2000x64xi1> to vector<2000x64xi32>
    %convert_element_type3A_5 = arith.sitofp %convert_element_type3A : vector<2000x64xi32> to vector<2000x64xf32>
    %get3A_6 = arith.constant 0 : index
    %get3A_7 = arith.constant 0 : index
    %get3A_8 = vector.load %arg3[%get3A_6, %get3A_7] : memref<64x128xf32, #tpu.memory_space<vmem>>, vector<64x128xf32>
    %dot_general3A = arith.constant dense<0.000000e+00> : vector<2000x128xf32>
    %dot_general3A_9 = tpu.matmul %convert_element_type3A_5, %get3A_8, %dot_general3A {dimension_numbers = #tpu.dot_dimension_numbers<[1], [0], [0], [1], [0, 0, 1, 1], [], []>, transpose_lhs_hint = false} : vector<2000x64xf32>, vector<64x128xf32>, vector<2000x128xf32> -> vector<2000x128xf32>
    %get3A_10 = arith.constant 0 : index
    %get3A_11 = arith.constant 0 : index
    %get3A_12 = vector.load %arg1[%get3A_10, %get3A_11] : memref<2000x128xf32, #tpu.memory_space<vmem>>, vector<2000x128xf32>
    %mul3A = arith.mulf %get3A_12, %dot_general3A_9 : vector<2000x128xf32>
    %swap3A = arith.constant 0 : index
    %swap3A_13 = arith.constant 0 : index
    %swap3A_14 = vector.load %arg4[%swap3A, %swap3A_13] : memref<2000x128xf32, #tpu.memory_space<vmem>>, vector<2000x128xf32>
    tpu.vector_store %arg4[%swap3A, %swap3A_13], %mul3A {strides = array<i32>} : memref<2000x128xf32, #tpu.memory_space<vmem>>, vector<2000x128xf32>,
    return
  }
  func.func @transform_0(%arg0: i32) -> (i32, i32) {
    %c0_i32 = arith.constant 0 : i32
    %c0_i32_0 = arith.constant 0 : i32
    return %arg0, %c0_i32 : i32, i32
  }
  func.func @transform_1(%arg0: i32) -> (i32, i32, i32) {
    %c0_i32 = arith.constant 0 : i32
    %c0_i32_0 = arith.constant 0 : i32
    %c0_i32_1 = arith.constant 0 : i32
    return %arg0, %c0_i32, %c0_i32_0 : i32, i32, i32
  }
  func.func @transform_2(%arg0: i32) -> (i32, i32) {
    %c0_i32 = arith.constant 0 : i32
    %c0_i32_0 = arith.constant 0 : i32
    %c0_i32_1 = arith.constant 0 : i32
    return %c0_i32, %c0_i32_0 : i32, i32
  }
  func.func @transform_3(%arg0: i32) -> (i32, i32) {
    %c0_i32 = arith.constant 0 : i32
    %c0_i32_0 = arith.constant 0 : i32
    return %arg0, %c0_i32 : i32, i32
  }
}

module attributes {stable_mosaic.version = 14 : i64} {
  func.func @_edge_mlp_body(%arg0: i32, %arg1: memref<2000x128xf32, #tpu.memory_space<vmem>>, %arg2: memref<2000x128xf32, #tpu.memory_space<vmem>>, %arg3: memref<2000x128xf32, #tpu.memory_space<vmem>>, %arg4: memref<128x128xf32, #tpu.memory_space<vmem>>, %arg5: memref<1x128xf32, #tpu.memory_space<vmem>>, %arg6: memref<128x128xf32, #tpu.memory_space<vmem>>, %arg7: memref<1x128xf32, #tpu.memory_space<vmem>>, %arg8: memref<1x128xf32, #tpu.memory_space<vmem>>, %arg9: memref<1x128xf32, #tpu.memory_space<vmem>>, %arg10: memref<2000x128xf32, #tpu.memory_space<vmem>>) attributes {dimension_semantics = [#tpu.dimension_semantics<arbitrary>], iteration_bounds = array<i64: 160>, scalar_prefetch = 0 : i64, scratch_operands = 0 : i64, tpu.core_type = #tpu.core_type<tc>, window_params = [{transform_indices = @transform_0, window_bounds = array<i64: 2000, 128>}, {transform_indices = @transform_1, window_bounds = array<i64: 2000, 128>}, {transform_indices = @transform_2, window_bounds = array<i64: 2000, 128>}, {pipeline_mode = #tpu.pipeline_mode<synchronous>, transform_indices = @transform_3, window_bounds = array<i64: 128, 128>}, {pipeline_mode = #tpu.pipeline_mode<synchronous>, transform_indices = @transform_4, window_bounds = array<i64: 1, 128>}, {pipeline_mode = #tpu.pipeline_mode<synchronous>, transform_indices = @transform_5, window_bounds = array<i64: 128, 128>}, {pipeline_mode = #tpu.pipeline_mode<synchronous>, transform_indices = @transform_6, window_bounds = array<i64: 1, 128>}, {pipeline_mode = #tpu.pipeline_mode<synchronous>, transform_indices = @transform_7, window_bounds = array<i64: 1, 128>}, {pipeline_mode = #tpu.pipeline_mode<synchronous>, transform_indices = @transform_8, window_bounds = array<i64: 1, 128>}, {transform_indices = @transform_9, window_bounds = array<i64: 2000, 128>}]} {
    %get3A = arith.constant 0 : index
    %get3A_0 = arith.constant 0 : index
    %get3A_1 = vector.load %arg3[%get3A, %get3A_0] : memref<2000x128xf32, #tpu.memory_space<vmem>>, vector<2000x128xf32>
    %get3A_2 = arith.constant 0 : index
    %get3A_3 = arith.constant 0 : index
    %get3A_4 = vector.load %arg1[%get3A_2, %get3A_3] : memref<2000x128xf32, #tpu.memory_space<vmem>>, vector<2000x128xf32>
    %get3A_5 = arith.constant 0 : index
    %get3A_6 = arith.constant 0 : index
    %get3A_7 = vector.load %arg2[%get3A_5, %get3A_6] : memref<2000x128xf32, #tpu.memory_space<vmem>>, vector<2000x128xf32>
    %add3A = arith.addf %get3A_4, %get3A_7 : vector<2000x128xf32>
    %get3A_8 = arith.constant 0 : index
    %get3A_9 = arith.constant 0 : index
    %get3A_10 = vector.load %arg5[%get3A_8, %get3A_9] : memref<1x128xf32, #tpu.memory_space<vmem>>, vector<1x128xf32>
    %add3A_11 = vector.broadcast %get3A_10 : vector<1x128xf32> to vector<2000x128xf32>
    %add3A_12 = arith.addf %add3A, %add3A_11 : vector<2000x128xf32>
    %get3A_13 = arith.constant 0 : index
    %get3A_14 = arith.constant 0 : index
    %get3A_15 = vector.load %arg4[%get3A_13, %get3A_14] : memref<128x128xf32, #tpu.memory_space<vmem>>, vector<128x128xf32>
    %dot_general3A = arith.constant dense<0.000000e+00> : vector<2000x128xf32>
    %dot_general3A_16 = tpu.matmul %get3A_1, %get3A_15, %dot_general3A {dimension_numbers = #tpu.dot_dimension_numbers<[1], [0], [0], [1], [0, 0, 1, 1], [], []>, transpose_lhs_hint = false} : vector<2000x128xf32>, vector<128x128xf32>, vector<2000x128xf32> -> vector<2000x128xf32>
    %add3A_17 = arith.addf %add3A_12, %dot_general3A_16 : vector<2000x128xf32>
    %mul3A = arith.constant 5.000000e-01 : f32
    %mul3A_18 = vector.broadcast %mul3A : f32 to vector<2000x128xf32>
    %mul3A_19 = arith.mulf %mul3A_18, %add3A_17 : vector<2000x128xf32>
    %sqrt3A = arith.constant 2.000000e+00 : f32
    %sqrt3A_20 = math.sqrt %sqrt3A : f32
    %div3A = arith.constant 1.000000e+00 : f32
    %div3A_21 = arith.divf %div3A, %sqrt3A_20 : f32
    %mul3A_22 = vector.broadcast %div3A_21 : f32 to vector<2000x128xf32>
    %mul3A_23 = arith.mulf %add3A_17, %mul3A_22 : vector<2000x128xf32>
    %erf3A = math.erf %mul3A_23 : vector<2000x128xf32>
    %add3A_24 = arith.constant 1.000000e+00 : f32
    %add3A_25 = vector.broadcast %add3A_24 : f32 to vector<2000x128xf32>
    %add3A_26 = arith.addf %add3A_25, %erf3A : vector<2000x128xf32>
    %mul3A_27 = arith.mulf %mul3A_19, %add3A_26 : vector<2000x128xf32>
    %get3A_28 = arith.constant 0 : index
    %get3A_29 = arith.constant 0 : index
    %get3A_30 = vector.load %arg6[%get3A_28, %get3A_29] : memref<128x128xf32, #tpu.memory_space<vmem>>, vector<128x128xf32>
    %dot_general3A_31 = arith.constant dense<0.000000e+00> : vector<2000x128xf32>
    %dot_general3A_32 = tpu.matmul %mul3A_27, %get3A_30, %dot_general3A_31 {dimension_numbers = #tpu.dot_dimension_numbers<[1], [0], [0], [1], [0, 0, 1, 1], [], []>, transpose_lhs_hint = false} : vector<2000x128xf32>, vector<128x128xf32>, vector<2000x128xf32> -> vector<2000x128xf32>
    %get3A_33 = arith.constant 0 : index
    %get3A_34 = arith.constant 0 : index
    %get3A_35 = vector.load %arg7[%get3A_33, %get3A_34] : memref<1x128xf32, #tpu.memory_space<vmem>>, vector<1x128xf32>
    %add3A_36 = vector.broadcast %get3A_35 : vector<1x128xf32> to vector<2000x128xf32>
    %add3A_37 = arith.addf %dot_general3A_32, %add3A_36 : vector<2000x128xf32>
    %get3A_38 = arith.constant 0 : index
    %get3A_39 = arith.constant 0 : index
    %get3A_40 = vector.load %arg8[%get3A_38, %get3A_39] : memref<1x128xf32, #tpu.memory_space<vmem>>, vector<1x128xf32>
    %sqrt3A_41 = arith.constant 1.000010e+00 : f32
    %sqrt3A_42 = math.sqrt %sqrt3A_41 : f32
    %div3A_43 = arith.constant 1.000000e+00 : f32
    %div3A_44 = arith.divf %div3A_43, %sqrt3A_42 : f32
    %mul3A_45 = vector.broadcast %div3A_44 : f32 to vector<1x128xf32>
    %mul3A_46 = arith.mulf %get3A_40, %mul3A_45 : vector<1x128xf32>
    %add3A_47 = arith.addf %get3A_1, %add3A_37 : vector<2000x128xf32>
    %mul3A_48 = vector.broadcast %mul3A_46 : vector<1x128xf32> to vector<2000x128xf32>
    %mul3A_49 = arith.mulf %add3A_47, %mul3A_48 : vector<2000x128xf32>
    %get3A_50 = arith.constant 0 : index
    %get3A_51 = arith.constant 0 : index
    %get3A_52 = vector.load %arg9[%get3A_50, %get3A_51] : memref<1x128xf32, #tpu.memory_space<vmem>>, vector<1x128xf32>
    %add3A_53 = vector.broadcast %get3A_52 : vector<1x128xf32> to vector<2000x128xf32>
    %add3A_54 = arith.addf %mul3A_49, %add3A_53 : vector<2000x128xf32>
    %swap3A = arith.constant 0 : index
    %swap3A_55 = arith.constant 0 : index
    %swap3A_56 = vector.load %arg10[%swap3A, %swap3A_55] : memref<2000x128xf32, #tpu.memory_space<vmem>>, vector<2000x128xf32>
    tpu.vector_store %arg10[%swap3A, %swap3A_55], %add3A_54 {strides = array<i32>} : memref<2000x128xf32, #tpu.memory_space<vmem>>, vector<2000x128xf32>,
    return
  }
  func.func @transform_0(%arg0: i32) -> (i32, i32) {
    %c0_i32 = arith.constant 0 : i32
    %c0_i32_0 = arith.constant 0 : i32
    return %arg0, %c0_i32 : i32, i32
  }
  func.func @transform_1(%arg0: i32) -> (i32, i32) {
    %c0_i32 = arith.constant 0 : i32
    %c0_i32_0 = arith.constant 0 : i32
    return %arg0, %c0_i32 : i32, i32
  }
  func.func @transform_2(%arg0: i32) -> (i32, i32) {
    %c0_i32 = arith.constant 0 : i32
    %c0_i32_0 = arith.constant 0 : i32
    return %arg0, %c0_i32 : i32, i32
  }
  func.func @transform_3(%arg0: i32) -> (i32, i32) {
    %c0_i32 = arith.constant 0 : i32
    %c0_i32_0 = arith.constant 0 : i32
    %c0_i32_1 = arith.constant 0 : i32
    return %c0_i32, %c0_i32_0 : i32, i32
  }
  func.func @transform_4(%arg0: i32) -> (i32, i32) {
    %c0_i32 = arith.constant 0 : i32
    %c0_i32_0 = arith.constant 0 : i32
    %c0_i32_1 = arith.constant 0 : i32
    return %c0_i32, %c0_i32_0 : i32, i32
  }
  func.func @transform_5(%arg0: i32) -> (i32, i32) {
    %c0_i32 = arith.constant 0 : i32
    %c0_i32_0 = arith.constant 0 : i32
    %c0_i32_1 = arith.constant 0 : i32
    return %c0_i32, %c0_i32_0 : i32, i32
  }
  func.func @transform_6(%arg0: i32) -> (i32, i32) {
    %c0_i32 = arith.constant 0 : i32
    %c0_i32_0 = arith.constant 0 : i32
    %c0_i32_1 = arith.constant 0 : i32
    return %c0_i32, %c0_i32_0 : i32, i32
  }
  func.func @transform_7(%arg0: i32) -> (i32, i32) {
    %c0_i32 = arith.constant 0 : i32
    %c0_i32_0 = arith.constant 0 : i32
    %c0_i32_1 = arith.constant 0 : i32
    return %c0_i32, %c0_i32_0 : i32, i32
  }
  func.func @transform_8(%arg0: i32) -> (i32, i32) {
    %c0_i32 = arith.constant 0 : i32
    %c0_i32_0 = arith.constant 0 : i32
    %c0_i32_1 = arith.constant 0 : i32
    return %c0_i32, %c0_i32_0 : i32, i32
  }
  func.func @transform_9(%arg0: i32) -> (i32, i32) {
    %c0_i32 = arith.constant 0 : i32
    %c0_i32_0 = arith.constant 0 : i32
    return %arg0, %c0_i32 : i32, i32
  }
}

</mosaic_0001>

<sc_bundles>
// kernel: kernel.14.cloned.1.call-start
scs
__scs_entry_jumppad:
0x0: {  	(pc) =	sbr.rel $0x88, $3  }
0x1: {  	(tag) =	ssettag $0x0;
	lr =	simm.s32 $0x1  }
0x2: {  	[smem:$0x3F89] =	sst lr;
	_ =	strace $0xD0000000  }
0x3: {  	_ = 	snop  }
0x4: {  	_ = 	snop  }
0x5: {  	_ = 	snop  }
0x6: {  	_ = 	snop  }
0x7: {  	_ = 	snop  }
__scs_overlays_trampoline_lowered:
0x8: {  	[smem:$0x3F98] =	sst s0  }
0x9: {  	[smem:$0x3F99] =	sst s1  }
0xa: {  	[smem:$0x3F9A] =	sst s2  }
0xb: {  	[smem:$0x3F9B] =	sst s3  }
0xc: {  	[smem:$0x3F9C] =	sst s4  }
0xd: {  	[smem:$0x3F9D] =	sst s5  }
0xe: {  	[smem:$0x3F9E] =	sst s6  }
0xf: {  	[smem:$0x3F9F] =	sst s7  }
0x10: {  	[smem:$0x3FA0] =	sst s8  }
0x11: {  	[smem:$0x3FA1] =	sst s9;
	s0 =	simm.s32 @!p0 $0x0  }
0x12: {  	s1 =	sld [smem:$0x3F87];
	s0 =	simm.s32 @p0 $0x1  }
0x13: {  	[smem:$0x3FA2] =	sst s0;
	s0 =	simm.s32 @!p1 $0x0  }
0x14: {  	s2 =	sld [smem:$0x3F86];
	s0 =	simm.s32 @p1 $0x1  }
0x15: {  	[smem:$0x3FA3] =	sst s0;
	s0 =	simm.s32 @!p2 $0x0  }
0x16: {  	s3 =	sld [smem:$0x3FDB];
	s0 =	simm.s32 @p2 $0x1  }
0x17: {  	s4 =	simm.s32 $0x1BF5;
	[smem:$0x3FA5] =	sst s0  }
0x18: {  	s0 =	sld [smem:$0x3F88];
	_ =	swait.ge [sflag:s4], $0x0  }
0x19: {  	s7 =	sld [smem:$0x3F89]  }
0x1a: {  	s8 =	sadd.s32 $0xFFFFE003, lr  }
0x1b: {  	s9 =	sadd.s32 $0xFFFFFEF7, lr;
	s5 =	simm.s32 $0xFFFFFFFF;
	p2 =	slt.u32 s8, $0xFFFFF086  }
0x1c: {  	p1 =	slt.u32 s9, $0xF7A;
	s5 =	simm.s32 @!p2 $0x0  }
0x1d: {  	s5 =	simm.s32 @p1 $0x1;
	p0 =	seq.s32 s7, s2  }
0x1e: {  	s7 =	smul.u32 @!p0 $0xF7A, s2;
	p2 =	seq.s32 @!p0 s5, $0x0  }
0x1f: {  	s9 =	smul.u32 $0xF7A, s1;
	s8 =	simm.s32 @!p0 $0x1BF5;
	p2 =	por !p2, p0  }
0x20: {  	[sflag:s8] =	ssyncset.s32 @!p0 $0xFFFFF086;
	s6 =	sadd.s32 @!p0 s3, s7;
	s7 =	simm.s32 @!p0 $0x108  }
0x21: {  	s3 =	sadd.s32 s3, s9;
	s6 =	sadd.s32 @!p0 $0x88, s6;
	s7 =	simm.s32 @p2 $0x1082  }
0x22: {  	[simem:s7], [sflag:s8] =	dma.local @!p0 [hbm:s6], $0xF7A  }
0x23: {  	s9 =	sor.u32 $0xD0000000, s2;
	s6 =	simm.s32 $0x108;
	_ =	swait.ge @!p0 [sflag:s8], $0x0  }
0x24: {  	s3 =	sadd.s32 $0x88, s3;
	s6 =	simm.s32 @!p1 $0x1082;
	[sflag:s4] =	ssyncset.s32 $0xFFFFF086  }
0x25: {  	[simem:s6], [sflag:s4] =	dma.local [hbm:s3], $0xF7A  }
0x26: {  	[smem:$0x3F89] =	sst s1;
	(tag) =	ssettag s2;
	_ =	strace s9  }
0x27: {  	s1 =	sld [smem:$0x3F99]  }
0x28: {  	s2 =	sld [smem:$0x3F9A]  }
0x29: {  	s4 =	sld [smem:$0x3F9C]  }
0x2a: {  	p0 =	seq.s32 s5, $0x0;
	s5 =	sld [smem:$0x3F9D]  }
0x2b: {  	s6 =	sld [smem:$0x3F9E]  }
0x2c: {  	s7 =	sld [smem:$0x3F9F]  }
0x2d: {  	s3 =	simm.s32 $0x108;
	s8 =	sld [smem:$0x3FA0]  }
0x2e: {  	s3 =	simm.s32 @!p0 $0x1082;
	s9 =	sld [smem:$0x3FA1]  }
0x2f: {  	lr =	sadd.s32 s0, s3;
	s0 =	sld [smem:$0x3F98]  }
0x30: {  	s3 =	sld [smem:$0x3F9B]  }
0x31: {  	[smem:$0x3FA4] =	sst s10  }
0x32: {  	s10 =	sld [smem:$0x3FA2];
	_ =	sdelay $0x3  }
0x33: {  	p0 =	seq.s32 s10, $0x1;
	s10 =	sld [smem:$0x3FA4];
	_ =	sdelay $0x3  }
0x34: {  	[smem:$0x3FA4] =	sst s10  }
0x35: {  	s10 =	sld [smem:$0x3FA3];
	_ =	sdelay $0x3  }
0x36: {  	p1 =	seq.s32 s10, $0x1;
	s10 =	sld [smem:$0x3FA4];
	_ =	sdelay $0x3  }
0x37: {  	[smem:$0x3FA4] =	sst s10  }
0x38: {  	s10 =	sld [smem:$0x3FA5]  }
0x39: {  	_ = 	snop;
	(pc) =	sbr.ind lr, $3  }
0x3a: {  	_ = 	snop  }
0x3b: {  	_ = 	snop  }
0x3c: {  	p2 =	seq.s32 s10, $0x1;
	s10 =	sld [smem:$0x3FA4]  }
0x3d: {  	_ =	shalt  }
0x3e: {  	_ =	shalt  }
0x3f: {  	_ =	shalt  }
0x40: {  	_ =	shalt  }
0x41: {  	_ =	shalt  }
0x42: {  	_ =	shalt  }
0x43: {  	_ =	shalt  }
0x44: {  	_ =	shalt  }
0x45: {  	_ =	shalt  }
0x46: {  	_ =	shalt  }
0x47: {  	_ =	shalt  }
0x48: {  	_ =	shalt  }
0x49: {  	_ =	shalt  }
0x4a: {  	_ =	shalt  }
0x4b: {  	_ =	shalt  }
0x4c: {  	_ =	shalt  }
0x4d: {  	_ =	shalt  }
0x4e: {  	_ =	shalt  }
0x4f: {  	_ =	shalt  }
0x50: {  	_ =	shalt  }
0x51: {  	_ =	shalt  }
0x52: {  	_ =	shalt  }
0x53: {  	_ =	shalt  }
0x54: {  	_ =	shalt  }
0x55: {  	_ =	shalt  }
0x56: {  	_ =	shalt  }
0x57: {  	_ =	shalt  }
0x58: {  	_ =	shalt  }
0x59: {  	_ =	shalt  }
0x5a: {  	_ =	shalt  }
0x5b: {  	_ =	shalt  }
0x5c: {  	_ =	shalt  }
0x5d: {  	_ =	shalt  }
0x5e: {  	_ =	shalt  }
0x5f: {  	_ =	shalt  }
0x60: {  	_ =	shalt  }
0x61: {  	_ =	shalt  }
0x62: {  	_ =	shalt  }
0x63: {  	_ =	shalt  }
0x64: {  	_ =	shalt  }
0x65: {  	_ =	shalt  }
0x66: {  	_ =	shalt  }
0x67: {  	_ =	shalt  }
0x68: {  	_ =	shalt  }
0x69: {  	_ =	shalt  }
0x6a: {  	_ =	shalt  }
0x6b: {  	_ =	shalt  }
0x6c: {  	_ =	shalt  }
0x6d: {  	_ =	shalt  }
0x6e: {  	_ =	shalt  }
0x6f: {  	_ =	shalt  }
0x70: {  	_ =	shalt  }
0x71: {  	_ =	shalt  }
0x72: {  	_ =	shalt  }
0x73: {  	_ =	shalt  }
0x74: {  	_ =	shalt  }
0x75: {  	_ =	shalt  }
0x76: {  	_ =	shalt  }
0x77: {  	_ =	shalt  }
0x78: {  	_ =	shalt  }
0x79: {  	_ =	shalt  }
0x7a: {  	_ =	shalt  }
0x7b: {  	_ =	shalt  }
0x7c: {  	_ =	shalt  }
0x7d: {  	_ =	shalt  }
0x7e: {  	_ =	shalt  }
0x7f: {  	_ =	shalt  }
0x80: {  	_ =	shalt  }
0x81: {  	_ =	shalt  }
0x82: {  	_ =	shalt  }
0x83: {  	_ =	shalt  }
0x84: {  	_ =	shalt  }
0x85: {  	_ =	shalt  }
0x86: {  	_ =	shalt  }
0x87: {  	_ =	shalt  }
.Lfunc_end0:
.L_simem_size_0:
called_computation_lowered:
.L_overlay_start_0:
0x88: {  	s2 =	sld [smem:$0x3FD9]  }
0x89: {  	s3 =	sld [smem:$0x3FFE];
	_ =	sdelay $0x1  }
0x8a: {  	s1 =	srdreg.scid  }
0x8b: {  	s0 =	sand.u32 $0x1, s1  }
0x8c: {  	s17 =	sshll.u32 s0, $0xA;
	s2 =	sadd.s32 s3, s2  }
0x8d: {  	s2 =	sadd.s32 s2, s17  }
0x8e: {  	[smem:$0x3FB0] =	sst s2  }
0x8f: {  	_ = 	snop  }
0x90: {  	s2 =	sld [smem:$0x3FC9];
	(tm) =	ssettm $0x1  }
0x91: {  	s18 =	sld [smem:$0x3FFB];
	_ =	sdelay $0x3  }
0x92: {  	_ =	strace s18  }
0x93: {  	s3 =	sld [smem:$0x3FFC];
	_ =	sdelay $0x3  }
0x94: {  	_ =	strace s3  }
0x95: {  	s3 =	sld [smem:$0x3FFD];
	_ =	sdelay $0x3  }
0x96: {  	_ =	strace s3  }
0x97: {  	_ =	strace $0x8FFFFFFF  }
0x98: {  	s19 =	sld [smem:$0x3FDB];
	_ =	sdelay $0x1  }
0x99: {  	s4 =	simm.s32 $_scs_section_size  }
0x9a: {  	s5 =	simm.s32 $_size__tile_overlayer_lowered;
	s6 =	simm.s32 $_tile_overlayer_lowered  }
0x9b: {  	s22 =	simm.s32 $0x1BFF;
	s21 =	sshll.u32 s6, $0x1;
	s3 =	sadd.s32 s4, s19  }
0x9c: {  	s7 =	simm.s32 $0x0;
	s20 =	sshll.u32 s5, $0x1;
	s5 =	sadd.s32 s21, s3  }
0x9d: {  	[timem:s7], [sflag:s22] =	dma.local [hbm:s5], s20  }
0x9e: {  	_ =	swait.ge [sflag:s22], s20  }
0x9f: {  	s4 =	ssub.s32 $0x0, s20;
	[sflag:s22] =	ssyncset.done $0x0  }
0xa0: {  	[sflag:s22] =	ssyncadd.s32 s4;
	_ =	sdelay $0x1  }
0xa1: {  	s23 =	simm.s32 $0x1B8B  }
0xa2: {  	_ =	swait.ge [sflag:s23], $0x1  }
0xa3: {  	[sflag:s23] =	ssyncset.done $0x0  }
0xa4: {  	s25 =	simm.s32 $0x1B8E;
	s24 =	sld [smem:$0x3FFE];
	[sflag:s23] =	ssyncadd.s32 $0xFFFFFFFF  }
0xa5: {  	s26 =	simm.s32 $execute0_lowered;
	[smem:$0x3FD2] =	sst s25  }
0xa6: {  	s5 =	sshll.u32 s26, $0x1;
	_ =	strace $0x80000046;
	[dreg:$0x1] =	wrdreg $0xFFFFFFFF  }
0xa7: {  	s28 =	simm.s32 $_size_execute0_lowered;
	s3 =	sadd.s32 s3, s5;
	[dreg:$0x0] =	wrdreg $0x0  }
0xa8: {  	s5 =	sshll.u32 s28, $0x1;
	[dreg:$0x2] =	wrdreg s3  }
0xa9: {  	[dreg:$0x3] =	wrdreg s5  }
0xaa: {  	[dreg:$0x4] =	wrdreg $0xC0  }
0xab: {  	_ =	task [dreg:s7], $0x5FFFF  }
0xac: {  	[dreg:$0x1] =	wrdreg $0xFFFFFFFF  }
0xad: {  	[dreg:$0x0] =	wrdreg $0x60  }
0xae: {  	[dreg:$0x2] =	wrdreg s2  }
0xaf: {  	[dreg:$0x3] =	wrdreg s24  }
0xb0: {  	[dreg:$0x4] =	wrdreg $0x9  }
0xb1: {  	_ =	task.clear_ibuf [dreg:s7], $0x5FFFF;
	_ =	strace $0x90000046  }
0xb2: {  	s29 =	simm.s32 $0x9;
	_ =	strace $0x80000048  }
0xb3: {  	_ =	swait.ge [sflag:s29], $0x1  }
0xb4: {  	[sflag:s29] =	ssyncadd.s32 $0xFFFFFFFF  }
0xb5: {  	_ =	strace $0x90000048  }
0xb6: {  	_ =	sfence  }
0xb7: {  	s30 =	sld [smem:$0x0];
	_ =	sdelay $0x2  }
0xb8: {  	s31 =	sshll.u32 s1, $0xD;
	s1 =	sshrl.u32 s1, $0x2  }
0xb9: {  	s3 =	sand.u32 $0x4000, s31;
	s1 =	sadd.s32 s1, s30  }
0xba: {  	s0 =	sor.u32 s3, s0;
	s1 =	sshll.u32 s1, $0x11  }
0xbb: {  	s0 =	sor.u32 s1, s0  }
0xbc: {  	s0 =	sadd.s32 $0x8F2B, s0  }
0xbd: {  	[sflag:s0] =	ssyncadd.remote.s32 $0x1  }
0xbe: {  	_ =	sfence.sel $0xFFFF  }
0xbf: {  	[dreg:$0x0] =	wrdreg $0xFFFFFFFF;
	(pc) =	sbr.abs _section_cstart, $3  }
0xc0: {  	[dreg:$0x1] =	wrdreg $0xFFFFFFFF  }
0xc1: {  	_ =	task.clear_ibuf [dreg:s7], $0x2FFFF;
	_ =	strace $0x9FFFFFFF  }
0xc2: {  	(tm) =	ssettm $0x7FFFFFFF  }
0xc3: {  	_ =	shalt  }
tec
execute0_lowered:
.L_overlay_start_1:
0x0: {  	(tag) =	ssettag $0x1  }
0x1: {  	s1 =	rddreg [dreg:$0x0]  }
0x2: {  	s4 =	rddreg [dreg:$0x1]  }
0x3: {  	s2 =	srdreg.scid;
	s0 =	rddreg [dreg:$0x2]  }
0x4: {  	s3 =	simm.s32 $0x0;
	s12 =	simm.s32 $0x9000;
	s13 =	simm.s32 $0xB800  }
0x5: {  	s14 =	simm.s32 $0x1;
	s15 =	simm.s32 $0x2;
	s16 =	simm.s32 $0x3  }
0x6: {  	s17 =	simm.s32 $0x4;
	s18 =	simm.s32 $0x5;
	s19 =	simm.s32 $0x3E00  }
0x7: {  	s20 =	simm.s32 $0x0;
	s5 =	sand.u32 $0x1, s2;
	[smem:$0x7FF] =	sst s3  }
0x8: {  	s2 =	stileid.u32;
	s8 =	sadd.s32 $0x1F000, s4;
	s6 =	sshll.u32 s5, $0x4  }
0x9: {  	_ =	strace $0x80000047;
	s29 =	ssub.s32 $0x2, s5;
	s10 =	smul.u32 $0x271000, s5  }
0xa: {  	s11 =	smul.u32 $0x27100, s2;
	s6 =	sor.u32 s2, s6;
	s9 =	sshrl.u32 s29, $0x1  }
0xb: {  	s7 =	sshll.u32 s6, $0xB;
	s6 =	smul.u32 $0x138800, s6;
	s9 =	ssub.s32 s29, s9  }
0xc: {  	s31 =	sadd.s32 s10, s8;
	s10 =	simm.s32 $0x4000;
	s7 =	sadd.s32 s7, s4  }
0xd: {  	s6 =	sshrl.u32 s6, $0x3;
	s4 =	sadd.s32 $0xF000, s7;
	s7 =	sadd.s32 s11, s31  }
0xe: {  	s11 =	simm.s32 $0x6800;
	s30 =	sadd.s32 s8, s6;
	s6 =	smax.u32 s9, $0x1  }
0xf: {  	s8 =	simm.s32 $0x6;
	s9 =	simm.s32 $0x50;
	s5 =	sadd.s32 $0x26C00, s30  }
.LBB2_1:
0x10: {  	[tilespmem:s3], [sflag:$0x6] =	stream.linear.gather [hbm4b:s4+s3], $0x3E80, $0x38;
	[tilespmem:$0xE000] =	vst v63  }
0x11: {  	_ =	swait.ge [sflag:s8], $0x3E80  }
0x12: {  	[sflag:s8] =	ssyncset.done $0x0  }
0x13: {  	[sflag:s8] =	ssyncadd.s32 $0xFFFFC180  }
0x14: {  	[tilespmem:s10], [sflag:$0x1] =	stream.indirect.gather [hbm4b:s1+s9], $0x80, s3, s9, $0xb8;
	[tilespmem:$0xE000] =	vst v63  }
0x15: {  	s21 =	simm.s32 $0x80  }
0x16: {  	[tilespmem:s11], [sflag:$0x2] =	stream.indirect.gather [hbm4b:s1+s9], $0x80, s21, s9, $0xb8;
	[tilespmem:$0xE000] =	vst v63  }
0x17: {  	s28 =	simm.s32 $0x100  }
0x18: {  	[tilespmem:s12], [sflag:$0x3] =	stream.indirect.gather [hbm4b:s1+s9], $0x80, s28, s9, $0xb8;
	[tilespmem:$0xE000] =	vst v63  }
0x19: {  	s29 =	simm.s32 $0x180  }
0x1a: {  	[tilespmem:s13], [sflag:$0x4] =	stream.indirect.gather [hbm4b:s1+s9], $0x80, s29, s9, $0xb8;
	[tilespmem:$0xE000] =	vst v63  }
0x1b: {  	_ =	swait.ge [sflag:s14], $0x2800  }
0x1c: {  	[sflag:s14] =	ssyncset.done $0x0  }
0x1d: {  	s30 =	sadd.s32 $0x0, s7;
	[sflag:s14] =	ssyncadd.s32 $0xFFFFD800  }
0x1e: {  	[hbm4b:s30+s3] =	stream.linear.scatter [tilespmem:s10], [sflag:$0x5], $0x2800, $0x38;
	[tilespmem:$0xE000] =	vst v63  }
0x1f: {  	_ =	swait.ge [sflag:s15], $0x2800  }
0x20: {  	[sflag:s15] =	ssyncset.done $0x0  }
0x21: {  	s22 =	sadd.s32 $0x500, s30;
	[sflag:s15] =	ssyncadd.s32 $0xFFFFD800  }
0x22: {  	[hbm4b:s22+s3] =	stream.linear.scatter [tilespmem:s11], [sflag:$0x5], $0x2800, $0x38;
	[tilespmem:$0xE000] =	vst v63  }
0x23: {  	_ =	swait.ge [sflag:s16], $0x2800  }
0x24: {  	[sflag:s16] =	ssyncset.done $0x0  }
0x25: {  	s31 =	sadd.s32 $0xA00, s30;
	[sflag:s16] =	ssyncadd.s32 $0xFFFFD800  }
0x26: {  	[hbm4b:s31+s3] =	stream.linear.scatter [tilespmem:s12], [sflag:$0x5], $0x2800, $0x38;
	[tilespmem:$0xE000] =	vst v63  }
0x27: {  	_ =	swait.ge [sflag:s17], $0x2800  }
0x28: {  	[sflag:s17] =	ssyncset.done $0x0  }
0x29: {  	s21 =	sadd.s32 $0xF00, s30;
	[sflag:s17] =	ssyncadd.s32 $0xFFFFD800  }
0x2a: {  	[hbm4b:s21+s3] =	stream.linear.scatter [tilespmem:s13], [sflag:$0x5], $0x2800, $0x38;
	[tilespmem:$0xE000] =	vst v63  }
0x2b: {  	_ =	swait.ge [sflag:s18], $0x2800  }
0x2c: {  	[sflag:s18] =	ssyncset.done $0x0  }
0x2d: {  	[sflag:s18] =	ssyncadd.s32 $0xFFFFD800  }
0x2e: {  	_ =	swait.ge [sflag:s18], $0x2800  }
0x2f: {  	[sflag:s18] =	ssyncset.done $0x0  }
0x30: {  	[sflag:s18] =	ssyncadd.s32 $0xFFFFD800  }
0x31: {  	_ =	swait.ge [sflag:s18], $0x2800  }
0x32: {  	[sflag:s18] =	ssyncset.done $0x0  }
0x33: {  	[sflag:s18] =	ssyncadd.s32 $0xFFFFD800  }
0x34: {  	_ =	swait.ge [sflag:s18], $0x2800  }
0x35: {  	s22 =	simm.s32 $0x0;
	s21 =	simm.s32 $0x1400;
	[sflag:s18] =	ssyncset.done $0x0  }
.LBB2_2:
0x36: {  	p0 =	sne.s32 s21, $0x25800;
	[sflag:s18] =	ssyncadd.s32 $0xFFFFD800;
	s22 =	sadd.s32 $0x200, s22  }
0x37: {  	[tilespmem:s10], [sflag:$0x1] =	stream.indirect.gather [hbm4b:s1+s9], $0x80, s22, s9, $0xb8;
	[tilespmem:$0xE000] =	vst v63  }
0x38: {  	s24 =	smov.u32 s21;
	s21 =	sadd.s32 $0x1400, s21;
	s23 =	sadd.s32 $0x80, s22  }
0x39: {  	[tilespmem:s11], [sflag:$0x2] =	stream.indirect.gather [hbm4b:s1+s9], $0x80, s23, s9, $0xb8;
	[tilespmem:$0xE000] =	vst v63  }
0x3a: {  	s23 =	sadd.s32 $0x100, s22  }
0x3b: {  	[tilespmem:s12], [sflag:$0x3] =	stream.indirect.gather [hbm4b:s1+s9], $0x80, s23, s9, $0xb8;
	[tilespmem:$0xE000] =	vst v63  }
0x3c: {  	s23 =	sadd.s32 $0x180, s22  }
0x3d: {  	[tilespmem:s13], [sflag:$0x4] =	stream.indirect.gather [hbm4b:s1+s9], $0x80, s23, s9, $0xb8;
	[tilespmem:$0xE000] =	vst v63  }
0x3e: {  	_ =	swait.ge [sflag:s14], $0x2800  }
0x3f: {  	[sflag:s14] =	ssyncset.done $0x0  }
0x40: {  	s23 =	sadd.s32 s24, s7;
	[sflag:s14] =	ssyncadd.s32 $0xFFFFD800  }
0x41: {  	[hbm4b:s23+s3] =	stream.linear.scatter [tilespmem:s10], [sflag:$0x5], $0x2800, $0x38;
	[tilespmem:$0xE000] =	vst v63  }
0x42: {  	_ =	swait.ge [sflag:s15], $0x2800  }
0x43: {  	[sflag:s15] =	ssyncset.done $0x0  }
0x44: {  	s24 =	sadd.s32 $0x500, s23;
	[sflag:s15] =	ssyncadd.s32 $0xFFFFD800  }
0x45: {  	[hbm4b:s24+s3] =	stream.linear.scatter [tilespmem:s11], [sflag:$0x5], $0x2800, $0x38;
	[tilespmem:$0xE000] =	vst v63  }
0x46: {  	_ =	swait.ge [sflag:s16], $0x2800  }
0x47: {  	[sflag:s16] =	ssyncset.done $0x0  }
0x48: {  	s24 =	sadd.s32 $0xA00, s23;
	[sflag:s16] =	ssyncadd.s32 $0xFFFFD800  }
0x49: {  	[hbm4b:s24+s3] =	stream.linear.scatter [tilespmem:s12], [sflag:$0x5], $0x2800, $0x38;
	[tilespmem:$0xE000] =	vst v63  }
0x4a: {  	_ =	swait.ge [sflag:s17], $0x2800  }
0x4b: {  	[sflag:s17] =	ssyncset.done $0x0  }
0x4c: {  	s23 =	sadd.s32 $0xF00, s23;
	[sflag:s17] =	ssyncadd.s32 $0xFFFFD800  }
0x4d: {  	[hbm4b:s23+s3] =	stream.linear.scatter [tilespmem:s13], [sflag:$0x5], $0x2800, $0x38;
	[tilespmem:$0xE000] =	vst v63  }
0x4e: {  	_ =	swait.ge [sflag:s18], $0x2800  }
0x4f: {  	[sflag:s18] =	ssyncset.done $0x0  }
0x50: {  	[sflag:s18] =	ssyncadd.s32 $0xFFFFD800  }
0x51: {  	_ =	swait.ge [sflag:s18], $0x2800  }
0x52: {  	[sflag:s18] =	ssyncset.done $0x0  }
0x53: {  	[sflag:s18] =	ssyncadd.s32 $0xFFFFD800  }
.Ltmp0:
0x54: {  	_ =	swait.ge [sflag:s18], $0x2800;
	(pc) =	sbr.rel @p0 .LBB2_2-.Ltmp0, $4  }
0x55: {  	[sflag:s18] =	ssyncset.done $0x0  }
0x56: {  	[sflag:s18] =	ssyncadd.s32 $0xFFFFD800  }
0x57: {  	_ =	swait.ge [sflag:s18], $0x2800  }
0x58: {  	[sflag:s18] =	ssyncset.done $0x0  }
0x59: {  	[sflag:s18] =	ssyncadd.s32 $0xFFFFD800  }
0x5a: {  	[tilespmem:s10], [sflag:$0x1] =	stream.indirect.gather [hbm4b:s1+s9], $0x80, s19, s9, $0xb8;
	[tilespmem:$0xE000] =	vst v63  }
0x5b: {  	s20 =	sadd.s32 $0x1, s20;
	_ =	swait.ge [sflag:s14], $0x2800  }
0x5c: {  	p0 =	sne.s32 s20, s6;
	[sflag:s14] =	ssyncset.done $0x0  }
.Ltmp1:
0x5d: {  	[sflag:s14] =	ssyncadd.s32 $0xFFFFD800;
	(pc) =	sbr.rel @p0 .LBB2_1-.Ltmp1, $4  }
0x5e: {  	[hbm4b:s5+s3] =	stream.linear.scatter [tilespmem:s10], [sflag:$0x6], $0x2800, $0x38;
	[tilespmem:$0xE000] =	vst v63  }
0x5f: {  	_ =	swait.ge [sflag:s8], $0x2800  }
0x60: {  	[sflag:s8] =	ssyncset.done $0x0  }
0x61: {  	[sflag:s8] =	ssyncadd.s32 $0xFFFFD800  }
0x62: {  	_ =	sfence.sel $0x180000  }
0x63: {  	[bflag:$0x0] =	sbarrier.arrive $0xFFFF  }
0x64: {  	p0 =	sne.s32 s2, $0x0;
	_ =	strace $0x90000047  }
0x65: {  	s0 =	sadd.s32 @!p0 $0x100000, s0;
	[bflag:$0x2] =	sbarrier.arrive $0xFFFF  }
0x66: {  	[sflag:s0] =	ssyncadd.tile.s32 @!p0 $0x1;
	_ =	shalt  }
.Lfunc_end2:
_tile_overlayer_lowered:
.L_overlay_start_2:
0x67: {  	(tag) =	ssettag $0x2  }
0x68: {  	s0 =	rddreg [dreg:$0x0];
	s2 =	stileid.u32  }
0x69: {  	s1 =	rddreg [dreg:$0x1];
	p0 =	sne.s32 s2, $0x0  }
0x6a: {  	s3 =	rddreg [dreg:$0x2];
	[bflag:$0x3] =	sbarrier.arrive $0xFFFF;
	s2 =	simm.s32 @!p0 $0x1C06  }
0x6b: {  	[timem:s3], [sflag:s2] =	dma.local @!p0 [hbm:s0], s1  }
0x6c: {  	s0 =	simm.s32 @!p0 $0x6  }
0x6d: {  	_ =	swait.ge @!p0 [sflag:s0], s1  }
0x6e: {  	s1 =	ssub.s32 @!p0 $0x0, s1;
	[sflag:s0] =	ssyncset.done @!p0 $0x0  }
0x6f: {  	[sflag:s0] =	ssyncadd.s32 @!p0 s1  }
0x70: {  	[bflag:$0x3] =	sbarrier.arrive $0xFFFF  }
0x71: {  	_ =	shalt  }

// kernel: kernel.17.cloned.1.call-start
scs
__scs_entry_jumppad:
0x0: {  	(pc) =	sbr.rel $0x88, $3  }
0x1: {  	(tag) =	ssettag $0x0;
	lr =	simm.s32 $0x1  }
0x2: {  	[smem:$0x3F89] =	sst lr;
	_ =	strace $0xD0000000  }
0x3: {  	_ = 	snop  }
0x4: {  	_ = 	snop  }
0x5: {  	_ = 	snop  }
0x6: {  	_ = 	snop  }
0x7: {  	_ = 	snop  }
__scs_overlays_trampoline_lowered:
0x8: {  	[smem:$0x3F98] =	sst s0  }
0x9: {  	[smem:$0x3F99] =	sst s1  }
0xa: {  	[smem:$0x3F9A] =	sst s2  }
0xb: {  	[smem:$0x3F9B] =	sst s3  }
0xc: {  	[smem:$0x3F9C] =	sst s4  }
0xd: {  	[smem:$0x3F9D] =	sst s5  }
0xe: {  	[smem:$0x3F9E] =	sst s6  }
0xf: {  	[smem:$0x3F9F] =	sst s7  }
0x10: {  	[smem:$0x3FA0] =	sst s8  }
0x11: {  	[smem:$0x3FA1] =	sst s9;
	s0 =	simm.s32 @!p0 $0x0  }
0x12: {  	s1 =	sld [smem:$0x3F87];
	s0 =	simm.s32 @p0 $0x1  }
0x13: {  	[smem:$0x3FA2] =	sst s0;
	s0 =	simm.s32 @!p1 $0x0  }
0x14: {  	s2 =	sld [smem:$0x3F86];
	s0 =	simm.s32 @p1 $0x1  }
0x15: {  	[smem:$0x3FA3] =	sst s0;
	s0 =	simm.s32 @!p2 $0x0  }
0x16: {  	s3 =	sld [smem:$0x3FDB];
	s0 =	simm.s32 @p2 $0x1  }
0x17: {  	s4 =	simm.s32 $0x1BF5;
	[smem:$0x3FA5] =	sst s0  }
0x18: {  	s0 =	sld [smem:$0x3F88];
	_ =	swait.ge [sflag:s4], $0x0  }
0x19: {  	s7 =	sld [smem:$0x3F89]  }
0x1a: {  	s8 =	sadd.s32 $0xFFFFE003, lr  }
0x1b: {  	s9 =	sadd.s32 $0xFFFFFEF7, lr;
	s5 =	simm.s32 $0xFFFFFFFF;
	p2 =	slt.u32 s8, $0xFFFFF086  }
0x1c: {  	p1 =	slt.u32 s9, $0xF7A;
	s5 =	simm.s32 @!p2 $0x0  }
0x1d: {  	s5 =	simm.s32 @p1 $0x1;
	p0 =	seq.s32 s7, s2  }
0x1e: {  	s7 =	smul.u32 @!p0 $0xF7A, s2;
	p2 =	seq.s32 @!p0 s5, $0x0  }
0x1f: {  	s9 =	smul.u32 $0xF7A, s1;
	s8 =	simm.s32 @!p0 $0x1BF5;
	p2 =	por !p2, p0  }
0x20: {  	[sflag:s8] =	ssyncset.s32 @!p0 $0xFFFFF086;
	s6 =	sadd.s32 @!p0 s3, s7;
	s7 =	simm.s32 @!p0 $0x108  }
0x21: {  	s3 =	sadd.s32 s3, s9;
	s6 =	sadd.s32 @!p0 $0x88, s6;
	s7 =	simm.s32 @p2 $0x1082  }
0x22: {  	[simem:s7], [sflag:s8] =	dma.local @!p0 [hbm:s6], $0xF7A  }
0x23: {  	s9 =	sor.u32 $0xD0000000, s2;
	s6 =	simm.s32 $0x108;
	_ =	swait.ge @!p0 [sflag:s8], $0x0  }
0x24: {  	s3 =	sadd.s32 $0x88, s3;
	s6 =	simm.s32 @!p1 $0x1082;
	[sflag:s4] =	ssyncset.s32 $0xFFFFF086  }
0x25: {  	[simem:s6], [sflag:s4] =	dma.local [hbm:s3], $0xF7A  }
0x26: {  	[smem:$0x3F89] =	sst s1;
	(tag) =	ssettag s2;
	_ =	strace s9  }
0x27: {  	s1 =	sld [smem:$0x3F99]  }
0x28: {  	s2 =	sld [smem:$0x3F9A]  }
0x29: {  	s4 =	sld [smem:$0x3F9C]  }
0x2a: {  	p0 =	seq.s32 s5, $0x0;
	s5 =	sld [smem:$0x3F9D]  }
0x2b: {  	s6 =	sld [smem:$0x3F9E]  }
0x2c: {  	s7 =	sld [smem:$0x3F9F]  }
0x2d: {  	s3 =	simm.s32 $0x108;
	s8 =	sld [smem:$0x3FA0]  }
0x2e: {  	s3 =	simm.s32 @!p0 $0x1082;
	s9 =	sld [smem:$0x3FA1]  }
0x2f: {  	lr =	sadd.s32 s0, s3;
	s0 =	sld [smem:$0x3F98]  }
0x30: {  	s3 =	sld [smem:$0x3F9B]  }
0x31: {  	[smem:$0x3FA4] =	sst s10  }
0x32: {  	s10 =	sld [smem:$0x3FA2];
	_ =	sdelay $0x3  }
0x33: {  	p0 =	seq.s32 s10, $0x1;
	s10 =	sld [smem:$0x3FA4];
	_ =	sdelay $0x3  }
0x34: {  	[smem:$0x3FA4] =	sst s10  }
0x35: {  	s10 =	sld [smem:$0x3FA3];
	_ =	sdelay $0x3  }
0x36: {  	p1 =	seq.s32 s10, $0x1;
	s10 =	sld [smem:$0x3FA4];
	_ =	sdelay $0x3  }
0x37: {  	[smem:$0x3FA4] =	sst s10  }
0x38: {  	s10 =	sld [smem:$0x3FA5]  }
0x39: {  	_ = 	snop;
	(pc) =	sbr.ind lr, $3  }
0x3a: {  	_ = 	snop  }
0x3b: {  	_ = 	snop  }
0x3c: {  	p2 =	seq.s32 s10, $0x1;
	s10 =	sld [smem:$0x3FA4]  }
0x3d: {  	_ =	shalt  }
0x3e: {  	_ =	shalt  }
0x3f: {  	_ =	shalt  }
0x40: {  	_ =	shalt  }
0x41: {  	_ =	shalt  }
0x42: {  	_ =	shalt  }
0x43: {  	_ =	shalt  }
0x44: {  	_ =	shalt  }
0x45: {  	_ =	shalt  }
0x46: {  	_ =	shalt  }
0x47: {  	_ =	shalt  }
0x48: {  	_ =	shalt  }
0x49: {  	_ =	shalt  }
0x4a: {  	_ =	shalt  }
0x4b: {  	_ =	shalt  }
0x4c: {  	_ =	shalt  }
0x4d: {  	_ =	shalt  }
0x4e: {  	_ =	shalt  }
0x4f: {  	_ =	shalt  }
0x50: {  	_ =	shalt  }
0x51: {  	_ =	shalt  }
0x52: {  	_ =	shalt  }
0x53: {  	_ =	shalt  }
0x54: {  	_ =	shalt  }
0x55: {  	_ =	shalt  }
0x56: {  	_ =	shalt  }
0x57: {  	_ =	shalt  }
0x58: {  	_ =	shalt  }
0x59: {  	_ =	shalt  }
0x5a: {  	_ =	shalt  }
0x5b: {  	_ =	shalt  }
0x5c: {  	_ =	shalt  }
0x5d: {  	_ =	shalt  }
0x5e: {  	_ =	shalt  }
0x5f: {  	_ =	shalt  }
0x60: {  	_ =	shalt  }
0x61: {  	_ =	shalt  }
0x62: {  	_ =	shalt  }
0x63: {  	_ =	shalt  }
0x64: {  	_ =	shalt  }
0x65: {  	_ =	shalt  }
0x66: {  	_ =	shalt  }
0x67: {  	_ =	shalt  }
0x68: {  	_ =	shalt  }
0x69: {  	_ =	shalt  }
0x6a: {  	_ =	shalt  }
0x6b: {  	_ =	shalt  }
0x6c: {  	_ =	shalt  }
0x6d: {  	_ =	shalt  }
0x6e: {  	_ =	shalt  }
0x6f: {  	_ =	shalt  }
0x70: {  	_ =	shalt  }
0x71: {  	_ =	shalt  }
0x72: {  	_ =	shalt  }
0x73: {  	_ =	shalt  }
0x74: {  	_ =	shalt  }
0x75: {  	_ =	shalt  }
0x76: {  	_ =	shalt  }
0x77: {  	_ =	shalt  }
0x78: {  	_ =	shalt  }
0x79: {  	_ =	shalt  }
0x7a: {  	_ =	shalt  }
0x7b: {  	_ =	shalt  }
0x7c: {  	_ =	shalt  }
0x7d: {  	_ =	shalt  }
0x7e: {  	_ =	shalt  }
0x7f: {  	_ =	shalt  }
0x80: {  	_ =	shalt  }
0x81: {  	_ =	shalt  }
0x82: {  	_ =	shalt  }
0x83: {  	_ =	shalt  }
0x84: {  	_ =	shalt  }
0x85: {  	_ =	shalt  }
0x86: {  	_ =	shalt  }
0x87: {  	_ =	shalt  }
.Lfunc_end0:
.L_simem_size_0:
called_computation.1_lowered:
.L_overlay_start_0:
0x88: {  	s2 =	sld [smem:$0x3FD9]  }
0x89: {  	s3 =	sld [smem:$0x3FFE];
	_ =	sdelay $0x1  }
0x8a: {  	s1 =	srdreg.scid  }
0x8b: {  	s0 =	sand.u32 $0x1, s1  }
0x8c: {  	s14 =	sshll.u32 s0, $0xA;
	s2 =	sadd.s32 s3, s2  }
0x8d: {  	s2 =	sadd.s32 s2, s14  }
0x8e: {  	[smem:$0x3FB0] =	sst s2  }
0x8f: {  	_ = 	snop  }
0x90: {  	s2 =	sld [smem:$0x3FD0];
	_ =	sdelay $0x2  }
0x91: {  	s15 =	simm.s32 $0xA;
	s4 =	simm.s32 $0x10  }
0x92: {  	[smem:s4], [sflag:s15] =	dma.local [hbm:s2], $0x1  }
0x93: {  	_ =	swait.eq [sflag:s15], $0x1  }
0x94: {  	[sflag:s15] =	ssyncset.done $0x0  }
0x95: {  	[sflag:s15] =	ssyncadd.s32 $0xFFFFFFFF  }
0x96: {  	s16 =	sld [smem:$0x11];
	(tm) =	ssettm $0x1  }
0x97: {  	s17 =	sld [smem:$0x3FFB];
	_ =	sdelay $0x3  }
0x98: {  	_ =	strace s17  }
0x99: {  	s3 =	sld [smem:$0x3FFC];
	_ =	sdelay $0x3  }
0x9a: {  	_ =	strace s3  }
0x9b: {  	s3 =	sld [smem:$0x3FFD];
	_ =	sdelay $0x3  }
0x9c: {  	_ =	strace s3  }
0x9d: {  	_ =	strace $0x8FFFFFFF  }
0x9e: {  	s18 =	sld [smem:$0x3FDB];
	_ =	sdelay $0x1  }
0x9f: {  	s19 =	simm.s32 $_scs_section_size  }
0xa0: {  	s5 =	simm.s32 $_size__tile_overlayer_lowered;
	s6 =	simm.s32 $_tile_overlayer_lowered  }
0xa1: {  	s22 =	simm.s32 $0x1BFF;
	s21 =	sshll.u32 s6, $0x1;
	s3 =	sadd.s32 s19, s18  }
0xa2: {  	s7 =	simm.s32 $0x0;
	s20 =	sshll.u32 s5, $0x1;
	s5 =	sadd.s32 s21, s3  }
0xa3: {  	[timem:s7], [sflag:s22] =	dma.local [hbm:s5], s20  }
0xa4: {  	_ =	swait.ge [sflag:s22], s20  }
0xa5: {  	s4 =	ssub.s32 $0x0, s20;
	[sflag:s22] =	ssyncset.done $0x0  }
0xa6: {  	[sflag:s22] =	ssyncadd.s32 s4;
	_ =	sdelay $0x1  }
0xa7: {  	s23 =	simm.s32 $0x1B8B  }
0xa8: {  	_ =	swait.ge [sflag:s23], $0x1  }
0xa9: {  	[sflag:s23] =	ssyncset.done $0x0  }
0xaa: {  	s25 =	simm.s32 $0x1B8E;
	s24 =	sld [smem:$0x3FFE];
	[sflag:s23] =	ssyncadd.s32 $0xFFFFFFFF  }
0xab: {  	s26 =	simm.s32 $execute0_lowered;
	[smem:$0x3FD2] =	sst s25  }
0xac: {  	s5 =	sshll.u32 s26, $0x1;
	_ =	strace $0x80000049;
	[dreg:$0x1] =	wrdreg $0xFFFFFFFF  }
0xad: {  	s28 =	simm.s32 $_size_execute0_lowered;
	s3 =	sadd.s32 s3, s5;
	[dreg:$0x0] =	wrdreg $0x0  }
0xae: {  	s5 =	sshll.u32 s28, $0x1;
	[dreg:$0x2] =	wrdreg s3  }
0xaf: {  	[dreg:$0x3] =	wrdreg s5  }
0xb0: {  	[dreg:$0x4] =	wrdreg $0xC0  }
0xb1: {  	_ =	task [dreg:s7], $0x5FFFF  }
0xb2: {  	[dreg:$0x1] =	wrdreg $0xFFFFFFFF  }
0xb3: {  	[dreg:$0x0] =	wrdreg $0x60  }
0xb4: {  	[dreg:$0x2] =	wrdreg s16  }
0xb5: {  	[dreg:$0x3] =	wrdreg s24  }
0xb6: {  	[dreg:$0x4] =	wrdreg $0x120000  }
0xb7: {  	[dreg:$0x5] =	wrdreg $0x9  }
0xb8: {  	_ =	task.clear_ibuf [dreg:s7], $0x6FFFF;
	_ =	strace $0x90000049  }
0xb9: {  	s29 =	simm.s32 $0x9;
	_ =	strace $0x8000004B  }
0xba: {  	_ =	swait.ge [sflag:s29], $0x1  }
0xbb: {  	[sflag:s29] =	ssyncadd.s32 $0xFFFFFFFF  }
0xbc: {  	_ =	strace $0x9000004B  }
0xbd: {  	_ =	sfence  }
0xbe: {  	s30 =	sld [smem:$0x0];
	_ =	sdelay $0x2  }
0xbf: {  	s31 =	sshll.u32 s1, $0xD;
	s1 =	sshrl.u32 s1, $0x2  }
0xc0: {  	s3 =	sand.u32 $0x4000, s31;
	s1 =	sadd.s32 s1, s30  }
0xc1: {  	s0 =	sor.u32 s3, s0;
	s1 =	sshll.u32 s1, $0x11  }
0xc2: {  	s0 =	sor.u32 s1, s0  }
0xc3: {  	s0 =	sadd.s32 $0x8F2B, s0  }
0xc4: {  	[sflag:s0] =	ssyncadd.remote.s32 $0x1  }
0xc5: {  	_ =	sfence.sel $0xFFFF  }
0xc6: {  	[dreg:$0x0] =	wrdreg $0xFFFFFFFF;
	(pc) =	sbr.abs _section_cstart, $3  }
0xc7: {  	[dreg:$0x1] =	wrdreg $0xFFFFFFFF  }
0xc8: {  	_ =	task.clear_ibuf [dreg:s7], $0x2FFFF;
	_ =	strace $0x9FFFFFFF  }
0xc9: {  	(tm) =	ssettm $0x7FFFFFFF  }
tec
execute0_lowered:
.L_overlay_start_1:
0x0: {  	(tag) =	ssettag $0x1  }
0x1: {  	s0 =	rddreg [dreg:$0x0]  }
0x2: {  	s4 =	rddreg [dreg:$0x1];
	s2 =	stileid.u32  }
0x3: {  	s1 =	rddreg [dreg:$0x2];
	s3 =	simm.s32 $0x0;
	s9 =	smul.u32 $0x271000, s2  }
0x4: {  	s5 =	srdreg.scid;
	s17 =	simm.s32 $0xF800;
	s10 =	smul.u32 $0x140, s2  }
0x5: {  	s18 =	simm.s32 $0x1;
	s19 =	simm.s32 $0x50;
	s11 =	smul.u32 $0x28000, s2  }
0x6: {  	s28 =	simm.s32 $0x5;
	s31 =	simm.s32 $0x0;
	s20 =	smul.u32 $0x1400, s2  }
0x7: {  	[smem:$0x7FF] =	sst s3;
	s5 =	sand.u32 $0x1, s5;
	s16 =	smul.u32 $0x4E200, s2  }
0x8: {  	s6 =	sshll.u32 s2, $0xC;
	_ =	strace $0x8000004A;
	s7 =	smul.u32 $0x14000, s5  }
0x9: {  	s6 =	sadd.s32 s6, s4;
	s8 =	ssub.s32 $0x2, s5;
	s12 =	smul.u32 $0x1400, s5  }
0xa: {  	s22 =	sshrl.u32 s8, $0x1;
	s9 =	sshrl.u32 s9, $0x3;
	s24 =	sshrl.u32 s11, $0x2  }
0xb: {  	s13 =	sadd.s32 $0x50, s10;
	s14 =	sadd.s32 $0xA0, s10;
	s15 =	sadd.s32 $0xF0, s10  }
0xc: {  	s29 =	sadd.s32 s16, s0;
	s16 =	simm.s32 $0xD000;
	s7 =	sadd.s32 s7, s4  }
0xd: {  	s8 =	ssub.s32 s8, s22;
	s4 =	sadd.s32 $0x501000, s6;
	s23 =	sadd.s32 s0, s9  }
0xe: {  	s25 =	sshll.u32 s13, $0x7;
	s26 =	sshll.u32 s14, $0x7;
	s30 =	sshll.u32 s15, $0x7  }
0xf: {  	s21 =	sshll.u32 s13, $0x4;
	s22 =	sshll.u32 s14, $0x4;
	s13 =	simm.s32 $0x8000  }
0x10: {  	s14 =	simm.s32 $0x6;
	s5 =	sadd.s32 $0x4D800, s23;
	s6 =	sadd.s32 $0x4DD00, s23  }
0x11: {  	s23 =	sadd.s32 $0x1F000, s7;
	s7 =	sadd.s32 s24, s1;
	s8 =	smax.u32 s8, $0x1  }
0x12: {  	s9 =	sadd.s32 s25, s1;
	s10 =	sadd.s32 s26, s1;
	s11 =	sadd.s32 s30, s1  }
0x13: {  	s24 =	sshll.u32 s15, $0x4;
	s15 =	simm.s32 $0xA800;
	s25 =	simm.s32 $0x3  }
0x14: {  	s26 =	simm.s32 $0x4;
	s20 =	sadd.s32 s20, s23;
	s21 =	sadd.s32 s21, s23  }
0x15: {  	v1 =	vimm.f32 $0.0e+00;
	v0 =	vmov s12;
	s22 =	sadd.s32 s22, s23;
	s23 =	sadd.s32 s24, s23;
	s24 =	simm.s32 $0x2  }
.LBB2_1:
0x16: {  	s0 =	sand.u32 $0xFE00, s3  }
0x17: {  	s12 =	sand.u32 $0x70, s3;
	s30 =	sshrl.u32 s0, $0x2  }
0x18: {  	s0 =	simm.s32 $0x40;
	s30 =	sor.u32 s12, s30;
	s12 =	simm.s32 $0x0  }
.LBB2_2:
0x19: {  	p0 =	sne.s32 s0, $0x9FC0  }
0x1a: {  	[tilespmem:s30+$0x8000] =	vst v1;
	s12 =	sadd.s32 $0x10, s12;
	s30 =	smov.u32 s0;
	s0 =	sadd.s32 $0x40, s0  }
.Ltmp0:
0x1b: {  	(pc) =	sbr.rel @p0 .LBB2_2-.Ltmp0, $4  }
0x1c: {  	_ = 	snop  }
0x1d: {  	s30 =	sand.u32 $0xFE00, s30  }
0x1e: {  	s2 =	sand.u32 $0x70, s12;
	s30 =	sshrl.u32 s30, $0x2  }
0x1f: {  	s30 =	sor.u32 s2, s30  }
0x20: {  	[tilespmem:s30+$0x8000] =	vst v1  }
0x21: {  	[spmem:s7] =	stream.linear.scatter [tilespmem:s13], [sflag:$0x6], $0x2800, $0x38;
	[tilespmem:$0x1C280] =	vst v63  }
0x22: {  	_ =	swait.ge [sflag:s14], $0x2800  }
0x23: {  	[sflag:s14] =	ssyncset.done $0x0  }
0x24: {  	[sflag:s14] =	ssyncadd.s32 $0xFFFFD800  }
0x25: {  	[spmem:s9] =	stream.linear.scatter [tilespmem:s13], [sflag:$0x6], $0x2800, $0x38;
	[tilespmem:$0x1C280] =	vst v63  }
0x26: {  	_ =	swait.ge [sflag:s14], $0x2800  }
0x27: {  	[sflag:s14] =	ssyncset.done $0x0  }
0x28: {  	[sflag:s14] =	ssyncadd.s32 $0xFFFFD800  }
0x29: {  	[spmem:s10] =	stream.linear.scatter [tilespmem:s13], [sflag:$0x6], $0x2800, $0x38;
	[tilespmem:$0x1C280] =	vst v63  }
0x2a: {  	_ =	swait.ge [sflag:s14], $0x2800  }
0x2b: {  	[sflag:s14] =	ssyncset.done $0x0  }
0x2c: {  	[sflag:s14] =	ssyncadd.s32 $0xFFFFD800  }
0x2d: {  	[spmem:s11] =	stream.linear.scatter [tilespmem:s13], [sflag:$0x6], $0x2800, $0x38;
	[tilespmem:$0x1C280] =	vst v63  }
0x2e: {  	_ =	swait.ge [sflag:s14], $0x2800  }
0x2f: {  	[sflag:s14] =	ssyncset.done $0x0  }
0x30: {  	[sflag:s14] =	ssyncadd.s32 $0xFFFFD800  }
0x31: {  	s0 =	simm.s32 $0x0;
	[bflag:$0x0] =	sbarrier.arrive $0xFFFF  }
0x32: {  	[tilespmem:s0], [sflag:$0x6] =	stream.linear.gather [hbm4b:s4+s0], $0x7D00, $0x38;
	[tilespmem:$0x1C280] =	vst v63  }
0x33: {  	_ =	swait.ge [sflag:s14], $0x7D00  }
0x34: {  	[sflag:s14] =	ssyncset.done $0x0  }
0x35: {  	s0 =	simm.s32 $0x0;
	[sflag:s14] =	ssyncadd.s32 $0xFFFF8300  }
0x36: {  	v4 =	vld [tilespmem:s0+$0x0]  }
0x37: {  	v5 =	vld [tilespmem:s0+$0x10]  }
0x38: {  	v3 =	vld [tilespmem:s0+$0x20]  }
0x39: {  	s12 =	simm.s32 $0x200;
	v2 =	vld [tilespmem:s0+$0x30]  }
.LBB2_4:
0x3a: {  	p0 =	sne.s32 s12, $0x1F200;
	v6 =	vld [tilespmem:s0+$0x40]  }
0x3b: {  	v4 =	vsub.s32 v4, v0  }
0x3c: {  	v4 =	vmin.u32 v4, $0x1400;
	v5 =	vsub.s32 v5, v0  }
.Ltmp1:
0x3d: {  	s2 =	sshra.s32 s12, $0x2;
	[tilespmem:s0+$0x0] =	vst v4;
	v5 =	vmin.u32 v5, $0x1400;
	v3 =	vsub.s32 v3, v0;
	(pc) =	sbr.rel @p0 .LBB2_4-.Ltmp1, $4  }
0x3e: {  	v4 =	vld [tilespmem:s2+$0x0];
	[tilespmem:s0+$0x10] =	vst v5;
	v3 =	vmin.u32 v3, $0x1400;
	v2 =	vsub.s32 v2, v0  }
0x3f: {  	v5 =	vld [tilespmem:s2+$0x10];
	[tilespmem:s0+$0x20] =	vst v3;
	v2 =	vmin.u32 v2, $0x1400;
	v6 =	vsub.s32 v6, v0  }
0x40: {  	v3 =	vld [tilespmem:s2+$0x20];
	[tilespmem:s0+$0x30] =	vst v2;
	v6 =	vmin.u32 v6, $0x1400  }
0x41: {  	s12 =	sadd.s32 $0x200, s12;
	v2 =	vld [tilespmem:s2+$0x30];
	[tilespmem:s0+$0x40] =	vst v6;
	s0 =	smov.u32 s2  }
0x42: {  	v6 =	vld [tilespmem:s0+$0x40]  }
0x43: {  	v4 =	vsub.s32 v4, v0  }
0x44: {  	v4 =	vmin.u32 v4, $0x1400;
	v5 =	vsub.s32 v5, v0  }
0x45: {  	[tilespmem:s0+$0x0] =	vst v4;
	v63 =	vmin.u32 v5, $0x1400;
	v3 =	vsub.s32 v3, v0  }
0x46: {  	[tilespmem:s0+$0x10] =	vst v63;
	v3 =	vmin.u32 v3, $0x1400;
	v2 =	vsub.s32 v2, v0  }
0x47: {  	[tilespmem:s0+$0x20] =	vst v3;
	v2 =	vmin.u32 v2, $0x1400;
	v3 =	vsub.s32 v6, v0  }
0x48: {  	[tilespmem:s0+$0x30] =	vst v2;
	v2 =	vmin.u32 v3, $0x1400  }
0x49: {  	[tilespmem:s0+$0x40] =	vst v2  }
0x4a: {  	[tilespmem:s13], [sflag:$0x1] =	stream.linear.gather [hbm4b:s29+s3], $0x2800, $0x38;
	[tilespmem:$0x1C280] =	vst v63  }
0x4b: {  	s30 =	sadd.s32 $0x500, s29  }
0x4c: {  	[tilespmem:s15], [sflag:$0x2] =	stream.linear.gather [hbm4b:s30+s3], $0x2800, $0x38;
	[tilespmem:$0x1C280] =	vst v63  }
0x4d: {  	s2 =	sadd.s32 $0xA00, s29  }
0x4e: {  	[tilespmem:s16], [sflag:$0x3] =	stream.linear.gather [hbm4b:s2+s3], $0x2800, $0x38;
	[tilespmem:$0x1C280] =	vst v63  }
0x4f: {  	s12 =	sadd.s32 $0xF00, s29  }
0x50: {  	[tilespmem:s17], [sflag:$0x4] =	stream.linear.gather [hbm4b:s12+s3], $0x2800, $0x38;
	[tilespmem:$0x1C280] =	vst v63  }
0x51: {  	_ =	swait.ge [sflag:s18], $0x2800  }
0x52: {  	[sflag:s18] =	ssyncset.done $0x0  }
0x53: {  	s30 =	simm.s32 $0x0;
	[sflag:s18] =	ssyncadd.s32 $0xFFFFD800  }
0x54: {  	[spmem:s1] =	stream.indirect.scatter.add.f32 [tilespmem:s13], [sflag:$0x5], $0x80, s30, s19, $0xb8;
	[tilespmem:$0x1C280] =	vst v63  }
0x55: {  	_ =	swait.ge [sflag:s24], $0x2800  }
0x56: {  	[sflag:s24] =	ssyncset.done $0x0  }
0x57: {  	s2 =	simm.s32 $0x80;
	[sflag:s24] =	ssyncadd.s32 $0xFFFFD800  }
0x58: {  	[spmem:s1] =	stream.indirect.scatter.add.f32 [tilespmem:s15], [sflag:$0x5], $0x80, s2, s19, $0xb8;
	[tilespmem:$0x1C280] =	vst v63  }
0x59: {  	_ =	swait.ge [sflag:s25], $0x2800  }
0x5a: {  	[sflag:s25] =	ssyncset.done $0x0  }
0x5b: {  	s12 =	simm.s32 $0x100;
	[sflag:s25] =	ssyncadd.s32 $0xFFFFD800  }
0x5c: {  	[spmem:s1] =	stream.indirect.scatter.add.f32 [tilespmem:s16], [sflag:$0x5], $0x80, s12, s19, $0xb8;
	[tilespmem:$0x1C280] =	vst v63  }
0x5d: {  	_ =	swait.ge [sflag:s26], $0x2800  }
0x5e: {  	[sflag:s26] =	ssyncset.done $0x0  }
0x5f: {  	s30 =	simm.s32 $0x180;
	[sflag:s26] =	ssyncadd.s32 $0xFFFFD800  }
0x60: {  	[spmem:s1] =	stream.indirect.scatter.add.f32 [tilespmem:s17], [sflag:$0x5], $0x80, s30, s19, $0xb8;
	[tilespmem:$0x1C280] =	vst v63  }
0x61: {  	_ =	swait.ge [sflag:s28], $0x2800  }
0x62: {  	[sflag:s28] =	ssyncset.done $0x0  }
0x63: {  	[sflag:s28] =	ssyncadd.s32 $0xFFFFD800  }
0x64: {  	_ =	swait.ge [sflag:s28], $0x2800  }
0x65: {  	[sflag:s28] =	ssyncset.done $0x0  }
0x66: {  	[sflag:s28] =	ssyncadd.s32 $0xFFFFD800  }
0x67: {  	_ =	swait.ge [sflag:s28], $0x2800  }
0x68: {  	[sflag:s28] =	ssyncset.done $0x0  }
0x69: {  	[sflag:s28] =	ssyncadd.s32 $0xFFFFD800  }
0x6a: {  	_ =	swait.ge [sflag:s28], $0x2800  }
0x6b: {  	s0 =	simm.s32 $0x800;
	s12 =	smov.u32 s29;
	[sflag:s28] =	ssyncset.done $0x0  }
.LBB2_6:
0x6c: {  	p0 =	sne.s32 s0, $0x1E800;
	[sflag:s28] =	ssyncadd.s32 $0xFFFFD800;
	s12 =	sadd.s32 $0x1400, s12  }
0x6d: {  	[tilespmem:s13], [sflag:$0x1] =	stream.linear.gather [hbm4b:s12+s3], $0x2800, $0x38;
	[tilespmem:$0x1C280] =	vst v63  }
0x6e: {  	s30 =	smov.u32 s0;
	s0 =	sadd.s32 $0x800, s0;
	s2 =	sadd.s32 $0x500, s12  }
0x6f: {  	[tilespmem:s15], [sflag:$0x2] =	stream.linear.gather [hbm4b:s2+s3], $0x2800, $0x38;
	[tilespmem:$0x1C280] =	vst v63  }
0x70: {  	s2 =	sadd.s32 $0xA00, s12  }
0x71: {  	[tilespmem:s16], [sflag:$0x3] =	stream.linear.gather [hbm4b:s2+s3], $0x2800, $0x38;
	[tilespmem:$0x1C280] =	vst v63  }
0x72: {  	s2 =	sadd.s32 $0xF00, s12  }
0x73: {  	[tilespmem:s17], [sflag:$0x4] =	stream.linear.gather [hbm4b:s2+s3], $0x2800, $0x38;
	[tilespmem:$0x1C280] =	vst v63  }
0x74: {  	_ =	swait.ge [sflag:s18], $0x2800  }
0x75: {  	[sflag:s18] =	ssyncset.done $0x0  }
0x76: {  	s2 =	sshra.s32 s30, $0x2;
	[sflag:s18] =	ssyncadd.s32 $0xFFFFD800  }
0x77: {  	[spmem:s1] =	stream.indirect.scatter.add.f32 [tilespmem:s13], [sflag:$0x5], $0x80, s2, s19, $0xb8;
	[tilespmem:$0x1C280] =	vst v63  }
0x78: {  	_ =	swait.ge [sflag:s24], $0x2800  }
0x79: {  	[sflag:s24] =	ssyncset.done $0x0  }
0x7a: {  	s30 =	sadd.s32 $0x80, s2;
	[sflag:s24] =	ssyncadd.s32 $0xFFFFD800  }
0x7b: {  	[spmem:s1] =	stream.indirect.scatter.add.f32 [tilespmem:s15], [sflag:$0x5], $0x80, s30, s19, $0xb8;
	[tilespmem:$0x1C280] =	vst v63  }
0x7c: {  	_ =	swait.ge [sflag:s25], $0x2800  }
0x7d: {  	[sflag:s25] =	ssyncset.done $0x0  }
0x7e: {  	s30 =	sadd.s32 $0x100, s2;
	[sflag:s25] =	ssyncadd.s32 $0xFFFFD800  }
0x7f: {  	[spmem:s1] =	stream.indirect.scatter.add.f32 [tilespmem:s16], [sflag:$0x5], $0x80, s30, s19, $0xb8;
	[tilespmem:$0x1C280] =	vst v63  }
0x80: {  	_ =	swait.ge [sflag:s26], $0x2800  }
0x81: {  	[sflag:s26] =	ssyncset.done $0x0  }
0x82: {  	s2 =	sadd.s32 $0x180, s2;
	[sflag:s26] =	ssyncadd.s32 $0xFFFFD800  }
0x83: {  	[spmem:s1] =	stream.indirect.scatter.add.f32 [tilespmem:s17], [sflag:$0x5], $0x80, s2, s19, $0xb8;
	[tilespmem:$0x1C280] =	vst v63  }
0x84: {  	_ =	swait.ge [sflag:s28], $0x2800  }
0x85: {  	[sflag:s28] =	ssyncset.done $0x0  }
0x86: {  	[sflag:s28] =	ssyncadd.s32 $0xFFFFD800  }
0x87: {  	_ =	swait.ge [sflag:s28], $0x2800  }
0x88: {  	[sflag:s28] =	ssyncset.done $0x0  }
0x89: {  	[sflag:s28] =	ssyncadd.s32 $0xFFFFD800  }
.Ltmp2:
0x8a: {  	_ =	swait.ge [sflag:s28], $0x2800;
	(pc) =	sbr.rel @p0 .LBB2_6-.Ltmp2, $4  }
0x8b: {  	[sflag:s28] =	ssyncset.done $0x0  }
0x8c: {  	[sflag:s28] =	ssyncadd.s32 $0xFFFFD800  }
0x8d: {  	_ =	swait.ge [sflag:s28], $0x2800  }
0x8e: {  	[sflag:s28] =	ssyncset.done $0x0  }
0x8f: {  	[sflag:s28] =	ssyncadd.s32 $0xFFFFD800  }
0x90: {  	[tilespmem:s13], [sflag:$0x6] =	stream.linear.gather [hbm4b:s5+s3], $0x2800, $0x38;
	[tilespmem:$0x1C280] =	vst v63  }
0x91: {  	_ =	swait.ge [sflag:s14], $0x2800  }
0x92: {  	[sflag:s14] =	ssyncset.done $0x0  }
0x93: {  	s0 =	simm.s32 $0x7C00;
	[sflag:s14] =	ssyncadd.s32 $0xFFFFD800  }
0x94: {  	[spmem:s1] =	stream.indirect.scatter.add.f32 [tilespmem:s13], [sflag:$0x6], $0x80, s0, s19, $0xb8;
	[tilespmem:$0x1C280] =	vst v63  }
0x95: {  	_ =	swait.ge [sflag:s14], $0x2800  }
0x96: {  	[sflag:s14] =	ssyncset.done $0x0  }
0x97: {  	[sflag:s14] =	ssyncadd.s32 $0xFFFFD800  }
0x98: {  	[tilespmem:s13], [sflag:$0x6] =	stream.linear.gather [hbm4b:s6+s3], $0x2800, $0x38;
	[tilespmem:$0x1C280] =	vst v63  }
0x99: {  	_ =	swait.ge [sflag:s14], $0x2800  }
0x9a: {  	[sflag:s14] =	ssyncset.done $0x0  }
0x9b: {  	s2 =	simm.s32 $0x7C80;
	[sflag:s14] =	ssyncadd.s32 $0xFFFFD800  }
0x9c: {  	[spmem:s1] =	stream.indirect.scatter.add.f32 [tilespmem:s13], [sflag:$0x6], $0x80, s2, s19, $0xb8;
	[tilespmem:$0x1C280] =	vst v63  }
0x9d: {  	_ =	swait.ge [sflag:s14], $0x2800  }
0x9e: {  	s12 =	stileid.u32;
	[sflag:s14] =	ssyncset.done $0x0  }
0x9f: {  	s0 =	sshll.u32 s12, $0x6;
	[sflag:s14] =	ssyncadd.s32 $0xFFFFD800  }
0xa0: {  	s0 =	sor.u32 $0x1C06, s0;
	s2 =	sshrl.u32 s7, $0x3;
	[bflag:$0x0] =	sbarrier.arrive $0xFFFF  }
0xa1: {  	[hbm:s20], [sflag:s0] =	dma.local [spmem:s2], $0x500  }
0xa2: {  	_ =	swait.ge [sflag:s14], $0x500  }
0xa3: {  	[sflag:s14] =	ssyncset.done $0x0  }
0xa4: {  	s30 =	sshrl.u32 s9, $0x3;
	[sflag:s14] =	ssyncadd.s32 $0xFFFFFB00  }
0xa5: {  	[hbm:s21], [sflag:s0] =	dma.local [spmem:s30], $0x500  }
0xa6: {  	_ =	swait.ge [sflag:s14], $0x500  }
0xa7: {  	[sflag:s14] =	ssyncset.done $0x0  }
0xa8: {  	s12 =	sshrl.u32 s10, $0x3;
	[sflag:s14] =	ssyncadd.s32 $0xFFFFFB00  }
0xa9: {  	[hbm:s22], [sflag:s0] =	dma.local [spmem:s12], $0x500  }
0xaa: {  	s31 =	sadd.s32 $0x1, s31;
	_ =	swait.ge [sflag:s14], $0x500  }
0xab: {  	p0 =	sne.s32 s31, s8;
	[sflag:s14] =	ssyncset.done $0x0  }
.Ltmp3:
0xac: {  	s30 =	sshrl.u32 s11, $0x3;
	[sflag:s14] =	ssyncadd.s32 $0xFFFFFB00;
	(pc) =	sbr.rel @p0 .LBB2_1-.Ltmp3, $4  }
0xad: {  	[hbm:s23], [sflag:s0] =	dma.local [spmem:s30], $0x500  }
0xae: {  	_ =	swait.ge [sflag:s14], $0x500  }
0xaf: {  	[sflag:s14] =	ssyncset.done $0x0  }
0xb0: {  	[sflag:s14] =	ssyncadd.s32 $0xFFFFFB00  }
0xb1: {  	_ =	sfence.sel $0x180000  }
0xb2: {  	[bflag:$0x0] =	sbarrier.arrive $0xFFFF  }
0xb3: {  	_ =	strace $0x9000004A  }
0xb4: {  	s0 =	stileid.u32;
	[bflag:$0x2] =	sbarrier.arrive $0xFFFF  }
0xb5: {  	p0 =	sne.s32 s0, $0x0;
	s0 =	rddreg [dreg:$0x3]  }
0xb6: {  	s0 =	sadd.s32 @!p0 $0x100000, s0  }
0xb7: {  	[sflag:s0] =	ssyncadd.tile.s32 @!p0 $0x1;
	_ =	shalt  }
.Lfunc_end2:
_tile_overlayer_lowered:
.L_overlay_start_2:
0xb8: {  	(tag) =	ssettag $0x2  }
0xb9: {  	s0 =	rddreg [dreg:$0x0];
	s2 =	stileid.u32  }
0xba: {  	s1 =	rddreg [dreg:$0x1];
	p0 =	sne.s32 s2, $0x0  }
0xbb: {  	s3 =	rddreg [dreg:$0x2];
	[bflag:$0x3] =	sbarrier.arrive $0xFFFF;
	s2 =	simm.s32 @!p0 $0x1C06  }
0xbc: {  	[timem:s3], [sflag:s2] =	dma.local @!p0 [hbm:s0], s1  }
0xbd: {  	s0 =	simm.s32 @!p0 $0x6  }
0xbe: {  	_ =	swait.ge @!p0 [sflag:s0], s1  }
0xbf: {  	s1 =	ssub.s32 @!p0 $0x0, s1;
	[sflag:s0] =	ssyncset.done @!p0 $0x0  }
0xc0: {  	[sflag:s0] =	ssyncadd.s32 @!p0 s1  }
0xc1: {  	[bflag:$0x3] =	sbarrier.arrive $0xFFFF  }
0xc2: {  	_ =	shalt  }

// kernel: kernel.20.cloned.1.call-start
scs
__scs_entry_jumppad:
0x0: {  	(pc) =	sbr.rel $0x88, $3  }
0x1: {  	(tag) =	ssettag $0x0;
	lr =	simm.s32 $0x1  }
0x2: {  	[smem:$0x3F89] =	sst lr;
	_ =	strace $0xD0000000  }
0x3: {  	_ = 	snop  }
0x4: {  	_ = 	snop  }
0x5: {  	_ = 	snop  }
0x6: {  	_ = 	snop  }
0x7: {  	_ = 	snop  }
__scs_overlays_trampoline_lowered:
0x8: {  	[smem:$0x3F98] =	sst s0  }
0x9: {  	[smem:$0x3F99] =	sst s1  }
0xa: {  	[smem:$0x3F9A] =	sst s2  }
0xb: {  	[smem:$0x3F9B] =	sst s3  }
0xc: {  	[smem:$0x3F9C] =	sst s4  }
0xd: {  	[smem:$0x3F9D] =	sst s5  }
0xe: {  	[smem:$0x3F9E] =	sst s6  }
0xf: {  	[smem:$0x3F9F] =	sst s7  }
0x10: {  	[smem:$0x3FA0] =	sst s8  }
0x11: {  	[smem:$0x3FA1] =	sst s9;
	s0 =	simm.s32 @!p0 $0x0  }
0x12: {  	s1 =	sld [smem:$0x3F87];
	s0 =	simm.s32 @p0 $0x1  }
0x13: {  	[smem:$0x3FA2] =	sst s0;
	s0 =	simm.s32 @!p1 $0x0  }
0x14: {  	s2 =	sld [smem:$0x3F86];
	s0 =	simm.s32 @p1 $0x1  }
0x15: {  	[smem:$0x3FA3] =	sst s0;
	s0 =	simm.s32 @!p2 $0x0  }
0x16: {  	s3 =	sld [smem:$0x3FDB];
	s0 =	simm.s32 @p2 $0x1  }
0x17: {  	s4 =	simm.s32 $0x1BF5;
	[smem:$0x3FA5] =	sst s0  }
0x18: {  	s0 =	sld [smem:$0x3F88];
	_ =	swait.ge [sflag:s4], $0x0  }
0x19: {  	s7 =	sld [smem:$0x3F89]  }
0x1a: {  	s8 =	sadd.s32 $0xFFFFE003, lr  }
0x1b: {  	s9 =	sadd.s32 $0xFFFFFEF7, lr;
	s5 =	simm.s32 $0xFFFFFFFF;
	p2 =	slt.u32 s8, $0xFFFFF086  }
0x1c: {  	p1 =	slt.u32 s9, $0xF7A;
	s5 =	simm.s32 @!p2 $0x0  }
0x1d: {  	s5 =	simm.s32 @p1 $0x1;
	p0 =	seq.s32 s7, s2  }
0x1e: {  	s7 =	smul.u32 @!p0 $0xF7A, s2;
	p2 =	seq.s32 @!p0 s5, $0x0  }
0x1f: {  	s9 =	smul.u32 $0xF7A, s1;
	s8 =	simm.s32 @!p0 $0x1BF5;
	p2 =	por !p2, p0  }
0x20: {  	[sflag:s8] =	ssyncset.s32 @!p0 $0xFFFFF086;
	s6 =	sadd.s32 @!p0 s3, s7;
	s7 =	simm.s32 @!p0 $0x108  }
0x21: {  	s3 =	sadd.s32 s3, s9;
	s6 =	sadd.s32 @!p0 $0x88, s6;
	s7 =	simm.s32 @p2 $0x1082  }
0x22: {  	[simem:s7], [sflag:s8] =	dma.local @!p0 [hbm:s6], $0xF7A  }
0x23: {  	s9 =	sor.u32 $0xD0000000, s2;
	s6 =	simm.s32 $0x108;
	_ =	swait.ge @!p0 [sflag:s8], $0x0  }
0x24: {  	s3 =	sadd.s32 $0x88, s3;
	s6 =	simm.s32 @!p1 $0x1082;
	[sflag:s4] =	ssyncset.s32 $0xFFFFF086  }
0x25: {  	[simem:s6], [sflag:s4] =	dma.local [hbm:s3], $0xF7A  }
0x26: {  	[smem:$0x3F89] =	sst s1;
	(tag) =	ssettag s2;
	_ =	strace s9  }
0x27: {  	s1 =	sld [smem:$0x3F99]  }
0x28: {  	s2 =	sld [smem:$0x3F9A]  }
0x29: {  	s4 =	sld [smem:$0x3F9C]  }
0x2a: {  	p0 =	seq.s32 s5, $0x0;
	s5 =	sld [smem:$0x3F9D]  }
0x2b: {  	s6 =	sld [smem:$0x3F9E]  }
0x2c: {  	s7 =	sld [smem:$0x3F9F]  }
0x2d: {  	s3 =	simm.s32 $0x108;
	s8 =	sld [smem:$0x3FA0]  }
0x2e: {  	s3 =	simm.s32 @!p0 $0x1082;
	s9 =	sld [smem:$0x3FA1]  }
0x2f: {  	lr =	sadd.s32 s0, s3;
	s0 =	sld [smem:$0x3F98]  }
0x30: {  	s3 =	sld [smem:$0x3F9B]  }
0x31: {  	[smem:$0x3FA4] =	sst s10  }
0x32: {  	s10 =	sld [smem:$0x3FA2];
	_ =	sdelay $0x3  }
0x33: {  	p0 =	seq.s32 s10, $0x1;
	s10 =	sld [smem:$0x3FA4];
	_ =	sdelay $0x3  }
0x34: {  	[smem:$0x3FA4] =	sst s10  }
0x35: {  	s10 =	sld [smem:$0x3FA3];
	_ =	sdelay $0x3  }
0x36: {  	p1 =	seq.s32 s10, $0x1;
	s10 =	sld [smem:$0x3FA4];
	_ =	sdelay $0x3  }
0x37: {  	[smem:$0x3FA4] =	sst s10  }
0x38: {  	s10 =	sld [smem:$0x3FA5]  }
0x39: {  	_ = 	snop;
	(pc) =	sbr.ind lr, $3  }
0x3a: {  	_ = 	snop  }
0x3b: {  	_ = 	snop  }
0x3c: {  	p2 =	seq.s32 s10, $0x1;
	s10 =	sld [smem:$0x3FA4]  }
0x3d: {  	_ =	shalt  }
0x3e: {  	_ =	shalt  }
0x3f: {  	_ =	shalt  }
0x40: {  	_ =	shalt  }
0x41: {  	_ =	shalt  }
0x42: {  	_ =	shalt  }
0x43: {  	_ =	shalt  }
0x44: {  	_ =	shalt  }
0x45: {  	_ =	shalt  }
0x46: {  	_ =	shalt  }
0x47: {  	_ =	shalt  }
0x48: {  	_ =	shalt  }
0x49: {  	_ =	shalt  }
0x4a: {  	_ =	shalt  }
0x4b: {  	_ =	shalt  }
0x4c: {  	_ =	shalt  }
0x4d: {  	_ =	shalt  }
0x4e: {  	_ =	shalt  }
0x4f: {  	_ =	shalt  }
0x50: {  	_ =	shalt  }
0x51: {  	_ =	shalt  }
0x52: {  	_ =	shalt  }
0x53: {  	_ =	shalt  }
0x54: {  	_ =	shalt  }
0x55: {  	_ =	shalt  }
0x56: {  	_ =	shalt  }
0x57: {  	_ =	shalt  }
0x58: {  	_ =	shalt  }
0x59: {  	_ =	shalt  }
0x5a: {  	_ =	shalt  }
0x5b: {  	_ =	shalt  }
0x5c: {  	_ =	shalt  }
0x5d: {  	_ =	shalt  }
0x5e: {  	_ =	shalt  }
0x5f: {  	_ =	shalt  }
0x60: {  	_ =	shalt  }
0x61: {  	_ =	shalt  }
0x62: {  	_ =	shalt  }
0x63: {  	_ =	shalt  }
0x64: {  	_ =	shalt  }
0x65: {  	_ =	shalt  }
0x66: {  	_ =	shalt  }
0x67: {  	_ =	shalt  }
0x68: {  	_ =	shalt  }
0x69: {  	_ =	shalt  }
0x6a: {  	_ =	shalt  }
0x6b: {  	_ =	shalt  }
0x6c: {  	_ =	shalt  }
0x6d: {  	_ =	shalt  }
0x6e: {  	_ =	shalt  }
0x6f: {  	_ =	shalt  }
0x70: {  	_ =	shalt  }
0x71: {  	_ =	shalt  }
0x72: {  	_ =	shalt  }
0x73: {  	_ =	shalt  }
0x74: {  	_ =	shalt  }
0x75: {  	_ =	shalt  }
0x76: {  	_ =	shalt  }
0x77: {  	_ =	shalt  }
0x78: {  	_ =	shalt  }
0x79: {  	_ =	shalt  }
0x7a: {  	_ =	shalt  }
0x7b: {  	_ =	shalt  }
0x7c: {  	_ =	shalt  }
0x7d: {  	_ =	shalt  }
0x7e: {  	_ =	shalt  }
0x7f: {  	_ =	shalt  }
0x80: {  	_ =	shalt  }
0x81: {  	_ =	shalt  }
0x82: {  	_ =	shalt  }
0x83: {  	_ =	shalt  }
0x84: {  	_ =	shalt  }
0x85: {  	_ =	shalt  }
0x86: {  	_ =	shalt  }
0x87: {  	_ =	shalt  }
.Lfunc_end0:
.L_simem_size_0:
called_computation.2_lowered:
.L_overlay_start_0:
0x88: {  	s2 =	sld [smem:$0x3FD9]  }
0x89: {  	s3 =	sld [smem:$0x3FFE];
	_ =	sdelay $0x1  }
0x8a: {  	s1 =	srdreg.scid  }
0x8b: {  	s0 =	sand.u32 $0x1, s1  }
0x8c: {  	s14 =	sshll.u32 s0, $0xA;
	s2 =	sadd.s32 s3, s2  }
0x8d: {  	s2 =	sadd.s32 s2, s14  }
0x8e: {  	[smem:$0x3FB0] =	sst s2  }
0x8f: {  	_ = 	snop  }
0x90: {  	s2 =	sld [smem:$0x3FD0];
	_ =	sdelay $0x2  }
0x91: {  	s15 =	simm.s32 $0xA;
	s4 =	simm.s32 $0x10  }
0x92: {  	[smem:s4], [sflag:s15] =	dma.local [hbm:s2], $0x1  }
0x93: {  	_ =	swait.eq [sflag:s15], $0x1  }
0x94: {  	[sflag:s15] =	ssyncset.done $0x0  }
0x95: {  	[sflag:s15] =	ssyncadd.s32 $0xFFFFFFFF  }
0x96: {  	s16 =	sld [smem:$0x10];
	(tm) =	ssettm $0x1  }
0x97: {  	s17 =	sld [smem:$0x3FFB];
	_ =	sdelay $0x3  }
0x98: {  	_ =	strace s17  }
0x99: {  	s3 =	sld [smem:$0x3FFC];
	_ =	sdelay $0x3  }
0x9a: {  	_ =	strace s3  }
0x9b: {  	s3 =	sld [smem:$0x3FFD];
	_ =	sdelay $0x3  }
0x9c: {  	_ =	strace s3  }
0x9d: {  	_ =	strace $0x8FFFFFFF  }
0x9e: {  	s18 =	sld [smem:$0x3FDB];
	_ =	sdelay $0x1  }
0x9f: {  	s19 =	simm.s32 $_scs_section_size  }
0xa0: {  	s5 =	simm.s32 $_size__tile_overlayer_lowered;
	s6 =	simm.s32 $_tile_overlayer_lowered  }
0xa1: {  	s22 =	simm.s32 $0x1BFF;
	s21 =	sshll.u32 s6, $0x1;
	s3 =	sadd.s32 s19, s18  }
0xa2: {  	s7 =	simm.s32 $0x0;
	s20 =	sshll.u32 s5, $0x1;
	s5 =	sadd.s32 s21, s3  }
0xa3: {  	[timem:s7], [sflag:s22] =	dma.local [hbm:s5], s20  }
0xa4: {  	_ =	swait.ge [sflag:s22], s20  }
0xa5: {  	s4 =	ssub.s32 $0x0, s20;
	[sflag:s22] =	ssyncset.done $0x0  }
0xa6: {  	[sflag:s22] =	ssyncadd.s32 s4;
	_ =	sdelay $0x1  }
0xa7: {  	s23 =	simm.s32 $0x1B8B  }
0xa8: {  	_ =	swait.ge [sflag:s23], $0x1  }
0xa9: {  	[sflag:s23] =	ssyncset.done $0x0  }
0xaa: {  	s25 =	simm.s32 $0x1B8E;
	s24 =	sld [smem:$0x3FFE];
	[sflag:s23] =	ssyncadd.s32 $0xFFFFFFFF  }
0xab: {  	s26 =	simm.s32 $execute0_lowered;
	[smem:$0x3FD2] =	sst s25  }
0xac: {  	s5 =	sshll.u32 s26, $0x1;
	_ =	strace $0x8000004C;
	[dreg:$0x1] =	wrdreg $0xFFFFFFFF  }
0xad: {  	s28 =	simm.s32 $_size_execute0_lowered;
	s3 =	sadd.s32 s3, s5;
	[dreg:$0x0] =	wrdreg $0x0  }
0xae: {  	s5 =	sshll.u32 s28, $0x1;
	[dreg:$0x2] =	wrdreg s3  }
0xaf: {  	[dreg:$0x3] =	wrdreg s5  }
0xb0: {  	[dreg:$0x4] =	wrdreg $0xC0  }
0xb1: {  	_ =	task [dreg:s7], $0x5FFFF  }
0xb2: {  	[dreg:$0x1] =	wrdreg $0xFFFFFFFF  }
0xb3: {  	[dreg:$0x0] =	wrdreg $0x60  }
0xb4: {  	[dreg:$0x2] =	wrdreg s16  }
0xb5: {  	[dreg:$0x3] =	wrdreg s24  }
0xb6: {  	[dreg:$0x4] =	wrdreg $0x9  }
0xb7: {  	_ =	task.clear_ibuf [dreg:s7], $0x5FFFF;
	_ =	strace $0x9000004C  }
0xb8: {  	s29 =	simm.s32 $0x9;
	_ =	strace $0x8000004E  }
0xb9: {  	_ =	swait.ge [sflag:s29], $0x1  }
0xba: {  	[sflag:s29] =	ssyncadd.s32 $0xFFFFFFFF  }
0xbb: {  	_ =	strace $0x9000004E  }
0xbc: {  	_ =	sfence  }
0xbd: {  	s30 =	sld [smem:$0x0];
	_ =	sdelay $0x2  }
0xbe: {  	s31 =	sshll.u32 s1, $0xD;
	s1 =	sshrl.u32 s1, $0x2  }
0xbf: {  	s3 =	sand.u32 $0x4000, s31;
	s1 =	sadd.s32 s1, s30  }
0xc0: {  	s0 =	sor.u32 s3, s0;
	s1 =	sshll.u32 s1, $0x11  }
0xc1: {  	s0 =	sor.u32 s1, s0  }
0xc2: {  	s0 =	sadd.s32 $0x8F2B, s0  }
0xc3: {  	[sflag:s0] =	ssyncadd.remote.s32 $0x1  }
0xc4: {  	_ =	sfence.sel $0xFFFF  }
0xc5: {  	[dreg:$0x0] =	wrdreg $0xFFFFFFFF;
	(pc) =	sbr.abs _section_cstart, $3  }
0xc6: {  	[dreg:$0x1] =	wrdreg $0xFFFFFFFF  }
0xc7: {  	_ =	task.clear_ibuf [dreg:s7], $0x2FFFF;
	_ =	strace $0x9FFFFFFF  }
0xc8: {  	(tm) =	ssettm $0x7FFFFFFF  }
0xc9: {  	_ =	shalt  }
tec
execute0_lowered:
.L_overlay_start_1:
0x0: {  	(tag) =	ssettag $0x1  }
0x1: {  	s1 =	rddreg [dreg:$0x0]  }
0x2: {  	s4 =	rddreg [dreg:$0x1]  }
0x3: {  	s2 =	srdreg.scid;
	s0 =	rddreg [dreg:$0x2]  }
0x4: {  	s3 =	simm.s32 $0x0;
	s12 =	simm.s32 $0x9000;
	s13 =	simm.s32 $0xB800  }
0x5: {  	s14 =	simm.s32 $0x1;
	s15 =	simm.s32 $0x2;
	s16 =	simm.s32 $0x3  }
0x6: {  	s17 =	simm.s32 $0x4;
	s18 =	simm.s32 $0x5;
	s19 =	simm.s32 $0x3E00  }
0x7: {  	s20 =	simm.s32 $0x0;
	s5 =	sand.u32 $0x1, s2;
	[smem:$0x7FF] =	sst s3  }
0x8: {  	s2 =	stileid.u32;
	s8 =	sadd.s32 $0x1F000, s4;
	s6 =	sshll.u32 s5, $0x4  }
0x9: {  	_ =	strace $0x8000004D;
	s29 =	ssub.s32 $0x2, s5;
	s10 =	smul.u32 $0x271000, s5  }
0xa: {  	s11 =	smul.u32 $0x27100, s2;
	s6 =	sor.u32 s2, s6;
	s9 =	sshrl.u32 s29, $0x1  }
0xb: {  	s7 =	sshll.u32 s6, $0xB;
	s6 =	smul.u32 $0x138800, s6;
	s9 =	ssub.s32 s29, s9  }
0xc: {  	s31 =	sadd.s32 s10, s8;
	s10 =	simm.s32 $0x4000;
	s7 =	sadd.s32 s7, s4  }
0xd: {  	s6 =	sshrl.u32 s6, $0x3;
	s4 =	sadd.s32 $0xF000, s7;
	s7 =	sadd.s32 s11, s31  }
0xe: {  	s11 =	simm.s32 $0x6800;
	s30 =	sadd.s32 s8, s6;
	s6 =	smax.u32 s9, $0x1  }
0xf: {  	s8 =	simm.s32 $0x6;
	s9 =	simm.s32 $0x50;
	s5 =	sadd.s32 $0x26C00, s30  }
.LBB2_1:
0x10: {  	[tilespmem:s3], [sflag:$0x6] =	stream.linear.gather [hbm4b:s4+s3], $0x3E80, $0x38;
	[tilespmem:$0xE000] =	vst v63  }
0x11: {  	_ =	swait.ge [sflag:s8], $0x3E80  }
0x12: {  	[sflag:s8] =	ssyncset.done $0x0  }
0x13: {  	[sflag:s8] =	ssyncadd.s32 $0xFFFFC180  }
0x14: {  	[tilespmem:s10], [sflag:$0x1] =	stream.indirect.gather [hbm4b:s1+s9], $0x80, s3, s9, $0xb8;
	[tilespmem:$0xE000] =	vst v63  }
0x15: {  	s21 =	simm.s32 $0x80  }
0x16: {  	[tilespmem:s11], [sflag:$0x2] =	stream.indirect.gather [hbm4b:s1+s9], $0x80, s21, s9, $0xb8;
	[tilespmem:$0xE000] =	vst v63  }
0x17: {  	s28 =	simm.s32 $0x100  }
0x18: {  	[tilespmem:s12], [sflag:$0x3] =	stream.indirect.gather [hbm4b:s1+s9], $0x80, s28, s9, $0xb8;
	[tilespmem:$0xE000] =	vst v63  }
0x19: {  	s29 =	simm.s32 $0x180  }
0x1a: {  	[tilespmem:s13], [sflag:$0x4] =	stream.indirect.gather [hbm4b:s1+s9], $0x80, s29, s9, $0xb8;
	[tilespmem:$0xE000] =	vst v63  }
0x1b: {  	_ =	swait.ge [sflag:s14], $0x2800  }
0x1c: {  	[sflag:s14] =	ssyncset.done $0x0  }
0x1d: {  	s30 =	sadd.s32 $0x0, s7;
	[sflag:s14] =	ssyncadd.s32 $0xFFFFD800  }
0x1e: {  	[hbm4b:s30+s3] =	stream.linear.scatter [tilespmem:s10], [sflag:$0x5], $0x2800, $0x38;
	[tilespmem:$0xE000] =	vst v63  }
0x1f: {  	_ =	swait.ge [sflag:s15], $0x2800  }
0x20: {  	[sflag:s15] =	ssyncset.done $0x0  }
0x21: {  	s22 =	sadd.s32 $0x500, s30;
	[sflag:s15] =	ssyncadd.s32 $0xFFFFD800  }
0x22: {  	[hbm4b:s22+s3] =	stream.linear.scatter [tilespmem:s11], [sflag:$0x5], $0x2800, $0x38;
	[tilespmem:$0xE000] =	vst v63  }
0x23: {  	_ =	swait.ge [sflag:s16], $0x2800  }
0x24: {  	[sflag:s16] =	ssyncset.done $0x0  }
0x25: {  	s31 =	sadd.s32 $0xA00, s30;
	[sflag:s16] =	ssyncadd.s32 $0xFFFFD800  }
0x26: {  	[hbm4b:s31+s3] =	stream.linear.scatter [tilespmem:s12], [sflag:$0x5], $0x2800, $0x38;
	[tilespmem:$0xE000] =	vst v63  }
0x27: {  	_ =	swait.ge [sflag:s17], $0x2800  }
0x28: {  	[sflag:s17] =	ssyncset.done $0x0  }
0x29: {  	s21 =	sadd.s32 $0xF00, s30;
	[sflag:s17] =	ssyncadd.s32 $0xFFFFD800  }
0x2a: {  	[hbm4b:s21+s3] =	stream.linear.scatter [tilespmem:s13], [sflag:$0x5], $0x2800, $0x38;
	[tilespmem:$0xE000] =	vst v63  }
0x2b: {  	_ =	swait.ge [sflag:s18], $0x2800  }
0x2c: {  	[sflag:s18] =	ssyncset.done $0x0  }
0x2d: {  	[sflag:s18] =	ssyncadd.s32 $0xFFFFD800  }
0x2e: {  	_ =	swait.ge [sflag:s18], $0x2800  }
0x2f: {  	[sflag:s18] =	ssyncset.done $0x0  }
0x30: {  	[sflag:s18] =	ssyncadd.s32 $0xFFFFD800  }
0x31: {  	_ =	swait.ge [sflag:s18], $0x2800  }
0x32: {  	[sflag:s18] =	ssyncset.done $0x0  }
0x33: {  	[sflag:s18] =	ssyncadd.s32 $0xFFFFD800  }
0x34: {  	_ =	swait.ge [sflag:s18], $0x2800  }
0x35: {  	s22 =	simm.s32 $0x0;
	s21 =	simm.s32 $0x1400;
	[sflag:s18] =	ssyncset.done $0x0  }
.LBB2_2:
0x36: {  	p0 =	sne.s32 s21, $0x25800;
	[sflag:s18] =	ssyncadd.s32 $0xFFFFD800;
	s22 =	sadd.s32 $0x200, s22  }
0x37: {  	[tilespmem:s10], [sflag:$0x1] =	stream.indirect.gather [hbm4b:s1+s9], $0x80, s22, s9, $0xb8;
	[tilespmem:$0xE000] =	vst v63  }
0x38: {  	s24 =	smov.u32 s21;
	s21 =	sadd.s32 $0x1400, s21;
	s23 =	sadd.s32 $0x80, s22  }
0x39: {  	[tilespmem:s11], [sflag:$0x2] =	stream.indirect.gather [hbm4b:s1+s9], $0x80, s23, s9, $0xb8;
	[tilespmem:$0xE000] =	vst v63  }
0x3a: {  	s23 =	sadd.s32 $0x100, s22  }
0x3b: {  	[tilespmem:s12], [sflag:$0x3] =	stream.indirect.gather [hbm4b:s1+s9], $0x80, s23, s9, $0xb8;
	[tilespmem:$0xE000] =	vst v63  }
0x3c: {  	s23 =	sadd.s32 $0x180, s22  }
0x3d: {  	[tilespmem:s13], [sflag:$0x4] =	stream.indirect.gather [hbm4b:s1+s9], $0x80, s23, s9, $0xb8;
	[tilespmem:$0xE000] =	vst v63  }
0x3e: {  	_ =	swait.ge [sflag:s14], $0x2800  }
0x3f: {  	[sflag:s14] =	ssyncset.done $0x0  }
0x40: {  	s23 =	sadd.s32 s24, s7;
	[sflag:s14] =	ssyncadd.s32 $0xFFFFD800  }
0x41: {  	[hbm4b:s23+s3] =	stream.linear.scatter [tilespmem:s10], [sflag:$0x5], $0x2800, $0x38;
	[tilespmem:$0xE000] =	vst v63  }
0x42: {  	_ =	swait.ge [sflag:s15], $0x2800  }
0x43: {  	[sflag:s15] =	ssyncset.done $0x0  }
0x44: {  	s24 =	sadd.s32 $0x500, s23;
	[sflag:s15] =	ssyncadd.s32 $0xFFFFD800  }
0x45: {  	[hbm4b:s24+s3] =	stream.linear.scatter [tilespmem:s11], [sflag:$0x5], $0x2800, $0x38;
	[tilespmem:$0xE000] =	vst v63  }
0x46: {  	_ =	swait.ge [sflag:s16], $0x2800  }
0x47: {  	[sflag:s16] =	ssyncset.done $0x0  }
0x48: {  	s24 =	sadd.s32 $0xA00, s23;
	[sflag:s16] =	ssyncadd.s32 $0xFFFFD800  }
0x49: {  	[hbm4b:s24+s3] =	stream.linear.scatter [tilespmem:s12], [sflag:$0x5], $0x2800, $0x38;
	[tilespmem:$0xE000] =	vst v63  }
0x4a: {  	_ =	swait.ge [sflag:s17], $0x2800  }
0x4b: {  	[sflag:s17] =	ssyncset.done $0x0  }
0x4c: {  	s23 =	sadd.s32 $0xF00, s23;
	[sflag:s17] =	ssyncadd.s32 $0xFFFFD800  }
0x4d: {  	[hbm4b:s23+s3] =	stream.linear.scatter [tilespmem:s13], [sflag:$0x5], $0x2800, $0x38;
	[tilespmem:$0xE000] =	vst v63  }
0x4e: {  	_ =	swait.ge [sflag:s18], $0x2800  }
0x4f: {  	[sflag:s18] =	ssyncset.done $0x0  }
0x50: {  	[sflag:s18] =	ssyncadd.s32 $0xFFFFD800  }
0x51: {  	_ =	swait.ge [sflag:s18], $0x2800  }
0x52: {  	[sflag:s18] =	ssyncset.done $0x0  }
0x53: {  	[sflag:s18] =	ssyncadd.s32 $0xFFFFD800  }
.Ltmp0:
0x54: {  	_ =	swait.ge [sflag:s18], $0x2800;
	(pc) =	sbr.rel @p0 .LBB2_2-.Ltmp0, $4  }
0x55: {  	[sflag:s18] =	ssyncset.done $0x0  }
0x56: {  	[sflag:s18] =	ssyncadd.s32 $0xFFFFD800  }
0x57: {  	_ =	swait.ge [sflag:s18], $0x2800  }
0x58: {  	[sflag:s18] =	ssyncset.done $0x0  }
0x59: {  	[sflag:s18] =	ssyncadd.s32 $0xFFFFD800  }
0x5a: {  	[tilespmem:s10], [sflag:$0x1] =	stream.indirect.gather [hbm4b:s1+s9], $0x80, s19, s9, $0xb8;
	[tilespmem:$0xE000] =	vst v63  }
0x5b: {  	s20 =	sadd.s32 $0x1, s20;
	_ =	swait.ge [sflag:s14], $0x2800  }
0x5c: {  	p0 =	sne.s32 s20, s6;
	[sflag:s14] =	ssyncset.done $0x0  }
.Ltmp1:
0x5d: {  	[sflag:s14] =	ssyncadd.s32 $0xFFFFD800;
	(pc) =	sbr.rel @p0 .LBB2_1-.Ltmp1, $4  }
0x5e: {  	[hbm4b:s5+s3] =	stream.linear.scatter [tilespmem:s10], [sflag:$0x6], $0x2800, $0x38;
	[tilespmem:$0xE000] =	vst v63  }
0x5f: {  	_ =	swait.ge [sflag:s8], $0x2800  }
0x60: {  	[sflag:s8] =	ssyncset.done $0x0  }
0x61: {  	[sflag:s8] =	ssyncadd.s32 $0xFFFFD800  }
0x62: {  	_ =	sfence.sel $0x180000  }
0x63: {  	[bflag:$0x0] =	sbarrier.arrive $0xFFFF  }
0x64: {  	p0 =	sne.s32 s2, $0x0;
	_ =	strace $0x9000004D  }
0x65: {  	s0 =	sadd.s32 @!p0 $0x100000, s0;
	[bflag:$0x2] =	sbarrier.arrive $0xFFFF  }
0x66: {  	[sflag:s0] =	ssyncadd.tile.s32 @!p0 $0x1;
	_ =	shalt  }
.Lfunc_end2:
_tile_overlayer_lowered:
.L_overlay_start_2:
0x67: {  	(tag) =	ssettag $0x2  }
0x68: {  	s0 =	rddreg [dreg:$0x0];
	s2 =	stileid.u32  }
0x69: {  	s1 =	rddreg [dreg:$0x1];
	p0 =	sne.s32 s2, $0x0  }
0x6a: {  	s3 =	rddreg [dreg:$0x2];
	[bflag:$0x3] =	sbarrier.arrive $0xFFFF;
	s2 =	simm.s32 @!p0 $0x1C06  }
0x6b: {  	[timem:s3], [sflag:s2] =	dma.local @!p0 [hbm:s0], s1  }
0x6c: {  	s0 =	simm.s32 @!p0 $0x6  }
0x6d: {  	_ =	swait.ge @!p0 [sflag:s0], s1  }
0x6e: {  	s1 =	ssub.s32 @!p0 $0x0, s1;
	[sflag:s0] =	ssyncset.done @!p0 $0x0  }
0x6f: {  	[sflag:s0] =	ssyncadd.s32 @!p0 s1  }
0x70: {  	[bflag:$0x3] =	sbarrier.arrive $0xFFFF  }
0x71: {  	_ =	shalt  }

// kernel: kernel.23.cloned.1.call-start
scs
__scs_entry_jumppad:
0x0: {  	(pc) =	sbr.rel $0x88, $3  }
0x1: {  	(tag) =	ssettag $0x0;
	lr =	simm.s32 $0x1  }
0x2: {  	[smem:$0x3F89] =	sst lr;
	_ =	strace $0xD0000000  }
0x3: {  	_ = 	snop  }
0x4: {  	_ = 	snop  }
0x5: {  	_ = 	snop  }
0x6: {  	_ = 	snop  }
0x7: {  	_ = 	snop  }
__scs_overlays_trampoline_lowered:
0x8: {  	[smem:$0x3F98] =	sst s0  }
0x9: {  	[smem:$0x3F99] =	sst s1  }
0xa: {  	[smem:$0x3F9A] =	sst s2  }
0xb: {  	[smem:$0x3F9B] =	sst s3  }
0xc: {  	[smem:$0x3F9C] =	sst s4  }
0xd: {  	[smem:$0x3F9D] =	sst s5  }
0xe: {  	[smem:$0x3F9E] =	sst s6  }
0xf: {  	[smem:$0x3F9F] =	sst s7  }
0x10: {  	[smem:$0x3FA0] =	sst s8  }
0x11: {  	[smem:$0x3FA1] =	sst s9;
	s0 =	simm.s32 @!p0 $0x0  }
0x12: {  	s1 =	sld [smem:$0x3F87];
	s0 =	simm.s32 @p0 $0x1  }
0x13: {  	[smem:$0x3FA2] =	sst s0;
	s0 =	simm.s32 @!p1 $0x0  }
0x14: {  	s2 =	sld [smem:$0x3F86];
	s0 =	simm.s32 @p1 $0x1  }
0x15: {  	[smem:$0x3FA3] =	sst s0;
	s0 =	simm.s32 @!p2 $0x0  }
0x16: {  	s3 =	sld [smem:$0x3FDB];
	s0 =	simm.s32 @p2 $0x1  }
0x17: {  	s4 =	simm.s32 $0x1BF5;
	[smem:$0x3FA5] =	sst s0  }
0x18: {  	s0 =	sld [smem:$0x3F88];
	_ =	swait.ge [sflag:s4], $0x0  }
0x19: {  	s7 =	sld [smem:$0x3F89]  }
0x1a: {  	s8 =	sadd.s32 $0xFFFFE003, lr  }
0x1b: {  	s9 =	sadd.s32 $0xFFFFFEF7, lr;
	s5 =	simm.s32 $0xFFFFFFFF;
	p2 =	slt.u32 s8, $0xFFFFF086  }
0x1c: {  	p1 =	slt.u32 s9, $0xF7A;
	s5 =	simm.s32 @!p2 $0x0  }
0x1d: {  	s5 =	simm.s32 @p1 $0x1;
	p0 =	seq.s32 s7, s2  }
0x1e: {  	s7 =	smul.u32 @!p0 $0xF7A, s2;
	p2 =	seq.s32 @!p0 s5, $0x0  }
0x1f: {  	s9 =	smul.u32 $0xF7A, s1;
	s8 =	simm.s32 @!p0 $0x1BF5;
	p2 =	por !p2, p0  }
0x20: {  	[sflag:s8] =	ssyncset.s32 @!p0 $0xFFFFF086;
	s6 =	sadd.s32 @!p0 s3, s7;
	s7 =	simm.s32 @!p0 $0x108  }
0x21: {  	s3 =	sadd.s32 s3, s9;
	s6 =	sadd.s32 @!p0 $0x88, s6;
	s7 =	simm.s32 @p2 $0x1082  }
0x22: {  	[simem:s7], [sflag:s8] =	dma.local @!p0 [hbm:s6], $0xF7A  }
0x23: {  	s9 =	sor.u32 $0xD0000000, s2;
	s6 =	simm.s32 $0x108;
	_ =	swait.ge @!p0 [sflag:s8], $0x0  }
0x24: {  	s3 =	sadd.s32 $0x88, s3;
	s6 =	simm.s32 @!p1 $0x1082;
	[sflag:s4] =	ssyncset.s32 $0xFFFFF086  }
0x25: {  	[simem:s6], [sflag:s4] =	dma.local [hbm:s3], $0xF7A  }
0x26: {  	[smem:$0x3F89] =	sst s1;
	(tag) =	ssettag s2;
	_ =	strace s9  }
0x27: {  	s1 =	sld [smem:$0x3F99]  }
0x28: {  	s2 =	sld [smem:$0x3F9A]  }
0x29: {  	s4 =	sld [smem:$0x3F9C]  }
0x2a: {  	p0 =	seq.s32 s5, $0x0;
	s5 =	sld [smem:$0x3F9D]  }
0x2b: {  	s6 =	sld [smem:$0x3F9E]  }
0x2c: {  	s7 =	sld [smem:$0x3F9F]  }
0x2d: {  	s3 =	simm.s32 $0x108;
	s8 =	sld [smem:$0x3FA0]  }
0x2e: {  	s3 =	simm.s32 @!p0 $0x1082;
	s9 =	sld [smem:$0x3FA1]  }
0x2f: {  	lr =	sadd.s32 s0, s3;
	s0 =	sld [smem:$0x3F98]  }
0x30: {  	s3 =	sld [smem:$0x3F9B]  }
0x31: {  	[smem:$0x3FA4] =	sst s10  }
0x32: {  	s10 =	sld [smem:$0x3FA2];
	_ =	sdelay $0x3  }
0x33: {  	p0 =	seq.s32 s10, $0x1;
	s10 =	sld [smem:$0x3FA4];
	_ =	sdelay $0x3  }
0x34: {  	[smem:$0x3FA4] =	sst s10  }
0x35: {  	s10 =	sld [smem:$0x3FA3];
	_ =	sdelay $0x3  }
0x36: {  	p1 =	seq.s32 s10, $0x1;
	s10 =	sld [smem:$0x3FA4];
	_ =	sdelay $0x3  }
0x37: {  	[smem:$0x3FA4] =	sst s10  }
0x38: {  	s10 =	sld [smem:$0x3FA5]  }
0x39: {  	_ = 	snop;
	(pc) =	sbr.ind lr, $3  }
0x3a: {  	_ = 	snop  }
0x3b: {  	_ = 	snop  }
0x3c: {  	p2 =	seq.s32 s10, $0x1;
	s10 =	sld [smem:$0x3FA4]  }
0x3d: {  	_ =	shalt  }
0x3e: {  	_ =	shalt  }
0x3f: {  	_ =	shalt  }
0x40: {  	_ =	shalt  }
0x41: {  	_ =	shalt  }
0x42: {  	_ =	shalt  }
0x43: {  	_ =	shalt  }
0x44: {  	_ =	shalt  }
0x45: {  	_ =	shalt  }
0x46: {  	_ =	shalt  }
0x47: {  	_ =	shalt  }
0x48: {  	_ =	shalt  }
0x49: {  	_ =	shalt  }
0x4a: {  	_ =	shalt  }
0x4b: {  	_ =	shalt  }
0x4c: {  	_ =	shalt  }
0x4d: {  	_ =	shalt  }
0x4e: {  	_ =	shalt  }
0x4f: {  	_ =	shalt  }
0x50: {  	_ =	shalt  }
0x51: {  	_ =	shalt  }
0x52: {  	_ =	shalt  }
0x53: {  	_ =	shalt  }
0x54: {  	_ =	shalt  }
0x55: {  	_ =	shalt  }
0x56: {  	_ =	shalt  }
0x57: {  	_ =	shalt  }
0x58: {  	_ =	shalt  }
0x59: {  	_ =	shalt  }
0x5a: {  	_ =	shalt  }
0x5b: {  	_ =	shalt  }
0x5c: {  	_ =	shalt  }
0x5d: {  	_ =	shalt  }
0x5e: {  	_ =	shalt  }
0x5f: {  	_ =	shalt  }
0x60: {  	_ =	shalt  }
0x61: {  	_ =	shalt  }
0x62: {  	_ =	shalt  }
0x63: {  	_ =	shalt  }
0x64: {  	_ =	shalt  }
0x65: {  	_ =	shalt  }
0x66: {  	_ =	shalt  }
0x67: {  	_ =	shalt  }
0x68: {  	_ =	shalt  }
0x69: {  	_ =	shalt  }
0x6a: {  	_ =	shalt  }
0x6b: {  	_ =	shalt  }
0x6c: {  	_ =	shalt  }
0x6d: {  	_ =	shalt  }
0x6e: {  	_ =	shalt  }
0x6f: {  	_ =	shalt  }
0x70: {  	_ =	shalt  }
0x71: {  	_ =	shalt  }
0x72: {  	_ =	shalt  }
0x73: {  	_ =	shalt  }
0x74: {  	_ =	shalt  }
0x75: {  	_ =	shalt  }
0x76: {  	_ =	shalt  }
0x77: {  	_ =	shalt  }
0x78: {  	_ =	shalt  }
0x79: {  	_ =	shalt  }
0x7a: {  	_ =	shalt  }
0x7b: {  	_ =	shalt  }
0x7c: {  	_ =	shalt  }
0x7d: {  	_ =	shalt  }
0x7e: {  	_ =	shalt  }
0x7f: {  	_ =	shalt  }
0x80: {  	_ =	shalt  }
0x81: {  	_ =	shalt  }
0x82: {  	_ =	shalt  }
0x83: {  	_ =	shalt  }
0x84: {  	_ =	shalt  }
0x85: {  	_ =	shalt  }
0x86: {  	_ =	shalt  }
0x87: {  	_ =	shalt  }
.Lfunc_end0:
.L_simem_size_0:
called_computation.3_lowered:
.L_overlay_start_0:
0x88: {  	s2 =	sld [smem:$0x3FD9]  }
0x89: {  	s3 =	sld [smem:$0x3FFE];
	_ =	sdelay $0x1  }
0x8a: {  	s1 =	srdreg.scid  }
0x8b: {  	s0 =	sand.u32 $0x1, s1  }
0x8c: {  	s14 =	sshll.u32 s0, $0xA;
	s2 =	sadd.s32 s3, s2  }
0x8d: {  	s2 =	sadd.s32 s2, s14  }
0x8e: {  	[smem:$0x3FB0] =	sst s2  }
0x8f: {  	_ = 	snop  }
0x90: {  	s2 =	sld [smem:$0x3FD0];
	_ =	sdelay $0x2  }
0x91: {  	s15 =	simm.s32 $0xA;
	s4 =	simm.s32 $0x10  }
0x92: {  	[smem:s4], [sflag:s15] =	dma.local [hbm:s2], $0x1  }
0x93: {  	_ =	swait.eq [sflag:s15], $0x1  }
0x94: {  	[sflag:s15] =	ssyncset.done $0x0  }
0x95: {  	[sflag:s15] =	ssyncadd.s32 $0xFFFFFFFF  }
0x96: {  	s16 =	sld [smem:$0x11];
	(tm) =	ssettm $0x1  }
0x97: {  	s17 =	sld [smem:$0x3FFB];
	_ =	sdelay $0x3  }
0x98: {  	_ =	strace s17  }
0x99: {  	s3 =	sld [smem:$0x3FFC];
	_ =	sdelay $0x3  }
0x9a: {  	_ =	strace s3  }
0x9b: {  	s3 =	sld [smem:$0x3FFD];
	_ =	sdelay $0x3  }
0x9c: {  	_ =	strace s3  }
0x9d: {  	_ =	strace $0x8FFFFFFF  }
0x9e: {  	s18 =	sld [smem:$0x3FDB];
	_ =	sdelay $0x1  }
0x9f: {  	s19 =	simm.s32 $_scs_section_size  }
0xa0: {  	s5 =	simm.s32 $_size__tile_overlayer_lowered;
	s6 =	simm.s32 $_tile_overlayer_lowered  }
0xa1: {  	s22 =	simm.s32 $0x1BFF;
	s21 =	sshll.u32 s6, $0x1;
	s3 =	sadd.s32 s19, s18  }
0xa2: {  	s7 =	simm.s32 $0x0;
	s20 =	sshll.u32 s5, $0x1;
	s5 =	sadd.s32 s21, s3  }
0xa3: {  	[timem:s7], [sflag:s22] =	dma.local [hbm:s5], s20  }
0xa4: {  	_ =	swait.ge [sflag:s22], s20  }
0xa5: {  	s4 =	ssub.s32 $0x0, s20;
	[sflag:s22] =	ssyncset.done $0x0  }
0xa6: {  	[sflag:s22] =	ssyncadd.s32 s4;
	_ =	sdelay $0x1  }
0xa7: {  	s23 =	simm.s32 $0x1B8B  }
0xa8: {  	_ =	swait.ge [sflag:s23], $0x1  }
0xa9: {  	[sflag:s23] =	ssyncset.done $0x0  }
0xaa: {  	s25 =	simm.s32 $0x1B8E;
	s24 =	sld [smem:$0x3FFE];
	[sflag:s23] =	ssyncadd.s32 $0xFFFFFFFF  }
0xab: {  	s26 =	simm.s32 $execute0_lowered;
	[smem:$0x3FD2] =	sst s25  }
0xac: {  	s5 =	sshll.u32 s26, $0x1;
	_ =	strace $0x8000004F;
	[dreg:$0x1] =	wrdreg $0xFFFFFFFF  }
0xad: {  	s28 =	simm.s32 $_size_execute0_lowered;
	s3 =	sadd.s32 s3, s5;
	[dreg:$0x0] =	wrdreg $0x0  }
0xae: {  	s5 =	sshll.u32 s28, $0x1;
	[dreg:$0x2] =	wrdreg s3  }
0xaf: {  	[dreg:$0x3] =	wrdreg s5  }
0xb0: {  	[dreg:$0x4] =	wrdreg $0xC0  }
0xb1: {  	_ =	task [dreg:s7], $0x5FFFF  }
0xb2: {  	[dreg:$0x1] =	wrdreg $0xFFFFFFFF  }
0xb3: {  	[dreg:$0x0] =	wrdreg $0x60  }
0xb4: {  	[dreg:$0x2] =	wrdreg s16  }
0xb5: {  	[dreg:$0x3] =	wrdreg s24  }
0xb6: {  	[dreg:$0x4] =	wrdreg $0x120000  }
0xb7: {  	[dreg:$0x5] =	wrdreg $0x9  }
0xb8: {  	_ =	task.clear_ibuf [dreg:s7], $0x6FFFF;
	_ =	strace $0x9000004F  }
0xb9: {  	s29 =	simm.s32 $0x9;
	_ =	strace $0x80000051  }
0xba: {  	_ =	swait.ge [sflag:s29], $0x1  }
0xbb: {  	[sflag:s29] =	ssyncadd.s32 $0xFFFFFFFF  }
0xbc: {  	_ =	strace $0x90000051  }
0xbd: {  	_ =	sfence  }
0xbe: {  	s30 =	sld [smem:$0x0];
	_ =	sdelay $0x2  }
0xbf: {  	s31 =	sshll.u32 s1, $0xD;
	s1 =	sshrl.u32 s1, $0x2  }
0xc0: {  	s3 =	sand.u32 $0x4000, s31;
	s1 =	sadd.s32 s1, s30  }
0xc1: {  	s0 =	sor.u32 s3, s0;
	s1 =	sshll.u32 s1, $0x11  }
0xc2: {  	s0 =	sor.u32 s1, s0  }
0xc3: {  	s0 =	sadd.s32 $0x8F2B, s0  }
0xc4: {  	[sflag:s0] =	ssyncadd.remote.s32 $0x1  }
0xc5: {  	_ =	sfence.sel $0xFFFF  }
0xc6: {  	[dreg:$0x0] =	wrdreg $0xFFFFFFFF;
	(pc) =	sbr.abs _section_cstart, $3  }
0xc7: {  	[dreg:$0x1] =	wrdreg $0xFFFFFFFF  }
0xc8: {  	_ =	task.clear_ibuf [dreg:s7], $0x2FFFF;
	_ =	strace $0x9FFFFFFF  }
0xc9: {  	(tm) =	ssettm $0x7FFFFFFF  }
tec
execute0_lowered:
.L_overlay_start_1:
0x0: {  	(tag) =	ssettag $0x1  }
0x1: {  	s0 =	rddreg [dreg:$0x0]  }
0x2: {  	s4 =	rddreg [dreg:$0x1];
	s2 =	stileid.u32  }
0x3: {  	s1 =	rddreg [dreg:$0x2];
	s3 =	simm.s32 $0x0;
	s9 =	smul.u32 $0x271000, s2  }
0x4: {  	s5 =	srdreg.scid;
	s17 =	simm.s32 $0xF800;
	s10 =	smul.u32 $0x140, s2  }
0x5: {  	s18 =	simm.s32 $0x1;
	s19 =	simm.s32 $0x50;
	s11 =	smul.u32 $0x28000, s2  }
0x6: {  	s28 =	simm.s32 $0x5;
	s31 =	simm.s32 $0x0;
	s20 =	smul.u32 $0x1400, s2  }
0x7: {  	[smem:$0x7FF] =	sst s3;
	s5 =	sand.u32 $0x1, s5;
	s16 =	smul.u32 $0x4E200, s2  }
0x8: {  	s6 =	sshll.u32 s2, $0xC;
	_ =	strace $0x80000050;
	s7 =	smul.u32 $0x14000, s5  }
0x9: {  	s6 =	sadd.s32 s6, s4;
	s8 =	ssub.s32 $0x2, s5;
	s12 =	smul.u32 $0x1400, s5  }
0xa: {  	s22 =	sshrl.u32 s8, $0x1;
	s9 =	sshrl.u32 s9, $0x3;
	s24 =	sshrl.u32 s11, $0x2  }
0xb: {  	s13 =	sadd.s32 $0x50, s10;
	s14 =	sadd.s32 $0xA0, s10;
	s15 =	sadd.s32 $0xF0, s10  }
0xc: {  	s29 =	sadd.s32 s16, s0;
	s16 =	simm.s32 $0xD000;
	s7 =	sadd.s32 s7, s4  }
0xd: {  	s8 =	ssub.s32 s8, s22;
	s4 =	sadd.s32 $0x501000, s6;
	s23 =	sadd.s32 s0, s9  }
0xe: {  	s25 =	sshll.u32 s13, $0x7;
	s26 =	sshll.u32 s14, $0x7;
	s30 =	sshll.u32 s15, $0x7  }
0xf: {  	s21 =	sshll.u32 s13, $0x4;
	s22 =	sshll.u32 s14, $0x4;
	s13 =	simm.s32 $0x8000  }
0x10: {  	s14 =	simm.s32 $0x6;
	s5 =	sadd.s32 $0x4D800, s23;
	s6 =	sadd.s32 $0x4DD00, s23  }
0x11: {  	s23 =	sadd.s32 $0x1F000, s7;
	s7 =	sadd.s32 s24, s1;
	s8 =	smax.u32 s8, $0x1  }
0x12: {  	s9 =	sadd.s32 s25, s1;
	s10 =	sadd.s32 s26, s1;
	s11 =	sadd.s32 s30, s1  }
0x13: {  	s24 =	sshll.u32 s15, $0x4;
	s15 =	simm.s32 $0xA800;
	s25 =	simm.s32 $0x3  }
0x14: {  	s26 =	simm.s32 $0x4;
	s20 =	sadd.s32 s20, s23;
	s21 =	sadd.s32 s21, s23  }
0x15: {  	v1 =	vimm.f32 $0.0e+00;
	v0 =	vmov s12;
	s22 =	sadd.s32 s22, s23;
	s23 =	sadd.s32 s24, s23;
	s24 =	simm.s32 $0x2  }
.LBB2_1:
0x16: {  	s0 =	sand.u32 $0xFE00, s3  }
0x17: {  	s12 =	sand.u32 $0x70, s3;
	s30 =	sshrl.u32 s0, $0x2  }
0x18: {  	s0 =	simm.s32 $0x40;
	s30 =	sor.u32 s12, s30;
	s12 =	simm.s32 $0x0  }
.LBB2_2:
0x19: {  	p0 =	sne.s32 s0, $0x9FC0  }
0x1a: {  	[tilespmem:s30+$0x8000] =	vst v1;
	s12 =	sadd.s32 $0x10, s12;
	s30 =	smov.u32 s0;
	s0 =	sadd.s32 $0x40, s0  }
.Ltmp0:
0x1b: {  	(pc) =	sbr.rel @p0 .LBB2_2-.Ltmp0, $4  }
0x1c: {  	_ = 	snop  }
0x1d: {  	s30 =	sand.u32 $0xFE00, s30  }
0x1e: {  	s2 =	sand.u32 $0x70, s12;
	s30 =	sshrl.u32 s30, $0x2  }
0x1f: {  	s30 =	sor.u32 s2, s30  }
0x20: {  	[tilespmem:s30+$0x8000] =	vst v1  }
0x21: {  	[spmem:s7] =	stream.linear.scatter [tilespmem:s13], [sflag:$0x6], $0x2800, $0x38;
	[tilespmem:$0x1C280] =	vst v63  }
0x22: {  	_ =	swait.ge [sflag:s14], $0x2800  }
0x23: {  	[sflag:s14] =	ssyncset.done $0x0  }
0x24: {  	[sflag:s14] =	ssyncadd.s32 $0xFFFFD800  }
0x25: {  	[spmem:s9] =	stream.linear.scatter [tilespmem:s13], [sflag:$0x6], $0x2800, $0x38;
	[tilespmem:$0x1C280] =	vst v63  }
0x26: {  	_ =	swait.ge [sflag:s14], $0x2800  }
0x27: {  	[sflag:s14] =	ssyncset.done $0x0  }
0x28: {  	[sflag:s14] =	ssyncadd.s32 $0xFFFFD800  }
0x29: {  	[spmem:s10] =	stream.linear.scatter [tilespmem:s13], [sflag:$0x6], $0x2800, $0x38;
	[tilespmem:$0x1C280] =	vst v63  }
0x2a: {  	_ =	swait.ge [sflag:s14], $0x2800  }
0x2b: {  	[sflag:s14] =	ssyncset.done $0x0  }
0x2c: {  	[sflag:s14] =	ssyncadd.s32 $0xFFFFD800  }
0x2d: {  	[spmem:s11] =	stream.linear.scatter [tilespmem:s13], [sflag:$0x6], $0x2800, $0x38;
	[tilespmem:$0x1C280] =	vst v63  }
0x2e: {  	_ =	swait.ge [sflag:s14], $0x2800  }
0x2f: {  	[sflag:s14] =	ssyncset.done $0x0  }
0x30: {  	[sflag:s14] =	ssyncadd.s32 $0xFFFFD800  }
0x31: {  	s0 =	simm.s32 $0x0;
	[bflag:$0x0] =	sbarrier.arrive $0xFFFF  }
0x32: {  	[tilespmem:s0], [sflag:$0x6] =	stream.linear.gather [hbm4b:s4+s0], $0x7D00, $0x38;
	[tilespmem:$0x1C280] =	vst v63  }
0x33: {  	_ =	swait.ge [sflag:s14], $0x7D00  }
0x34: {  	[sflag:s14] =	ssyncset.done $0x0  }
0x35: {  	s0 =	simm.s32 $0x0;
	[sflag:s14] =	ssyncadd.s32 $0xFFFF8300  }
0x36: {  	v4 =	vld [tilespmem:s0+$0x0]  }
0x37: {  	v5 =	vld [tilespmem:s0+$0x10]  }
0x38: {  	v3 =	vld [tilespmem:s0+$0x20]  }
0x39: {  	s12 =	simm.s32 $0x200;
	v2 =	vld [tilespmem:s0+$0x30]  }
.LBB2_4:
0x3a: {  	p0 =	sne.s32 s12, $0x1F200;
	v6 =	vld [tilespmem:s0+$0x40]  }
0x3b: {  	v4 =	vsub.s32 v4, v0  }
0x3c: {  	v4 =	vmin.u32 v4, $0x1400;
	v5 =	vsub.s32 v5, v0  }
.Ltmp1:
0x3d: {  	s2 =	sshra.s32 s12, $0x2;
	[tilespmem:s0+$0x0] =	vst v4;
	v5 =	vmin.u32 v5, $0x1400;
	v3 =	vsub.s32 v3, v0;
	(pc) =	sbr.rel @p0 .LBB2_4-.Ltmp1, $4  }
0x3e: {  	v4 =	vld [tilespmem:s2+$0x0];
	[tilespmem:s0+$0x10] =	vst v5;
	v3 =	vmin.u32 v3, $0x1400;
	v2 =	vsub.s32 v2, v0  }
0x3f: {  	v5 =	vld [tilespmem:s2+$0x10];
	[tilespmem:s0+$0x20] =	vst v3;
	v2 =	vmin.u32 v2, $0x1400;
	v6 =	vsub.s32 v6, v0  }
0x40: {  	v3 =	vld [tilespmem:s2+$0x20];
	[tilespmem:s0+$0x30] =	vst v2;
	v6 =	vmin.u32 v6, $0x1400  }
0x41: {  	s12 =	sadd.s32 $0x200, s12;
	v2 =	vld [tilespmem:s2+$0x30];
	[tilespmem:s0+$0x40] =	vst v6;
	s0 =	smov.u32 s2  }
0x42: {  	v6 =	vld [tilespmem:s0+$0x40]  }
0x43: {  	v4 =	vsub.s32 v4, v0  }
0x44: {  	v4 =	vmin.u32 v4, $0x1400;
	v5 =	vsub.s32 v5, v0  }
0x45: {  	[tilespmem:s0+$0x0] =	vst v4;
	v63 =	vmin.u32 v5, $0x1400;
	v3 =	vsub.s32 v3, v0  }
0x46: {  	[tilespmem:s0+$0x10] =	vst v63;
	v3 =	vmin.u32 v3, $0x1400;
	v2 =	vsub.s32 v2, v0  }
0x47: {  	[tilespmem:s0+$0x20] =	vst v3;
	v2 =	vmin.u32 v2, $0x1400;
	v3 =	vsub.s32 v6, v0  }
0x48: {  	[tilespmem:s0+$0x30] =	vst v2;
	v2 =	vmin.u32 v3, $0x1400  }
0x49: {  	[tilespmem:s0+$0x40] =	vst v2  }
0x4a: {  	[tilespmem:s13], [sflag:$0x1] =	stream.linear.gather [hbm4b:s29+s3], $0x2800, $0x38;
	[tilespmem:$0x1C280] =	vst v63  }
0x4b: {  	s30 =	sadd.s32 $0x500, s29  }
0x4c: {  	[tilespmem:s15], [sflag:$0x2] =	stream.linear.gather [hbm4b:s30+s3], $0x2800, $0x38;
	[tilespmem:$0x1C280] =	vst v63  }
0x4d: {  	s2 =	sadd.s32 $0xA00, s29  }
0x4e: {  	[tilespmem:s16], [sflag:$0x3] =	stream.linear.gather [hbm4b:s2+s3], $0x2800, $0x38;
	[tilespmem:$0x1C280] =	vst v63  }
0x4f: {  	s12 =	sadd.s32 $0xF00, s29  }
0x50: {  	[tilespmem:s17], [sflag:$0x4] =	stream.linear.gather [hbm4b:s12+s3], $0x2800, $0x38;
	[tilespmem:$0x1C280] =	vst v63  }
0x51: {  	_ =	swait.ge [sflag:s18], $0x2800  }
0x52: {  	[sflag:s18] =	ssyncset.done $0x0  }
0x53: {  	s30 =	simm.s32 $0x0;
	[sflag:s18] =	ssyncadd.s32 $0xFFFFD800  }
0x54: {  	[spmem:s1] =	stream.indirect.scatter.add.f32 [tilespmem:s13], [sflag:$0x5], $0x80, s30, s19, $0xb8;
	[tilespmem:$0x1C280] =	vst v63  }
0x55: {  	_ =	swait.ge [sflag:s24], $0x2800  }
0x56: {  	[sflag:s24] =	ssyncset.done $0x0  }
0x57: {  	s2 =	simm.s32 $0x80;
	[sflag:s24] =	ssyncadd.s32 $0xFFFFD800  }
0x58: {  	[spmem:s1] =	stream.indirect.scatter.add.f32 [tilespmem:s15], [sflag:$0x5], $0x80, s2, s19, $0xb8;
	[tilespmem:$0x1C280] =	vst v63  }
0x59: {  	_ =	swait.ge [sflag:s25], $0x2800  }
0x5a: {  	[sflag:s25] =	ssyncset.done $0x0  }
0x5b: {  	s12 =	simm.s32 $0x100;
	[sflag:s25] =	ssyncadd.s32 $0xFFFFD800  }
0x5c: {  	[spmem:s1] =	stream.indirect.scatter.add.f32 [tilespmem:s16], [sflag:$0x5], $0x80, s12, s19, $0xb8;
	[tilespmem:$0x1C280] =	vst v63  }
0x5d: {  	_ =	swait.ge [sflag:s26], $0x2800  }
0x5e: {  	[sflag:s26] =	ssyncset.done $0x0  }
0x5f: {  	s30 =	simm.s32 $0x180;
	[sflag:s26] =	ssyncadd.s32 $0xFFFFD800  }
0x60: {  	[spmem:s1] =	stream.indirect.scatter.add.f32 [tilespmem:s17], [sflag:$0x5], $0x80, s30, s19, $0xb8;
	[tilespmem:$0x1C280] =	vst v63  }
0x61: {  	_ =	swait.ge [sflag:s28], $0x2800  }
0x62: {  	[sflag:s28] =	ssyncset.done $0x0  }
0x63: {  	[sflag:s28] =	ssyncadd.s32 $0xFFFFD800  }
0x64: {  	_ =	swait.ge [sflag:s28], $0x2800  }
0x65: {  	[sflag:s28] =	ssyncset.done $0x0  }
0x66: {  	[sflag:s28] =	ssyncadd.s32 $0xFFFFD800  }
0x67: {  	_ =	swait.ge [sflag:s28], $0x2800  }
0x68: {  	[sflag:s28] =	ssyncset.done $0x0  }
0x69: {  	[sflag:s28] =	ssyncadd.s32 $0xFFFFD800  }
0x6a: {  	_ =	swait.ge [sflag:s28], $0x2800  }
0x6b: {  	s0 =	simm.s32 $0x800;
	s12 =	smov.u32 s29;
	[sflag:s28] =	ssyncset.done $0x0  }
.LBB2_6:
0x6c: {  	p0 =	sne.s32 s0, $0x1E800;
	[sflag:s28] =	ssyncadd.s32 $0xFFFFD800;
	s12 =	sadd.s32 $0x1400, s12  }
0x6d: {  	[tilespmem:s13], [sflag:$0x1] =	stream.linear.gather [hbm4b:s12+s3], $0x2800, $0x38;
	[tilespmem:$0x1C280] =	vst v63  }
0x6e: {  	s30 =	smov.u32 s0;
	s0 =	sadd.s32 $0x800, s0;
	s2 =	sadd.s32 $0x500, s12  }
0x6f: {  	[tilespmem:s15], [sflag:$0x2] =	stream.linear.gather [hbm4b:s2+s3], $0x2800, $0x38;
	[tilespmem:$0x1C280] =	vst v63  }
0x70: {  	s2 =	sadd.s32 $0xA00, s12  }
0x71: {  	[tilespmem:s16], [sflag:$0x3] =	stream.linear.gather [hbm4b:s2+s3], $0x2800, $0x38;
	[tilespmem:$0x1C280] =	vst v63  }
0x72: {  	s2 =	sadd.s32 $0xF00, s12  }
0x73: {  	[tilespmem:s17], [sflag:$0x4] =	stream.linear.gather [hbm4b:s2+s3], $0x2800, $0x38;
	[tilespmem:$0x1C280] =	vst v63  }
0x74: {  	_ =	swait.ge [sflag:s18], $0x2800  }
0x75: {  	[sflag:s18] =	ssyncset.done $0x0  }
0x76: {  	s2 =	sshra.s32 s30, $0x2;
	[sflag:s18] =	ssyncadd.s32 $0xFFFFD800  }
0x77: {  	[spmem:s1] =	stream.indirect.scatter.add.f32 [tilespmem:s13], [sflag:$0x5], $0x80, s2, s19, $0xb8;
	[tilespmem:$0x1C280] =	vst v63  }
0x78: {  	_ =	swait.ge [sflag:s24], $0x2800  }
0x79: {  	[sflag:s24] =	ssyncset.done $0x0  }
0x7a: {  	s30 =	sadd.s32 $0x80, s2;
	[sflag:s24] =	ssyncadd.s32 $0xFFFFD800  }
0x7b: {  	[spmem:s1] =	stream.indirect.scatter.add.f32 [tilespmem:s15], [sflag:$0x5], $0x80, s30, s19, $0xb8;
	[tilespmem:$0x1C280] =	vst v63  }
0x7c: {  	_ =	swait.ge [sflag:s25], $0x2800  }
0x7d: {  	[sflag:s25] =	ssyncset.done $0x0  }
0x7e: {  	s30 =	sadd.s32 $0x100, s2;
	[sflag:s25] =	ssyncadd.s32 $0xFFFFD800  }
0x7f: {  	[spmem:s1] =	stream.indirect.scatter.add.f32 [tilespmem:s16], [sflag:$0x5], $0x80, s30, s19, $0xb8;
	[tilespmem:$0x1C280] =	vst v63  }
0x80: {  	_ =	swait.ge [sflag:s26], $0x2800  }
0x81: {  	[sflag:s26] =	ssyncset.done $0x0  }
0x82: {  	s2 =	sadd.s32 $0x180, s2;
	[sflag:s26] =	ssyncadd.s32 $0xFFFFD800  }
0x83: {  	[spmem:s1] =	stream.indirect.scatter.add.f32 [tilespmem:s17], [sflag:$0x5], $0x80, s2, s19, $0xb8;
	[tilespmem:$0x1C280] =	vst v63  }
0x84: {  	_ =	swait.ge [sflag:s28], $0x2800  }
0x85: {  	[sflag:s28] =	ssyncset.done $0x0  }
0x86: {  	[sflag:s28] =	ssyncadd.s32 $0xFFFFD800  }
0x87: {  	_ =	swait.ge [sflag:s28], $0x2800  }
0x88: {  	[sflag:s28] =	ssyncset.done $0x0  }
0x89: {  	[sflag:s28] =	ssyncadd.s32 $0xFFFFD800  }
.Ltmp2:
0x8a: {  	_ =	swait.ge [sflag:s28], $0x2800;
	(pc) =	sbr.rel @p0 .LBB2_6-.Ltmp2, $4  }
0x8b: {  	[sflag:s28] =	ssyncset.done $0x0  }
0x8c: {  	[sflag:s28] =	ssyncadd.s32 $0xFFFFD800  }
0x8d: {  	_ =	swait.ge [sflag:s28], $0x2800  }
0x8e: {  	[sflag:s28] =	ssyncset.done $0x0  }
0x8f: {  	[sflag:s28] =	ssyncadd.s32 $0xFFFFD800  }
0x90: {  	[tilespmem:s13], [sflag:$0x6] =	stream.linear.gather [hbm4b:s5+s3], $0x2800, $0x38;
	[tilespmem:$0x1C280] =	vst v63  }
0x91: {  	_ =	swait.ge [sflag:s14], $0x2800  }
0x92: {  	[sflag:s14] =	ssyncset.done $0x0  }
0x93: {  	s0 =	simm.s32 $0x7C00;
	[sflag:s14] =	ssyncadd.s32 $0xFFFFD800  }
0x94: {  	[spmem:s1] =	stream.indirect.scatter.add.f32 [tilespmem:s13], [sflag:$0x6], $0x80, s0, s19, $0xb8;
	[tilespmem:$0x1C280] =	vst v63  }
0x95: {  	_ =	swait.ge [sflag:s14], $0x2800  }
0x96: {  	[sflag:s14] =	ssyncset.done $0x0  }
0x97: {  	[sflag:s14] =	ssyncadd.s32 $0xFFFFD800  }
0x98: {  	[tilespmem:s13], [sflag:$0x6] =	stream.linear.gather [hbm4b:s6+s3], $0x2800, $0x38;
	[tilespmem:$0x1C280] =	vst v63  }
0x99: {  	_ =	swait.ge [sflag:s14], $0x2800  }
0x9a: {  	[sflag:s14] =	ssyncset.done $0x0  }
0x9b: {  	s2 =	simm.s32 $0x7C80;
	[sflag:s14] =	ssyncadd.s32 $0xFFFFD800  }
0x9c: {  	[spmem:s1] =	stream.indirect.scatter.add.f32 [tilespmem:s13], [sflag:$0x6], $0x80, s2, s19, $0xb8;
	[tilespmem:$0x1C280] =	vst v63  }
0x9d: {  	_ =	swait.ge [sflag:s14], $0x2800  }
0x9e: {  	s12 =	stileid.u32;
	[sflag:s14] =	ssyncset.done $0x0  }
0x9f: {  	s0 =	sshll.u32 s12, $0x6;
	[sflag:s14] =	ssyncadd.s32 $0xFFFFD800  }
0xa0: {  	s0 =	sor.u32 $0x1C06, s0;
	s2 =	sshrl.u32 s7, $0x3;
	[bflag:$0x0] =	sbarrier.arrive $0xFFFF  }
0xa1: {  	[hbm:s20], [sflag:s0] =	dma.local [spmem:s2], $0x500  }
0xa2: {  	_ =	swait.ge [sflag:s14], $0x500  }
0xa3: {  	[sflag:s14] =	ssyncset.done $0x0  }
0xa4: {  	s30 =	sshrl.u32 s9, $0x3;
	[sflag:s14] =	ssyncadd.s32 $0xFFFFFB00  }
0xa5: {  	[hbm:s21], [sflag:s0] =	dma.local [spmem:s30], $0x500  }
0xa6: {  	_ =	swait.ge [sflag:s14], $0x500  }
0xa7: {  	[sflag:s14] =	ssyncset.done $0x0  }
0xa8: {  	s12 =	sshrl.u32 s10, $0x3;
	[sflag:s14] =	ssyncadd.s32 $0xFFFFFB00  }
0xa9: {  	[hbm:s22], [sflag:s0] =	dma.local [spmem:s12], $0x500  }
0xaa: {  	s31 =	sadd.s32 $0x1, s31;
	_ =	swait.ge [sflag:s14], $0x500  }
0xab: {  	p0 =	sne.s32 s31, s8;
	[sflag:s14] =	ssyncset.done $0x0  }
.Ltmp3:
0xac: {  	s30 =	sshrl.u32 s11, $0x3;
	[sflag:s14] =	ssyncadd.s32 $0xFFFFFB00;
	(pc) =	sbr.rel @p0 .LBB2_1-.Ltmp3, $4  }
0xad: {  	[hbm:s23], [sflag:s0] =	dma.local [spmem:s30], $0x500  }
0xae: {  	_ =	swait.ge [sflag:s14], $0x500  }
0xaf: {  	[sflag:s14] =	ssyncset.done $0x0  }
0xb0: {  	[sflag:s14] =	ssyncadd.s32 $0xFFFFFB00  }
0xb1: {  	_ =	sfence.sel $0x180000  }
0xb2: {  	[bflag:$0x0] =	sbarrier.arrive $0xFFFF  }
0xb3: {  	_ =	strace $0x90000050  }
0xb4: {  	s0 =	stileid.u32;
	[bflag:$0x2] =	sbarrier.arrive $0xFFFF  }
0xb5: {  	p0 =	sne.s32 s0, $0x0;
	s0 =	rddreg [dreg:$0x3]  }
0xb6: {  	s0 =	sadd.s32 @!p0 $0x100000, s0  }
0xb7: {  	[sflag:s0] =	ssyncadd.tile.s32 @!p0 $0x1;
	_ =	shalt  }
.Lfunc_end2:
_tile_overlayer_lowered:
.L_overlay_start_2:
0xb8: {  	(tag) =	ssettag $0x2  }
0xb9: {  	s0 =	rddreg [dreg:$0x0];
	s2 =	stileid.u32  }
0xba: {  	s1 =	rddreg [dreg:$0x1];
	p0 =	sne.s32 s2, $0x0  }
0xbb: {  	s3 =	rddreg [dreg:$0x2];
	[bflag:$0x3] =	sbarrier.arrive $0xFFFF;
	s2 =	simm.s32 @!p0 $0x1C06  }
0xbc: {  	[timem:s3], [sflag:s2] =	dma.local @!p0 [hbm:s0], s1  }
0xbd: {  	s0 =	simm.s32 @!p0 $0x6  }
0xbe: {  	_ =	swait.ge @!p0 [sflag:s0], s1  }
0xbf: {  	s1 =	ssub.s32 @!p0 $0x0, s1;
	[sflag:s0] =	ssyncset.done @!p0 $0x0  }
0xc0: {  	[sflag:s0] =	ssyncadd.s32 @!p0 s1  }
0xc1: {  	[bflag:$0x3] =	sbarrier.arrive $0xFFFF  }
0xc2: {  	_ =	shalt  }

// kernel: kernel.26.cloned.1.call-start
scs
__scs_entry_jumppad:
0x0: {  	(pc) =	sbr.rel $0x88, $3  }
0x1: {  	(tag) =	ssettag $0x0;
	lr =	simm.s32 $0x1  }
0x2: {  	[smem:$0x3F89] =	sst lr;
	_ =	strace $0xD0000000  }
0x3: {  	_ = 	snop  }
0x4: {  	_ = 	snop  }
0x5: {  	_ = 	snop  }
0x6: {  	_ = 	snop  }
0x7: {  	_ = 	snop  }
__scs_overlays_trampoline_lowered:
0x8: {  	[smem:$0x3F98] =	sst s0  }
0x9: {  	[smem:$0x3F99] =	sst s1  }
0xa: {  	[smem:$0x3F9A] =	sst s2  }
0xb: {  	[smem:$0x3F9B] =	sst s3  }
0xc: {  	[smem:$0x3F9C] =	sst s4  }
0xd: {  	[smem:$0x3F9D] =	sst s5  }
0xe: {  	[smem:$0x3F9E] =	sst s6  }
0xf: {  	[smem:$0x3F9F] =	sst s7  }
0x10: {  	[smem:$0x3FA0] =	sst s8  }
0x11: {  	[smem:$0x3FA1] =	sst s9;
	s0 =	simm.s32 @!p0 $0x0  }
0x12: {  	s1 =	sld [smem:$0x3F87];
	s0 =	simm.s32 @p0 $0x1  }
0x13: {  	[smem:$0x3FA2] =	sst s0;
	s0 =	simm.s32 @!p1 $0x0  }
0x14: {  	s2 =	sld [smem:$0x3F86];
	s0 =	simm.s32 @p1 $0x1  }
0x15: {  	[smem:$0x3FA3] =	sst s0;
	s0 =	simm.s32 @!p2 $0x0  }
0x16: {  	s3 =	sld [smem:$0x3FDB];
	s0 =	simm.s32 @p2 $0x1  }
0x17: {  	s4 =	simm.s32 $0x1BF5;
	[smem:$0x3FA5] =	sst s0  }
0x18: {  	s0 =	sld [smem:$0x3F88];
	_ =	swait.ge [sflag:s4], $0x0  }
0x19: {  	s7 =	sld [smem:$0x3F89]  }
0x1a: {  	s8 =	sadd.s32 $0xFFFFE003, lr  }
0x1b: {  	s9 =	sadd.s32 $0xFFFFFEF7, lr;
	s5 =	simm.s32 $0xFFFFFFFF;
	p2 =	slt.u32 s8, $0xFFFFF086  }
0x1c: {  	p1 =	slt.u32 s9, $0xF7A;
	s5 =	simm.s32 @!p2 $0x0  }
0x1d: {  	s5 =	simm.s32 @p1 $0x1;
	p0 =	seq.s32 s7, s2  }
0x1e: {  	s7 =	smul.u32 @!p0 $0xF7A, s2;
	p2 =	seq.s32 @!p0 s5, $0x0  }
0x1f: {  	s9 =	smul.u32 $0xF7A, s1;
	s8 =	simm.s32 @!p0 $0x1BF5;
	p2 =	por !p2, p0  }
0x20: {  	[sflag:s8] =	ssyncset.s32 @!p0 $0xFFFFF086;
	s6 =	sadd.s32 @!p0 s3, s7;
	s7 =	simm.s32 @!p0 $0x108  }
0x21: {  	s3 =	sadd.s32 s3, s9;
	s6 =	sadd.s32 @!p0 $0x88, s6;
	s7 =	simm.s32 @p2 $0x1082  }
0x22: {  	[simem:s7], [sflag:s8] =	dma.local @!p0 [hbm:s6], $0xF7A  }
0x23: {  	s9 =	sor.u32 $0xD0000000, s2;
	s6 =	simm.s32 $0x108;
	_ =	swait.ge @!p0 [sflag:s8], $0x0  }
0x24: {  	s3 =	sadd.s32 $0x88, s3;
	s6 =	simm.s32 @!p1 $0x1082;
	[sflag:s4] =	ssyncset.s32 $0xFFFFF086  }
0x25: {  	[simem:s6], [sflag:s4] =	dma.local [hbm:s3], $0xF7A  }
0x26: {  	[smem:$0x3F89] =	sst s1;
	(tag) =	ssettag s2;
	_ =	strace s9  }
0x27: {  	s1 =	sld [smem:$0x3F99]  }
0x28: {  	s2 =	sld [smem:$0x3F9A]  }
0x29: {  	s4 =	sld [smem:$0x3F9C]  }
0x2a: {  	p0 =	seq.s32 s5, $0x0;
	s5 =	sld [smem:$0x3F9D]  }
0x2b: {  	s6 =	sld [smem:$0x3F9E]  }
0x2c: {  	s7 =	sld [smem:$0x3F9F]  }
0x2d: {  	s3 =	simm.s32 $0x108;
	s8 =	sld [smem:$0x3FA0]  }
0x2e: {  	s3 =	simm.s32 @!p0 $0x1082;
	s9 =	sld [smem:$0x3FA1]  }
0x2f: {  	lr =	sadd.s32 s0, s3;
	s0 =	sld [smem:$0x3F98]  }
0x30: {  	s3 =	sld [smem:$0x3F9B]  }
0x31: {  	[smem:$0x3FA4] =	sst s10  }
0x32: {  	s10 =	sld [smem:$0x3FA2];
	_ =	sdelay $0x3  }
0x33: {  	p0 =	seq.s32 s10, $0x1;
	s10 =	sld [smem:$0x3FA4];
	_ =	sdelay $0x3  }
0x34: {  	[smem:$0x3FA4] =	sst s10  }
0x35: {  	s10 =	sld [smem:$0x3FA3];
	_ =	sdelay $0x3  }
0x36: {  	p1 =	seq.s32 s10, $0x1;
	s10 =	sld [smem:$0x3FA4];
	_ =	sdelay $0x3  }
0x37: {  	[smem:$0x3FA4] =	sst s10  }
0x38: {  	s10 =	sld [smem:$0x3FA5]  }
0x39: {  	_ = 	snop;
	(pc) =	sbr.ind lr, $3  }
0x3a: {  	_ = 	snop  }
0x3b: {  	_ = 	snop  }
0x3c: {  	p2 =	seq.s32 s10, $0x1;
	s10 =	sld [smem:$0x3FA4]  }
0x3d: {  	_ =	shalt  }
0x3e: {  	_ =	shalt  }
0x3f: {  	_ =	shalt  }
0x40: {  	_ =	shalt  }
0x41: {  	_ =	shalt  }
0x42: {  	_ =	shalt  }
0x43: {  	_ =	shalt  }
0x44: {  	_ =	shalt  }
0x45: {  	_ =	shalt  }
0x46: {  	_ =	shalt  }
0x47: {  	_ =	shalt  }
0x48: {  	_ =	shalt  }
0x49: {  	_ =	shalt  }
0x4a: {  	_ =	shalt  }
0x4b: {  	_ =	shalt  }
0x4c: {  	_ =	shalt  }
0x4d: {  	_ =	shalt  }
0x4e: {  	_ =	shalt  }
0x4f: {  	_ =	shalt  }
0x50: {  	_ =	shalt  }
0x51: {  	_ =	shalt  }
0x52: {  	_ =	shalt  }
0x53: {  	_ =	shalt  }
0x54: {  	_ =	shalt  }
0x55: {  	_ =	shalt  }
0x56: {  	_ =	shalt  }
0x57: {  	_ =	shalt  }
0x58: {  	_ =	shalt  }
0x59: {  	_ =	shalt  }
0x5a: {  	_ =	shalt  }
0x5b: {  	_ =	shalt  }
0x5c: {  	_ =	shalt  }
0x5d: {  	_ =	shalt  }
0x5e: {  	_ =	shalt  }
0x5f: {  	_ =	shalt  }
0x60: {  	_ =	shalt  }
0x61: {  	_ =	shalt  }
0x62: {  	_ =	shalt  }
0x63: {  	_ =	shalt  }
0x64: {  	_ =	shalt  }
0x65: {  	_ =	shalt  }
0x66: {  	_ =	shalt  }
0x67: {  	_ =	shalt  }
0x68: {  	_ =	shalt  }
0x69: {  	_ =	shalt  }
0x6a: {  	_ =	shalt  }
0x6b: {  	_ =	shalt  }
0x6c: {  	_ =	shalt  }
0x6d: {  	_ =	shalt  }
0x6e: {  	_ =	shalt  }
0x6f: {  	_ =	shalt  }
0x70: {  	_ =	shalt  }
0x71: {  	_ =	shalt  }
0x72: {  	_ =	shalt  }
0x73: {  	_ =	shalt  }
0x74: {  	_ =	shalt  }
0x75: {  	_ =	shalt  }
0x76: {  	_ =	shalt  }
0x77: {  	_ =	shalt  }
0x78: {  	_ =	shalt  }
0x79: {  	_ =	shalt  }
0x7a: {  	_ =	shalt  }
0x7b: {  	_ =	shalt  }
0x7c: {  	_ =	shalt  }
0x7d: {  	_ =	shalt  }
0x7e: {  	_ =	shalt  }
0x7f: {  	_ =	shalt  }
0x80: {  	_ =	shalt  }
0x81: {  	_ =	shalt  }
0x82: {  	_ =	shalt  }
0x83: {  	_ =	shalt  }
0x84: {  	_ =	shalt  }
0x85: {  	_ =	shalt  }
0x86: {  	_ =	shalt  }
0x87: {  	_ =	shalt  }
.Lfunc_end0:
.L_simem_size_0:
called_computation.4_lowered:
.L_overlay_start_0:
0x88: {  	s2 =	sld [smem:$0x3FD9]  }
0x89: {  	s3 =	sld [smem:$0x3FFE];
	_ =	sdelay $0x1  }
0x8a: {  	s1 =	srdreg.scid  }
0x8b: {  	s0 =	sand.u32 $0x1, s1  }
0x8c: {  	s14 =	sshll.u32 s0, $0xA;
	s2 =	sadd.s32 s3, s2  }
0x8d: {  	s2 =	sadd.s32 s2, s14  }
0x8e: {  	[smem:$0x3FB0] =	sst s2  }
0x8f: {  	_ = 	snop  }
0x90: {  	s2 =	sld [smem:$0x3FD0];
	_ =	sdelay $0x2  }
0x91: {  	s15 =	simm.s32 $0xA;
	s4 =	simm.s32 $0x10  }
0x92: {  	[smem:s4], [sflag:s15] =	dma.local [hbm:s2], $0x1  }
0x93: {  	_ =	swait.eq [sflag:s15], $0x1  }
0x94: {  	[sflag:s15] =	ssyncset.done $0x0  }
0x95: {  	[sflag:s15] =	ssyncadd.s32 $0xFFFFFFFF  }
0x96: {  	s16 =	sld [smem:$0x11];
	(tm) =	ssettm $0x1  }
0x97: {  	s17 =	sld [smem:$0x3FFB];
	_ =	sdelay $0x3  }
0x98: {  	_ =	strace s17  }
0x99: {  	s3 =	sld [smem:$0x3FFC];
	_ =	sdelay $0x3  }
0x9a: {  	_ =	strace s3  }
0x9b: {  	s3 =	sld [smem:$0x3FFD];
	_ =	sdelay $0x3  }
0x9c: {  	_ =	strace s3  }
0x9d: {  	_ =	strace $0x8FFFFFFF  }
0x9e: {  	s18 =	sld [smem:$0x3FDB];
	_ =	sdelay $0x1  }
0x9f: {  	s19 =	simm.s32 $_scs_section_size  }
0xa0: {  	s5 =	simm.s32 $_size__tile_overlayer_lowered;
	s6 =	simm.s32 $_tile_overlayer_lowered  }
0xa1: {  	s22 =	simm.s32 $0x1BFF;
	s21 =	sshll.u32 s6, $0x1;
	s3 =	sadd.s32 s19, s18  }
0xa2: {  	s7 =	simm.s32 $0x0;
	s20 =	sshll.u32 s5, $0x1;
	s5 =	sadd.s32 s21, s3  }
0xa3: {  	[timem:s7], [sflag:s22] =	dma.local [hbm:s5], s20  }
0xa4: {  	_ =	swait.ge [sflag:s22], s20  }
0xa5: {  	s4 =	ssub.s32 $0x0, s20;
	[sflag:s22] =	ssyncset.done $0x0  }
0xa6: {  	[sflag:s22] =	ssyncadd.s32 s4;
	_ =	sdelay $0x1  }
0xa7: {  	s23 =	simm.s32 $0x1B8B  }
0xa8: {  	_ =	swait.ge [sflag:s23], $0x1  }
0xa9: {  	[sflag:s23] =	ssyncset.done $0x0  }
0xaa: {  	s25 =	simm.s32 $0x1B8E;
	s24 =	sld [smem:$0x3FFE];
	[sflag:s23] =	ssyncadd.s32 $0xFFFFFFFF  }
0xab: {  	s26 =	simm.s32 $execute0_lowered;
	[smem:$0x3FD2] =	sst s25  }
0xac: {  	s5 =	sshll.u32 s26, $0x1;
	_ =	strace $0x80000052;
	[dreg:$0x1] =	wrdreg $0xFFFFFFFF  }
0xad: {  	s28 =	simm.s32 $_size_execute0_lowered;
	s3 =	sadd.s32 s3, s5;
	[dreg:$0x0] =	wrdreg $0x0  }
0xae: {  	s5 =	sshll.u32 s28, $0x1;
	[dreg:$0x2] =	wrdreg s3  }
0xaf: {  	[dreg:$0x3] =	wrdreg s5  }
0xb0: {  	[dreg:$0x4] =	wrdreg $0xC0  }
0xb1: {  	_ =	task [dreg:s7], $0x5FFFF  }
0xb2: {  	[dreg:$0x1] =	wrdreg $0xFFFFFFFF  }
0xb3: {  	[dreg:$0x0] =	wrdreg $0x60  }
0xb4: {  	[dreg:$0x2] =	wrdreg s16  }
0xb5: {  	[dreg:$0x3] =	wrdreg s24  }
0xb6: {  	[dreg:$0x4] =	wrdreg $0x9  }
0xb7: {  	_ =	task.clear_ibuf [dreg:s7], $0x5FFFF;
	_ =	strace $0x90000052  }
0xb8: {  	s29 =	simm.s32 $0x9;
	_ =	strace $0x80000054  }
0xb9: {  	_ =	swait.ge [sflag:s29], $0x1  }
0xba: {  	[sflag:s29] =	ssyncadd.s32 $0xFFFFFFFF  }
0xbb: {  	_ =	strace $0x90000054  }
0xbc: {  	_ =	sfence  }
0xbd: {  	s30 =	sld [smem:$0x0];
	_ =	sdelay $0x2  }
0xbe: {  	s31 =	sshll.u32 s1, $0xD;
	s1 =	sshrl.u32 s1, $0x2  }
0xbf: {  	s3 =	sand.u32 $0x4000, s31;
	s1 =	sadd.s32 s1, s30  }
0xc0: {  	s0 =	sor.u32 s3, s0;
	s1 =	sshll.u32 s1, $0x11  }
0xc1: {  	s0 =	sor.u32 s1, s0  }
0xc2: {  	s0 =	sadd.s32 $0x8F2B, s0  }
0xc3: {  	[sflag:s0] =	ssyncadd.remote.s32 $0x1  }
0xc4: {  	_ =	sfence.sel $0xFFFF  }
0xc5: {  	[dreg:$0x0] =	wrdreg $0xFFFFFFFF;
	(pc) =	sbr.abs _section_cstart, $3  }
0xc6: {  	[dreg:$0x1] =	wrdreg $0xFFFFFFFF  }
0xc7: {  	_ =	task.clear_ibuf [dreg:s7], $0x2FFFF;
	_ =	strace $0x9FFFFFFF  }
0xc8: {  	(tm) =	ssettm $0x7FFFFFFF  }
0xc9: {  	_ =	shalt  }
tec
execute0_lowered:
.L_overlay_start_1:
0x0: {  	(tag) =	ssettag $0x1  }
0x1: {  	s1 =	rddreg [dreg:$0x0]  }
0x2: {  	s5 =	rddreg [dreg:$0x1]  }
0x3: {  	s2 =	srdreg.scid;
	s0 =	rddreg [dreg:$0x2];
	s3 =	simm.s32 $0x0  }
0x4: {  	s15 =	simm.s32 $0xA800;
	s16 =	simm.s32 $0xD000;
	s17 =	simm.s32 $0xF800  }
0x5: {  	s18 =	simm.s32 $0x1;
	s19 =	simm.s32 $0x2;
	s20 =	simm.s32 $0x3  }
0x6: {  	s21 =	simm.s32 $0x4;
	s22 =	simm.s32 $0x5;
	s23 =	simm.s32 $0x3E00  }
0x7: {  	s24 =	simm.s32 $0x7E00;
	s25 =	simm.s32 $0x0;
	s6 =	sand.u32 $0x1, s2  }
0x8: {  	[smem:$0x7FF] =	sst s3;
	s2 =	stileid.u32;
	s11 =	sadd.s32 $0x57000, s5  }
0x9: {  	s12 =	sadd.s32 $0x539000, s5;
	s4 =	sshll.u32 s6, $0x4;
	s13 =	smul.u32 $0x271000, s6  }
0xa: {  	_ =	strace $0x80000053;
	s9 =	ssub.s32 $0x2, s6;
	s14 =	smul.u32 $0x27100, s2  }
0xb: {  	s7 =	sor.u32 s2, s4;
	s4 =	sadd.s32 $0x1F000, s5;
	s10 =	sshrl.u32 s9, $0x1  }
0xc: {  	s8 =	sshll.u32 s7, $0xB;
	s7 =	smul.u32 $0x138800, s7;
	s9 =	ssub.s32 s9, s10  }
0xd: {  	s30 =	sadd.s32 s13, s11;
	s31 =	sadd.s32 s13, s12;
	s13 =	simm.s32 $0x50  }
0xe: {  	s8 =	sadd.s32 s8, s5;
	s9 =	smax.u32 s9, $0x1;
	s7 =	sshrl.u32 s7, $0x3  }
0xf: {  	s10 =	sadd.s32 s14, s30;
	s5 =	sadd.s32 $0xF000, s8;
	s29 =	sadd.s32 $0x26C00, s7  }
0x10: {  	s6 =	sadd.s32 $0x47000, s8;
	s7 =	sadd.s32 s11, s29;
	s8 =	sadd.s32 s12, s29  }
0x11: {  	s11 =	sadd.s32 s14, s31;
	s12 =	simm.s32 $0x6;
	s14 =	simm.s32 $0x8000  }
.LBB2_1:
0x12: {  	[tilespmem:s3], [sflag:$0x6] =	stream.linear.gather [hbm4b:s5+s3], $0x3E80, $0x38;
	[tilespmem:$0x12000] =	vst v63  }
0x13: {  	_ =	swait.ge [sflag:s12], $0x3E80  }
0x14: {  	[sflag:s12] =	ssyncset.done $0x0  }
0x15: {  	s26 =	simm.s32 $0x4000;
	[sflag:s12] =	ssyncadd.s32 $0xFFFFC180  }
0x16: {  	[tilespmem:s26], [sflag:$0x6] =	stream.linear.gather [hbm4b:s6+s3], $0x3E80, $0x38;
	[tilespmem:$0x12000] =	vst v63  }
0x17: {  	_ =	swait.ge [sflag:s12], $0x3E80  }
0x18: {  	[sflag:s12] =	ssyncset.done $0x0  }
0x19: {  	[sflag:s12] =	ssyncadd.s32 $0xFFFFC180  }
0x1a: {  	[tilespmem:s14], [sflag:$0x1] =	stream.indirect.gather [hbm4b:s1+s13], $0x80, s3, s13, $0xb8;
	[tilespmem:$0x12000] =	vst v63  }
0x1b: {  	_ = 	snop  }
0x1c: {  	[tilespmem:s15], [sflag:$0x2] =	stream.indirect.gather [hbm4b:s4+s13], $0x80, s26, s13, $0xb8;
	[tilespmem:$0x12000] =	vst v63  }
0x1d: {  	s28 =	simm.s32 $0x80  }
0x1e: {  	[tilespmem:s16], [sflag:$0x3] =	stream.indirect.gather [hbm4b:s1+s13], $0x80, s28, s13, $0xb8;
	[tilespmem:$0x12000] =	vst v63  }
0x1f: {  	s28 =	simm.s32 $0x4080  }
0x20: {  	[tilespmem:s17], [sflag:$0x4] =	stream.indirect.gather [hbm4b:s4+s13], $0x80, s28, s13, $0xb8;
	[tilespmem:$0x12000] =	vst v63  }
0x21: {  	_ =	swait.ge [sflag:s18], $0x2800  }
0x22: {  	[sflag:s18] =	ssyncset.done $0x0  }
0x23: {  	s28 =	sadd.s32 $0x0, s10;
	[sflag:s18] =	ssyncadd.s32 $0xFFFFD800  }
0x24: {  	[hbm4b:s28+s3] =	stream.linear.scatter [tilespmem:s14], [sflag:$0x5], $0x2800, $0x38;
	[tilespmem:$0x12000] =	vst v63  }
0x25: {  	_ =	swait.ge [sflag:s19], $0x2800  }
0x26: {  	[sflag:s19] =	ssyncset.done $0x0  }
0x27: {  	s29 =	sadd.s32 $0x0, s11;
	[sflag:s19] =	ssyncadd.s32 $0xFFFFD800  }
0x28: {  	[hbm4b:s29+s3] =	stream.linear.scatter [tilespmem:s15], [sflag:$0x5], $0x2800, $0x38;
	[tilespmem:$0x12000] =	vst v63  }
0x29: {  	_ =	swait.ge [sflag:s20], $0x2800  }
0x2a: {  	[sflag:s20] =	ssyncset.done $0x0  }
0x2b: {  	s28 =	sadd.s32 $0x500, s28;
	[sflag:s20] =	ssyncadd.s32 $0xFFFFD800  }
0x2c: {  	[hbm4b:s28+s3] =	stream.linear.scatter [tilespmem:s16], [sflag:$0x5], $0x2800, $0x38;
	[tilespmem:$0x12000] =	vst v63  }
0x2d: {  	_ =	swait.ge [sflag:s21], $0x2800  }
0x2e: {  	[sflag:s21] =	ssyncset.done $0x0  }
0x2f: {  	s28 =	sadd.s32 $0x500, s29;
	[sflag:s21] =	ssyncadd.s32 $0xFFFFD800  }
0x30: {  	[hbm4b:s28+s3] =	stream.linear.scatter [tilespmem:s17], [sflag:$0x5], $0x2800, $0x38;
	[tilespmem:$0x12000] =	vst v63  }
0x31: {  	_ =	swait.ge [sflag:s22], $0x2800  }
0x32: {  	[sflag:s22] =	ssyncset.done $0x0  }
0x33: {  	[sflag:s22] =	ssyncadd.s32 $0xFFFFD800  }
0x34: {  	_ =	swait.ge [sflag:s22], $0x2800  }
0x35: {  	[sflag:s22] =	ssyncset.done $0x0  }
0x36: {  	[sflag:s22] =	ssyncadd.s32 $0xFFFFD800  }
0x37: {  	_ =	swait.ge [sflag:s22], $0x2800  }
0x38: {  	[sflag:s22] =	ssyncset.done $0x0  }
0x39: {  	[sflag:s22] =	ssyncadd.s32 $0xFFFFD800  }
0x3a: {  	_ =	swait.ge [sflag:s22], $0x2800  }
0x3b: {  	s29 =	simm.s32 $0x0;
	s28 =	simm.s32 $0xA00;
	[sflag:s22] =	ssyncset.done $0x0  }
.LBB2_2:
0x3c: {  	[sflag:s22] =	ssyncadd.s32 $0xFFFFD800;
	s26 =	sadd.s32 $0x100, s26;
	s29 =	sadd.s32 $0x100, s29  }
0x3d: {  	[tilespmem:s14], [sflag:$0x1] =	stream.indirect.gather [hbm4b:s1+s13], $0x80, s29, s13, $0xb8;
	[tilespmem:$0x12000] =	vst v63  }
0x3e: {  	p0 =	sne.s32 s28, $0x26200;
	s30 =	smov.u32 s28;
	s28 =	sadd.s32 $0xA00, s28  }
0x3f: {  	[tilespmem:s15], [sflag:$0x2] =	stream.indirect.gather [hbm4b:s4+s13], $0x80, s26, s13, $0xb8;
	[tilespmem:$0x12000] =	vst v63  }
0x40: {  	s31 =	sadd.s32 $0x80, s29  }
0x41: {  	[tilespmem:s16], [sflag:$0x3] =	stream.indirect.gather [hbm4b:s1+s13], $0x80, s31, s13, $0xb8;
	[tilespmem:$0x12000] =	vst v63  }
0x42: {  	s31 =	sadd.s32 $0x80, s26  }
0x43: {  	[tilespmem:s17], [sflag:$0x4] =	stream.indirect.gather [hbm4b:s4+s13], $0x80, s31, s13, $0xb8;
	[tilespmem:$0x12000] =	vst v63  }
0x44: {  	_ =	swait.ge [sflag:s18], $0x2800  }
0x45: {  	[sflag:s18] =	ssyncset.done $0x0  }
0x46: {  	s31 =	sadd.s32 s30, s10;
	[sflag:s18] =	ssyncadd.s32 $0xFFFFD800  }
0x47: {  	[hbm4b:s31+s3] =	stream.linear.scatter [tilespmem:s14], [sflag:$0x5], $0x2800, $0x38;
	[tilespmem:$0x12000] =	vst v63  }
0x48: {  	_ =	swait.ge [sflag:s19], $0x2800  }
0x49: {  	[sflag:s19] =	ssyncset.done $0x0  }
0x4a: {  	s30 =	sadd.s32 s30, s11;
	[sflag:s19] =	ssyncadd.s32 $0xFFFFD800  }
0x4b: {  	[hbm4b:s30+s3] =	stream.linear.scatter [tilespmem:s15], [sflag:$0x5], $0x2800, $0x38;
	[tilespmem:$0x12000] =	vst v63  }
0x4c: {  	_ =	swait.ge [sflag:s20], $0x2800  }
0x4d: {  	[sflag:s20] =	ssyncset.done $0x0  }
0x4e: {  	s31 =	sadd.s32 $0x500, s31;
	[sflag:s20] =	ssyncadd.s32 $0xFFFFD800  }
0x4f: {  	[hbm4b:s31+s3] =	stream.linear.scatter [tilespmem:s16], [sflag:$0x5], $0x2800, $0x38;
	[tilespmem:$0x12000] =	vst v63  }
0x50: {  	_ =	swait.ge [sflag:s21], $0x2800  }
0x51: {  	[sflag:s21] =	ssyncset.done $0x0  }
0x52: {  	s30 =	sadd.s32 $0x500, s30;
	[sflag:s21] =	ssyncadd.s32 $0xFFFFD800  }
0x53: {  	[hbm4b:s30+s3] =	stream.linear.scatter [tilespmem:s17], [sflag:$0x5], $0x2800, $0x38;
	[tilespmem:$0x12000] =	vst v63  }
0x54: {  	_ =	swait.ge [sflag:s22], $0x2800  }
0x55: {  	[sflag:s22] =	ssyncset.done $0x0  }
0x56: {  	[sflag:s22] =	ssyncadd.s32 $0xFFFFD800  }
0x57: {  	_ =	swait.ge [sflag:s22], $0x2800  }
0x58: {  	[sflag:s22] =	ssyncset.done $0x0  }
0x59: {  	[sflag:s22] =	ssyncadd.s32 $0xFFFFD800  }
.Ltmp0:
0x5a: {  	_ =	swait.ge [sflag:s22], $0x2800;
	(pc) =	sbr.rel @p0 .LBB2_2-.Ltmp0, $4  }
0x5b: {  	[sflag:s22] =	ssyncset.done $0x0  }
0x5c: {  	[sflag:s22] =	ssyncadd.s32 $0xFFFFD800  }
0x5d: {  	_ =	swait.ge [sflag:s22], $0x2800  }
0x5e: {  	[sflag:s22] =	ssyncset.done $0x0  }
0x5f: {  	[sflag:s22] =	ssyncadd.s32 $0xFFFFD800  }
0x60: {  	[tilespmem:s14], [sflag:$0x1] =	stream.indirect.gather [hbm4b:s1+s13], $0x80, s23, s13, $0xb8;
	[tilespmem:$0x12000] =	vst v63  }
0x61: {  	_ = 	snop  }
0x62: {  	[tilespmem:s15], [sflag:$0x2] =	stream.indirect.gather [hbm4b:s4+s13], $0x80, s24, s13, $0xb8;
	[tilespmem:$0x12000] =	vst v63  }
0x63: {  	_ =	swait.ge [sflag:s18], $0x2800  }
0x64: {  	[sflag:s18] =	ssyncset.done $0x0  }
0x65: {  	[sflag:s18] =	ssyncadd.s32 $0xFFFFD800  }
0x66: {  	[hbm4b:s7+s3] =	stream.linear.scatter [tilespmem:s14], [sflag:$0x6], $0x2800, $0x38;
	[tilespmem:$0x12000] =	vst v63  }
0x67: {  	_ =	swait.ge [sflag:s12], $0x2800  }
0x68: {  	[sflag:s12] =	ssyncset.done $0x0  }
0x69: {  	[sflag:s12] =	ssyncadd.s32 $0xFFFFD800  }
0x6a: {  	s25 =	sadd.s32 $0x1, s25;
	_ =	swait.ge [sflag:s19], $0x2800  }
0x6b: {  	p0 =	sne.s32 s25, s9;
	[sflag:s19] =	ssyncset.done $0x0  }
.Ltmp1:
0x6c: {  	[sflag:s19] =	ssyncadd.s32 $0xFFFFD800;
	(pc) =	sbr.rel @p0 .LBB2_1-.Ltmp1, $4  }
0x6d: {  	[hbm4b:s8+s3] =	stream.linear.scatter [tilespmem:s15], [sflag:$0x6], $0x2800, $0x38;
	[tilespmem:$0x12000] =	vst v63  }
0x6e: {  	_ =	swait.ge [sflag:s12], $0x2800  }
0x6f: {  	[sflag:s12] =	ssyncset.done $0x0  }
0x70: {  	[sflag:s12] =	ssyncadd.s32 $0xFFFFD800  }
0x71: {  	_ =	sfence.sel $0x180000  }
0x72: {  	[bflag:$0x0] =	sbarrier.arrive $0xFFFF  }
0x73: {  	p0 =	sne.s32 s2, $0x0;
	_ =	strace $0x90000053  }
0x74: {  	s0 =	sadd.s32 @!p0 $0x100000, s0;
	[bflag:$0x2] =	sbarrier.arrive $0xFFFF  }
0x75: {  	[sflag:s0] =	ssyncadd.tile.s32 @!p0 $0x1;
	_ =	shalt  }
.Lfunc_end2:
_tile_overlayer_lowered:
.L_overlay_start_2:
0x76: {  	(tag) =	ssettag $0x2  }
0x77: {  	s0 =	rddreg [dreg:$0x0];
	s2 =	stileid.u32  }
0x78: {  	s1 =	rddreg [dreg:$0x1];
	p0 =	sne.s32 s2, $0x0  }
0x79: {  	s3 =	rddreg [dreg:$0x2];
	[bflag:$0x3] =	sbarrier.arrive $0xFFFF;
	s2 =	simm.s32 @!p0 $0x1C06  }
0x7a: {  	[timem:s3], [sflag:s2] =	dma.local @!p0 [hbm:s0], s1  }
0x7b: {  	s0 =	simm.s32 @!p0 $0x6  }
0x7c: {  	_ =	swait.ge @!p0 [sflag:s0], s1  }
0x7d: {  	s1 =	ssub.s32 @!p0 $0x0, s1;
	[sflag:s0] =	ssyncset.done @!p0 $0x0  }
0x7e: {  	[sflag:s0] =	ssyncadd.s32 @!p0 s1  }
0x7f: {  	[bflag:$0x3] =	sbarrier.arrive $0xFFFF  }
0x80: {  	_ =	shalt  }

</sc_bundles>
